<compile_context>
chip_gen: v7x
topology: tpu7x:2x2x1
jax: 0.10.2.dev20260603
libtpu: 0.0.44.dev20260713+nightly
codegen_flags: <defaults>
</compile_context>

<pallas_src>
import functools

import jax
import jax.numpy as jnp
from jax import lax
from jax.experimental import pallas as pl
from jax.experimental.pallas import tpu as pltpu
from jax.experimental.pallas import tpu_sc as plsc

_MARGIN = 1.0
_BETA = 0.2

_NS = 16


def _make_sc_gather(b):
    bpw = b // _NS
    mesh = plsc.VectorSubcoreMesh(
        core_axis_name="c", subcore_axis_name="s", num_cores=1)

    @functools.partial(
        pl.kernel,
        mesh=mesh,
        out_type=jax.ShapeDtypeStruct((b,), jnp.float32),
        scratch_types=[
            pltpu.VMEM((bpw,), jnp.int32),
            pltpu.VMEM((bpw,), jnp.float32),
            pltpu.SemaphoreType.DMA,
        ],
    )
    def sc_gather(idx_hbm, upos_hbm, th_out, idx_v, th_v, sem):
        wid = lax.axis_index("s")
        base = wid * bpw
        pltpu.sync_copy(idx_hbm.at[pl.ds(base, bpw)], idx_v)
        pltpu.async_copy(upos_hbm.at[idx_v], th_v, sem).wait()
        pltpu.sync_copy(th_v, th_out.at[pl.ds(base, bpw)])

    return sc_gather


def _sc_gather_call(idx, upos):
    return _make_sc_gather(idx.shape[0])(idx, upos)


def _bitonic_stage(key, q, d, k):
    r, ccols = key.shape
    if d >= ccols:
        axis, amt = 0, d // ccols
        idx_a = lax.broadcasted_iota(jnp.int32, key.shape, 0)
    else:
        axis, amt = 1, d
        idx_a = lax.broadcasted_iota(jnp.int32, key.shape, 1)
    bit = (idx_a & amt) != 0
    if k >= ccols:
        rr = lax.broadcasted_iota(jnp.int32, key.shape, 0)
        asc = (rr & (k // ccols)) == 0
    else:
        cc = lax.broadcasted_iota(jnp.int32, key.shape, 1)
        asc = (cc & k) == 0
    pk = jnp.where(bit, jnp.roll(key, amt, axis), jnp.roll(key, -amt, axis))
    pq = jnp.where(bit, jnp.roll(q, amt, axis), jnp.roll(q, -amt, axis))
    take_min = bit != asc
    swap = ((pk < key) == take_min) & (pk != key)
    return jnp.where(swap, pk, key), jnp.where(swap, pq, q)


def _cumsum_flat(x):
    r, c = x.shape
    sh = 1
    while sh < c:
        x = x + jnp.concatenate(
            [jnp.zeros((r, sh), x.dtype), x[:, : c - sh]], axis=1)
        sh *= 2
    rt = x[:, c - 1 : c]
    rts = rt
    sh = 1
    while sh < r:
        rts = rts + jnp.concatenate(
            [jnp.zeros((sh, 1), x.dtype), rts[: r - sh, :]], axis=0)
        sh *= 2
    return x + (rts - rt)


def _fused_kernel(b, f_ref, yt_ref, th_ref, out_ref):
    f = f_ref[:, :]
    yt = yt_ref[:, :]
    th = th_ref[:, :]

    s = jnp.sqrt(jnp.maximum(th, 0.0))
    isneg = yt == 0
    key = jnp.where(isneg, f, f - _MARGIN + s)
    q = jnp.where(isneg, -1.0, s)

    k = 2
    while k <= b:
        d = k // 2
        while d >= 1:
            key, q = _bitonic_stage(key, q, d, k)
            d //= 2
        k *= 2

    n = jnp.where(q < 0.0, 1.0, 0.0)
    c = q - key
    s1m = n * key
    s2m = s1m * key
    cnt_in = _cumsum_flat(n)
    s1_in = _cumsum_flat(s1m)
    s2_in = _cumsum_flat(s2m)
    cnt_tot = jnp.sum(n)
    s1_tot = jnp.sum(s1m)
    s2_tot = jnp.sum(s2m)
    kk = cnt_tot - cnt_in
    s1 = s1_tot - s1_in
    s2 = s2_tot - s2_in
    contrib = (1.0 - n) * (kk * c * c + 2.0 * c * s1 + s2)
    numer = jnp.sum(contrib)
    num_neg = cnt_tot
    num_pos = jnp.float32(b) - cnt_tot
    loss = numer / (num_pos * num_neg) / _BETA
    out_ref[:, :] = loss.reshape(1, 1)


def _fused_call(f, yt, th):
    b = f.shape[0]
    r = 128
    cdim = b // r
    out = pl.pallas_call(
        functools.partial(_fused_kernel, b),
        out_shape=jax.ShapeDtypeStruct((1, 1), jnp.float32),
    )(f.reshape(r, cdim), yt.reshape(r, cdim), th.reshape(r, cdim))
    return out[0, 0]


def kernel(y_pred, y_true, index, u_pos):
    f = y_pred.reshape(-1).astype(jnp.float32)
    yt = y_true.reshape(-1).astype(jnp.int32)
    idx = index.reshape(-1).astype(jnp.int32)
    upos = u_pos.reshape(-1)

    th = _sc_gather_call(idx, upos)
    return _fused_call(f, yt, th)

# --- scband reference (transcript-rebuilt; emitter-appended) ---
"""Pipeline reference for scband-p-aucloss-74036646249050 (READ-ONLY COPY).

The authoritative reference and input builder live on the scoring server;
editing this copy changes nothing except your own understanding.
"""

import jax, jax.numpy as jnp
import numpy as np

MARGIN = 1.0
BETA = 0.2
ETA = 0.1
POS_LEN = 8192
DATA_LEN = 100000
BATCH = 16384


def setup_inputs(seed: int = 0) -> dict:
    key = jax.random.key(seed)
    k1, k2, k3 = jax.random.split(key, 3)
    y_pred = jax.random.normal(k1, (BATCH, 1), dtype=jnp.float32)
    y_true = jax.random.randint(k2, (BATCH,), 0, 2).astype(jnp.int64)
    index = jax.random.randint(k3, (BATCH,), 0, DATA_LEN).astype(jnp.int64)
    # dual-variable state buffer u_pos (initialized to zero, as in the torch module)
    u_pos = jnp.zeros((DATA_LEN, 1), dtype=jnp.float32)
    return {"y_pred": y_pred, "y_true": y_true, "index": index, "u_pos": u_pos}


def squared_hinge(margin, t):
    return jnp.square(jnp.maximum(margin - t, 0.0))


def reference(y_pred, y_true, index, u_pos):
    y_pred = y_pred.reshape(-1, 1)
    y_true = y_true.reshape(-1, 1)
    index = index.reshape(-1)
    num_neg = jnp.sum((y_true == 0).astype(jnp.float32))
    pos_mask = (y_true == 1).squeeze()
    neg_mask = (y_true == 0).squeeze()
    num_pos = jnp.sum(pos_mask.astype(jnp.float32))
    f = y_pred.squeeze()
    surr_loss = squared_hinge(MARGIN, f[:, None] - f[None, :])  # [B, B]
    thresh = u_pos[index]                   # [B, 1] gather
    p = (surr_loss > thresh)                # boolean truncation mask (detached)
    pair_mask = pos_mask[:, None] & neg_mask[None, :]
    masked_terms = jnp.where(pair_mask, p.astype(jnp.float32) * surr_loss, 0.0)
    # dual-variable update (side effect in torch; computed here for faithfulness)
    row_counts = jnp.sum(jnp.where(pair_mask, p.astype(jnp.float32), 0.0), axis=1, keepdims=True)
    upd = u_pos[index] - ETA / POS_LEN * (1.0 - row_counts / (BETA * num_neg))
    u_pos_new = u_pos.at[index].set(jnp.where(pos_mask[:, None], upd, u_pos[index]))
    loss = (jnp.sum(masked_terms) / (num_pos * num_neg)) / BETA
    return loss

if __name__ == "__main__":
    import jax
    _d = setup_inputs()
    print(jax.jit(kernel)(*tuple(_d.values())))

</pallas_src>

<mosaic_0001>
#map = affine_map<(d0, d1) -> (0)>
module attributes {stable_mosaic.version = 14 : i64} {
  func.func @sc_gather(%arg0: i32, %arg1: i32, %arg2: memref<16384xi32, #tpu.memory_space<hbm>>, %arg3: memref<100000xf32, #tpu.memory_space<hbm>>, %arg4: memref<16384xf32, #tpu.memory_space<hbm>>, %arg5: memref<1024xi32, #tpu.memory_space<vmem>>, %arg6: memref<1024xf32, #tpu.memory_space<vmem>>, %arg7: memref<!tpu.dma_semaphore, #tpu.memory_space<semaphore_mem>>) attributes {dimension_semantics = [#tpu.dimension_semantics<core_parallel>, #tpu.dimension_semantics<subcore_parallel>], iteration_bounds = array<i64: 1, 16>, scalar_prefetch = 0 : i64, scratch_operands = 3 : i64, tpu.core_type = #tpu.core_type<sc_vector_subcore>, window_params = [{transform_indices = #map}, {transform_indices = #map}, {transform_indices = #map}]} {
    %mul3A = arith.constant 1024 : i32
    %mul3A_0 = arith.muli %arg1, %mul3A : i32
    "tpu.region"() ({
      %run_scoped3A = tpu.sem_alloc : memref<!tpu.dma_semaphore, #tpu.memory_space<semaphore_mem>>
      %dma_start3A_3 = tpu.memref_slice %arg2[%mul3A_0] : memref<16384xi32, #tpu.memory_space<hbm>> -> memref<1024xi32, #tpu.memory_space<hbm>>
      %dma_start3A_4 = tpu.memref_slice %arg2[%mul3A_0] : memref<16384xi32, #tpu.memory_space<hbm>> -> memref<1024xi32, #tpu.memory_space<hbm>>
      tpu.enqueue_dma source(%dma_start3A_4 : memref<1024xi32, #tpu.memory_space<hbm>>) target(%arg5 : memref<1024xi32, #tpu.memory_space<vmem>>) target_semaphore(%run_scoped3A : memref<!tpu.dma_semaphore, #tpu.memory_space<semaphore_mem>>)
      %dma_wait3A_5 = tpu.memref_slice %arg2[%mul3A_0] : memref<16384xi32, #tpu.memory_space<hbm>> -> memref<1024xi32, #tpu.memory_space<hbm>>
      %dma_wait3A_6 = tpu.memref_slice %arg2[%mul3A_0] : memref<16384xi32, #tpu.memory_space<hbm>> -> memref<1024xi32, #tpu.memory_space<hbm>>
      tpu.wait_dma2 semaphore(%run_scoped3A : memref<!tpu.dma_semaphore, #tpu.memory_space<semaphore_mem>>) src(%dma_wait3A_6 : memref<1024xi32, #tpu.memory_space<hbm>>) dst(%arg5 : memref<1024xi32, #tpu.memory_space<vmem>>)
      tpu.yield
    }) : () -> ()
    %dma_start3A = arith.constant 0 : i32
    %dma_start3A_1 = tpu.memref_slice %arg3[%dma_start3A] : memref<100000xf32, #tpu.memory_space<hbm>> -> memref<100000xf32, #tpu.memory_space<hbm>>
    tpu.enqueue_indirect_dma source(%dma_start3A_1 : memref<100000xf32, #tpu.memory_space<hbm>>) target(%arg6 : memref<1024xf32, #tpu.memory_space<vmem>>) offsets(%arg5 : memref<1024xi32, #tpu.memory_space<vmem>>) semaphore(%arg7 : memref<!tpu.dma_semaphore, #tpu.memory_space<semaphore_mem>>)
    %dma_wait3A = arith.constant 0 : i32
    %dma_wait3A_2 = tpu.memref_slice %arg3[%dma_wait3A] : memref<100000xf32, #tpu.memory_space<hbm>> -> memref<100000xf32, #tpu.memory_space<hbm>>
    tpu.wait_indirect_dma semaphore(%arg7 : memref<!tpu.dma_semaphore, #tpu.memory_space<semaphore_mem>>) src(%dma_wait3A_2 : memref<100000xf32, #tpu.memory_space<hbm>>) dst(%arg6 : memref<1024xf32, #tpu.memory_space<vmem>>)
    "tpu.region"() ({
      %run_scoped3A = tpu.sem_alloc : memref<!tpu.dma_semaphore, #tpu.memory_space<semaphore_mem>>
      %dma_start3A_3 = tpu.memref_slice %arg4[%mul3A_0] : memref<16384xf32, #tpu.memory_space<hbm>> -> memref<1024xf32, #tpu.memory_space<hbm>>
      %dma_start3A_4 = tpu.memref_slice %arg4[%mul3A_0] : memref<16384xf32, #tpu.memory_space<hbm>> -> memref<1024xf32, #tpu.memory_space<hbm>>
      tpu.enqueue_dma source(%arg6 : memref<1024xf32, #tpu.memory_space<vmem>>) target(%dma_start3A_4 : memref<1024xf32, #tpu.memory_space<hbm>>) target_semaphore(%run_scoped3A : memref<!tpu.dma_semaphore, #tpu.memory_space<semaphore_mem>>)
      %dma_wait3A_5 = tpu.memref_slice %arg4[%mul3A_0] : memref<16384xf32, #tpu.memory_space<hbm>> -> memref<1024xf32, #tpu.memory_space<hbm>>
      %dma_wait3A_6 = tpu.memref_slice %arg4[%mul3A_0] : memref<16384xf32, #tpu.memory_space<hbm>> -> memref<1024xf32, #tpu.memory_space<hbm>>
      tpu.wait_dma2 semaphore(%run_scoped3A : memref<!tpu.dma_semaphore, #tpu.memory_space<semaphore_mem>>) src(%arg6 : memref<1024xf32, #tpu.memory_space<vmem>>) dst(%dma_wait3A_6 : memref<1024xf32, #tpu.memory_space<hbm>>)
      tpu.yield
    }) : () -> ()
    return
  }
}

module attributes {stable_mosaic.version = 14 : i64} {
  func.func @_fused_kernel(%arg0: memref<128x128xf32, #tpu.memory_space<vmem>>, %arg1: memref<128x128xi32, #tpu.memory_space<vmem>>, %arg2: memref<128x128xf32, #tpu.memory_space<vmem>>, %arg3: memref<1x1xf32, #tpu.memory_space<vmem>>) attributes {dimension_semantics = [], scalar_prefetch = 0 : i64, scratch_operands = 0 : i64, tpu.core_type = #tpu.core_type<tc>} {
    %get3A = arith.constant 0 : index
    %get3A_0 = arith.constant 0 : index
    %get3A_1 = vector.load %arg0[%get3A, %get3A_0] : memref<128x128xf32, #tpu.memory_space<vmem>>, vector<128x128xf32>
    %get3A_2 = arith.constant 0 : index
    %get3A_3 = arith.constant 0 : index
    %get3A_4 = vector.load %arg1[%get3A_2, %get3A_3] : memref<128x128xi32, #tpu.memory_space<vmem>>, vector<128x128xi32>
    %get3A_5 = arith.constant 0 : index
    %get3A_6 = arith.constant 0 : index
    %get3A_7 = vector.load %arg2[%get3A_5, %get3A_6] : memref<128x128xf32, #tpu.memory_space<vmem>>, vector<128x128xf32>
    %max3A = arith.constant 0.000000e+00 : f32
    %max3A_8 = vector.broadcast %max3A : f32 to vector<128x128xf32>
    %max3A_9 = arith.maximumf %get3A_7, %max3A_8 : vector<128x128xf32>
    %sqrt3A = math.sqrt %max3A_9 : vector<128x128xf32>
    %eq3A = arith.constant 0 : i32
    %eq3A_10 = vector.broadcast %eq3A : i32 to vector<128x128xi32>
    %eq3A_11 = arith.cmpi eq, %get3A_4, %eq3A_10 : vector<128x128xi32>
    %sub3A = arith.constant 1.000000e+00 : f32
    %sub3A_12 = vector.broadcast %sub3A : f32 to vector<128x128xf32>
    %sub3A_13 = arith.subf %get3A_1, %sub3A_12 : vector<128x128xf32>
    %add3A = arith.addf %sub3A_13, %sqrt3A : vector<128x128xf32>
    %select_n3A = arith.select %eq3A_11, %get3A_1, %add3A : vector<128x128xi1>, vector<128x128xf32>
    %jit3A = arith.constant -1.000000e+00 : f32
    %broadcast_in_dim3A = vector.broadcast %jit3A : f32 to vector<128x128xf32>
    %select_n3A_14 = arith.select %eq3A_11, %broadcast_in_dim3A, %sqrt3A : vector<128x128xi1>, vector<128x128xf32>
    %iota3A = tpu.iota {dimensions = array<i32: 1>} : vector<128x128xi32>
    %and3A = arith.constant 1 : i32
    %and3A_15 = vector.broadcast %and3A : i32 to vector<128x128xi32>
    %and3A_16 = arith.andi %iota3A, %and3A_15 : vector<128x128xi32>
    %ne3A = arith.constant 0 : i32
    %ne3A_17 = vector.broadcast %ne3A : i32 to vector<128x128xi32>
    %ne3A_18 = arith.cmpi ne, %and3A_16, %ne3A_17 : vector<128x128xi32>
    %iota3A_19 = tpu.iota {dimensions = array<i32: 1>} : vector<128x128xi32>
    %and3A_20 = arith.constant 2 : i32
    %and3A_21 = vector.broadcast %and3A_20 : i32 to vector<128x128xi32>
    %and3A_22 = arith.andi %iota3A_19, %and3A_21 : vector<128x128xi32>
    %eq3A_23 = arith.constant 0 : i32
    %eq3A_24 = vector.broadcast %eq3A_23 : i32 to vector<128x128xi32>
    %eq3A_25 = arith.cmpi eq, %and3A_22, %eq3A_24 : vector<128x128xi32>
    %slice3A = vector.extract_strided_slice %select_n3A {offsets = [0, 127], sizes = [128, 1], strides = [1, 1]} : vector<128x128xf32> to vector<128x1xf32>
    %slice3A_26 = vector.extract_strided_slice %select_n3A {offsets = [0, 0], sizes = [128, 127], strides = [1, 1]} : vector<128x128xf32> to vector<128x127xf32>
    %concatenate3A = tpu.concatenate %slice3A, %slice3A_26 in 1 : vector<128x1xf32>, vector<128x127xf32> -> vector<128x128xf32>
    %slice3A_27 = vector.extract_strided_slice %select_n3A {offsets = [0, 1], sizes = [128, 127], strides = [1, 1]} : vector<128x128xf32> to vector<128x127xf32>
    %slice3A_28 = vector.extract_strided_slice %select_n3A {offsets = [0, 0], sizes = [128, 1], strides = [1, 1]} : vector<128x128xf32> to vector<128x1xf32>
    %concatenate3A_29 = tpu.concatenate %slice3A_27, %slice3A_28 in 1 : vector<128x127xf32>, vector<128x1xf32> -> vector<128x128xf32>
    %select_n3A_30 = arith.select %ne3A_18, %concatenate3A, %concatenate3A_29 : vector<128x128xi1>, vector<128x128xf32>
    %slice3A_31 = vector.extract_strided_slice %select_n3A_14 {offsets = [0, 127], sizes = [128, 1], strides = [1, 1]} : vector<128x128xf32> to vector<128x1xf32>
    %slice3A_32 = vector.extract_strided_slice %select_n3A_14 {offsets = [0, 0], sizes = [128, 127], strides = [1, 1]} : vector<128x128xf32> to vector<128x127xf32>
    %concatenate3A_33 = tpu.concatenate %slice3A_31, %slice3A_32 in 1 : vector<128x1xf32>, vector<128x127xf32> -> vector<128x128xf32>
    %slice3A_34 = vector.extract_strided_slice %select_n3A_14 {offsets = [0, 1], sizes = [128, 127], strides = [1, 1]} : vector<128x128xf32> to vector<128x127xf32>
    %slice3A_35 = vector.extract_strided_slice %select_n3A_14 {offsets = [0, 0], sizes = [128, 1], strides = [1, 1]} : vector<128x128xf32> to vector<128x1xf32>
    %concatenate3A_36 = tpu.concatenate %slice3A_34, %slice3A_35 in 1 : vector<128x127xf32>, vector<128x1xf32> -> vector<128x128xf32>
    %select_n3A_37 = arith.select %ne3A_18, %concatenate3A_33, %concatenate3A_36 : vector<128x128xi1>, vector<128x128xf32>
    %ne3A_38 = arith.xori %ne3A_18, %eq3A_25 : vector<128x128xi1>
    %lt3A = arith.cmpf olt, %select_n3A_30, %select_n3A : vector<128x128xf32>
    %eq3A_39 = arith.xori %lt3A, %ne3A_38 : vector<128x128xi1>
    %eq3A_40 = arith.constant dense<true> : vector<128x128xi1>
    %eq3A_41 = arith.xori %eq3A_39, %eq3A_40 : vector<128x128xi1>
    %ne3A_42 = arith.cmpf one, %select_n3A_30, %select_n3A : vector<128x128xf32>
    %and3A_43 = arith.andi %eq3A_41, %ne3A_42 : vector<128x128xi1>
    %select_n3A_44 = arith.select %and3A_43, %select_n3A_30, %select_n3A : vector<128x128xi1>, vector<128x128xf32>
    %select_n3A_45 = arith.select %and3A_43, %select_n3A_37, %select_n3A_14 : vector<128x128xi1>, vector<128x128xf32>
    %iota3A_46 = tpu.iota {dimensions = array<i32: 1>} : vector<128x128xi32>
    %and3A_47 = arith.constant 2 : i32
    %and3A_48 = vector.broadcast %and3A_47 : i32 to vector<128x128xi32>
    %and3A_49 = arith.andi %iota3A_46, %and3A_48 : vector<128x128xi32>
    %ne3A_50 = arith.constant 0 : i32
    %ne3A_51 = vector.broadcast %ne3A_50 : i32 to vector<128x128xi32>
    %ne3A_52 = arith.cmpi ne, %and3A_49, %ne3A_51 : vector<128x128xi32>
    %iota3A_53 = tpu.iota {dimensions = array<i32: 1>} : vector<128x128xi32>
    %and3A_54 = arith.constant 4 : i32
    %and3A_55 = vector.broadcast %and3A_54 : i32 to vector<128x128xi32>
    %and3A_56 = arith.andi %iota3A_53, %and3A_55 : vector<128x128xi32>
    %eq3A_57 = arith.constant 0 : i32
    %eq3A_58 = vector.broadcast %eq3A_57 : i32 to vector<128x128xi32>
    %eq3A_59 = arith.cmpi eq, %and3A_56, %eq3A_58 : vector<128x128xi32>
    %slice3A_60 = vector.extract_strided_slice %select_n3A_44 {offsets = [0, 126], sizes = [128, 2], strides = [1, 1]} : vector<128x128xf32> to vector<128x2xf32>
    %slice3A_61 = vector.extract_strided_slice %select_n3A_44 {offsets = [0, 0], sizes = [128, 126], strides = [1, 1]} : vector<128x128xf32> to vector<128x126xf32>
    %concatenate3A_62 = tpu.concatenate %slice3A_60, %slice3A_61 in 1 : vector<128x2xf32>, vector<128x126xf32> -> vector<128x128xf32>
    %slice3A_63 = vector.extract_strided_slice %select_n3A_44 {offsets = [0, 2], sizes = [128, 126], strides = [1, 1]} : vector<128x128xf32> to vector<128x126xf32>
    %slice3A_64 = vector.extract_strided_slice %select_n3A_44 {offsets = [0, 0], sizes = [128, 2], strides = [1, 1]} : vector<128x128xf32> to vector<128x2xf32>
    %concatenate3A_65 = tpu.concatenate %slice3A_63, %slice3A_64 in 1 : vector<128x126xf32>, vector<128x2xf32> -> vector<128x128xf32>
    %select_n3A_66 = arith.select %ne3A_52, %concatenate3A_62, %concatenate3A_65 : vector<128x128xi1>, vector<128x128xf32>
    %slice3A_67 = vector.extract_strided_slice %select_n3A_45 {offsets = [0, 126], sizes = [128, 2], strides = [1, 1]} : vector<128x128xf32> to vector<128x2xf32>
    %slice3A_68 = vector.extract_strided_slice %select_n3A_45 {offsets = [0, 0], sizes = [128, 126], strides = [1, 1]} : vector<128x128xf32> to vector<128x126xf32>
    %concatenate3A_69 = tpu.concatenate %slice3A_67, %slice3A_68 in 1 : vector<128x2xf32>, vector<128x126xf32> -> vector<128x128xf32>
    %slice3A_70 = vector.extract_strided_slice %select_n3A_45 {offsets = [0, 2], sizes = [128, 126], strides = [1, 1]} : vector<128x128xf32> to vector<128x126xf32>
    %slice3A_71 = vector.extract_strided_slice %select_n3A_45 {offsets = [0, 0], sizes = [128, 2], strides = [1, 1]} : vector<128x128xf32> to vector<128x2xf32>
    %concatenate3A_72 = tpu.concatenate %slice3A_70, %slice3A_71 in 1 : vector<128x126xf32>, vector<128x2xf32> -> vector<128x128xf32>
    %select_n3A_73 = arith.select %ne3A_52, %concatenate3A_69, %concatenate3A_72 : vector<128x128xi1>, vector<128x128xf32>
    %ne3A_74 = arith.xori %ne3A_52, %eq3A_59 : vector<128x128xi1>
    %lt3A_75 = arith.cmpf olt, %select_n3A_66, %select_n3A_44 : vector<128x128xf32>
    %eq3A_76 = arith.xori %lt3A_75, %ne3A_74 : vector<128x128xi1>
    %eq3A_77 = arith.constant dense<true> : vector<128x128xi1>
    %eq3A_78 = arith.xori %eq3A_76, %eq3A_77 : vector<128x128xi1>
    %ne3A_79 = arith.cmpf one, %select_n3A_66, %select_n3A_44 : vector<128x128xf32>
    %and3A_80 = arith.andi %eq3A_78, %ne3A_79 : vector<128x128xi1>
    %select_n3A_81 = arith.select %and3A_80, %select_n3A_66, %select_n3A_44 : vector<128x128xi1>, vector<128x128xf32>
    %select_n3A_82 = arith.select %and3A_80, %select_n3A_73, %select_n3A_45 : vector<128x128xi1>, vector<128x128xf32>
    %iota3A_83 = tpu.iota {dimensions = array<i32: 1>} : vector<128x128xi32>
    %and3A_84 = arith.constant 1 : i32
    %and3A_85 = vector.broadcast %and3A_84 : i32 to vector<128x128xi32>
    %and3A_86 = arith.andi %iota3A_83, %and3A_85 : vector<128x128xi32>
    %ne3A_87 = arith.constant 0 : i32
    %ne3A_88 = vector.broadcast %ne3A_87 : i32 to vector<128x128xi32>
    %ne3A_89 = arith.cmpi ne, %and3A_86, %ne3A_88 : vector<128x128xi32>
    %iota3A_90 = tpu.iota {dimensions = array<i32: 1>} : vector<128x128xi32>
    %and3A_91 = arith.constant 4 : i32
    %and3A_92 = vector.broadcast %and3A_91 : i32 to vector<128x128xi32>
    %and3A_93 = arith.andi %iota3A_90, %and3A_92 : vector<128x128xi32>
    %eq3A_94 = arith.constant 0 : i32
    %eq3A_95 = vector.broadcast %eq3A_94 : i32 to vector<128x128xi32>
    %eq3A_96 = arith.cmpi eq, %and3A_93, %eq3A_95 : vector<128x128xi32>
    %slice3A_97 = vector.extract_strided_slice %select_n3A_81 {offsets = [0, 127], sizes = [128, 1], strides = [1, 1]} : vector<128x128xf32> to vector<128x1xf32>
    %slice3A_98 = vector.extract_strided_slice %select_n3A_81 {offsets = [0, 0], sizes = [128, 127], strides = [1, 1]} : vector<128x128xf32> to vector<128x127xf32>
    %concatenate3A_99 = tpu.concatenate %slice3A_97, %slice3A_98 in 1 : vector<128x1xf32>, vector<128x127xf32> -> vector<128x128xf32>
    %slice3A_100 = vector.extract_strided_slice %select_n3A_81 {offsets = [0, 1], sizes = [128, 127], strides = [1, 1]} : vector<128x128xf32> to vector<128x127xf32>
    %slice3A_101 = vector.extract_strided_slice %select_n3A_81 {offsets = [0, 0], sizes = [128, 1], strides = [1, 1]} : vector<128x128xf32> to vector<128x1xf32>
    %concatenate3A_102 = tpu.concatenate %slice3A_100, %slice3A_101 in 1 : vector<128x127xf32>, vector<128x1xf32> -> vector<128x128xf32>
    %select_n3A_103 = arith.select %ne3A_89, %concatenate3A_99, %concatenate3A_102 : vector<128x128xi1>, vector<128x128xf32>
    %slice3A_104 = vector.extract_strided_slice %select_n3A_82 {offsets = [0, 127], sizes = [128, 1], strides = [1, 1]} : vector<128x128xf32> to vector<128x1xf32>
    %slice3A_105 = vector.extract_strided_slice %select_n3A_82 {offsets = [0, 0], sizes = [128, 127], strides = [1, 1]} : vector<128x128xf32> to vector<128x127xf32>
    %concatenate3A_106 = tpu.concatenate %slice3A_104, %slice3A_105 in 1 : vector<128x1xf32>, vector<128x127xf32> -> vector<128x128xf32>
    %slice3A_107 = vector.extract_strided_slice %select_n3A_82 {offsets = [0, 1], sizes = [128, 127], strides = [1, 1]} : vector<128x128xf32> to vector<128x127xf32>
    %slice3A_108 = vector.extract_strided_slice %select_n3A_82 {offsets = [0, 0], sizes = [128, 1], strides = [1, 1]} : vector<128x128xf32> to vector<128x1xf32>
    %concatenate3A_109 = tpu.concatenate %slice3A_107, %slice3A_108 in 1 : vector<128x127xf32>, vector<128x1xf32> -> vector<128x128xf32>
    %select_n3A_110 = arith.select %ne3A_89, %concatenate3A_106, %concatenate3A_109 : vector<128x128xi1>, vector<128x128xf32>
    %ne3A_111 = arith.xori %ne3A_89, %eq3A_96 : vector<128x128xi1>
    %lt3A_112 = arith.cmpf olt, %select_n3A_103, %select_n3A_81 : vector<128x128xf32>
    %eq3A_113 = arith.xori %lt3A_112, %ne3A_111 : vector<128x128xi1>
    %eq3A_114 = arith.constant dense<true> : vector<128x128xi1>
    %eq3A_115 = arith.xori %eq3A_113, %eq3A_114 : vector<128x128xi1>
    %ne3A_116 = arith.cmpf one, %select_n3A_103, %select_n3A_81 : vector<128x128xf32>
    %and3A_117 = arith.andi %eq3A_115, %ne3A_116 : vector<128x128xi1>
    %select_n3A_118 = arith.select %and3A_117, %select_n3A_103, %select_n3A_81 : vector<128x128xi1>, vector<128x128xf32>
    %select_n3A_119 = arith.select %and3A_117, %select_n3A_110, %select_n3A_82 : vector<128x128xi1>, vector<128x128xf32>
    %iota3A_120 = tpu.iota {dimensions = array<i32: 1>} : vector<128x128xi32>
    %and3A_121 = arith.constant 4 : i32
    %and3A_122 = vector.broadcast %and3A_121 : i32 to vector<128x128xi32>
    %and3A_123 = arith.andi %iota3A_120, %and3A_122 : vector<128x128xi32>
    %ne3A_124 = arith.constant 0 : i32
    %ne3A_125 = vector.broadcast %ne3A_124 : i32 to vector<128x128xi32>
    %ne3A_126 = arith.cmpi ne, %and3A_123, %ne3A_125 : vector<128x128xi32>
    %iota3A_127 = tpu.iota {dimensions = array<i32: 1>} : vector<128x128xi32>
    %and3A_128 = arith.constant 8 : i32
    %and3A_129 = vector.broadcast %and3A_128 : i32 to vector<128x128xi32>
    %and3A_130 = arith.andi %iota3A_127, %and3A_129 : vector<128x128xi32>
    %eq3A_131 = arith.constant 0 : i32
    %eq3A_132 = vector.broadcast %eq3A_131 : i32 to vector<128x128xi32>
    %eq3A_133 = arith.cmpi eq, %and3A_130, %eq3A_132 : vector<128x128xi32>
    %slice3A_134 = vector.extract_strided_slice %select_n3A_118 {offsets = [0, 124], sizes = [128, 4], strides = [1, 1]} : vector<128x128xf32> to vector<128x4xf32>
    %slice3A_135 = vector.extract_strided_slice %select_n3A_118 {offsets = [0, 0], sizes = [128, 124], strides = [1, 1]} : vector<128x128xf32> to vector<128x124xf32>
    %concatenate3A_136 = tpu.concatenate %slice3A_134, %slice3A_135 in 1 : vector<128x4xf32>, vector<128x124xf32> -> vector<128x128xf32>
    %slice3A_137 = vector.extract_strided_slice %select_n3A_118 {offsets = [0, 4], sizes = [128, 124], strides = [1, 1]} : vector<128x128xf32> to vector<128x124xf32>
    %slice3A_138 = vector.extract_strided_slice %select_n3A_118 {offsets = [0, 0], sizes = [128, 4], strides = [1, 1]} : vector<128x128xf32> to vector<128x4xf32>
    %concatenate3A_139 = tpu.concatenate %slice3A_137, %slice3A_138 in 1 : vector<128x124xf32>, vector<128x4xf32> -> vector<128x128xf32>
    %select_n3A_140 = arith.select %ne3A_126, %concatenate3A_136, %concatenate3A_139 : vector<128x128xi1>, vector<128x128xf32>
    %slice3A_141 = vector.extract_strided_slice %select_n3A_119 {offsets = [0, 124], sizes = [128, 4], strides = [1, 1]} : vector<128x128xf32> to vector<128x4xf32>
    %slice3A_142 = vector.extract_strided_slice %select_n3A_119 {offsets = [0, 0], sizes = [128, 124], strides = [1, 1]} : vector<128x128xf32> to vector<128x124xf32>
    %concatenate3A_143 = tpu.concatenate %slice3A_141, %slice3A_142 in 1 : vector<128x4xf32>, vector<128x124xf32> -> vector<128x128xf32>
    %slice3A_144 = vector.extract_strided_slice %select_n3A_119 {offsets = [0, 4], sizes = [128, 124], strides = [1, 1]} : vector<128x128xf32> to vector<128x124xf32>
    %slice3A_145 = vector.extract_strided_slice %select_n3A_119 {offsets = [0, 0], sizes = [128, 4], strides = [1, 1]} : vector<128x128xf32> to vector<128x4xf32>
    %concatenate3A_146 = tpu.concatenate %slice3A_144, %slice3A_145 in 1 : vector<128x124xf32>, vector<128x4xf32> -> vector<128x128xf32>
    %select_n3A_147 = arith.select %ne3A_126, %concatenate3A_143, %concatenate3A_146 : vector<128x128xi1>, vector<128x128xf32>
    %ne3A_148 = arith.xori %ne3A_126, %eq3A_133 : vector<128x128xi1>
    %lt3A_149 = arith.cmpf olt, %select_n3A_140, %select_n3A_118 : vector<128x128xf32>
    %eq3A_150 = arith.xori %lt3A_149, %ne3A_148 : vector<128x128xi1>
    %eq3A_151 = arith.constant dense<true> : vector<128x128xi1>
    %eq3A_152 = arith.xori %eq3A_150, %eq3A_151 : vector<128x128xi1>
    %ne3A_153 = arith.cmpf one, %select_n3A_140, %select_n3A_118 : vector<128x128xf32>
    %and3A_154 = arith.andi %eq3A_152, %ne3A_153 : vector<128x128xi1>
    %select_n3A_155 = arith.select %and3A_154, %select_n3A_140, %select_n3A_118 : vector<128x128xi1>, vector<128x128xf32>
    %select_n3A_156 = arith.select %and3A_154, %select_n3A_147, %select_n3A_119 : vector<128x128xi1>, vector<128x128xf32>
    %iota3A_157 = tpu.iota {dimensions = array<i32: 1>} : vector<128x128xi32>
    %and3A_158 = arith.constant 2 : i32
    %and3A_159 = vector.broadcast %and3A_158 : i32 to vector<128x128xi32>
    %and3A_160 = arith.andi %iota3A_157, %and3A_159 : vector<128x128xi32>
    %ne3A_161 = arith.constant 0 : i32
    %ne3A_162 = vector.broadcast %ne3A_161 : i32 to vector<128x128xi32>
    %ne3A_163 = arith.cmpi ne, %and3A_160, %ne3A_162 : vector<128x128xi32>
    %iota3A_164 = tpu.iota {dimensions = array<i32: 1>} : vector<128x128xi32>
    %and3A_165 = arith.constant 8 : i32
    %and3A_166 = vector.broadcast %and3A_165 : i32 to vector<128x128xi32>
    %and3A_167 = arith.andi %iota3A_164, %and3A_166 : vector<128x128xi32>
    %eq3A_168 = arith.constant 0 : i32
    %eq3A_169 = vector.broadcast %eq3A_168 : i32 to vector<128x128xi32>
    %eq3A_170 = arith.cmpi eq, %and3A_167, %eq3A_169 : vector<128x128xi32>
    %slice3A_171 = vector.extract_strided_slice %select_n3A_155 {offsets = [0, 126], sizes = [128, 2], strides = [1, 1]} : vector<128x128xf32> to vector<128x2xf32>
    %slice3A_172 = vector.extract_strided_slice %select_n3A_155 {offsets = [0, 0], sizes = [128, 126], strides = [1, 1]} : vector<128x128xf32> to vector<128x126xf32>
    %concatenate3A_173 = tpu.concatenate %slice3A_171, %slice3A_172 in 1 : vector<128x2xf32>, vector<128x126xf32> -> vector<128x128xf32>
    %slice3A_174 = vector.extract_strided_slice %select_n3A_155 {offsets = [0, 2], sizes = [128, 126], strides = [1, 1]} : vector<128x128xf32> to vector<128x126xf32>
    %slice3A_175 = vector.extract_strided_slice %select_n3A_155 {offsets = [0, 0], sizes = [128, 2], strides = [1, 1]} : vector<128x128xf32> to vector<128x2xf32>
    %concatenate3A_176 = tpu.concatenate %slice3A_174, %slice3A_175 in 1 : vector<128x126xf32>, vector<128x2xf32> -> vector<128x128xf32>
    %select_n3A_177 = arith.select %ne3A_163, %concatenate3A_173, %concatenate3A_176 : vector<128x128xi1>, vector<128x128xf32>
    %slice3A_178 = vector.extract_strided_slice %select_n3A_156 {offsets = [0, 126], sizes = [128, 2], strides = [1, 1]} : vector<128x128xf32> to vector<128x2xf32>
    %slice3A_179 = vector.extract_strided_slice %select_n3A_156 {offsets = [0, 0], sizes = [128, 126], strides = [1, 1]} : vector<128x128xf32> to vector<128x126xf32>
    %concatenate3A_180 = tpu.concatenate %slice3A_178, %slice3A_179 in 1 : vector<128x2xf32>, vector<128x126xf32> -> vector<128x128xf32>
    %slice3A_181 = vector.extract_strided_slice %select_n3A_156 {offsets = [0, 2], sizes = [128, 126], strides = [1, 1]} : vector<128x128xf32> to vector<128x126xf32>
    %slice3A_182 = vector.extract_strided_slice %select_n3A_156 {offsets = [0, 0], sizes = [128, 2], strides = [1, 1]} : vector<128x128xf32> to vector<128x2xf32>
    %concatenate3A_183 = tpu.concatenate %slice3A_181, %slice3A_182 in 1 : vector<128x126xf32>, vector<128x2xf32> -> vector<128x128xf32>
    %select_n3A_184 = arith.select %ne3A_163, %concatenate3A_180, %concatenate3A_183 : vector<128x128xi1>, vector<128x128xf32>
    %ne3A_185 = arith.xori %ne3A_163, %eq3A_170 : vector<128x128xi1>
    %lt3A_186 = arith.cmpf olt, %select_n3A_177, %select_n3A_155 : vector<128x128xf32>
    %eq3A_187 = arith.xori %lt3A_186, %ne3A_185 : vector<128x128xi1>
    %eq3A_188 = arith.constant dense<true> : vector<128x128xi1>
    %eq3A_189 = arith.xori %eq3A_187, %eq3A_188 : vector<128x128xi1>
    %ne3A_190 = arith.cmpf one, %select_n3A_177, %select_n3A_155 : vector<128x128xf32>
    %and3A_191 = arith.andi %eq3A_189, %ne3A_190 : vector<128x128xi1>
    %select_n3A_192 = arith.select %and3A_191, %select_n3A_177, %select_n3A_155 : vector<128x128xi1>, vector<128x128xf32>
    %select_n3A_193 = arith.select %and3A_191, %select_n3A_184, %select_n3A_156 : vector<128x128xi1>, vector<128x128xf32>
    %iota3A_194 = tpu.iota {dimensions = array<i32: 1>} : vector<128x128xi32>
    %and3A_195 = arith.constant 1 : i32
    %and3A_196 = vector.broadcast %and3A_195 : i32 to vector<128x128xi32>
    %and3A_197 = arith.andi %iota3A_194, %and3A_196 : vector<128x128xi32>
    %ne3A_198 = arith.constant 0 : i32
    %ne3A_199 = vector.broadcast %ne3A_198 : i32 to vector<128x128xi32>
    %ne3A_200 = arith.cmpi ne, %and3A_197, %ne3A_199 : vector<128x128xi32>
    %iota3A_201 = tpu.iota {dimensions = array<i32: 1>} : vector<128x128xi32>
    %and3A_202 = arith.constant 8 : i32
    %and3A_203 = vector.broadcast %and3A_202 : i32 to vector<128x128xi32>
    %and3A_204 = arith.andi %iota3A_201, %and3A_203 : vector<128x128xi32>
    %eq3A_205 = arith.constant 0 : i32
    %eq3A_206 = vector.broadcast %eq3A_205 : i32 to vector<128x128xi32>
    %eq3A_207 = arith.cmpi eq, %and3A_204, %eq3A_206 : vector<128x128xi32>
    %slice3A_208 = vector.extract_strided_slice %select_n3A_192 {offsets = [0, 127], sizes = [128, 1], strides = [1, 1]} : vector<128x128xf32> to vector<128x1xf32>
    %slice3A_209 = vector.extract_strided_slice %select_n3A_192 {offsets = [0, 0], sizes = [128, 127], strides = [1, 1]} : vector<128x128xf32> to vector<128x127xf32>
    %concatenate3A_210 = tpu.concatenate %slice3A_208, %slice3A_209 in 1 : vector<128x1xf32>, vector<128x127xf32> -> vector<128x128xf32>
    %slice3A_211 = vector.extract_strided_slice %select_n3A_192 {offsets = [0, 1], sizes = [128, 127], strides = [1, 1]} : vector<128x128xf32> to vector<128x127xf32>
    %slice3A_212 = vector.extract_strided_slice %select_n3A_192 {offsets = [0, 0], sizes = [128, 1], strides = [1, 1]} : vector<128x128xf32> to vector<128x1xf32>
    %concatenate3A_213 = tpu.concatenate %slice3A_211, %slice3A_212 in 1 : vector<128x127xf32>, vector<128x1xf32> -> vector<128x128xf32>
    %select_n3A_214 = arith.select %ne3A_200, %concatenate3A_210, %concatenate3A_213 : vector<128x128xi1>, vector<128x128xf32>
    %slice3A_215 = vector.extract_strided_slice %select_n3A_193 {offsets = [0, 127], sizes = [128, 1], strides = [1, 1]} : vector<128x128xf32> to vector<128x1xf32>
    %slice3A_216 = vector.extract_strided_slice %select_n3A_193 {offsets = [0, 0], sizes = [128, 127], strides = [1, 1]} : vector<128x128xf32> to vector<128x127xf32>
    %concatenate3A_217 = tpu.concatenate %slice3A_215, %slice3A_216 in 1 : vector<128x1xf32>, vector<128x127xf32> -> vector<128x128xf32>
    %slice3A_218 = vector.extract_strided_slice %select_n3A_193 {offsets = [0, 1], sizes = [128, 127], strides = [1, 1]} : vector<128x128xf32> to vector<128x127xf32>
    %slice3A_219 = vector.extract_strided_slice %select_n3A_193 {offsets = [0, 0], sizes = [128, 1], strides = [1, 1]} : vector<128x128xf32> to vector<128x1xf32>
    %concatenate3A_220 = tpu.concatenate %slice3A_218, %slice3A_219 in 1 : vector<128x127xf32>, vector<128x1xf32> -> vector<128x128xf32>
    %select_n3A_221 = arith.select %ne3A_200, %concatenate3A_217, %concatenate3A_220 : vector<128x128xi1>, vector<128x128xf32>
    %ne3A_222 = arith.xori %ne3A_200, %eq3A_207 : vector<128x128xi1>
    %lt3A_223 = arith.cmpf olt, %select_n3A_214, %select_n3A_192 : vector<128x128xf32>
    %eq3A_224 = arith.xori %lt3A_223, %ne3A_222 : vector<128x128xi1>
    %eq3A_225 = arith.constant dense<true> : vector<128x128xi1>
    %eq3A_226 = arith.xori %eq3A_224, %eq3A_225 : vector<128x128xi1>
    %ne3A_227 = arith.cmpf one, %select_n3A_214, %select_n3A_192 : vector<128x128xf32>
    %and3A_228 = arith.andi %eq3A_226, %ne3A_227 : vector<128x128xi1>
    %select_n3A_229 = arith.select %and3A_228, %select_n3A_214, %select_n3A_192 : vector<128x128xi1>, vector<128x128xf32>
    %select_n3A_230 = arith.select %and3A_228, %select_n3A_221, %select_n3A_193 : vector<128x128xi1>, vector<128x128xf32>
    %iota3A_231 = tpu.iota {dimensions = array<i32: 1>} : vector<128x128xi32>
    %and3A_232 = arith.constant 8 : i32
    %and3A_233 = vector.broadcast %and3A_232 : i32 to vector<128x128xi32>
    %and3A_234 = arith.andi %iota3A_231, %and3A_233 : vector<128x128xi32>
    %ne3A_235 = arith.constant 0 : i32
    %ne3A_236 = vector.broadcast %ne3A_235 : i32 to vector<128x128xi32>
    %ne3A_237 = arith.cmpi ne, %and3A_234, %ne3A_236 : vector<128x128xi32>
    %iota3A_238 = tpu.iota {dimensions = array<i32: 1>} : vector<128x128xi32>
    %and3A_239 = arith.constant 16 : i32
    %and3A_240 = vector.broadcast %and3A_239 : i32 to vector<128x128xi32>
    %and3A_241 = arith.andi %iota3A_238, %and3A_240 : vector<128x128xi32>
    %eq3A_242 = arith.constant 0 : i32
    %eq3A_243 = vector.broadcast %eq3A_242 : i32 to vector<128x128xi32>
    %eq3A_244 = arith.cmpi eq, %and3A_241, %eq3A_243 : vector<128x128xi32>
    %slice3A_245 = vector.extract_strided_slice %select_n3A_229 {offsets = [0, 120], sizes = [128, 8], strides = [1, 1]} : vector<128x128xf32> to vector<128x8xf32>
    %slice3A_246 = vector.extract_strided_slice %select_n3A_229 {offsets = [0, 0], sizes = [128, 120], strides = [1, 1]} : vector<128x128xf32> to vector<128x120xf32>
    %concatenate3A_247 = tpu.concatenate %slice3A_245, %slice3A_246 in 1 : vector<128x8xf32>, vector<128x120xf32> -> vector<128x128xf32>
    %slice3A_248 = vector.extract_strided_slice %select_n3A_229 {offsets = [0, 8], sizes = [128, 120], strides = [1, 1]} : vector<128x128xf32> to vector<128x120xf32>
    %slice3A_249 = vector.extract_strided_slice %select_n3A_229 {offsets = [0, 0], sizes = [128, 8], strides = [1, 1]} : vector<128x128xf32> to vector<128x8xf32>
    %concatenate3A_250 = tpu.concatenate %slice3A_248, %slice3A_249 in 1 : vector<128x120xf32>, vector<128x8xf32> -> vector<128x128xf32>
    %select_n3A_251 = arith.select %ne3A_237, %concatenate3A_247, %concatenate3A_250 : vector<128x128xi1>, vector<128x128xf32>
    %slice3A_252 = vector.extract_strided_slice %select_n3A_230 {offsets = [0, 120], sizes = [128, 8], strides = [1, 1]} : vector<128x128xf32> to vector<128x8xf32>
    %slice3A_253 = vector.extract_strided_slice %select_n3A_230 {offsets = [0, 0], sizes = [128, 120], strides = [1, 1]} : vector<128x128xf32> to vector<128x120xf32>
    %concatenate3A_254 = tpu.concatenate %slice3A_252, %slice3A_253 in 1 : vector<128x8xf32>, vector<128x120xf32> -> vector<128x128xf32>
    %slice3A_255 = vector.extract_strided_slice %select_n3A_230 {offsets = [0, 8], sizes = [128, 120], strides = [1, 1]} : vector<128x128xf32> to vector<128x120xf32>
    %slice3A_256 = vector.extract_strided_slice %select_n3A_230 {offsets = [0, 0], sizes = [128, 8], strides = [1, 1]} : vector<128x128xf32> to vector<128x8xf32>
    %concatenate3A_257 = tpu.concatenate %slice3A_255, %slice3A_256 in 1 : vector<128x120xf32>, vector<128x8xf32> -> vector<128x128xf32>
    %select_n3A_258 = arith.select %ne3A_237, %concatenate3A_254, %concatenate3A_257 : vector<128x128xi1>, vector<128x128xf32>
    %ne3A_259 = arith.xori %ne3A_237, %eq3A_244 : vector<128x128xi1>
    %lt3A_260 = arith.cmpf olt, %select_n3A_251, %select_n3A_229 : vector<128x128xf32>
    %eq3A_261 = arith.xori %lt3A_260, %ne3A_259 : vector<128x128xi1>
    %eq3A_262 = arith.constant dense<true> : vector<128x128xi1>
    %eq3A_263 = arith.xori %eq3A_261, %eq3A_262 : vector<128x128xi1>
    %ne3A_264 = arith.cmpf one, %select_n3A_251, %select_n3A_229 : vector<128x128xf32>
    %and3A_265 = arith.andi %eq3A_263, %ne3A_264 : vector<128x128xi1>
    %select_n3A_266 = arith.select %and3A_265, %select_n3A_251, %select_n3A_229 : vector<128x128xi1>, vector<128x128xf32>
    %select_n3A_267 = arith.select %and3A_265, %select_n3A_258, %select_n3A_230 : vector<128x128xi1>, vector<128x128xf32>
    %iota3A_268 = tpu.iota {dimensions = array<i32: 1>} : vector<128x128xi32>
    %and3A_269 = arith.constant 4 : i32
    %and3A_270 = vector.broadcast %and3A_269 : i32 to vector<128x128xi32>
    %and3A_271 = arith.andi %iota3A_268, %and3A_270 : vector<128x128xi32>
    %ne3A_272 = arith.constant 0 : i32
    %ne3A_273 = vector.broadcast %ne3A_272 : i32 to vector<128x128xi32>
    %ne3A_274 = arith.cmpi ne, %and3A_271, %ne3A_273 : vector<128x128xi32>
    %iota3A_275 = tpu.iota {dimensions = array<i32: 1>} : vector<128x128xi32>
    %and3A_276 = arith.constant 16 : i32
    %and3A_277 = vector.broadcast %and3A_276 : i32 to vector<128x128xi32>
    %and3A_278 = arith.andi %iota3A_275, %and3A_277 : vector<128x128xi32>
    %eq3A_279 = arith.constant 0 : i32
    %eq3A_280 = vector.broadcast %eq3A_279 : i32 to vector<128x128xi32>
    %eq3A_281 = arith.cmpi eq, %and3A_278, %eq3A_280 : vector<128x128xi32>
    %slice3A_282 = vector.extract_strided_slice %select_n3A_266 {offsets = [0, 124], sizes = [128, 4], strides = [1, 1]} : vector<128x128xf32> to vector<128x4xf32>
    %slice3A_283 = vector.extract_strided_slice %select_n3A_266 {offsets = [0, 0], sizes = [128, 124], strides = [1, 1]} : vector<128x128xf32> to vector<128x124xf32>
    %concatenate3A_284 = tpu.concatenate %slice3A_282, %slice3A_283 in 1 : vector<128x4xf32>, vector<128x124xf32> -> vector<128x128xf32>
    %slice3A_285 = vector.extract_strided_slice %select_n3A_266 {offsets = [0, 4], sizes = [128, 124], strides = [1, 1]} : vector<128x128xf32> to vector<128x124xf32>
    %slice3A_286 = vector.extract_strided_slice %select_n3A_266 {offsets = [0, 0], sizes = [128, 4], strides = [1, 1]} : vector<128x128xf32> to vector<128x4xf32>
    %concatenate3A_287 = tpu.concatenate %slice3A_285, %slice3A_286 in 1 : vector<128x124xf32>, vector<128x4xf32> -> vector<128x128xf32>
    %select_n3A_288 = arith.select %ne3A_274, %concatenate3A_284, %concatenate3A_287 : vector<128x128xi1>, vector<128x128xf32>
    %slice3A_289 = vector.extract_strided_slice %select_n3A_267 {offsets = [0, 124], sizes = [128, 4], strides = [1, 1]} : vector<128x128xf32> to vector<128x4xf32>
    %slice3A_290 = vector.extract_strided_slice %select_n3A_267 {offsets = [0, 0], sizes = [128, 124], strides = [1, 1]} : vector<128x128xf32> to vector<128x124xf32>
    %concatenate3A_291 = tpu.concatenate %slice3A_289, %slice3A_290 in 1 : vector<128x4xf32>, vector<128x124xf32> -> vector<128x128xf32>
    %slice3A_292 = vector.extract_strided_slice %select_n3A_267 {offsets = [0, 4], sizes = [128, 124], strides = [1, 1]} : vector<128x128xf32> to vector<128x124xf32>
    %slice3A_293 = vector.extract_strided_slice %select_n3A_267 {offsets = [0, 0], sizes = [128, 4], strides = [1, 1]} : vector<128x128xf32> to vector<128x4xf32>
    %concatenate3A_294 = tpu.concatenate %slice3A_292, %slice3A_293 in 1 : vector<128x124xf32>, vector<128x4xf32> -> vector<128x128xf32>
    %select_n3A_295 = arith.select %ne3A_274, %concatenate3A_291, %concatenate3A_294 : vector<128x128xi1>, vector<128x128xf32>
    %ne3A_296 = arith.xori %ne3A_274, %eq3A_281 : vector<128x128xi1>
    %lt3A_297 = arith.cmpf olt, %select_n3A_288, %select_n3A_266 : vector<128x128xf32>
    %eq3A_298 = arith.xori %lt3A_297, %ne3A_296 : vector<128x128xi1>
    %eq3A_299 = arith.constant dense<true> : vector<128x128xi1>
    %eq3A_300 = arith.xori %eq3A_298, %eq3A_299 : vector<128x128xi1>
    %ne3A_301 = arith.cmpf one, %select_n3A_288, %select_n3A_266 : vector<128x128xf32>
    %and3A_302 = arith.andi %eq3A_300, %ne3A_301 : vector<128x128xi1>
    %select_n3A_303 = arith.select %and3A_302, %select_n3A_288, %select_n3A_266 : vector<128x128xi1>, vector<128x128xf32>
    %select_n3A_304 = arith.select %and3A_302, %select_n3A_295, %select_n3A_267 : vector<128x128xi1>, vector<128x128xf32>
    %iota3A_305 = tpu.iota {dimensions = array<i32: 1>} : vector<128x128xi32>
    %and3A_306 = arith.constant 2 : i32
    %and3A_307 = vector.broadcast %and3A_306 : i32 to vector<128x128xi32>
    %and3A_308 = arith.andi %iota3A_305, %and3A_307 : vector<128x128xi32>
    %ne3A_309 = arith.constant 0 : i32
    %ne3A_310 = vector.broadcast %ne3A_309 : i32 to vector<128x128xi32>
    %ne3A_311 = arith.cmpi ne, %and3A_308, %ne3A_310 : vector<128x128xi32>
    %iota3A_312 = tpu.iota {dimensions = array<i32: 1>} : vector<128x128xi32>
    %and3A_313 = arith.constant 16 : i32
    %and3A_314 = vector.broadcast %and3A_313 : i32 to vector<128x128xi32>
    %and3A_315 = arith.andi %iota3A_312, %and3A_314 : vector<128x128xi32>
    %eq3A_316 = arith.constant 0 : i32
    %eq3A_317 = vector.broadcast %eq3A_316 : i32 to vector<128x128xi32>
    %eq3A_318 = arith.cmpi eq, %and3A_315, %eq3A_317 : vector<128x128xi32>
    %slice3A_319 = vector.extract_strided_slice %select_n3A_303 {offsets = [0, 126], sizes = [128, 2], strides = [1, 1]} : vector<128x128xf32> to vector<128x2xf32>
    %slice3A_320 = vector.extract_strided_slice %select_n3A_303 {offsets = [0, 0], sizes = [128, 126], strides = [1, 1]} : vector<128x128xf32> to vector<128x126xf32>
    %concatenate3A_321 = tpu.concatenate %slice3A_319, %slice3A_320 in 1 : vector<128x2xf32>, vector<128x126xf32> -> vector<128x128xf32>
    %slice3A_322 = vector.extract_strided_slice %select_n3A_303 {offsets = [0, 2], sizes = [128, 126], strides = [1, 1]} : vector<128x128xf32> to vector<128x126xf32>
    %slice3A_323 = vector.extract_strided_slice %select_n3A_303 {offsets = [0, 0], sizes = [128, 2], strides = [1, 1]} : vector<128x128xf32> to vector<128x2xf32>
    %concatenate3A_324 = tpu.concatenate %slice3A_322, %slice3A_323 in 1 : vector<128x126xf32>, vector<128x2xf32> -> vector<128x128xf32>
    %select_n3A_325 = arith.select %ne3A_311, %concatenate3A_321, %concatenate3A_324 : vector<128x128xi1>, vector<128x128xf32>
    %slice3A_326 = vector.extract_strided_slice %select_n3A_304 {offsets = [0, 126], sizes = [128, 2], strides = [1, 1]} : vector<128x128xf32> to vector<128x2xf32>
    %slice3A_327 = vector.extract_strided_slice %select_n3A_304 {offsets = [0, 0], sizes = [128, 126], strides = [1, 1]} : vector<128x128xf32> to vector<128x126xf32>
    %concatenate3A_328 = tpu.concatenate %slice3A_326, %slice3A_327 in 1 : vector<128x2xf32>, vector<128x126xf32> -> vector<128x128xf32>
    %slice3A_329 = vector.extract_strided_slice %select_n3A_304 {offsets = [0, 2], sizes = [128, 126], strides = [1, 1]} : vector<128x128xf32> to vector<128x126xf32>
    %slice3A_330 = vector.extract_strided_slice %select_n3A_304 {offsets = [0, 0], sizes = [128, 2], strides = [1, 1]} : vector<128x128xf32> to vector<128x2xf32>
    %concatenate3A_331 = tpu.concatenate %slice3A_329, %slice3A_330 in 1 : vector<128x126xf32>, vector<128x2xf32> -> vector<128x128xf32>
    %select_n3A_332 = arith.select %ne3A_311, %concatenate3A_328, %concatenate3A_331 : vector<128x128xi1>, vector<128x128xf32>
    %ne3A_333 = arith.xori %ne3A_311, %eq3A_318 : vector<128x128xi1>
    %lt3A_334 = arith.cmpf olt, %select_n3A_325, %select_n3A_303 : vector<128x128xf32>
    %eq3A_335 = arith.xori %lt3A_334, %ne3A_333 : vector<128x128xi1>
    %eq3A_336 = arith.constant dense<true> : vector<128x128xi1>
    %eq3A_337 = arith.xori %eq3A_335, %eq3A_336 : vector<128x128xi1>
    %ne3A_338 = arith.cmpf one, %select_n3A_325, %select_n3A_303 : vector<128x128xf32>
    %and3A_339 = arith.andi %eq3A_337, %ne3A_338 : vector<128x128xi1>
    %select_n3A_340 = arith.select %and3A_339, %select_n3A_325, %select_n3A_303 : vector<128x128xi1>, vector<128x128xf32>
    %select_n3A_341 = arith.select %and3A_339, %select_n3A_332, %select_n3A_304 : vector<128x128xi1>, vector<128x128xf32>
    %iota3A_342 = tpu.iota {dimensions = array<i32: 1>} : vector<128x128xi32>
    %and3A_343 = arith.constant 1 : i32
    %and3A_344 = vector.broadcast %and3A_343 : i32 to vector<128x128xi32>
    %and3A_345 = arith.andi %iota3A_342, %and3A_344 : vector<128x128xi32>
    %ne3A_346 = arith.constant 0 : i32
    %ne3A_347 = vector.broadcast %ne3A_346 : i32 to vector<128x128xi32>
    %ne3A_348 = arith.cmpi ne, %and3A_345, %ne3A_347 : vector<128x128xi32>
    %iota3A_349 = tpu.iota {dimensions = array<i32: 1>} : vector<128x128xi32>
    %and3A_350 = arith.constant 16 : i32
    %and3A_351 = vector.broadcast %and3A_350 : i32 to vector<128x128xi32>
    %and3A_352 = arith.andi %iota3A_349, %and3A_351 : vector<128x128xi32>
    %eq3A_353 = arith.constant 0 : i32
    %eq3A_354 = vector.broadcast %eq3A_353 : i32 to vector<128x128xi32>
    %eq3A_355 = arith.cmpi eq, %and3A_352, %eq3A_354 : vector<128x128xi32>
    %slice3A_356 = vector.extract_strided_slice %select_n3A_340 {offsets = [0, 127], sizes = [128, 1], strides = [1, 1]} : vector<128x128xf32> to vector<128x1xf32>
    %slice3A_357 = vector.extract_strided_slice %select_n3A_340 {offsets = [0, 0], sizes = [128, 127], strides = [1, 1]} : vector<128x128xf32> to vector<128x127xf32>
    %concatenate3A_358 = tpu.concatenate %slice3A_356, %slice3A_357 in 1 : vector<128x1xf32>, vector<128x127xf32> -> vector<128x128xf32>
    %slice3A_359 = vector.extract_strided_slice %select_n3A_340 {offsets = [0, 1], sizes = [128, 127], strides = [1, 1]} : vector<128x128xf32> to vector<128x127xf32>
    %slice3A_360 = vector.extract_strided_slice %select_n3A_340 {offsets = [0, 0], sizes = [128, 1], strides = [1, 1]} : vector<128x128xf32> to vector<128x1xf32>
    %concatenate3A_361 = tpu.concatenate %slice3A_359, %slice3A_360 in 1 : vector<128x127xf32>, vector<128x1xf32> -> vector<128x128xf32>
    %select_n3A_362 = arith.select %ne3A_348, %concatenate3A_358, %concatenate3A_361 : vector<128x128xi1>, vector<128x128xf32>
    %slice3A_363 = vector.extract_strided_slice %select_n3A_341 {offsets = [0, 127], sizes = [128, 1], strides = [1, 1]} : vector<128x128xf32> to vector<128x1xf32>
    %slice3A_364 = vector.extract_strided_slice %select_n3A_341 {offsets = [0, 0], sizes = [128, 127], strides = [1, 1]} : vector<128x128xf32> to vector<128x127xf32>
    %concatenate3A_365 = tpu.concatenate %slice3A_363, %slice3A_364 in 1 : vector<128x1xf32>, vector<128x127xf32> -> vector<128x128xf32>
    %slice3A_366 = vector.extract_strided_slice %select_n3A_341 {offsets = [0, 1], sizes = [128, 127], strides = [1, 1]} : vector<128x128xf32> to vector<128x127xf32>
    %slice3A_367 = vector.extract_strided_slice %select_n3A_341 {offsets = [0, 0], sizes = [128, 1], strides = [1, 1]} : vector<128x128xf32> to vector<128x1xf32>
    %concatenate3A_368 = tpu.concatenate %slice3A_366, %slice3A_367 in 1 : vector<128x127xf32>, vector<128x1xf32> -> vector<128x128xf32>
    %select_n3A_369 = arith.select %ne3A_348, %concatenate3A_365, %concatenate3A_368 : vector<128x128xi1>, vector<128x128xf32>
    %ne3A_370 = arith.xori %ne3A_348, %eq3A_355 : vector<128x128xi1>
    %lt3A_371 = arith.cmpf olt, %select_n3A_362, %select_n3A_340 : vector<128x128xf32>
    %eq3A_372 = arith.xori %lt3A_371, %ne3A_370 : vector<128x128xi1>
    %eq3A_373 = arith.constant dense<true> : vector<128x128xi1>
    %eq3A_374 = arith.xori %eq3A_372, %eq3A_373 : vector<128x128xi1>
    %ne3A_375 = arith.cmpf one, %select_n3A_362, %select_n3A_340 : vector<128x128xf32>
    %and3A_376 = arith.andi %eq3A_374, %ne3A_375 : vector<128x128xi1>
    %select_n3A_377 = arith.select %and3A_376, %select_n3A_362, %select_n3A_340 : vector<128x128xi1>, vector<128x128xf32>
    %select_n3A_378 = arith.select %and3A_376, %select_n3A_369, %select_n3A_341 : vector<128x128xi1>, vector<128x128xf32>
    %iota3A_379 = tpu.iota {dimensions = array<i32: 1>} : vector<128x128xi32>
    %and3A_380 = arith.constant 16 : i32
    %and3A_381 = vector.broadcast %and3A_380 : i32 to vector<128x128xi32>
    %and3A_382 = arith.andi %iota3A_379, %and3A_381 : vector<128x128xi32>
    %ne3A_383 = arith.constant 0 : i32
    %ne3A_384 = vector.broadcast %ne3A_383 : i32 to vector<128x128xi32>
    %ne3A_385 = arith.cmpi ne, %and3A_382, %ne3A_384 : vector<128x128xi32>
    %iota3A_386 = tpu.iota {dimensions = array<i32: 1>} : vector<128x128xi32>
    %and3A_387 = arith.constant 32 : i32
    %and3A_388 = vector.broadcast %and3A_387 : i32 to vector<128x128xi32>
    %and3A_389 = arith.andi %iota3A_386, %and3A_388 : vector<128x128xi32>
    %eq3A_390 = arith.constant 0 : i32
    %eq3A_391 = vector.broadcast %eq3A_390 : i32 to vector<128x128xi32>
    %eq3A_392 = arith.cmpi eq, %and3A_389, %eq3A_391 : vector<128x128xi32>
    %slice3A_393 = vector.extract_strided_slice %select_n3A_377 {offsets = [0, 112], sizes = [128, 16], strides = [1, 1]} : vector<128x128xf32> to vector<128x16xf32>
    %slice3A_394 = vector.extract_strided_slice %select_n3A_377 {offsets = [0, 0], sizes = [128, 112], strides = [1, 1]} : vector<128x128xf32> to vector<128x112xf32>
    %concatenate3A_395 = tpu.concatenate %slice3A_393, %slice3A_394 in 1 : vector<128x16xf32>, vector<128x112xf32> -> vector<128x128xf32>
    %slice3A_396 = vector.extract_strided_slice %select_n3A_377 {offsets = [0, 16], sizes = [128, 112], strides = [1, 1]} : vector<128x128xf32> to vector<128x112xf32>
    %slice3A_397 = vector.extract_strided_slice %select_n3A_377 {offsets = [0, 0], sizes = [128, 16], strides = [1, 1]} : vector<128x128xf32> to vector<128x16xf32>
    %concatenate3A_398 = tpu.concatenate %slice3A_396, %slice3A_397 in 1 : vector<128x112xf32>, vector<128x16xf32> -> vector<128x128xf32>
    %select_n3A_399 = arith.select %ne3A_385, %concatenate3A_395, %concatenate3A_398 : vector<128x128xi1>, vector<128x128xf32>
    %slice3A_400 = vector.extract_strided_slice %select_n3A_378 {offsets = [0, 112], sizes = [128, 16], strides = [1, 1]} : vector<128x128xf32> to vector<128x16xf32>
    %slice3A_401 = vector.extract_strided_slice %select_n3A_378 {offsets = [0, 0], sizes = [128, 112], strides = [1, 1]} : vector<128x128xf32> to vector<128x112xf32>
    %concatenate3A_402 = tpu.concatenate %slice3A_400, %slice3A_401 in 1 : vector<128x16xf32>, vector<128x112xf32> -> vector<128x128xf32>
    %slice3A_403 = vector.extract_strided_slice %select_n3A_378 {offsets = [0, 16], sizes = [128, 112], strides = [1, 1]} : vector<128x128xf32> to vector<128x112xf32>
    %slice3A_404 = vector.extract_strided_slice %select_n3A_378 {offsets = [0, 0], sizes = [128, 16], strides = [1, 1]} : vector<128x128xf32> to vector<128x16xf32>
    %concatenate3A_405 = tpu.concatenate %slice3A_403, %slice3A_404 in 1 : vector<128x112xf32>, vector<128x16xf32> -> vector<128x128xf32>
    %select_n3A_406 = arith.select %ne3A_385, %concatenate3A_402, %concatenate3A_405 : vector<128x128xi1>, vector<128x128xf32>
    %ne3A_407 = arith.xori %ne3A_385, %eq3A_392 : vector<128x128xi1>
    %lt3A_408 = arith.cmpf olt, %select_n3A_399, %select_n3A_377 : vector<128x128xf32>
    %eq3A_409 = arith.xori %lt3A_408, %ne3A_407 : vector<128x128xi1>
    %eq3A_410 = arith.constant dense<true> : vector<128x128xi1>
    %eq3A_411 = arith.xori %eq3A_409, %eq3A_410 : vector<128x128xi1>
    %ne3A_412 = arith.cmpf one, %select_n3A_399, %select_n3A_377 : vector<128x128xf32>
    %and3A_413 = arith.andi %eq3A_411, %ne3A_412 : vector<128x128xi1>
    %select_n3A_414 = arith.select %and3A_413, %select_n3A_399, %select_n3A_377 : vector<128x128xi1>, vector<128x128xf32>
    %select_n3A_415 = arith.select %and3A_413, %select_n3A_406, %select_n3A_378 : vector<128x128xi1>, vector<128x128xf32>
    %iota3A_416 = tpu.iota {dimensions = array<i32: 1>} : vector<128x128xi32>
    %and3A_417 = arith.constant 8 : i32
    %and3A_418 = vector.broadcast %and3A_417 : i32 to vector<128x128xi32>
    %and3A_419 = arith.andi %iota3A_416, %and3A_418 : vector<128x128xi32>
    %ne3A_420 = arith.constant 0 : i32
    %ne3A_421 = vector.broadcast %ne3A_420 : i32 to vector<128x128xi32>
    %ne3A_422 = arith.cmpi ne, %and3A_419, %ne3A_421 : vector<128x128xi32>
    %iota3A_423 = tpu.iota {dimensions = array<i32: 1>} : vector<128x128xi32>
    %and3A_424 = arith.constant 32 : i32
    %and3A_425 = vector.broadcast %and3A_424 : i32 to vector<128x128xi32>
    %and3A_426 = arith.andi %iota3A_423, %and3A_425 : vector<128x128xi32>
    %eq3A_427 = arith.constant 0 : i32
    %eq3A_428 = vector.broadcast %eq3A_427 : i32 to vector<128x128xi32>
    %eq3A_429 = arith.cmpi eq, %and3A_426, %eq3A_428 : vector<128x128xi32>
    %slice3A_430 = vector.extract_strided_slice %select_n3A_414 {offsets = [0, 120], sizes = [128, 8], strides = [1, 1]} : vector<128x128xf32> to vector<128x8xf32>
    %slice3A_431 = vector.extract_strided_slice %select_n3A_414 {offsets = [0, 0], sizes = [128, 120], strides = [1, 1]} : vector<128x128xf32> to vector<128x120xf32>
    %concatenate3A_432 = tpu.concatenate %slice3A_430, %slice3A_431 in 1 : vector<128x8xf32>, vector<128x120xf32> -> vector<128x128xf32>
    %slice3A_433 = vector.extract_strided_slice %select_n3A_414 {offsets = [0, 8], sizes = [128, 120], strides = [1, 1]} : vector<128x128xf32> to vector<128x120xf32>
    %slice3A_434 = vector.extract_strided_slice %select_n3A_414 {offsets = [0, 0], sizes = [128, 8], strides = [1, 1]} : vector<128x128xf32> to vector<128x8xf32>
    %concatenate3A_435 = tpu.concatenate %slice3A_433, %slice3A_434 in 1 : vector<128x120xf32>, vector<128x8xf32> -> vector<128x128xf32>
    %select_n3A_436 = arith.select %ne3A_422, %concatenate3A_432, %concatenate3A_435 : vector<128x128xi1>, vector<128x128xf32>
    %slice3A_437 = vector.extract_strided_slice %select_n3A_415 {offsets = [0, 120], sizes = [128, 8], strides = [1, 1]} : vector<128x128xf32> to vector<128x8xf32>
    %slice3A_438 = vector.extract_strided_slice %select_n3A_415 {offsets = [0, 0], sizes = [128, 120], strides = [1, 1]} : vector<128x128xf32> to vector<128x120xf32>
    %concatenate3A_439 = tpu.concatenate %slice3A_437, %slice3A_438 in 1 : vector<128x8xf32>, vector<128x120xf32> -> vector<128x128xf32>
    %slice3A_440 = vector.extract_strided_slice %select_n3A_415 {offsets = [0, 8], sizes = [128, 120], strides = [1, 1]} : vector<128x128xf32> to vector<128x120xf32>
    %slice3A_441 = vector.extract_strided_slice %select_n3A_415 {offsets = [0, 0], sizes = [128, 8], strides = [1, 1]} : vector<128x128xf32> to vector<128x8xf32>
    %concatenate3A_442 = tpu.concatenate %slice3A_440, %slice3A_441 in 1 : vector<128x120xf32>, vector<128x8xf32> -> vector<128x128xf32>
    %select_n3A_443 = arith.select %ne3A_422, %concatenate3A_439, %concatenate3A_442 : vector<128x128xi1>, vector<128x128xf32>
    %ne3A_444 = arith.xori %ne3A_422, %eq3A_429 : vector<128x128xi1>
    %lt3A_445 = arith.cmpf olt, %select_n3A_436, %select_n3A_414 : vector<128x128xf32>
    %eq3A_446 = arith.xori %lt3A_445, %ne3A_444 : vector<128x128xi1>
    %eq3A_447 = arith.constant dense<true> : vector<128x128xi1>
    %eq3A_448 = arith.xori %eq3A_446, %eq3A_447 : vector<128x128xi1>
    %ne3A_449 = arith.cmpf one, %select_n3A_436, %select_n3A_414 : vector<128x128xf32>
    %and3A_450 = arith.andi %eq3A_448, %ne3A_449 : vector<128x128xi1>
    %select_n3A_451 = arith.select %and3A_450, %select_n3A_436, %select_n3A_414 : vector<128x128xi1>, vector<128x128xf32>
    %select_n3A_452 = arith.select %and3A_450, %select_n3A_443, %select_n3A_415 : vector<128x128xi1>, vector<128x128xf32>
    %iota3A_453 = tpu.iota {dimensions = array<i32: 1>} : vector<128x128xi32>
    %and3A_454 = arith.constant 4 : i32
    %and3A_455 = vector.broadcast %and3A_454 : i32 to vector<128x128xi32>
    %and3A_456 = arith.andi %iota3A_453, %and3A_455 : vector<128x128xi32>
    %ne3A_457 = arith.constant 0 : i32
    %ne3A_458 = vector.broadcast %ne3A_457 : i32 to vector<128x128xi32>
    %ne3A_459 = arith.cmpi ne, %and3A_456, %ne3A_458 : vector<128x128xi32>
    %iota3A_460 = tpu.iota {dimensions = array<i32: 1>} : vector<128x128xi32>
    %and3A_461 = arith.constant 32 : i32
    %and3A_462 = vector.broadcast %and3A_461 : i32 to vector<128x128xi32>
    %and3A_463 = arith.andi %iota3A_460, %and3A_462 : vector<128x128xi32>
    %eq3A_464 = arith.constant 0 : i32
    %eq3A_465 = vector.broadcast %eq3A_464 : i32 to vector<128x128xi32>
    %eq3A_466 = arith.cmpi eq, %and3A_463, %eq3A_465 : vector<128x128xi32>
    %slice3A_467 = vector.extract_strided_slice %select_n3A_451 {offsets = [0, 124], sizes = [128, 4], strides = [1, 1]} : vector<128x128xf32> to vector<128x4xf32>
    %slice3A_468 = vector.extract_strided_slice %select_n3A_451 {offsets = [0, 0], sizes = [128, 124], strides = [1, 1]} : vector<128x128xf32> to vector<128x124xf32>
    %concatenate3A_469 = tpu.concatenate %slice3A_467, %slice3A_468 in 1 : vector<128x4xf32>, vector<128x124xf32> -> vector<128x128xf32>
    %slice3A_470 = vector.extract_strided_slice %select_n3A_451 {offsets = [0, 4], sizes = [128, 124], strides = [1, 1]} : vector<128x128xf32> to vector<128x124xf32>
    %slice3A_471 = vector.extract_strided_slice %select_n3A_451 {offsets = [0, 0], sizes = [128, 4], strides = [1, 1]} : vector<128x128xf32> to vector<128x4xf32>
    %concatenate3A_472 = tpu.concatenate %slice3A_470, %slice3A_471 in 1 : vector<128x124xf32>, vector<128x4xf32> -> vector<128x128xf32>
    %select_n3A_473 = arith.select %ne3A_459, %concatenate3A_469, %concatenate3A_472 : vector<128x128xi1>, vector<128x128xf32>
    %slice3A_474 = vector.extract_strided_slice %select_n3A_452 {offsets = [0, 124], sizes = [128, 4], strides = [1, 1]} : vector<128x128xf32> to vector<128x4xf32>
    %slice3A_475 = vector.extract_strided_slice %select_n3A_452 {offsets = [0, 0], sizes = [128, 124], strides = [1, 1]} : vector<128x128xf32> to vector<128x124xf32>
    %concatenate3A_476 = tpu.concatenate %slice3A_474, %slice3A_475 in 1 : vector<128x4xf32>, vector<128x124xf32> -> vector<128x128xf32>
    %slice3A_477 = vector.extract_strided_slice %select_n3A_452 {offsets = [0, 4], sizes = [128, 124], strides = [1, 1]} : vector<128x128xf32> to vector<128x124xf32>
    %slice3A_478 = vector.extract_strided_slice %select_n3A_452 {offsets = [0, 0], sizes = [128, 4], strides = [1, 1]} : vector<128x128xf32> to vector<128x4xf32>
    %concatenate3A_479 = tpu.concatenate %slice3A_477, %slice3A_478 in 1 : vector<128x124xf32>, vector<128x4xf32> -> vector<128x128xf32>
    %select_n3A_480 = arith.select %ne3A_459, %concatenate3A_476, %concatenate3A_479 : vector<128x128xi1>, vector<128x128xf32>
    %ne3A_481 = arith.xori %ne3A_459, %eq3A_466 : vector<128x128xi1>
    %lt3A_482 = arith.cmpf olt, %select_n3A_473, %select_n3A_451 : vector<128x128xf32>
    %eq3A_483 = arith.xori %lt3A_482, %ne3A_481 : vector<128x128xi1>
    %eq3A_484 = arith.constant dense<true> : vector<128x128xi1>
    %eq3A_485 = arith.xori %eq3A_483, %eq3A_484 : vector<128x128xi1>
    %ne3A_486 = arith.cmpf one, %select_n3A_473, %select_n3A_451 : vector<128x128xf32>
    %and3A_487 = arith.andi %eq3A_485, %ne3A_486 : vector<128x128xi1>
    %select_n3A_488 = arith.select %and3A_487, %select_n3A_473, %select_n3A_451 : vector<128x128xi1>, vector<128x128xf32>
    %select_n3A_489 = arith.select %and3A_487, %select_n3A_480, %select_n3A_452 : vector<128x128xi1>, vector<128x128xf32>
    %iota3A_490 = tpu.iota {dimensions = array<i32: 1>} : vector<128x128xi32>
    %and3A_491 = arith.constant 2 : i32
    %and3A_492 = vector.broadcast %and3A_491 : i32 to vector<128x128xi32>
    %and3A_493 = arith.andi %iota3A_490, %and3A_492 : vector<128x128xi32>
    %ne3A_494 = arith.constant 0 : i32
    %ne3A_495 = vector.broadcast %ne3A_494 : i32 to vector<128x128xi32>
    %ne3A_496 = arith.cmpi ne, %and3A_493, %ne3A_495 : vector<128x128xi32>
    %iota3A_497 = tpu.iota {dimensions = array<i32: 1>} : vector<128x128xi32>
    %and3A_498 = arith.constant 32 : i32
    %and3A_499 = vector.broadcast %and3A_498 : i32 to vector<128x128xi32>
    %and3A_500 = arith.andi %iota3A_497, %and3A_499 : vector<128x128xi32>
    %eq3A_501 = arith.constant 0 : i32
    %eq3A_502 = vector.broadcast %eq3A_501 : i32 to vector<128x128xi32>
    %eq3A_503 = arith.cmpi eq, %and3A_500, %eq3A_502 : vector<128x128xi32>
    %slice3A_504 = vector.extract_strided_slice %select_n3A_488 {offsets = [0, 126], sizes = [128, 2], strides = [1, 1]} : vector<128x128xf32> to vector<128x2xf32>
    %slice3A_505 = vector.extract_strided_slice %select_n3A_488 {offsets = [0, 0], sizes = [128, 126], strides = [1, 1]} : vector<128x128xf32> to vector<128x126xf32>
    %concatenate3A_506 = tpu.concatenate %slice3A_504, %slice3A_505 in 1 : vector<128x2xf32>, vector<128x126xf32> -> vector<128x128xf32>
    %slice3A_507 = vector.extract_strided_slice %select_n3A_488 {offsets = [0, 2], sizes = [128, 126], strides = [1, 1]} : vector<128x128xf32> to vector<128x126xf32>
    %slice3A_508 = vector.extract_strided_slice %select_n3A_488 {offsets = [0, 0], sizes = [128, 2], strides = [1, 1]} : vector<128x128xf32> to vector<128x2xf32>
    %concatenate3A_509 = tpu.concatenate %slice3A_507, %slice3A_508 in 1 : vector<128x126xf32>, vector<128x2xf32> -> vector<128x128xf32>
    %select_n3A_510 = arith.select %ne3A_496, %concatenate3A_506, %concatenate3A_509 : vector<128x128xi1>, vector<128x128xf32>
    %slice3A_511 = vector.extract_strided_slice %select_n3A_489 {offsets = [0, 126], sizes = [128, 2], strides = [1, 1]} : vector<128x128xf32> to vector<128x2xf32>
    %slice3A_512 = vector.extract_strided_slice %select_n3A_489 {offsets = [0, 0], sizes = [128, 126], strides = [1, 1]} : vector<128x128xf32> to vector<128x126xf32>
    %concatenate3A_513 = tpu.concatenate %slice3A_511, %slice3A_512 in 1 : vector<128x2xf32>, vector<128x126xf32> -> vector<128x128xf32>
    %slice3A_514 = vector.extract_strided_slice %select_n3A_489 {offsets = [0, 2], sizes = [128, 126], strides = [1, 1]} : vector<128x128xf32> to vector<128x126xf32>
    %slice3A_515 = vector.extract_strided_slice %select_n3A_489 {offsets = [0, 0], sizes = [128, 2], strides = [1, 1]} : vector<128x128xf32> to vector<128x2xf32>
    %concatenate3A_516 = tpu.concatenate %slice3A_514, %slice3A_515 in 1 : vector<128x126xf32>, vector<128x2xf32> -> vector<128x128xf32>
    %select_n3A_517 = arith.select %ne3A_496, %concatenate3A_513, %concatenate3A_516 : vector<128x128xi1>, vector<128x128xf32>
    %ne3A_518 = arith.xori %ne3A_496, %eq3A_503 : vector<128x128xi1>
    %lt3A_519 = arith.cmpf olt, %select_n3A_510, %select_n3A_488 : vector<128x128xf32>
    %eq3A_520 = arith.xori %lt3A_519, %ne3A_518 : vector<128x128xi1>
    %eq3A_521 = arith.constant dense<true> : vector<128x128xi1>
    %eq3A_522 = arith.xori %eq3A_520, %eq3A_521 : vector<128x128xi1>
    %ne3A_523 = arith.cmpf one, %select_n3A_510, %select_n3A_488 : vector<128x128xf32>
    %and3A_524 = arith.andi %eq3A_522, %ne3A_523 : vector<128x128xi1>
    %select_n3A_525 = arith.select %and3A_524, %select_n3A_510, %select_n3A_488 : vector<128x128xi1>, vector<128x128xf32>
    %select_n3A_526 = arith.select %and3A_524, %select_n3A_517, %select_n3A_489 : vector<128x128xi1>, vector<128x128xf32>
    %iota3A_527 = tpu.iota {dimensions = array<i32: 1>} : vector<128x128xi32>
    %and3A_528 = arith.constant 1 : i32
    %and3A_529 = vector.broadcast %and3A_528 : i32 to vector<128x128xi32>
    %and3A_530 = arith.andi %iota3A_527, %and3A_529 : vector<128x128xi32>
    %ne3A_531 = arith.constant 0 : i32
    %ne3A_532 = vector.broadcast %ne3A_531 : i32 to vector<128x128xi32>
    %ne3A_533 = arith.cmpi ne, %and3A_530, %ne3A_532 : vector<128x128xi32>
    %iota3A_534 = tpu.iota {dimensions = array<i32: 1>} : vector<128x128xi32>
    %and3A_535 = arith.constant 32 : i32
    %and3A_536 = vector.broadcast %and3A_535 : i32 to vector<128x128xi32>
    %and3A_537 = arith.andi %iota3A_534, %and3A_536 : vector<128x128xi32>
    %eq3A_538 = arith.constant 0 : i32
    %eq3A_539 = vector.broadcast %eq3A_538 : i32 to vector<128x128xi32>
    %eq3A_540 = arith.cmpi eq, %and3A_537, %eq3A_539 : vector<128x128xi32>
    %slice3A_541 = vector.extract_strided_slice %select_n3A_525 {offsets = [0, 127], sizes = [128, 1], strides = [1, 1]} : vector<128x128xf32> to vector<128x1xf32>
    %slice3A_542 = vector.extract_strided_slice %select_n3A_525 {offsets = [0, 0], sizes = [128, 127], strides = [1, 1]} : vector<128x128xf32> to vector<128x127xf32>
    %concatenate3A_543 = tpu.concatenate %slice3A_541, %slice3A_542 in 1 : vector<128x1xf32>, vector<128x127xf32> -> vector<128x128xf32>
    %slice3A_544 = vector.extract_strided_slice %select_n3A_525 {offsets = [0, 1], sizes = [128, 127], strides = [1, 1]} : vector<128x128xf32> to vector<128x127xf32>
    %slice3A_545 = vector.extract_strided_slice %select_n3A_525 {offsets = [0, 0], sizes = [128, 1], strides = [1, 1]} : vector<128x128xf32> to vector<128x1xf32>
    %concatenate3A_546 = tpu.concatenate %slice3A_544, %slice3A_545 in 1 : vector<128x127xf32>, vector<128x1xf32> -> vector<128x128xf32>
    %select_n3A_547 = arith.select %ne3A_533, %concatenate3A_543, %concatenate3A_546 : vector<128x128xi1>, vector<128x128xf32>
    %slice3A_548 = vector.extract_strided_slice %select_n3A_526 {offsets = [0, 127], sizes = [128, 1], strides = [1, 1]} : vector<128x128xf32> to vector<128x1xf32>
    %slice3A_549 = vector.extract_strided_slice %select_n3A_526 {offsets = [0, 0], sizes = [128, 127], strides = [1, 1]} : vector<128x128xf32> to vector<128x127xf32>
    %concatenate3A_550 = tpu.concatenate %slice3A_548, %slice3A_549 in 1 : vector<128x1xf32>, vector<128x127xf32> -> vector<128x128xf32>
    %slice3A_551 = vector.extract_strided_slice %select_n3A_526 {offsets = [0, 1], sizes = [128, 127], strides = [1, 1]} : vector<128x128xf32> to vector<128x127xf32>
    %slice3A_552 = vector.extract_strided_slice %select_n3A_526 {offsets = [0, 0], sizes = [128, 1], strides = [1, 1]} : vector<128x128xf32> to vector<128x1xf32>
    %concatenate3A_553 = tpu.concatenate %slice3A_551, %slice3A_552 in 1 : vector<128x127xf32>, vector<128x1xf32> -> vector<128x128xf32>
    %select_n3A_554 = arith.select %ne3A_533, %concatenate3A_550, %concatenate3A_553 : vector<128x128xi1>, vector<128x128xf32>
    %ne3A_555 = arith.xori %ne3A_533, %eq3A_540 : vector<128x128xi1>
    %lt3A_556 = arith.cmpf olt, %select_n3A_547, %select_n3A_525 : vector<128x128xf32>
    %eq3A_557 = arith.xori %lt3A_556, %ne3A_555 : vector<128x128xi1>
    %eq3A_558 = arith.constant dense<true> : vector<128x128xi1>
    %eq3A_559 = arith.xori %eq3A_557, %eq3A_558 : vector<128x128xi1>
    %ne3A_560 = arith.cmpf one, %select_n3A_547, %select_n3A_525 : vector<128x128xf32>
    %and3A_561 = arith.andi %eq3A_559, %ne3A_560 : vector<128x128xi1>
    %select_n3A_562 = arith.select %and3A_561, %select_n3A_547, %select_n3A_525 : vector<128x128xi1>, vector<128x128xf32>
    %select_n3A_563 = arith.select %and3A_561, %select_n3A_554, %select_n3A_526 : vector<128x128xi1>, vector<128x128xf32>
    %iota3A_564 = tpu.iota {dimensions = array<i32: 1>} : vector<128x128xi32>
    %and3A_565 = arith.constant 32 : i32
    %and3A_566 = vector.broadcast %and3A_565 : i32 to vector<128x128xi32>
    %and3A_567 = arith.andi %iota3A_564, %and3A_566 : vector<128x128xi32>
    %ne3A_568 = arith.constant 0 : i32
    %ne3A_569 = vector.broadcast %ne3A_568 : i32 to vector<128x128xi32>
    %ne3A_570 = arith.cmpi ne, %and3A_567, %ne3A_569 : vector<128x128xi32>
    %iota3A_571 = tpu.iota {dimensions = array<i32: 1>} : vector<128x128xi32>
    %and3A_572 = arith.constant 64 : i32
    %and3A_573 = vector.broadcast %and3A_572 : i32 to vector<128x128xi32>
    %and3A_574 = arith.andi %iota3A_571, %and3A_573 : vector<128x128xi32>
    %eq3A_575 = arith.constant 0 : i32
    %eq3A_576 = vector.broadcast %eq3A_575 : i32 to vector<128x128xi32>
    %eq3A_577 = arith.cmpi eq, %and3A_574, %eq3A_576 : vector<128x128xi32>
    %slice3A_578 = vector.extract_strided_slice %select_n3A_562 {offsets = [0, 96], sizes = [128, 32], strides = [1, 1]} : vector<128x128xf32> to vector<128x32xf32>
    %slice3A_579 = vector.extract_strided_slice %select_n3A_562 {offsets = [0, 0], sizes = [128, 96], strides = [1, 1]} : vector<128x128xf32> to vector<128x96xf32>
    %concatenate3A_580 = tpu.concatenate %slice3A_578, %slice3A_579 in 1 : vector<128x32xf32>, vector<128x96xf32> -> vector<128x128xf32>
    %slice3A_581 = vector.extract_strided_slice %select_n3A_562 {offsets = [0, 32], sizes = [128, 96], strides = [1, 1]} : vector<128x128xf32> to vector<128x96xf32>
    %slice3A_582 = vector.extract_strided_slice %select_n3A_562 {offsets = [0, 0], sizes = [128, 32], strides = [1, 1]} : vector<128x128xf32> to vector<128x32xf32>
    %concatenate3A_583 = tpu.concatenate %slice3A_581, %slice3A_582 in 1 : vector<128x96xf32>, vector<128x32xf32> -> vector<128x128xf32>
    %select_n3A_584 = arith.select %ne3A_570, %concatenate3A_580, %concatenate3A_583 : vector<128x128xi1>, vector<128x128xf32>
    %slice3A_585 = vector.extract_strided_slice %select_n3A_563 {offsets = [0, 96], sizes = [128, 32], strides = [1, 1]} : vector<128x128xf32> to vector<128x32xf32>
    %slice3A_586 = vector.extract_strided_slice %select_n3A_563 {offsets = [0, 0], sizes = [128, 96], strides = [1, 1]} : vector<128x128xf32> to vector<128x96xf32>
    %concatenate3A_587 = tpu.concatenate %slice3A_585, %slice3A_586 in 1 : vector<128x32xf32>, vector<128x96xf32> -> vector<128x128xf32>
    %slice3A_588 = vector.extract_strided_slice %select_n3A_563 {offsets = [0, 32], sizes = [128, 96], strides = [1, 1]} : vector<128x128xf32> to vector<128x96xf32>
    %slice3A_589 = vector.extract_strided_slice %select_n3A_563 {offsets = [0, 0], sizes = [128, 32], strides = [1, 1]} : vector<128x128xf32> to vector<128x32xf32>
    %concatenate3A_590 = tpu.concatenate %slice3A_588, %slice3A_589 in 1 : vector<128x96xf32>, vector<128x32xf32> -> vector<128x128xf32>
    %select_n3A_591 = arith.select %ne3A_570, %concatenate3A_587, %concatenate3A_590 : vector<128x128xi1>, vector<128x128xf32>
    %ne3A_592 = arith.xori %ne3A_570, %eq3A_577 : vector<128x128xi1>
    %lt3A_593 = arith.cmpf olt, %select_n3A_584, %select_n3A_562 : vector<128x128xf32>
    %eq3A_594 = arith.xori %lt3A_593, %ne3A_592 : vector<128x128xi1>
    %eq3A_595 = arith.constant dense<true> : vector<128x128xi1>
    %eq3A_596 = arith.xori %eq3A_594, %eq3A_595 : vector<128x128xi1>
    %ne3A_597 = arith.cmpf one, %select_n3A_584, %select_n3A_562 : vector<128x128xf32>
    %and3A_598 = arith.andi %eq3A_596, %ne3A_597 : vector<128x128xi1>
    %select_n3A_599 = arith.select %and3A_598, %select_n3A_584, %select_n3A_562 : vector<128x128xi1>, vector<128x128xf32>
    %select_n3A_600 = arith.select %and3A_598, %select_n3A_591, %select_n3A_563 : vector<128x128xi1>, vector<128x128xf32>
    %iota3A_601 = tpu.iota {dimensions = array<i32: 1>} : vector<128x128xi32>
    %and3A_602 = arith.constant 16 : i32
    %and3A_603 = vector.broadcast %and3A_602 : i32 to vector<128x128xi32>
    %and3A_604 = arith.andi %iota3A_601, %and3A_603 : vector<128x128xi32>
    %ne3A_605 = arith.constant 0 : i32
    %ne3A_606 = vector.broadcast %ne3A_605 : i32 to vector<128x128xi32>
    %ne3A_607 = arith.cmpi ne, %and3A_604, %ne3A_606 : vector<128x128xi32>
    %iota3A_608 = tpu.iota {dimensions = array<i32: 1>} : vector<128x128xi32>
    %and3A_609 = arith.constant 64 : i32
    %and3A_610 = vector.broadcast %and3A_609 : i32 to vector<128x128xi32>
    %and3A_611 = arith.andi %iota3A_608, %and3A_610 : vector<128x128xi32>
    %eq3A_612 = arith.constant 0 : i32
    %eq3A_613 = vector.broadcast %eq3A_612 : i32 to vector<128x128xi32>
    %eq3A_614 = arith.cmpi eq, %and3A_611, %eq3A_613 : vector<128x128xi32>
    %slice3A_615 = vector.extract_strided_slice %select_n3A_599 {offsets = [0, 112], sizes = [128, 16], strides = [1, 1]} : vector<128x128xf32> to vector<128x16xf32>
    %slice3A_616 = vector.extract_strided_slice %select_n3A_599 {offsets = [0, 0], sizes = [128, 112], strides = [1, 1]} : vector<128x128xf32> to vector<128x112xf32>
    %concatenate3A_617 = tpu.concatenate %slice3A_615, %slice3A_616 in 1 : vector<128x16xf32>, vector<128x112xf32> -> vector<128x128xf32>
    %slice3A_618 = vector.extract_strided_slice %select_n3A_599 {offsets = [0, 16], sizes = [128, 112], strides = [1, 1]} : vector<128x128xf32> to vector<128x112xf32>
    %slice3A_619 = vector.extract_strided_slice %select_n3A_599 {offsets = [0, 0], sizes = [128, 16], strides = [1, 1]} : vector<128x128xf32> to vector<128x16xf32>
    %concatenate3A_620 = tpu.concatenate %slice3A_618, %slice3A_619 in 1 : vector<128x112xf32>, vector<128x16xf32> -> vector<128x128xf32>
    %select_n3A_621 = arith.select %ne3A_607, %concatenate3A_617, %concatenate3A_620 : vector<128x128xi1>, vector<128x128xf32>
    %slice3A_622 = vector.extract_strided_slice %select_n3A_600 {offsets = [0, 112], sizes = [128, 16], strides = [1, 1]} : vector<128x128xf32> to vector<128x16xf32>
    %slice3A_623 = vector.extract_strided_slice %select_n3A_600 {offsets = [0, 0], sizes = [128, 112], strides = [1, 1]} : vector<128x128xf32> to vector<128x112xf32>
    %concatenate3A_624 = tpu.concatenate %slice3A_622, %slice3A_623 in 1 : vector<128x16xf32>, vector<128x112xf32> -> vector<128x128xf32>
    %slice3A_625 = vector.extract_strided_slice %select_n3A_600 {offsets = [0, 16], sizes = [128, 112], strides = [1, 1]} : vector<128x128xf32> to vector<128x112xf32>
    %slice3A_626 = vector.extract_strided_slice %select_n3A_600 {offsets = [0, 0], sizes = [128, 16], strides = [1, 1]} : vector<128x128xf32> to vector<128x16xf32>
    %concatenate3A_627 = tpu.concatenate %slice3A_625, %slice3A_626 in 1 : vector<128x112xf32>, vector<128x16xf32> -> vector<128x128xf32>
    %select_n3A_628 = arith.select %ne3A_607, %concatenate3A_624, %concatenate3A_627 : vector<128x128xi1>, vector<128x128xf32>
    %ne3A_629 = arith.xori %ne3A_607, %eq3A_614 : vector<128x128xi1>
    %lt3A_630 = arith.cmpf olt, %select_n3A_621, %select_n3A_599 : vector<128x128xf32>
    %eq3A_631 = arith.xori %lt3A_630, %ne3A_629 : vector<128x128xi1>
    %eq3A_632 = arith.constant dense<true> : vector<128x128xi1>
    %eq3A_633 = arith.xori %eq3A_631, %eq3A_632 : vector<128x128xi1>
    %ne3A_634 = arith.cmpf one, %select_n3A_621, %select_n3A_599 : vector<128x128xf32>
    %and3A_635 = arith.andi %eq3A_633, %ne3A_634 : vector<128x128xi1>
    %select_n3A_636 = arith.select %and3A_635, %select_n3A_621, %select_n3A_599 : vector<128x128xi1>, vector<128x128xf32>
    %select_n3A_637 = arith.select %and3A_635, %select_n3A_628, %select_n3A_600 : vector<128x128xi1>, vector<128x128xf32>
    %iota3A_638 = tpu.iota {dimensions = array<i32: 1>} : vector<128x128xi32>
    %and3A_639 = arith.constant 8 : i32
    %and3A_640 = vector.broadcast %and3A_639 : i32 to vector<128x128xi32>
    %and3A_641 = arith.andi %iota3A_638, %and3A_640 : vector<128x128xi32>
    %ne3A_642 = arith.constant 0 : i32
    %ne3A_643 = vector.broadcast %ne3A_642 : i32 to vector<128x128xi32>
    %ne3A_644 = arith.cmpi ne, %and3A_641, %ne3A_643 : vector<128x128xi32>
    %iota3A_645 = tpu.iota {dimensions = array<i32: 1>} : vector<128x128xi32>
    %and3A_646 = arith.constant 64 : i32
    %and3A_647 = vector.broadcast %and3A_646 : i32 to vector<128x128xi32>
    %and3A_648 = arith.andi %iota3A_645, %and3A_647 : vector<128x128xi32>
    %eq3A_649 = arith.constant 0 : i32
    %eq3A_650 = vector.broadcast %eq3A_649 : i32 to vector<128x128xi32>
    %eq3A_651 = arith.cmpi eq, %and3A_648, %eq3A_650 : vector<128x128xi32>
    %slice3A_652 = vector.extract_strided_slice %select_n3A_636 {offsets = [0, 120], sizes = [128, 8], strides = [1, 1]} : vector<128x128xf32> to vector<128x8xf32>
    %slice3A_653 = vector.extract_strided_slice %select_n3A_636 {offsets = [0, 0], sizes = [128, 120], strides = [1, 1]} : vector<128x128xf32> to vector<128x120xf32>
    %concatenate3A_654 = tpu.concatenate %slice3A_652, %slice3A_653 in 1 : vector<128x8xf32>, vector<128x120xf32> -> vector<128x128xf32>
    %slice3A_655 = vector.extract_strided_slice %select_n3A_636 {offsets = [0, 8], sizes = [128, 120], strides = [1, 1]} : vector<128x128xf32> to vector<128x120xf32>
    %slice3A_656 = vector.extract_strided_slice %select_n3A_636 {offsets = [0, 0], sizes = [128, 8], strides = [1, 1]} : vector<128x128xf32> to vector<128x8xf32>
    %concatenate3A_657 = tpu.concatenate %slice3A_655, %slice3A_656 in 1 : vector<128x120xf32>, vector<128x8xf32> -> vector<128x128xf32>
    %select_n3A_658 = arith.select %ne3A_644, %concatenate3A_654, %concatenate3A_657 : vector<128x128xi1>, vector<128x128xf32>
    %slice3A_659 = vector.extract_strided_slice %select_n3A_637 {offsets = [0, 120], sizes = [128, 8], strides = [1, 1]} : vector<128x128xf32> to vector<128x8xf32>
    %slice3A_660 = vector.extract_strided_slice %select_n3A_637 {offsets = [0, 0], sizes = [128, 120], strides = [1, 1]} : vector<128x128xf32> to vector<128x120xf32>
    %concatenate3A_661 = tpu.concatenate %slice3A_659, %slice3A_660 in 1 : vector<128x8xf32>, vector<128x120xf32> -> vector<128x128xf32>
    %slice3A_662 = vector.extract_strided_slice %select_n3A_637 {offsets = [0, 8], sizes = [128, 120], strides = [1, 1]} : vector<128x128xf32> to vector<128x120xf32>
    %slice3A_663 = vector.extract_strided_slice %select_n3A_637 {offsets = [0, 0], sizes = [128, 8], strides = [1, 1]} : vector<128x128xf32> to vector<128x8xf32>
    %concatenate3A_664 = tpu.concatenate %slice3A_662, %slice3A_663 in 1 : vector<128x120xf32>, vector<128x8xf32> -> vector<128x128xf32>
    %select_n3A_665 = arith.select %ne3A_644, %concatenate3A_661, %concatenate3A_664 : vector<128x128xi1>, vector<128x128xf32>
    %ne3A_666 = arith.xori %ne3A_644, %eq3A_651 : vector<128x128xi1>
    %lt3A_667 = arith.cmpf olt, %select_n3A_658, %select_n3A_636 : vector<128x128xf32>
    %eq3A_668 = arith.xori %lt3A_667, %ne3A_666 : vector<128x128xi1>
    %eq3A_669 = arith.constant dense<true> : vector<128x128xi1>
    %eq3A_670 = arith.xori %eq3A_668, %eq3A_669 : vector<128x128xi1>
    %ne3A_671 = arith.cmpf one, %select_n3A_658, %select_n3A_636 : vector<128x128xf32>
    %and3A_672 = arith.andi %eq3A_670, %ne3A_671 : vector<128x128xi1>
    %select_n3A_673 = arith.select %and3A_672, %select_n3A_658, %select_n3A_636 : vector<128x128xi1>, vector<128x128xf32>
    %select_n3A_674 = arith.select %and3A_672, %select_n3A_665, %select_n3A_637 : vector<128x128xi1>, vector<128x128xf32>
    %iota3A_675 = tpu.iota {dimensions = array<i32: 1>} : vector<128x128xi32>
    %and3A_676 = arith.constant 4 : i32
    %and3A_677 = vector.broadcast %and3A_676 : i32 to vector<128x128xi32>
    %and3A_678 = arith.andi %iota3A_675, %and3A_677 : vector<128x128xi32>
    %ne3A_679 = arith.constant 0 : i32
    %ne3A_680 = vector.broadcast %ne3A_679 : i32 to vector<128x128xi32>
    %ne3A_681 = arith.cmpi ne, %and3A_678, %ne3A_680 : vector<128x128xi32>
    %iota3A_682 = tpu.iota {dimensions = array<i32: 1>} : vector<128x128xi32>
    %and3A_683 = arith.constant 64 : i32
    %and3A_684 = vector.broadcast %and3A_683 : i32 to vector<128x128xi32>
    %and3A_685 = arith.andi %iota3A_682, %and3A_684 : vector<128x128xi32>
    %eq3A_686 = arith.constant 0 : i32
    %eq3A_687 = vector.broadcast %eq3A_686 : i32 to vector<128x128xi32>
    %eq3A_688 = arith.cmpi eq, %and3A_685, %eq3A_687 : vector<128x128xi32>
    %slice3A_689 = vector.extract_strided_slice %select_n3A_673 {offsets = [0, 124], sizes = [128, 4], strides = [1, 1]} : vector<128x128xf32> to vector<128x4xf32>
    %slice3A_690 = vector.extract_strided_slice %select_n3A_673 {offsets = [0, 0], sizes = [128, 124], strides = [1, 1]} : vector<128x128xf32> to vector<128x124xf32>
    %concatenate3A_691 = tpu.concatenate %slice3A_689, %slice3A_690 in 1 : vector<128x4xf32>, vector<128x124xf32> -> vector<128x128xf32>
    %slice3A_692 = vector.extract_strided_slice %select_n3A_673 {offsets = [0, 4], sizes = [128, 124], strides = [1, 1]} : vector<128x128xf32> to vector<128x124xf32>
    %slice3A_693 = vector.extract_strided_slice %select_n3A_673 {offsets = [0, 0], sizes = [128, 4], strides = [1, 1]} : vector<128x128xf32> to vector<128x4xf32>
    %concatenate3A_694 = tpu.concatenate %slice3A_692, %slice3A_693 in 1 : vector<128x124xf32>, vector<128x4xf32> -> vector<128x128xf32>
    %select_n3A_695 = arith.select %ne3A_681, %concatenate3A_691, %concatenate3A_694 : vector<128x128xi1>, vector<128x128xf32>
    %slice3A_696 = vector.extract_strided_slice %select_n3A_674 {offsets = [0, 124], sizes = [128, 4], strides = [1, 1]} : vector<128x128xf32> to vector<128x4xf32>
    %slice3A_697 = vector.extract_strided_slice %select_n3A_674 {offsets = [0, 0], sizes = [128, 124], strides = [1, 1]} : vector<128x128xf32> to vector<128x124xf32>
    %concatenate3A_698 = tpu.concatenate %slice3A_696, %slice3A_697 in 1 : vector<128x4xf32>, vector<128x124xf32> -> vector<128x128xf32>
    %slice3A_699 = vector.extract_strided_slice %select_n3A_674 {offsets = [0, 4], sizes = [128, 124], strides = [1, 1]} : vector<128x128xf32> to vector<128x124xf32>
    %slice3A_700 = vector.extract_strided_slice %select_n3A_674 {offsets = [0, 0], sizes = [128, 4], strides = [1, 1]} : vector<128x128xf32> to vector<128x4xf32>
    %concatenate3A_701 = tpu.concatenate %slice3A_699, %slice3A_700 in 1 : vector<128x124xf32>, vector<128x4xf32> -> vector<128x128xf32>
    %select_n3A_702 = arith.select %ne3A_681, %concatenate3A_698, %concatenate3A_701 : vector<128x128xi1>, vector<128x128xf32>
    %ne3A_703 = arith.xori %ne3A_681, %eq3A_688 : vector<128x128xi1>
    %lt3A_704 = arith.cmpf olt, %select_n3A_695, %select_n3A_673 : vector<128x128xf32>
    %eq3A_705 = arith.xori %lt3A_704, %ne3A_703 : vector<128x128xi1>
    %eq3A_706 = arith.constant dense<true> : vector<128x128xi1>
    %eq3A_707 = arith.xori %eq3A_705, %eq3A_706 : vector<128x128xi1>
    %ne3A_708 = arith.cmpf one, %select_n3A_695, %select_n3A_673 : vector<128x128xf32>
    %and3A_709 = arith.andi %eq3A_707, %ne3A_708 : vector<128x128xi1>
    %select_n3A_710 = arith.select %and3A_709, %select_n3A_695, %select_n3A_673 : vector<128x128xi1>, vector<128x128xf32>
    %select_n3A_711 = arith.select %and3A_709, %select_n3A_702, %select_n3A_674 : vector<128x128xi1>, vector<128x128xf32>
    %iota3A_712 = tpu.iota {dimensions = array<i32: 1>} : vector<128x128xi32>
    %and3A_713 = arith.constant 2 : i32
    %and3A_714 = vector.broadcast %and3A_713 : i32 to vector<128x128xi32>
    %and3A_715 = arith.andi %iota3A_712, %and3A_714 : vector<128x128xi32>
    %ne3A_716 = arith.constant 0 : i32
    %ne3A_717 = vector.broadcast %ne3A_716 : i32 to vector<128x128xi32>
    %ne3A_718 = arith.cmpi ne, %and3A_715, %ne3A_717 : vector<128x128xi32>
    %iota3A_719 = tpu.iota {dimensions = array<i32: 1>} : vector<128x128xi32>
    %and3A_720 = arith.constant 64 : i32
    %and3A_721 = vector.broadcast %and3A_720 : i32 to vector<128x128xi32>
    %and3A_722 = arith.andi %iota3A_719, %and3A_721 : vector<128x128xi32>
    %eq3A_723 = arith.constant 0 : i32
    %eq3A_724 = vector.broadcast %eq3A_723 : i32 to vector<128x128xi32>
    %eq3A_725 = arith.cmpi eq, %and3A_722, %eq3A_724 : vector<128x128xi32>
    %slice3A_726 = vector.extract_strided_slice %select_n3A_710 {offsets = [0, 126], sizes = [128, 2], strides = [1, 1]} : vector<128x128xf32> to vector<128x2xf32>
    %slice3A_727 = vector.extract_strided_slice %select_n3A_710 {offsets = [0, 0], sizes = [128, 126], strides = [1, 1]} : vector<128x128xf32> to vector<128x126xf32>
    %concatenate3A_728 = tpu.concatenate %slice3A_726, %slice3A_727 in 1 : vector<128x2xf32>, vector<128x126xf32> -> vector<128x128xf32>
    %slice3A_729 = vector.extract_strided_slice %select_n3A_710 {offsets = [0, 2], sizes = [128, 126], strides = [1, 1]} : vector<128x128xf32> to vector<128x126xf32>
    %slice3A_730 = vector.extract_strided_slice %select_n3A_710 {offsets = [0, 0], sizes = [128, 2], strides = [1, 1]} : vector<128x128xf32> to vector<128x2xf32>
    %concatenate3A_731 = tpu.concatenate %slice3A_729, %slice3A_730 in 1 : vector<128x126xf32>, vector<128x2xf32> -> vector<128x128xf32>
    %select_n3A_732 = arith.select %ne3A_718, %concatenate3A_728, %concatenate3A_731 : vector<128x128xi1>, vector<128x128xf32>
    %slice3A_733 = vector.extract_strided_slice %select_n3A_711 {offsets = [0, 126], sizes = [128, 2], strides = [1, 1]} : vector<128x128xf32> to vector<128x2xf32>
    %slice3A_734 = vector.extract_strided_slice %select_n3A_711 {offsets = [0, 0], sizes = [128, 126], strides = [1, 1]} : vector<128x128xf32> to vector<128x126xf32>
    %concatenate3A_735 = tpu.concatenate %slice3A_733, %slice3A_734 in 1 : vector<128x2xf32>, vector<128x126xf32> -> vector<128x128xf32>
    %slice3A_736 = vector.extract_strided_slice %select_n3A_711 {offsets = [0, 2], sizes = [128, 126], strides = [1, 1]} : vector<128x128xf32> to vector<128x126xf32>
    %slice3A_737 = vector.extract_strided_slice %select_n3A_711 {offsets = [0, 0], sizes = [128, 2], strides = [1, 1]} : vector<128x128xf32> to vector<128x2xf32>
    %concatenate3A_738 = tpu.concatenate %slice3A_736, %slice3A_737 in 1 : vector<128x126xf32>, vector<128x2xf32> -> vector<128x128xf32>
    %select_n3A_739 = arith.select %ne3A_718, %concatenate3A_735, %concatenate3A_738 : vector<128x128xi1>, vector<128x128xf32>
    %ne3A_740 = arith.xori %ne3A_718, %eq3A_725 : vector<128x128xi1>
    %lt3A_741 = arith.cmpf olt, %select_n3A_732, %select_n3A_710 : vector<128x128xf32>
    %eq3A_742 = arith.xori %lt3A_741, %ne3A_740 : vector<128x128xi1>
    %eq3A_743 = arith.constant dense<true> : vector<128x128xi1>
    %eq3A_744 = arith.xori %eq3A_742, %eq3A_743 : vector<128x128xi1>
    %ne3A_745 = arith.cmpf one, %select_n3A_732, %select_n3A_710 : vector<128x128xf32>
    %and3A_746 = arith.andi %eq3A_744, %ne3A_745 : vector<128x128xi1>
    %select_n3A_747 = arith.select %and3A_746, %select_n3A_732, %select_n3A_710 : vector<128x128xi1>, vector<128x128xf32>
    %select_n3A_748 = arith.select %and3A_746, %select_n3A_739, %select_n3A_711 : vector<128x128xi1>, vector<128x128xf32>
    %iota3A_749 = tpu.iota {dimensions = array<i32: 1>} : vector<128x128xi32>
    %and3A_750 = arith.constant 1 : i32
    %and3A_751 = vector.broadcast %and3A_750 : i32 to vector<128x128xi32>
    %and3A_752 = arith.andi %iota3A_749, %and3A_751 : vector<128x128xi32>
    %ne3A_753 = arith.constant 0 : i32
    %ne3A_754 = vector.broadcast %ne3A_753 : i32 to vector<128x128xi32>
    %ne3A_755 = arith.cmpi ne, %and3A_752, %ne3A_754 : vector<128x128xi32>
    %iota3A_756 = tpu.iota {dimensions = array<i32: 1>} : vector<128x128xi32>
    %and3A_757 = arith.constant 64 : i32
    %and3A_758 = vector.broadcast %and3A_757 : i32 to vector<128x128xi32>
    %and3A_759 = arith.andi %iota3A_756, %and3A_758 : vector<128x128xi32>
    %eq3A_760 = arith.constant 0 : i32
    %eq3A_761 = vector.broadcast %eq3A_760 : i32 to vector<128x128xi32>
    %eq3A_762 = arith.cmpi eq, %and3A_759, %eq3A_761 : vector<128x128xi32>
    %slice3A_763 = vector.extract_strided_slice %select_n3A_747 {offsets = [0, 127], sizes = [128, 1], strides = [1, 1]} : vector<128x128xf32> to vector<128x1xf32>
    %slice3A_764 = vector.extract_strided_slice %select_n3A_747 {offsets = [0, 0], sizes = [128, 127], strides = [1, 1]} : vector<128x128xf32> to vector<128x127xf32>
    %concatenate3A_765 = tpu.concatenate %slice3A_763, %slice3A_764 in 1 : vector<128x1xf32>, vector<128x127xf32> -> vector<128x128xf32>
    %slice3A_766 = vector.extract_strided_slice %select_n3A_747 {offsets = [0, 1], sizes = [128, 127], strides = [1, 1]} : vector<128x128xf32> to vector<128x127xf32>
    %slice3A_767 = vector.extract_strided_slice %select_n3A_747 {offsets = [0, 0], sizes = [128, 1], strides = [1, 1]} : vector<128x128xf32> to vector<128x1xf32>
    %concatenate3A_768 = tpu.concatenate %slice3A_766, %slice3A_767 in 1 : vector<128x127xf32>, vector<128x1xf32> -> vector<128x128xf32>
    %select_n3A_769 = arith.select %ne3A_755, %concatenate3A_765, %concatenate3A_768 : vector<128x128xi1>, vector<128x128xf32>
    %slice3A_770 = vector.extract_strided_slice %select_n3A_748 {offsets = [0, 127], sizes = [128, 1], strides = [1, 1]} : vector<128x128xf32> to vector<128x1xf32>
    %slice3A_771 = vector.extract_strided_slice %select_n3A_748 {offsets = [0, 0], sizes = [128, 127], strides = [1, 1]} : vector<128x128xf32> to vector<128x127xf32>
    %concatenate3A_772 = tpu.concatenate %slice3A_770, %slice3A_771 in 1 : vector<128x1xf32>, vector<128x127xf32> -> vector<128x128xf32>
    %slice3A_773 = vector.extract_strided_slice %select_n3A_748 {offsets = [0, 1], sizes = [128, 127], strides = [1, 1]} : vector<128x128xf32> to vector<128x127xf32>
    %slice3A_774 = vector.extract_strided_slice %select_n3A_748 {offsets = [0, 0], sizes = [128, 1], strides = [1, 1]} : vector<128x128xf32> to vector<128x1xf32>
    %concatenate3A_775 = tpu.concatenate %slice3A_773, %slice3A_774 in 1 : vector<128x127xf32>, vector<128x1xf32> -> vector<128x128xf32>
    %select_n3A_776 = arith.select %ne3A_755, %concatenate3A_772, %concatenate3A_775 : vector<128x128xi1>, vector<128x128xf32>
    %ne3A_777 = arith.xori %ne3A_755, %eq3A_762 : vector<128x128xi1>
    %lt3A_778 = arith.cmpf olt, %select_n3A_769, %select_n3A_747 : vector<128x128xf32>
    %eq3A_779 = arith.xori %lt3A_778, %ne3A_777 : vector<128x128xi1>
    %eq3A_780 = arith.constant dense<true> : vector<128x128xi1>
    %eq3A_781 = arith.xori %eq3A_779, %eq3A_780 : vector<128x128xi1>
    %ne3A_782 = arith.cmpf one, %select_n3A_769, %select_n3A_747 : vector<128x128xf32>
    %and3A_783 = arith.andi %eq3A_781, %ne3A_782 : vector<128x128xi1>
    %select_n3A_784 = arith.select %and3A_783, %select_n3A_769, %select_n3A_747 : vector<128x128xi1>, vector<128x128xf32>
    %select_n3A_785 = arith.select %and3A_783, %select_n3A_776, %select_n3A_748 : vector<128x128xi1>, vector<128x128xf32>
    %iota3A_786 = tpu.iota {dimensions = array<i32: 1>} : vector<128x128xi32>
    %and3A_787 = arith.constant 64 : i32
    %and3A_788 = vector.broadcast %and3A_787 : i32 to vector<128x128xi32>
    %and3A_789 = arith.andi %iota3A_786, %and3A_788 : vector<128x128xi32>
    %ne3A_790 = arith.constant 0 : i32
    %ne3A_791 = vector.broadcast %ne3A_790 : i32 to vector<128x128xi32>
    %ne3A_792 = arith.cmpi ne, %and3A_789, %ne3A_791 : vector<128x128xi32>
    %iota3A_793 = tpu.iota {dimensions = array<i32: 0>} : vector<128x128xi32>
    %and3A_794 = arith.constant 1 : i32
    %and3A_795 = vector.broadcast %and3A_794 : i32 to vector<128x128xi32>
    %and3A_796 = arith.andi %iota3A_793, %and3A_795 : vector<128x128xi32>
    %eq3A_797 = arith.constant 0 : i32
    %eq3A_798 = vector.broadcast %eq3A_797 : i32 to vector<128x128xi32>
    %eq3A_799 = arith.cmpi eq, %and3A_796, %eq3A_798 : vector<128x128xi32>
    %slice3A_800 = vector.extract_strided_slice %select_n3A_784 {offsets = [0, 64], sizes = [128, 64], strides = [1, 1]} : vector<128x128xf32> to vector<128x64xf32>
    %slice3A_801 = vector.extract_strided_slice %select_n3A_784 {offsets = [0, 0], sizes = [128, 64], strides = [1, 1]} : vector<128x128xf32> to vector<128x64xf32>
    %concatenate3A_802 = tpu.concatenate %slice3A_800, %slice3A_801 in 1 : vector<128x64xf32>, vector<128x64xf32> -> vector<128x128xf32>
    %slice3A_803 = vector.extract_strided_slice %select_n3A_784 {offsets = [0, 64], sizes = [128, 64], strides = [1, 1]} : vector<128x128xf32> to vector<128x64xf32>
    %slice3A_804 = vector.extract_strided_slice %select_n3A_784 {offsets = [0, 0], sizes = [128, 64], strides = [1, 1]} : vector<128x128xf32> to vector<128x64xf32>
    %concatenate3A_805 = tpu.concatenate %slice3A_803, %slice3A_804 in 1 : vector<128x64xf32>, vector<128x64xf32> -> vector<128x128xf32>
    %select_n3A_806 = arith.select %ne3A_792, %concatenate3A_802, %concatenate3A_805 : vector<128x128xi1>, vector<128x128xf32>
    %slice3A_807 = vector.extract_strided_slice %select_n3A_785 {offsets = [0, 64], sizes = [128, 64], strides = [1, 1]} : vector<128x128xf32> to vector<128x64xf32>
    %slice3A_808 = vector.extract_strided_slice %select_n3A_785 {offsets = [0, 0], sizes = [128, 64], strides = [1, 1]} : vector<128x128xf32> to vector<128x64xf32>
    %concatenate3A_809 = tpu.concatenate %slice3A_807, %slice3A_808 in 1 : vector<128x64xf32>, vector<128x64xf32> -> vector<128x128xf32>
    %slice3A_810 = vector.extract_strided_slice %select_n3A_785 {offsets = [0, 64], sizes = [128, 64], strides = [1, 1]} : vector<128x128xf32> to vector<128x64xf32>
    %slice3A_811 = vector.extract_strided_slice %select_n3A_785 {offsets = [0, 0], sizes = [128, 64], strides = [1, 1]} : vector<128x128xf32> to vector<128x64xf32>
    %concatenate3A_812 = tpu.concatenate %slice3A_810, %slice3A_811 in 1 : vector<128x64xf32>, vector<128x64xf32> -> vector<128x128xf32>
    %select_n3A_813 = arith.select %ne3A_792, %concatenate3A_809, %concatenate3A_812 : vector<128x128xi1>, vector<128x128xf32>
    %ne3A_814 = arith.xori %ne3A_792, %eq3A_799 : vector<128x128xi1>
    %lt3A_815 = arith.cmpf olt, %select_n3A_806, %select_n3A_784 : vector<128x128xf32>
    %eq3A_816 = arith.xori %lt3A_815, %ne3A_814 : vector<128x128xi1>
    %eq3A_817 = arith.constant dense<true> : vector<128x128xi1>
    %eq3A_818 = arith.xori %eq3A_816, %eq3A_817 : vector<128x128xi1>
    %ne3A_819 = arith.cmpf one, %select_n3A_806, %select_n3A_784 : vector<128x128xf32>
    %and3A_820 = arith.andi %eq3A_818, %ne3A_819 : vector<128x128xi1>
    %select_n3A_821 = arith.select %and3A_820, %select_n3A_806, %select_n3A_784 : vector<128x128xi1>, vector<128x128xf32>
    %select_n3A_822 = arith.select %and3A_820, %select_n3A_813, %select_n3A_785 : vector<128x128xi1>, vector<128x128xf32>
    %iota3A_823 = tpu.iota {dimensions = array<i32: 1>} : vector<128x128xi32>
    %and3A_824 = arith.constant 32 : i32
    %and3A_825 = vector.broadcast %and3A_824 : i32 to vector<128x128xi32>
    %and3A_826 = arith.andi %iota3A_823, %and3A_825 : vector<128x128xi32>
    %ne3A_827 = arith.constant 0 : i32
    %ne3A_828 = vector.broadcast %ne3A_827 : i32 to vector<128x128xi32>
    %ne3A_829 = arith.cmpi ne, %and3A_826, %ne3A_828 : vector<128x128xi32>
    %iota3A_830 = tpu.iota {dimensions = array<i32: 0>} : vector<128x128xi32>
    %and3A_831 = arith.constant 1 : i32
    %and3A_832 = vector.broadcast %and3A_831 : i32 to vector<128x128xi32>
    %and3A_833 = arith.andi %iota3A_830, %and3A_832 : vector<128x128xi32>
    %eq3A_834 = arith.constant 0 : i32
    %eq3A_835 = vector.broadcast %eq3A_834 : i32 to vector<128x128xi32>
    %eq3A_836 = arith.cmpi eq, %and3A_833, %eq3A_835 : vector<128x128xi32>
    %slice3A_837 = vector.extract_strided_slice %select_n3A_821 {offsets = [0, 96], sizes = [128, 32], strides = [1, 1]} : vector<128x128xf32> to vector<128x32xf32>
    %slice3A_838 = vector.extract_strided_slice %select_n3A_821 {offsets = [0, 0], sizes = [128, 96], strides = [1, 1]} : vector<128x128xf32> to vector<128x96xf32>
    %concatenate3A_839 = tpu.concatenate %slice3A_837, %slice3A_838 in 1 : vector<128x32xf32>, vector<128x96xf32> -> vector<128x128xf32>
    %slice3A_840 = vector.extract_strided_slice %select_n3A_821 {offsets = [0, 32], sizes = [128, 96], strides = [1, 1]} : vector<128x128xf32> to vector<128x96xf32>
    %slice3A_841 = vector.extract_strided_slice %select_n3A_821 {offsets = [0, 0], sizes = [128, 32], strides = [1, 1]} : vector<128x128xf32> to vector<128x32xf32>
    %concatenate3A_842 = tpu.concatenate %slice3A_840, %slice3A_841 in 1 : vector<128x96xf32>, vector<128x32xf32> -> vector<128x128xf32>
    %select_n3A_843 = arith.select %ne3A_829, %concatenate3A_839, %concatenate3A_842 : vector<128x128xi1>, vector<128x128xf32>
    %slice3A_844 = vector.extract_strided_slice %select_n3A_822 {offsets = [0, 96], sizes = [128, 32], strides = [1, 1]} : vector<128x128xf32> to vector<128x32xf32>
    %slice3A_845 = vector.extract_strided_slice %select_n3A_822 {offsets = [0, 0], sizes = [128, 96], strides = [1, 1]} : vector<128x128xf32> to vector<128x96xf32>
    %concatenate3A_846 = tpu.concatenate %slice3A_844, %slice3A_845 in 1 : vector<128x32xf32>, vector<128x96xf32> -> vector<128x128xf32>
    %slice3A_847 = vector.extract_strided_slice %select_n3A_822 {offsets = [0, 32], sizes = [128, 96], strides = [1, 1]} : vector<128x128xf32> to vector<128x96xf32>
    %slice3A_848 = vector.extract_strided_slice %select_n3A_822 {offsets = [0, 0], sizes = [128, 32], strides = [1, 1]} : vector<128x128xf32> to vector<128x32xf32>
    %concatenate3A_849 = tpu.concatenate %slice3A_847, %slice3A_848 in 1 : vector<128x96xf32>, vector<128x32xf32> -> vector<128x128xf32>
    %select_n3A_850 = arith.select %ne3A_829, %concatenate3A_846, %concatenate3A_849 : vector<128x128xi1>, vector<128x128xf32>
    %ne3A_851 = arith.xori %ne3A_829, %eq3A_836 : vector<128x128xi1>
    %lt3A_852 = arith.cmpf olt, %select_n3A_843, %select_n3A_821 : vector<128x128xf32>
    %eq3A_853 = arith.xori %lt3A_852, %ne3A_851 : vector<128x128xi1>
    %eq3A_854 = arith.constant dense<true> : vector<128x128xi1>
    %eq3A_855 = arith.xori %eq3A_853, %eq3A_854 : vector<128x128xi1>
    %ne3A_856 = arith.cmpf one, %select_n3A_843, %select_n3A_821 : vector<128x128xf32>
    %and3A_857 = arith.andi %eq3A_855, %ne3A_856 : vector<128x128xi1>
    %select_n3A_858 = arith.select %and3A_857, %select_n3A_843, %select_n3A_821 : vector<128x128xi1>, vector<128x128xf32>
    %select_n3A_859 = arith.select %and3A_857, %select_n3A_850, %select_n3A_822 : vector<128x128xi1>, vector<128x128xf32>
    %iota3A_860 = tpu.iota {dimensions = array<i32: 1>} : vector<128x128xi32>
    %and3A_861 = arith.constant 16 : i32
    %and3A_862 = vector.broadcast %and3A_861 : i32 to vector<128x128xi32>
    %and3A_863 = arith.andi %iota3A_860, %and3A_862 : vector<128x128xi32>
    %ne3A_864 = arith.constant 0 : i32
    %ne3A_865 = vector.broadcast %ne3A_864 : i32 to vector<128x128xi32>
    %ne3A_866 = arith.cmpi ne, %and3A_863, %ne3A_865 : vector<128x128xi32>
    %iota3A_867 = tpu.iota {dimensions = array<i32: 0>} : vector<128x128xi32>
    %and3A_868 = arith.constant 1 : i32
    %and3A_869 = vector.broadcast %and3A_868 : i32 to vector<128x128xi32>
    %and3A_870 = arith.andi %iota3A_867, %and3A_869 : vector<128x128xi32>
    %eq3A_871 = arith.constant 0 : i32
    %eq3A_872 = vector.broadcast %eq3A_871 : i32 to vector<128x128xi32>
    %eq3A_873 = arith.cmpi eq, %and3A_870, %eq3A_872 : vector<128x128xi32>
    %slice3A_874 = vector.extract_strided_slice %select_n3A_858 {offsets = [0, 112], sizes = [128, 16], strides = [1, 1]} : vector<128x128xf32> to vector<128x16xf32>
    %slice3A_875 = vector.extract_strided_slice %select_n3A_858 {offsets = [0, 0], sizes = [128, 112], strides = [1, 1]} : vector<128x128xf32> to vector<128x112xf32>
    %concatenate3A_876 = tpu.concatenate %slice3A_874, %slice3A_875 in 1 : vector<128x16xf32>, vector<128x112xf32> -> vector<128x128xf32>
    %slice3A_877 = vector.extract_strided_slice %select_n3A_858 {offsets = [0, 16], sizes = [128, 112], strides = [1, 1]} : vector<128x128xf32> to vector<128x112xf32>
    %slice3A_878 = vector.extract_strided_slice %select_n3A_858 {offsets = [0, 0], sizes = [128, 16], strides = [1, 1]} : vector<128x128xf32> to vector<128x16xf32>
    %concatenate3A_879 = tpu.concatenate %slice3A_877, %slice3A_878 in 1 : vector<128x112xf32>, vector<128x16xf32> -> vector<128x128xf32>
    %select_n3A_880 = arith.select %ne3A_866, %concatenate3A_876, %concatenate3A_879 : vector<128x128xi1>, vector<128x128xf32>
    %slice3A_881 = vector.extract_strided_slice %select_n3A_859 {offsets = [0, 112], sizes = [128, 16], strides = [1, 1]} : vector<128x128xf32> to vector<128x16xf32>
    %slice3A_882 = vector.extract_strided_slice %select_n3A_859 {offsets = [0, 0], sizes = [128, 112], strides = [1, 1]} : vector<128x128xf32> to vector<128x112xf32>
    %concatenate3A_883 = tpu.concatenate %slice3A_881, %slice3A_882 in 1 : vector<128x16xf32>, vector<128x112xf32> -> vector<128x128xf32>
    %slice3A_884 = vector.extract_strided_slice %select_n3A_859 {offsets = [0, 16], sizes = [128, 112], strides = [1, 1]} : vector<128x128xf32> to vector<128x112xf32>
    %slice3A_885 = vector.extract_strided_slice %select_n3A_859 {offsets = [0, 0], sizes = [128, 16], strides = [1, 1]} : vector<128x128xf32> to vector<128x16xf32>
    %concatenate3A_886 = tpu.concatenate %slice3A_884, %slice3A_885 in 1 : vector<128x112xf32>, vector<128x16xf32> -> vector<128x128xf32>
    %select_n3A_887 = arith.select %ne3A_866, %concatenate3A_883, %concatenate3A_886 : vector<128x128xi1>, vector<128x128xf32>
    %ne3A_888 = arith.xori %ne3A_866, %eq3A_873 : vector<128x128xi1>
    %lt3A_889 = arith.cmpf olt, %select_n3A_880, %select_n3A_858 : vector<128x128xf32>
    %eq3A_890 = arith.xori %lt3A_889, %ne3A_888 : vector<128x128xi1>
    %eq3A_891 = arith.constant dense<true> : vector<128x128xi1>
    %eq3A_892 = arith.xori %eq3A_890, %eq3A_891 : vector<128x128xi1>
    %ne3A_893 = arith.cmpf one, %select_n3A_880, %select_n3A_858 : vector<128x128xf32>
    %and3A_894 = arith.andi %eq3A_892, %ne3A_893 : vector<128x128xi1>
    %select_n3A_895 = arith.select %and3A_894, %select_n3A_880, %select_n3A_858 : vector<128x128xi1>, vector<128x128xf32>
    %select_n3A_896 = arith.select %and3A_894, %select_n3A_887, %select_n3A_859 : vector<128x128xi1>, vector<128x128xf32>
    %iota3A_897 = tpu.iota {dimensions = array<i32: 1>} : vector<128x128xi32>
    %and3A_898 = arith.constant 8 : i32
    %and3A_899 = vector.broadcast %and3A_898 : i32 to vector<128x128xi32>
    %and3A_900 = arith.andi %iota3A_897, %and3A_899 : vector<128x128xi32>
    %ne3A_901 = arith.constant 0 : i32
    %ne3A_902 = vector.broadcast %ne3A_901 : i32 to vector<128x128xi32>
    %ne3A_903 = arith.cmpi ne, %and3A_900, %ne3A_902 : vector<128x128xi32>
    %iota3A_904 = tpu.iota {dimensions = array<i32: 0>} : vector<128x128xi32>
    %and3A_905 = arith.constant 1 : i32
    %and3A_906 = vector.broadcast %and3A_905 : i32 to vector<128x128xi32>
    %and3A_907 = arith.andi %iota3A_904, %and3A_906 : vector<128x128xi32>
    %eq3A_908 = arith.constant 0 : i32
    %eq3A_909 = vector.broadcast %eq3A_908 : i32 to vector<128x128xi32>
    %eq3A_910 = arith.cmpi eq, %and3A_907, %eq3A_909 : vector<128x128xi32>
    %slice3A_911 = vector.extract_strided_slice %select_n3A_895 {offsets = [0, 120], sizes = [128, 8], strides = [1, 1]} : vector<128x128xf32> to vector<128x8xf32>
    %slice3A_912 = vector.extract_strided_slice %select_n3A_895 {offsets = [0, 0], sizes = [128, 120], strides = [1, 1]} : vector<128x128xf32> to vector<128x120xf32>
    %concatenate3A_913 = tpu.concatenate %slice3A_911, %slice3A_912 in 1 : vector<128x8xf32>, vector<128x120xf32> -> vector<128x128xf32>
    %slice3A_914 = vector.extract_strided_slice %select_n3A_895 {offsets = [0, 8], sizes = [128, 120], strides = [1, 1]} : vector<128x128xf32> to vector<128x120xf32>
    %slice3A_915 = vector.extract_strided_slice %select_n3A_895 {offsets = [0, 0], sizes = [128, 8], strides = [1, 1]} : vector<128x128xf32> to vector<128x8xf32>
    %concatenate3A_916 = tpu.concatenate %slice3A_914, %slice3A_915 in 1 : vector<128x120xf32>, vector<128x8xf32> -> vector<128x128xf32>
    %select_n3A_917 = arith.select %ne3A_903, %concatenate3A_913, %concatenate3A_916 : vector<128x128xi1>, vector<128x128xf32>
    %slice3A_918 = vector.extract_strided_slice %select_n3A_896 {offsets = [0, 120], sizes = [128, 8], strides = [1, 1]} : vector<128x128xf32> to vector<128x8xf32>
    %slice3A_919 = vector.extract_strided_slice %select_n3A_896 {offsets = [0, 0], sizes = [128, 120], strides = [1, 1]} : vector<128x128xf32> to vector<128x120xf32>
    %concatenate3A_920 = tpu.concatenate %slice3A_918, %slice3A_919 in 1 : vector<128x8xf32>, vector<128x120xf32> -> vector<128x128xf32>
    %slice3A_921 = vector.extract_strided_slice %select_n3A_896 {offsets = [0, 8], sizes = [128, 120], strides = [1, 1]} : vector<128x128xf32> to vector<128x120xf32>
    %slice3A_922 = vector.extract_strided_slice %select_n3A_896 {offsets = [0, 0], sizes = [128, 8], strides = [1, 1]} : vector<128x128xf32> to vector<128x8xf32>
    %concatenate3A_923 = tpu.concatenate %slice3A_921, %slice3A_922 in 1 : vector<128x120xf32>, vector<128x8xf32> -> vector<128x128xf32>
    %select_n3A_924 = arith.select %ne3A_903, %concatenate3A_920, %concatenate3A_923 : vector<128x128xi1>, vector<128x128xf32>
    %ne3A_925 = arith.xori %ne3A_903, %eq3A_910 : vector<128x128xi1>
    %lt3A_926 = arith.cmpf olt, %select_n3A_917, %select_n3A_895 : vector<128x128xf32>
    %eq3A_927 = arith.xori %lt3A_926, %ne3A_925 : vector<128x128xi1>
    %eq3A_928 = arith.constant dense<true> : vector<128x128xi1>
    %eq3A_929 = arith.xori %eq3A_927, %eq3A_928 : vector<128x128xi1>
    %ne3A_930 = arith.cmpf one, %select_n3A_917, %select_n3A_895 : vector<128x128xf32>
    %and3A_931 = arith.andi %eq3A_929, %ne3A_930 : vector<128x128xi1>
    %select_n3A_932 = arith.select %and3A_931, %select_n3A_917, %select_n3A_895 : vector<128x128xi1>, vector<128x128xf32>
    %select_n3A_933 = arith.select %and3A_931, %select_n3A_924, %select_n3A_896 : vector<128x128xi1>, vector<128x128xf32>
    %iota3A_934 = tpu.iota {dimensions = array<i32: 1>} : vector<128x128xi32>
    %and3A_935 = arith.constant 4 : i32
    %and3A_936 = vector.broadcast %and3A_935 : i32 to vector<128x128xi32>
    %and3A_937 = arith.andi %iota3A_934, %and3A_936 : vector<128x128xi32>
    %ne3A_938 = arith.constant 0 : i32
    %ne3A_939 = vector.broadcast %ne3A_938 : i32 to vector<128x128xi32>
    %ne3A_940 = arith.cmpi ne, %and3A_937, %ne3A_939 : vector<128x128xi32>
    %iota3A_941 = tpu.iota {dimensions = array<i32: 0>} : vector<128x128xi32>
    %and3A_942 = arith.constant 1 : i32
    %and3A_943 = vector.broadcast %and3A_942 : i32 to vector<128x128xi32>
    %and3A_944 = arith.andi %iota3A_941, %and3A_943 : vector<128x128xi32>
    %eq3A_945 = arith.constant 0 : i32
    %eq3A_946 = vector.broadcast %eq3A_945 : i32 to vector<128x128xi32>
    %eq3A_947 = arith.cmpi eq, %and3A_944, %eq3A_946 : vector<128x128xi32>
    %slice3A_948 = vector.extract_strided_slice %select_n3A_932 {offsets = [0, 124], sizes = [128, 4], strides = [1, 1]} : vector<128x128xf32> to vector<128x4xf32>
    %slice3A_949 = vector.extract_strided_slice %select_n3A_932 {offsets = [0, 0], sizes = [128, 124], strides = [1, 1]} : vector<128x128xf32> to vector<128x124xf32>
    %concatenate3A_950 = tpu.concatenate %slice3A_948, %slice3A_949 in 1 : vector<128x4xf32>, vector<128x124xf32> -> vector<128x128xf32>
    %slice3A_951 = vector.extract_strided_slice %select_n3A_932 {offsets = [0, 4], sizes = [128, 124], strides = [1, 1]} : vector<128x128xf32> to vector<128x124xf32>
    %slice3A_952 = vector.extract_strided_slice %select_n3A_932 {offsets = [0, 0], sizes = [128, 4], strides = [1, 1]} : vector<128x128xf32> to vector<128x4xf32>
    %concatenate3A_953 = tpu.concatenate %slice3A_951, %slice3A_952 in 1 : vector<128x124xf32>, vector<128x4xf32> -> vector<128x128xf32>
    %select_n3A_954 = arith.select %ne3A_940, %concatenate3A_950, %concatenate3A_953 : vector<128x128xi1>, vector<128x128xf32>
    %slice3A_955 = vector.extract_strided_slice %select_n3A_933 {offsets = [0, 124], sizes = [128, 4], strides = [1, 1]} : vector<128x128xf32> to vector<128x4xf32>
    %slice3A_956 = vector.extract_strided_slice %select_n3A_933 {offsets = [0, 0], sizes = [128, 124], strides = [1, 1]} : vector<128x128xf32> to vector<128x124xf32>
    %concatenate3A_957 = tpu.concatenate %slice3A_955, %slice3A_956 in 1 : vector<128x4xf32>, vector<128x124xf32> -> vector<128x128xf32>
    %slice3A_958 = vector.extract_strided_slice %select_n3A_933 {offsets = [0, 4], sizes = [128, 124], strides = [1, 1]} : vector<128x128xf32> to vector<128x124xf32>
    %slice3A_959 = vector.extract_strided_slice %select_n3A_933 {offsets = [0, 0], sizes = [128, 4], strides = [1, 1]} : vector<128x128xf32> to vector<128x4xf32>
    %concatenate3A_960 = tpu.concatenate %slice3A_958, %slice3A_959 in 1 : vector<128x124xf32>, vector<128x4xf32> -> vector<128x128xf32>
    %select_n3A_961 = arith.select %ne3A_940, %concatenate3A_957, %concatenate3A_960 : vector<128x128xi1>, vector<128x128xf32>
    %ne3A_962 = arith.xori %ne3A_940, %eq3A_947 : vector<128x128xi1>
    %lt3A_963 = arith.cmpf olt, %select_n3A_954, %select_n3A_932 : vector<128x128xf32>
    %eq3A_964 = arith.xori %lt3A_963, %ne3A_962 : vector<128x128xi1>
    %eq3A_965 = arith.constant dense<true> : vector<128x128xi1>
    %eq3A_966 = arith.xori %eq3A_964, %eq3A_965 : vector<128x128xi1>
    %ne3A_967 = arith.cmpf one, %select_n3A_954, %select_n3A_932 : vector<128x128xf32>
    %and3A_968 = arith.andi %eq3A_966, %ne3A_967 : vector<128x128xi1>
    %select_n3A_969 = arith.select %and3A_968, %select_n3A_954, %select_n3A_932 : vector<128x128xi1>, vector<128x128xf32>
    %select_n3A_970 = arith.select %and3A_968, %select_n3A_961, %select_n3A_933 : vector<128x128xi1>, vector<128x128xf32>
    %iota3A_971 = tpu.iota {dimensions = array<i32: 1>} : vector<128x128xi32>
    %and3A_972 = arith.constant 2 : i32
    %and3A_973 = vector.broadcast %and3A_972 : i32 to vector<128x128xi32>
    %and3A_974 = arith.andi %iota3A_971, %and3A_973 : vector<128x128xi32>
    %ne3A_975 = arith.constant 0 : i32
    %ne3A_976 = vector.broadcast %ne3A_975 : i32 to vector<128x128xi32>
    %ne3A_977 = arith.cmpi ne, %and3A_974, %ne3A_976 : vector<128x128xi32>
    %iota3A_978 = tpu.iota {dimensions = array<i32: 0>} : vector<128x128xi32>
    %and3A_979 = arith.constant 1 : i32
    %and3A_980 = vector.broadcast %and3A_979 : i32 to vector<128x128xi32>
    %and3A_981 = arith.andi %iota3A_978, %and3A_980 : vector<128x128xi32>
    %eq3A_982 = arith.constant 0 : i32
    %eq3A_983 = vector.broadcast %eq3A_982 : i32 to vector<128x128xi32>
    %eq3A_984 = arith.cmpi eq, %and3A_981, %eq3A_983 : vector<128x128xi32>
    %slice3A_985 = vector.extract_strided_slice %select_n3A_969 {offsets = [0, 126], sizes = [128, 2], strides = [1, 1]} : vector<128x128xf32> to vector<128x2xf32>
    %slice3A_986 = vector.extract_strided_slice %select_n3A_969 {offsets = [0, 0], sizes = [128, 126], strides = [1, 1]} : vector<128x128xf32> to vector<128x126xf32>
    %concatenate3A_987 = tpu.concatenate %slice3A_985, %slice3A_986 in 1 : vector<128x2xf32>, vector<128x126xf32> -> vector<128x128xf32>
    %slice3A_988 = vector.extract_strided_slice %select_n3A_969 {offsets = [0, 2], sizes = [128, 126], strides = [1, 1]} : vector<128x128xf32> to vector<128x126xf32>
    %slice3A_989 = vector.extract_strided_slice %select_n3A_969 {offsets = [0, 0], sizes = [128, 2], strides = [1, 1]} : vector<128x128xf32> to vector<128x2xf32>
    %concatenate3A_990 = tpu.concatenate %slice3A_988, %slice3A_989 in 1 : vector<128x126xf32>, vector<128x2xf32> -> vector<128x128xf32>
    %select_n3A_991 = arith.select %ne3A_977, %concatenate3A_987, %concatenate3A_990 : vector<128x128xi1>, vector<128x128xf32>
    %slice3A_992 = vector.extract_strided_slice %select_n3A_970 {offsets = [0, 126], sizes = [128, 2], strides = [1, 1]} : vector<128x128xf32> to vector<128x2xf32>
    %slice3A_993 = vector.extract_strided_slice %select_n3A_970 {offsets = [0, 0], sizes = [128, 126], strides = [1, 1]} : vector<128x128xf32> to vector<128x126xf32>
    %concatenate3A_994 = tpu.concatenate %slice3A_992, %slice3A_993 in 1 : vector<128x2xf32>, vector<128x126xf32> -> vector<128x128xf32>
    %slice3A_995 = vector.extract_strided_slice %select_n3A_970 {offsets = [0, 2], sizes = [128, 126], strides = [1, 1]} : vector<128x128xf32> to vector<128x126xf32>
    %slice3A_996 = vector.extract_strided_slice %select_n3A_970 {offsets = [0, 0], sizes = [128, 2], strides = [1, 1]} : vector<128x128xf32> to vector<128x2xf32>
    %concatenate3A_997 = tpu.concatenate %slice3A_995, %slice3A_996 in 1 : vector<128x126xf32>, vector<128x2xf32> -> vector<128x128xf32>
    %select_n3A_998 = arith.select %ne3A_977, %concatenate3A_994, %concatenate3A_997 : vector<128x128xi1>, vector<128x128xf32>
    %ne3A_999 = arith.xori %ne3A_977, %eq3A_984 : vector<128x128xi1>
    %lt3A_1000 = arith.cmpf olt, %select_n3A_991, %select_n3A_969 : vector<128x128xf32>
    %eq3A_1001 = arith.xori %lt3A_1000, %ne3A_999 : vector<128x128xi1>
    %eq3A_1002 = arith.constant dense<true> : vector<128x128xi1>
    %eq3A_1003 = arith.xori %eq3A_1001, %eq3A_1002 : vector<128x128xi1>
    %ne3A_1004 = arith.cmpf one, %select_n3A_991, %select_n3A_969 : vector<128x128xf32>
    %and3A_1005 = arith.andi %eq3A_1003, %ne3A_1004 : vector<128x128xi1>
    %select_n3A_1006 = arith.select %and3A_1005, %select_n3A_991, %select_n3A_969 : vector<128x128xi1>, vector<128x128xf32>
    %select_n3A_1007 = arith.select %and3A_1005, %select_n3A_998, %select_n3A_970 : vector<128x128xi1>, vector<128x128xf32>
    %iota3A_1008 = tpu.iota {dimensions = array<i32: 1>} : vector<128x128xi32>
    %and3A_1009 = arith.constant 1 : i32
    %and3A_1010 = vector.broadcast %and3A_1009 : i32 to vector<128x128xi32>
    %and3A_1011 = arith.andi %iota3A_1008, %and3A_1010 : vector<128x128xi32>
    %ne3A_1012 = arith.constant 0 : i32
    %ne3A_1013 = vector.broadcast %ne3A_1012 : i32 to vector<128x128xi32>
    %ne3A_1014 = arith.cmpi ne, %and3A_1011, %ne3A_1013 : vector<128x128xi32>
    %iota3A_1015 = tpu.iota {dimensions = array<i32: 0>} : vector<128x128xi32>
    %and3A_1016 = arith.constant 1 : i32
    %and3A_1017 = vector.broadcast %and3A_1016 : i32 to vector<128x128xi32>
    %and3A_1018 = arith.andi %iota3A_1015, %and3A_1017 : vector<128x128xi32>
    %eq3A_1019 = arith.constant 0 : i32
    %eq3A_1020 = vector.broadcast %eq3A_1019 : i32 to vector<128x128xi32>
    %eq3A_1021 = arith.cmpi eq, %and3A_1018, %eq3A_1020 : vector<128x128xi32>
    %slice3A_1022 = vector.extract_strided_slice %select_n3A_1006 {offsets = [0, 127], sizes = [128, 1], strides = [1, 1]} : vector<128x128xf32> to vector<128x1xf32>
    %slice3A_1023 = vector.extract_strided_slice %select_n3A_1006 {offsets = [0, 0], sizes = [128, 127], strides = [1, 1]} : vector<128x128xf32> to vector<128x127xf32>
    %concatenate3A_1024 = tpu.concatenate %slice3A_1022, %slice3A_1023 in 1 : vector<128x1xf32>, vector<128x127xf32> -> vector<128x128xf32>
    %slice3A_1025 = vector.extract_strided_slice %select_n3A_1006 {offsets = [0, 1], sizes = [128, 127], strides = [1, 1]} : vector<128x128xf32> to vector<128x127xf32>
    %slice3A_1026 = vector.extract_strided_slice %select_n3A_1006 {offsets = [0, 0], sizes = [128, 1], strides = [1, 1]} : vector<128x128xf32> to vector<128x1xf32>
    %concatenate3A_1027 = tpu.concatenate %slice3A_1025, %slice3A_1026 in 1 : vector<128x127xf32>, vector<128x1xf32> -> vector<128x128xf32>
    %select_n3A_1028 = arith.select %ne3A_1014, %concatenate3A_1024, %concatenate3A_1027 : vector<128x128xi1>, vector<128x128xf32>
    %slice3A_1029 = vector.extract_strided_slice %select_n3A_1007 {offsets = [0, 127], sizes = [128, 1], strides = [1, 1]} : vector<128x128xf32> to vector<128x1xf32>
    %slice3A_1030 = vector.extract_strided_slice %select_n3A_1007 {offsets = [0, 0], sizes = [128, 127], strides = [1, 1]} : vector<128x128xf32> to vector<128x127xf32>
    %concatenate3A_1031 = tpu.concatenate %slice3A_1029, %slice3A_1030 in 1 : vector<128x1xf32>, vector<128x127xf32> -> vector<128x128xf32>
    %slice3A_1032 = vector.extract_strided_slice %select_n3A_1007 {offsets = [0, 1], sizes = [128, 127], strides = [1, 1]} : vector<128x128xf32> to vector<128x127xf32>
    %slice3A_1033 = vector.extract_strided_slice %select_n3A_1007 {offsets = [0, 0], sizes = [128, 1], strides = [1, 1]} : vector<128x128xf32> to vector<128x1xf32>
    %concatenate3A_1034 = tpu.concatenate %slice3A_1032, %slice3A_1033 in 1 : vector<128x127xf32>, vector<128x1xf32> -> vector<128x128xf32>
    %select_n3A_1035 = arith.select %ne3A_1014, %concatenate3A_1031, %concatenate3A_1034 : vector<128x128xi1>, vector<128x128xf32>
    %ne3A_1036 = arith.xori %ne3A_1014, %eq3A_1021 : vector<128x128xi1>
    %lt3A_1037 = arith.cmpf olt, %select_n3A_1028, %select_n3A_1006 : vector<128x128xf32>
    %eq3A_1038 = arith.xori %lt3A_1037, %ne3A_1036 : vector<128x128xi1>
    %eq3A_1039 = arith.constant dense<true> : vector<128x128xi1>
    %eq3A_1040 = arith.xori %eq3A_1038, %eq3A_1039 : vector<128x128xi1>
    %ne3A_1041 = arith.cmpf one, %select_n3A_1028, %select_n3A_1006 : vector<128x128xf32>
    %and3A_1042 = arith.andi %eq3A_1040, %ne3A_1041 : vector<128x128xi1>
    %select_n3A_1043 = arith.select %and3A_1042, %select_n3A_1028, %select_n3A_1006 : vector<128x128xi1>, vector<128x128xf32>
    %select_n3A_1044 = arith.select %and3A_1042, %select_n3A_1035, %select_n3A_1007 : vector<128x128xi1>, vector<128x128xf32>
    %iota3A_1045 = tpu.iota {dimensions = array<i32: 0>} : vector<128x128xi32>
    %and3A_1046 = arith.constant 1 : i32
    %and3A_1047 = vector.broadcast %and3A_1046 : i32 to vector<128x128xi32>
    %and3A_1048 = arith.andi %iota3A_1045, %and3A_1047 : vector<128x128xi32>
    %ne3A_1049 = arith.constant 0 : i32
    %ne3A_1050 = vector.broadcast %ne3A_1049 : i32 to vector<128x128xi32>
    %ne3A_1051 = arith.cmpi ne, %and3A_1048, %ne3A_1050 : vector<128x128xi32>
    %iota3A_1052 = tpu.iota {dimensions = array<i32: 0>} : vector<128x128xi32>
    %and3A_1053 = arith.constant 2 : i32
    %and3A_1054 = vector.broadcast %and3A_1053 : i32 to vector<128x128xi32>
    %and3A_1055 = arith.andi %iota3A_1052, %and3A_1054 : vector<128x128xi32>
    %eq3A_1056 = arith.constant 0 : i32
    %eq3A_1057 = vector.broadcast %eq3A_1056 : i32 to vector<128x128xi32>
    %eq3A_1058 = arith.cmpi eq, %and3A_1055, %eq3A_1057 : vector<128x128xi32>
    %slice3A_1059 = vector.extract_strided_slice %select_n3A_1043 {offsets = [127, 0], sizes = [1, 128], strides = [1, 1]} : vector<128x128xf32> to vector<1x128xf32>
    %slice3A_1060 = vector.extract_strided_slice %select_n3A_1043 {offsets = [0, 0], sizes = [127, 128], strides = [1, 1]} : vector<128x128xf32> to vector<127x128xf32>
    %concatenate3A_1061 = tpu.concatenate %slice3A_1059, %slice3A_1060 in 0 : vector<1x128xf32>, vector<127x128xf32> -> vector<128x128xf32>
    %slice3A_1062 = vector.extract_strided_slice %select_n3A_1043 {offsets = [1, 0], sizes = [127, 128], strides = [1, 1]} : vector<128x128xf32> to vector<127x128xf32>
    %slice3A_1063 = vector.extract_strided_slice %select_n3A_1043 {offsets = [0, 0], sizes = [1, 128], strides = [1, 1]} : vector<128x128xf32> to vector<1x128xf32>
    %concatenate3A_1064 = tpu.concatenate %slice3A_1062, %slice3A_1063 in 0 : vector<127x128xf32>, vector<1x128xf32> -> vector<128x128xf32>
    %select_n3A_1065 = arith.select %ne3A_1051, %concatenate3A_1061, %concatenate3A_1064 : vector<128x128xi1>, vector<128x128xf32>
    %slice3A_1066 = vector.extract_strided_slice %select_n3A_1044 {offsets = [127, 0], sizes = [1, 128], strides = [1, 1]} : vector<128x128xf32> to vector<1x128xf32>
    %slice3A_1067 = vector.extract_strided_slice %select_n3A_1044 {offsets = [0, 0], sizes = [127, 128], strides = [1, 1]} : vector<128x128xf32> to vector<127x128xf32>
    %concatenate3A_1068 = tpu.concatenate %slice3A_1066, %slice3A_1067 in 0 : vector<1x128xf32>, vector<127x128xf32> -> vector<128x128xf32>
    %slice3A_1069 = vector.extract_strided_slice %select_n3A_1044 {offsets = [1, 0], sizes = [127, 128], strides = [1, 1]} : vector<128x128xf32> to vector<127x128xf32>
    %slice3A_1070 = vector.extract_strided_slice %select_n3A_1044 {offsets = [0, 0], sizes = [1, 128], strides = [1, 1]} : vector<128x128xf32> to vector<1x128xf32>
    %concatenate3A_1071 = tpu.concatenate %slice3A_1069, %slice3A_1070 in 0 : vector<127x128xf32>, vector<1x128xf32> -> vector<128x128xf32>
    %select_n3A_1072 = arith.select %ne3A_1051, %concatenate3A_1068, %concatenate3A_1071 : vector<128x128xi1>, vector<128x128xf32>
    %ne3A_1073 = arith.xori %ne3A_1051, %eq3A_1058 : vector<128x128xi1>
    %lt3A_1074 = arith.cmpf olt, %select_n3A_1065, %select_n3A_1043 : vector<128x128xf32>
    %eq3A_1075 = arith.xori %lt3A_1074, %ne3A_1073 : vector<128x128xi1>
    %eq3A_1076 = arith.constant dense<true> : vector<128x128xi1>
    %eq3A_1077 = arith.xori %eq3A_1075, %eq3A_1076 : vector<128x128xi1>
    %ne3A_1078 = arith.cmpf one, %select_n3A_1065, %select_n3A_1043 : vector<128x128xf32>
    %and3A_1079 = arith.andi %eq3A_1077, %ne3A_1078 : vector<128x128xi1>
    %select_n3A_1080 = arith.select %and3A_1079, %select_n3A_1065, %select_n3A_1043 : vector<128x128xi1>, vector<128x128xf32>
    %select_n3A_1081 = arith.select %and3A_1079, %select_n3A_1072, %select_n3A_1044 : vector<128x128xi1>, vector<128x128xf32>
    %iota3A_1082 = tpu.iota {dimensions = array<i32: 1>} : vector<128x128xi32>
    %and3A_1083 = arith.constant 64 : i32
    %and3A_1084 = vector.broadcast %and3A_1083 : i32 to vector<128x128xi32>
    %and3A_1085 = arith.andi %iota3A_1082, %and3A_1084 : vector<128x128xi32>
    %ne3A_1086 = arith.constant 0 : i32
    %ne3A_1087 = vector.broadcast %ne3A_1086 : i32 to vector<128x128xi32>
    %ne3A_1088 = arith.cmpi ne, %and3A_1085, %ne3A_1087 : vector<128x128xi32>
    %iota3A_1089 = tpu.iota {dimensions = array<i32: 0>} : vector<128x128xi32>
    %and3A_1090 = arith.constant 2 : i32
    %and3A_1091 = vector.broadcast %and3A_1090 : i32 to vector<128x128xi32>
    %and3A_1092 = arith.andi %iota3A_1089, %and3A_1091 : vector<128x128xi32>
    %eq3A_1093 = arith.constant 0 : i32
    %eq3A_1094 = vector.broadcast %eq3A_1093 : i32 to vector<128x128xi32>
    %eq3A_1095 = arith.cmpi eq, %and3A_1092, %eq3A_1094 : vector<128x128xi32>
    %slice3A_1096 = vector.extract_strided_slice %select_n3A_1080 {offsets = [0, 64], sizes = [128, 64], strides = [1, 1]} : vector<128x128xf32> to vector<128x64xf32>
    %slice3A_1097 = vector.extract_strided_slice %select_n3A_1080 {offsets = [0, 0], sizes = [128, 64], strides = [1, 1]} : vector<128x128xf32> to vector<128x64xf32>
    %concatenate3A_1098 = tpu.concatenate %slice3A_1096, %slice3A_1097 in 1 : vector<128x64xf32>, vector<128x64xf32> -> vector<128x128xf32>
    %slice3A_1099 = vector.extract_strided_slice %select_n3A_1080 {offsets = [0, 64], sizes = [128, 64], strides = [1, 1]} : vector<128x128xf32> to vector<128x64xf32>
    %slice3A_1100 = vector.extract_strided_slice %select_n3A_1080 {offsets = [0, 0], sizes = [128, 64], strides = [1, 1]} : vector<128x128xf32> to vector<128x64xf32>
    %concatenate3A_1101 = tpu.concatenate %slice3A_1099, %slice3A_1100 in 1 : vector<128x64xf32>, vector<128x64xf32> -> vector<128x128xf32>
    %select_n3A_1102 = arith.select %ne3A_1088, %concatenate3A_1098, %concatenate3A_1101 : vector<128x128xi1>, vector<128x128xf32>
    %slice3A_1103 = vector.extract_strided_slice %select_n3A_1081 {offsets = [0, 64], sizes = [128, 64], strides = [1, 1]} : vector<128x128xf32> to vector<128x64xf32>
    %slice3A_1104 = vector.extract_strided_slice %select_n3A_1081 {offsets = [0, 0], sizes = [128, 64], strides = [1, 1]} : vector<128x128xf32> to vector<128x64xf32>
    %concatenate3A_1105 = tpu.concatenate %slice3A_1103, %slice3A_1104 in 1 : vector<128x64xf32>, vector<128x64xf32> -> vector<128x128xf32>
    %slice3A_1106 = vector.extract_strided_slice %select_n3A_1081 {offsets = [0, 64], sizes = [128, 64], strides = [1, 1]} : vector<128x128xf32> to vector<128x64xf32>
    %slice3A_1107 = vector.extract_strided_slice %select_n3A_1081 {offsets = [0, 0], sizes = [128, 64], strides = [1, 1]} : vector<128x128xf32> to vector<128x64xf32>
    %concatenate3A_1108 = tpu.concatenate %slice3A_1106, %slice3A_1107 in 1 : vector<128x64xf32>, vector<128x64xf32> -> vector<128x128xf32>
    %select_n3A_1109 = arith.select %ne3A_1088, %concatenate3A_1105, %concatenate3A_1108 : vector<128x128xi1>, vector<128x128xf32>
    %ne3A_1110 = arith.xori %ne3A_1088, %eq3A_1095 : vector<128x128xi1>
    %lt3A_1111 = arith.cmpf olt, %select_n3A_1102, %select_n3A_1080 : vector<128x128xf32>
    %eq3A_1112 = arith.xori %lt3A_1111, %ne3A_1110 : vector<128x128xi1>
    %eq3A_1113 = arith.constant dense<true> : vector<128x128xi1>
    %eq3A_1114 = arith.xori %eq3A_1112, %eq3A_1113 : vector<128x128xi1>
    %ne3A_1115 = arith.cmpf one, %select_n3A_1102, %select_n3A_1080 : vector<128x128xf32>
    %and3A_1116 = arith.andi %eq3A_1114, %ne3A_1115 : vector<128x128xi1>
    %select_n3A_1117 = arith.select %and3A_1116, %select_n3A_1102, %select_n3A_1080 : vector<128x128xi1>, vector<128x128xf32>
    %select_n3A_1118 = arith.select %and3A_1116, %select_n3A_1109, %select_n3A_1081 : vector<128x128xi1>, vector<128x128xf32>
    %iota3A_1119 = tpu.iota {dimensions = array<i32: 1>} : vector<128x128xi32>
    %and3A_1120 = arith.constant 32 : i32
    %and3A_1121 = vector.broadcast %and3A_1120 : i32 to vector<128x128xi32>
    %and3A_1122 = arith.andi %iota3A_1119, %and3A_1121 : vector<128x128xi32>
    %ne3A_1123 = arith.constant 0 : i32
    %ne3A_1124 = vector.broadcast %ne3A_1123 : i32 to vector<128x128xi32>
    %ne3A_1125 = arith.cmpi ne, %and3A_1122, %ne3A_1124 : vector<128x128xi32>
    %iota3A_1126 = tpu.iota {dimensions = array<i32: 0>} : vector<128x128xi32>
    %and3A_1127 = arith.constant 2 : i32
    %and3A_1128 = vector.broadcast %and3A_1127 : i32 to vector<128x128xi32>
    %and3A_1129 = arith.andi %iota3A_1126, %and3A_1128 : vector<128x128xi32>
    %eq3A_1130 = arith.constant 0 : i32
    %eq3A_1131 = vector.broadcast %eq3A_1130 : i32 to vector<128x128xi32>
    %eq3A_1132 = arith.cmpi eq, %and3A_1129, %eq3A_1131 : vector<128x128xi32>
    %slice3A_1133 = vector.extract_strided_slice %select_n3A_1117 {offsets = [0, 96], sizes = [128, 32], strides = [1, 1]} : vector<128x128xf32> to vector<128x32xf32>
    %slice3A_1134 = vector.extract_strided_slice %select_n3A_1117 {offsets = [0, 0], sizes = [128, 96], strides = [1, 1]} : vector<128x128xf32> to vector<128x96xf32>
    %concatenate3A_1135 = tpu.concatenate %slice3A_1133, %slice3A_1134 in 1 : vector<128x32xf32>, vector<128x96xf32> -> vector<128x128xf32>
    %slice3A_1136 = vector.extract_strided_slice %select_n3A_1117 {offsets = [0, 32], sizes = [128, 96], strides = [1, 1]} : vector<128x128xf32> to vector<128x96xf32>
    %slice3A_1137 = vector.extract_strided_slice %select_n3A_1117 {offsets = [0, 0], sizes = [128, 32], strides = [1, 1]} : vector<128x128xf32> to vector<128x32xf32>
    %concatenate3A_1138 = tpu.concatenate %slice3A_1136, %slice3A_1137 in 1 : vector<128x96xf32>, vector<128x32xf32> -> vector<128x128xf32>
    %select_n3A_1139 = arith.select %ne3A_1125, %concatenate3A_1135, %concatenate3A_1138 : vector<128x128xi1>, vector<128x128xf32>
    %slice3A_1140 = vector.extract_strided_slice %select_n3A_1118 {offsets = [0, 96], sizes = [128, 32], strides = [1, 1]} : vector<128x128xf32> to vector<128x32xf32>
    %slice3A_1141 = vector.extract_strided_slice %select_n3A_1118 {offsets = [0, 0], sizes = [128, 96], strides = [1, 1]} : vector<128x128xf32> to vector<128x96xf32>
    %concatenate3A_1142 = tpu.concatenate %slice3A_1140, %slice3A_1141 in 1 : vector<128x32xf32>, vector<128x96xf32> -> vector<128x128xf32>
    %slice3A_1143 = vector.extract_strided_slice %select_n3A_1118 {offsets = [0, 32], sizes = [128, 96], strides = [1, 1]} : vector<128x128xf32> to vector<128x96xf32>
    %slice3A_1144 = vector.extract_strided_slice %select_n3A_1118 {offsets = [0, 0], sizes = [128, 32], strides = [1, 1]} : vector<128x128xf32> to vector<128x32xf32>
    %concatenate3A_1145 = tpu.concatenate %slice3A_1143, %slice3A_1144 in 1 : vector<128x96xf32>, vector<128x32xf32> -> vector<128x128xf32>
    %select_n3A_1146 = arith.select %ne3A_1125, %concatenate3A_1142, %concatenate3A_1145 : vector<128x128xi1>, vector<128x128xf32>
    %ne3A_1147 = arith.xori %ne3A_1125, %eq3A_1132 : vector<128x128xi1>
    %lt3A_1148 = arith.cmpf olt, %select_n3A_1139, %select_n3A_1117 : vector<128x128xf32>
    %eq3A_1149 = arith.xori %lt3A_1148, %ne3A_1147 : vector<128x128xi1>
    %eq3A_1150 = arith.constant dense<true> : vector<128x128xi1>
    %eq3A_1151 = arith.xori %eq3A_1149, %eq3A_1150 : vector<128x128xi1>
    %ne3A_1152 = arith.cmpf one, %select_n3A_1139, %select_n3A_1117 : vector<128x128xf32>
    %and3A_1153 = arith.andi %eq3A_1151, %ne3A_1152 : vector<128x128xi1>
    %select_n3A_1154 = arith.select %and3A_1153, %select_n3A_1139, %select_n3A_1117 : vector<128x128xi1>, vector<128x128xf32>
    %select_n3A_1155 = arith.select %and3A_1153, %select_n3A_1146, %select_n3A_1118 : vector<128x128xi1>, vector<128x128xf32>
    %iota3A_1156 = tpu.iota {dimensions = array<i32: 1>} : vector<128x128xi32>
    %and3A_1157 = arith.constant 16 : i32
    %and3A_1158 = vector.broadcast %and3A_1157 : i32 to vector<128x128xi32>
    %and3A_1159 = arith.andi %iota3A_1156, %and3A_1158 : vector<128x128xi32>
    %ne3A_1160 = arith.constant 0 : i32
    %ne3A_1161 = vector.broadcast %ne3A_1160 : i32 to vector<128x128xi32>
    %ne3A_1162 = arith.cmpi ne, %and3A_1159, %ne3A_1161 : vector<128x128xi32>
    %iota3A_1163 = tpu.iota {dimensions = array<i32: 0>} : vector<128x128xi32>
    %and3A_1164 = arith.constant 2 : i32
    %and3A_1165 = vector.broadcast %and3A_1164 : i32 to vector<128x128xi32>
    %and3A_1166 = arith.andi %iota3A_1163, %and3A_1165 : vector<128x128xi32>
    %eq3A_1167 = arith.constant 0 : i32
    %eq3A_1168 = vector.broadcast %eq3A_1167 : i32 to vector<128x128xi32>
    %eq3A_1169 = arith.cmpi eq, %and3A_1166, %eq3A_1168 : vector<128x128xi32>
    %slice3A_1170 = vector.extract_strided_slice %select_n3A_1154 {offsets = [0, 112], sizes = [128, 16], strides = [1, 1]} : vector<128x128xf32> to vector<128x16xf32>
    %slice3A_1171 = vector.extract_strided_slice %select_n3A_1154 {offsets = [0, 0], sizes = [128, 112], strides = [1, 1]} : vector<128x128xf32> to vector<128x112xf32>
    %concatenate3A_1172 = tpu.concatenate %slice3A_1170, %slice3A_1171 in 1 : vector<128x16xf32>, vector<128x112xf32> -> vector<128x128xf32>
    %slice3A_1173 = vector.extract_strided_slice %select_n3A_1154 {offsets = [0, 16], sizes = [128, 112], strides = [1, 1]} : vector<128x128xf32> to vector<128x112xf32>
    %slice3A_1174 = vector.extract_strided_slice %select_n3A_1154 {offsets = [0, 0], sizes = [128, 16], strides = [1, 1]} : vector<128x128xf32> to vector<128x16xf32>
    %concatenate3A_1175 = tpu.concatenate %slice3A_1173, %slice3A_1174 in 1 : vector<128x112xf32>, vector<128x16xf32> -> vector<128x128xf32>
    %select_n3A_1176 = arith.select %ne3A_1162, %concatenate3A_1172, %concatenate3A_1175 : vector<128x128xi1>, vector<128x128xf32>
    %slice3A_1177 = vector.extract_strided_slice %select_n3A_1155 {offsets = [0, 112], sizes = [128, 16], strides = [1, 1]} : vector<128x128xf32> to vector<128x16xf32>
    %slice3A_1178 = vector.extract_strided_slice %select_n3A_1155 {offsets = [0, 0], sizes = [128, 112], strides = [1, 1]} : vector<128x128xf32> to vector<128x112xf32>
    %concatenate3A_1179 = tpu.concatenate %slice3A_1177, %slice3A_1178 in 1 : vector<128x16xf32>, vector<128x112xf32> -> vector<128x128xf32>
    %slice3A_1180 = vector.extract_strided_slice %select_n3A_1155 {offsets = [0, 16], sizes = [128, 112], strides = [1, 1]} : vector<128x128xf32> to vector<128x112xf32>
    %slice3A_1181 = vector.extract_strided_slice %select_n3A_1155 {offsets = [0, 0], sizes = [128, 16], strides = [1, 1]} : vector<128x128xf32> to vector<128x16xf32>
    %concatenate3A_1182 = tpu.concatenate %slice3A_1180, %slice3A_1181 in 1 : vector<128x112xf32>, vector<128x16xf32> -> vector<128x128xf32>
    %select_n3A_1183 = arith.select %ne3A_1162, %concatenate3A_1179, %concatenate3A_1182 : vector<128x128xi1>, vector<128x128xf32>
    %ne3A_1184 = arith.xori %ne3A_1162, %eq3A_1169 : vector<128x128xi1>
    %lt3A_1185 = arith.cmpf olt, %select_n3A_1176, %select_n3A_1154 : vector<128x128xf32>
    %eq3A_1186 = arith.xori %lt3A_1185, %ne3A_1184 : vector<128x128xi1>
    %eq3A_1187 = arith.constant dense<true> : vector<128x128xi1>
    %eq3A_1188 = arith.xori %eq3A_1186, %eq3A_1187 : vector<128x128xi1>
    %ne3A_1189 = arith.cmpf one, %select_n3A_1176, %select_n3A_1154 : vector<128x128xf32>
    %and3A_1190 = arith.andi %eq3A_1188, %ne3A_1189 : vector<128x128xi1>
    %select_n3A_1191 = arith.select %and3A_1190, %select_n3A_1176, %select_n3A_1154 : vector<128x128xi1>, vector<128x128xf32>
    %select_n3A_1192 = arith.select %and3A_1190, %select_n3A_1183, %select_n3A_1155 : vector<128x128xi1>, vector<128x128xf32>
    %iota3A_1193 = tpu.iota {dimensions = array<i32: 1>} : vector<128x128xi32>
    %and3A_1194 = arith.constant 8 : i32
    %and3A_1195 = vector.broadcast %and3A_1194 : i32 to vector<128x128xi32>
    %and3A_1196 = arith.andi %iota3A_1193, %and3A_1195 : vector<128x128xi32>
    %ne3A_1197 = arith.constant 0 : i32
    %ne3A_1198 = vector.broadcast %ne3A_1197 : i32 to vector<128x128xi32>
    %ne3A_1199 = arith.cmpi ne, %and3A_1196, %ne3A_1198 : vector<128x128xi32>
    %iota3A_1200 = tpu.iota {dimensions = array<i32: 0>} : vector<128x128xi32>
    %and3A_1201 = arith.constant 2 : i32
    %and3A_1202 = vector.broadcast %and3A_1201 : i32 to vector<128x128xi32>
    %and3A_1203 = arith.andi %iota3A_1200, %and3A_1202 : vector<128x128xi32>
    %eq3A_1204 = arith.constant 0 : i32
    %eq3A_1205 = vector.broadcast %eq3A_1204 : i32 to vector<128x128xi32>
    %eq3A_1206 = arith.cmpi eq, %and3A_1203, %eq3A_1205 : vector<128x128xi32>
    %slice3A_1207 = vector.extract_strided_slice %select_n3A_1191 {offsets = [0, 120], sizes = [128, 8], strides = [1, 1]} : vector<128x128xf32> to vector<128x8xf32>
    %slice3A_1208 = vector.extract_strided_slice %select_n3A_1191 {offsets = [0, 0], sizes = [128, 120], strides = [1, 1]} : vector<128x128xf32> to vector<128x120xf32>
    %concatenate3A_1209 = tpu.concatenate %slice3A_1207, %slice3A_1208 in 1 : vector<128x8xf32>, vector<128x120xf32> -> vector<128x128xf32>
    %slice3A_1210 = vector.extract_strided_slice %select_n3A_1191 {offsets = [0, 8], sizes = [128, 120], strides = [1, 1]} : vector<128x128xf32> to vector<128x120xf32>
    %slice3A_1211 = vector.extract_strided_slice %select_n3A_1191 {offsets = [0, 0], sizes = [128, 8], strides = [1, 1]} : vector<128x128xf32> to vector<128x8xf32>
    %concatenate3A_1212 = tpu.concatenate %slice3A_1210, %slice3A_1211 in 1 : vector<128x120xf32>, vector<128x8xf32> -> vector<128x128xf32>
    %select_n3A_1213 = arith.select %ne3A_1199, %concatenate3A_1209, %concatenate3A_1212 : vector<128x128xi1>, vector<128x128xf32>
    %slice3A_1214 = vector.extract_strided_slice %select_n3A_1192 {offsets = [0, 120], sizes = [128, 8], strides = [1, 1]} : vector<128x128xf32> to vector<128x8xf32>
    %slice3A_1215 = vector.extract_strided_slice %select_n3A_1192 {offsets = [0, 0], sizes = [128, 120], strides = [1, 1]} : vector<128x128xf32> to vector<128x120xf32>
    %concatenate3A_1216 = tpu.concatenate %slice3A_1214, %slice3A_1215 in 1 : vector<128x8xf32>, vector<128x120xf32> -> vector<128x128xf32>
    %slice3A_1217 = vector.extract_strided_slice %select_n3A_1192 {offsets = [0, 8], sizes = [128, 120], strides = [1, 1]} : vector<128x128xf32> to vector<128x120xf32>
    %slice3A_1218 = vector.extract_strided_slice %select_n3A_1192 {offsets = [0, 0], sizes = [128, 8], strides = [1, 1]} : vector<128x128xf32> to vector<128x8xf32>
    %concatenate3A_1219 = tpu.concatenate %slice3A_1217, %slice3A_1218 in 1 : vector<128x120xf32>, vector<128x8xf32> -> vector<128x128xf32>
    %select_n3A_1220 = arith.select %ne3A_1199, %concatenate3A_1216, %concatenate3A_1219 : vector<128x128xi1>, vector<128x128xf32>
    %ne3A_1221 = arith.xori %ne3A_1199, %eq3A_1206 : vector<128x128xi1>
    %lt3A_1222 = arith.cmpf olt, %select_n3A_1213, %select_n3A_1191 : vector<128x128xf32>
    %eq3A_1223 = arith.xori %lt3A_1222, %ne3A_1221 : vector<128x128xi1>
    %eq3A_1224 = arith.constant dense<true> : vector<128x128xi1>
    %eq3A_1225 = arith.xori %eq3A_1223, %eq3A_1224 : vector<128x128xi1>
    %ne3A_1226 = arith.cmpf one, %select_n3A_1213, %select_n3A_1191 : vector<128x128xf32>
    %and3A_1227 = arith.andi %eq3A_1225, %ne3A_1226 : vector<128x128xi1>
    %select_n3A_1228 = arith.select %and3A_1227, %select_n3A_1213, %select_n3A_1191 : vector<128x128xi1>, vector<128x128xf32>
    %select_n3A_1229 = arith.select %and3A_1227, %select_n3A_1220, %select_n3A_1192 : vector<128x128xi1>, vector<128x128xf32>
    %iota3A_1230 = tpu.iota {dimensions = array<i32: 1>} : vector<128x128xi32>
    %and3A_1231 = arith.constant 4 : i32
    %and3A_1232 = vector.broadcast %and3A_1231 : i32 to vector<128x128xi32>
    %and3A_1233 = arith.andi %iota3A_1230, %and3A_1232 : vector<128x128xi32>
    %ne3A_1234 = arith.constant 0 : i32
    %ne3A_1235 = vector.broadcast %ne3A_1234 : i32 to vector<128x128xi32>
    %ne3A_1236 = arith.cmpi ne, %and3A_1233, %ne3A_1235 : vector<128x128xi32>
    %iota3A_1237 = tpu.iota {dimensions = array<i32: 0>} : vector<128x128xi32>
    %and3A_1238 = arith.constant 2 : i32
    %and3A_1239 = vector.broadcast %and3A_1238 : i32 to vector<128x128xi32>
    %and3A_1240 = arith.andi %iota3A_1237, %and3A_1239 : vector<128x128xi32>
    %eq3A_1241 = arith.constant 0 : i32
    %eq3A_1242 = vector.broadcast %eq3A_1241 : i32 to vector<128x128xi32>
    %eq3A_1243 = arith.cmpi eq, %and3A_1240, %eq3A_1242 : vector<128x128xi32>
    %slice3A_1244 = vector.extract_strided_slice %select_n3A_1228 {offsets = [0, 124], sizes = [128, 4], strides = [1, 1]} : vector<128x128xf32> to vector<128x4xf32>
    %slice3A_1245 = vector.extract_strided_slice %select_n3A_1228 {offsets = [0, 0], sizes = [128, 124], strides = [1, 1]} : vector<128x128xf32> to vector<128x124xf32>
    %concatenate3A_1246 = tpu.concatenate %slice3A_1244, %slice3A_1245 in 1 : vector<128x4xf32>, vector<128x124xf32> -> vector<128x128xf32>
    %slice3A_1247 = vector.extract_strided_slice %select_n3A_1228 {offsets = [0, 4], sizes = [128, 124], strides = [1, 1]} : vector<128x128xf32> to vector<128x124xf32>
    %slice3A_1248 = vector.extract_strided_slice %select_n3A_1228 {offsets = [0, 0], sizes = [128, 4], strides = [1, 1]} : vector<128x128xf32> to vector<128x4xf32>
    %concatenate3A_1249 = tpu.concatenate %slice3A_1247, %slice3A_1248 in 1 : vector<128x124xf32>, vector<128x4xf32> -> vector<128x128xf32>
    %select_n3A_1250 = arith.select %ne3A_1236, %concatenate3A_1246, %concatenate3A_1249 : vector<128x128xi1>, vector<128x128xf32>
    %slice3A_1251 = vector.extract_strided_slice %select_n3A_1229 {offsets = [0, 124], sizes = [128, 4], strides = [1, 1]} : vector<128x128xf32> to vector<128x4xf32>
    %slice3A_1252 = vector.extract_strided_slice %select_n3A_1229 {offsets = [0, 0], sizes = [128, 124], strides = [1, 1]} : vector<128x128xf32> to vector<128x124xf32>
    %concatenate3A_1253 = tpu.concatenate %slice3A_1251, %slice3A_1252 in 1 : vector<128x4xf32>, vector<128x124xf32> -> vector<128x128xf32>
    %slice3A_1254 = vector.extract_strided_slice %select_n3A_1229 {offsets = [0, 4], sizes = [128, 124], strides = [1, 1]} : vector<128x128xf32> to vector<128x124xf32>
    %slice3A_1255 = vector.extract_strided_slice %select_n3A_1229 {offsets = [0, 0], sizes = [128, 4], strides = [1, 1]} : vector<128x128xf32> to vector<128x4xf32>
    %concatenate3A_1256 = tpu.concatenate %slice3A_1254, %slice3A_1255 in 1 : vector<128x124xf32>, vector<128x4xf32> -> vector<128x128xf32>
    %select_n3A_1257 = arith.select %ne3A_1236, %concatenate3A_1253, %concatenate3A_1256 : vector<128x128xi1>, vector<128x128xf32>
    %ne3A_1258 = arith.xori %ne3A_1236, %eq3A_1243 : vector<128x128xi1>
    %lt3A_1259 = arith.cmpf olt, %select_n3A_1250, %select_n3A_1228 : vector<128x128xf32>
    %eq3A_1260 = arith.xori %lt3A_1259, %ne3A_1258 : vector<128x128xi1>
    %eq3A_1261 = arith.constant dense<true> : vector<128x128xi1>
    %eq3A_1262 = arith.xori %eq3A_1260, %eq3A_1261 : vector<128x128xi1>
    %ne3A_1263 = arith.cmpf one, %select_n3A_1250, %select_n3A_1228 : vector<128x128xf32>
    %and3A_1264 = arith.andi %eq3A_1262, %ne3A_1263 : vector<128x128xi1>
    %select_n3A_1265 = arith.select %and3A_1264, %select_n3A_1250, %select_n3A_1228 : vector<128x128xi1>, vector<128x128xf32>
    %select_n3A_1266 = arith.select %and3A_1264, %select_n3A_1257, %select_n3A_1229 : vector<128x128xi1>, vector<128x128xf32>
    %iota3A_1267 = tpu.iota {dimensions = array<i32: 1>} : vector<128x128xi32>
    %and3A_1268 = arith.constant 2 : i32
    %and3A_1269 = vector.broadcast %and3A_1268 : i32 to vector<128x128xi32>
    %and3A_1270 = arith.andi %iota3A_1267, %and3A_1269 : vector<128x128xi32>
    %ne3A_1271 = arith.constant 0 : i32
    %ne3A_1272 = vector.broadcast %ne3A_1271 : i32 to vector<128x128xi32>
    %ne3A_1273 = arith.cmpi ne, %and3A_1270, %ne3A_1272 : vector<128x128xi32>
    %iota3A_1274 = tpu.iota {dimensions = array<i32: 0>} : vector<128x128xi32>
    %and3A_1275 = arith.constant 2 : i32
    %and3A_1276 = vector.broadcast %and3A_1275 : i32 to vector<128x128xi32>
    %and3A_1277 = arith.andi %iota3A_1274, %and3A_1276 : vector<128x128xi32>
    %eq3A_1278 = arith.constant 0 : i32
    %eq3A_1279 = vector.broadcast %eq3A_1278 : i32 to vector<128x128xi32>
    %eq3A_1280 = arith.cmpi eq, %and3A_1277, %eq3A_1279 : vector<128x128xi32>
    %slice3A_1281 = vector.extract_strided_slice %select_n3A_1265 {offsets = [0, 126], sizes = [128, 2], strides = [1, 1]} : vector<128x128xf32> to vector<128x2xf32>
    %slice3A_1282 = vector.extract_strided_slice %select_n3A_1265 {offsets = [0, 0], sizes = [128, 126], strides = [1, 1]} : vector<128x128xf32> to vector<128x126xf32>
    %concatenate3A_1283 = tpu.concatenate %slice3A_1281, %slice3A_1282 in 1 : vector<128x2xf32>, vector<128x126xf32> -> vector<128x128xf32>
    %slice3A_1284 = vector.extract_strided_slice %select_n3A_1265 {offsets = [0, 2], sizes = [128, 126], strides = [1, 1]} : vector<128x128xf32> to vector<128x126xf32>
    %slice3A_1285 = vector.extract_strided_slice %select_n3A_1265 {offsets = [0, 0], sizes = [128, 2], strides = [1, 1]} : vector<128x128xf32> to vector<128x2xf32>
    %concatenate3A_1286 = tpu.concatenate %slice3A_1284, %slice3A_1285 in 1 : vector<128x126xf32>, vector<128x2xf32> -> vector<128x128xf32>
    %select_n3A_1287 = arith.select %ne3A_1273, %concatenate3A_1283, %concatenate3A_1286 : vector<128x128xi1>, vector<128x128xf32>
    %slice3A_1288 = vector.extract_strided_slice %select_n3A_1266 {offsets = [0, 126], sizes = [128, 2], strides = [1, 1]} : vector<128x128xf32> to vector<128x2xf32>
    %slice3A_1289 = vector.extract_strided_slice %select_n3A_1266 {offsets = [0, 0], sizes = [128, 126], strides = [1, 1]} : vector<128x128xf32> to vector<128x126xf32>
    %concatenate3A_1290 = tpu.concatenate %slice3A_1288, %slice3A_1289 in 1 : vector<128x2xf32>, vector<128x126xf32> -> vector<128x128xf32>
    %slice3A_1291 = vector.extract_strided_slice %select_n3A_1266 {offsets = [0, 2], sizes = [128, 126], strides = [1, 1]} : vector<128x128xf32> to vector<128x126xf32>
    %slice3A_1292 = vector.extract_strided_slice %select_n3A_1266 {offsets = [0, 0], sizes = [128, 2], strides = [1, 1]} : vector<128x128xf32> to vector<128x2xf32>
    %concatenate3A_1293 = tpu.concatenate %slice3A_1291, %slice3A_1292 in 1 : vector<128x126xf32>, vector<128x2xf32> -> vector<128x128xf32>
    %select_n3A_1294 = arith.select %ne3A_1273, %concatenate3A_1290, %concatenate3A_1293 : vector<128x128xi1>, vector<128x128xf32>
    %ne3A_1295 = arith.xori %ne3A_1273, %eq3A_1280 : vector<128x128xi1>
    %lt3A_1296 = arith.cmpf olt, %select_n3A_1287, %select_n3A_1265 : vector<128x128xf32>
    %eq3A_1297 = arith.xori %lt3A_1296, %ne3A_1295 : vector<128x128xi1>
    %eq3A_1298 = arith.constant dense<true> : vector<128x128xi1>
    %eq3A_1299 = arith.xori %eq3A_1297, %eq3A_1298 : vector<128x128xi1>
    %ne3A_1300 = arith.cmpf one, %select_n3A_1287, %select_n3A_1265 : vector<128x128xf32>
    %and3A_1301 = arith.andi %eq3A_1299, %ne3A_1300 : vector<128x128xi1>
    %select_n3A_1302 = arith.select %and3A_1301, %select_n3A_1287, %select_n3A_1265 : vector<128x128xi1>, vector<128x128xf32>
    %select_n3A_1303 = arith.select %and3A_1301, %select_n3A_1294, %select_n3A_1266 : vector<128x128xi1>, vector<128x128xf32>
    %iota3A_1304 = tpu.iota {dimensions = array<i32: 1>} : vector<128x128xi32>
    %and3A_1305 = arith.constant 1 : i32
    %and3A_1306 = vector.broadcast %and3A_1305 : i32 to vector<128x128xi32>
    %and3A_1307 = arith.andi %iota3A_1304, %and3A_1306 : vector<128x128xi32>
    %ne3A_1308 = arith.constant 0 : i32
    %ne3A_1309 = vector.broadcast %ne3A_1308 : i32 to vector<128x128xi32>
    %ne3A_1310 = arith.cmpi ne, %and3A_1307, %ne3A_1309 : vector<128x128xi32>
    %iota3A_1311 = tpu.iota {dimensions = array<i32: 0>} : vector<128x128xi32>
    %and3A_1312 = arith.constant 2 : i32
    %and3A_1313 = vector.broadcast %and3A_1312 : i32 to vector<128x128xi32>
    %and3A_1314 = arith.andi %iota3A_1311, %and3A_1313 : vector<128x128xi32>
    %eq3A_1315 = arith.constant 0 : i32
    %eq3A_1316 = vector.broadcast %eq3A_1315 : i32 to vector<128x128xi32>
    %eq3A_1317 = arith.cmpi eq, %and3A_1314, %eq3A_1316 : vector<128x128xi32>
    %slice3A_1318 = vector.extract_strided_slice %select_n3A_1302 {offsets = [0, 127], sizes = [128, 1], strides = [1, 1]} : vector<128x128xf32> to vector<128x1xf32>
    %slice3A_1319 = vector.extract_strided_slice %select_n3A_1302 {offsets = [0, 0], sizes = [128, 127], strides = [1, 1]} : vector<128x128xf32> to vector<128x127xf32>
    %concatenate3A_1320 = tpu.concatenate %slice3A_1318, %slice3A_1319 in 1 : vector<128x1xf32>, vector<128x127xf32> -> vector<128x128xf32>
    %slice3A_1321 = vector.extract_strided_slice %select_n3A_1302 {offsets = [0, 1], sizes = [128, 127], strides = [1, 1]} : vector<128x128xf32> to vector<128x127xf32>
    %slice3A_1322 = vector.extract_strided_slice %select_n3A_1302 {offsets = [0, 0], sizes = [128, 1], strides = [1, 1]} : vector<128x128xf32> to vector<128x1xf32>
    %concatenate3A_1323 = tpu.concatenate %slice3A_1321, %slice3A_1322 in 1 : vector<128x127xf32>, vector<128x1xf32> -> vector<128x128xf32>
    %select_n3A_1324 = arith.select %ne3A_1310, %concatenate3A_1320, %concatenate3A_1323 : vector<128x128xi1>, vector<128x128xf32>
    %slice3A_1325 = vector.extract_strided_slice %select_n3A_1303 {offsets = [0, 127], sizes = [128, 1], strides = [1, 1]} : vector<128x128xf32> to vector<128x1xf32>
    %slice3A_1326 = vector.extract_strided_slice %select_n3A_1303 {offsets = [0, 0], sizes = [128, 127], strides = [1, 1]} : vector<128x128xf32> to vector<128x127xf32>
    %concatenate3A_1327 = tpu.concatenate %slice3A_1325, %slice3A_1326 in 1 : vector<128x1xf32>, vector<128x127xf32> -> vector<128x128xf32>
    %slice3A_1328 = vector.extract_strided_slice %select_n3A_1303 {offsets = [0, 1], sizes = [128, 127], strides = [1, 1]} : vector<128x128xf32> to vector<128x127xf32>
    %slice3A_1329 = vector.extract_strided_slice %select_n3A_1303 {offsets = [0, 0], sizes = [128, 1], strides = [1, 1]} : vector<128x128xf32> to vector<128x1xf32>
    %concatenate3A_1330 = tpu.concatenate %slice3A_1328, %slice3A_1329 in 1 : vector<128x127xf32>, vector<128x1xf32> -> vector<128x128xf32>
    %select_n3A_1331 = arith.select %ne3A_1310, %concatenate3A_1327, %concatenate3A_1330 : vector<128x128xi1>, vector<128x128xf32>
    %ne3A_1332 = arith.xori %ne3A_1310, %eq3A_1317 : vector<128x128xi1>
    %lt3A_1333 = arith.cmpf olt, %select_n3A_1324, %select_n3A_1302 : vector<128x128xf32>
    %eq3A_1334 = arith.xori %lt3A_1333, %ne3A_1332 : vector<128x128xi1>
    %eq3A_1335 = arith.constant dense<true> : vector<128x128xi1>
    %eq3A_1336 = arith.xori %eq3A_1334, %eq3A_1335 : vector<128x128xi1>
    %ne3A_1337 = arith.cmpf one, %select_n3A_1324, %select_n3A_1302 : vector<128x128xf32>
    %and3A_1338 = arith.andi %eq3A_1336, %ne3A_1337 : vector<128x128xi1>
    %select_n3A_1339 = arith.select %and3A_1338, %select_n3A_1324, %select_n3A_1302 : vector<128x128xi1>, vector<128x128xf32>
    %select_n3A_1340 = arith.select %and3A_1338, %select_n3A_1331, %select_n3A_1303 : vector<128x128xi1>, vector<128x128xf32>
    %iota3A_1341 = tpu.iota {dimensions = array<i32: 0>} : vector<128x128xi32>
    %and3A_1342 = arith.constant 2 : i32
    %and3A_1343 = vector.broadcast %and3A_1342 : i32 to vector<128x128xi32>
    %and3A_1344 = arith.andi %iota3A_1341, %and3A_1343 : vector<128x128xi32>
    %ne3A_1345 = arith.constant 0 : i32
    %ne3A_1346 = vector.broadcast %ne3A_1345 : i32 to vector<128x128xi32>
    %ne3A_1347 = arith.cmpi ne, %and3A_1344, %ne3A_1346 : vector<128x128xi32>
    %iota3A_1348 = tpu.iota {dimensions = array<i32: 0>} : vector<128x128xi32>
    %and3A_1349 = arith.constant 4 : i32
    %and3A_1350 = vector.broadcast %and3A_1349 : i32 to vector<128x128xi32>
    %and3A_1351 = arith.andi %iota3A_1348, %and3A_1350 : vector<128x128xi32>
    %eq3A_1352 = arith.constant 0 : i32
    %eq3A_1353 = vector.broadcast %eq3A_1352 : i32 to vector<128x128xi32>
    %eq3A_1354 = arith.cmpi eq, %and3A_1351, %eq3A_1353 : vector<128x128xi32>
    %slice3A_1355 = vector.extract_strided_slice %select_n3A_1339 {offsets = [126, 0], sizes = [2, 128], strides = [1, 1]} : vector<128x128xf32> to vector<2x128xf32>
    %slice3A_1356 = vector.extract_strided_slice %select_n3A_1339 {offsets = [0, 0], sizes = [126, 128], strides = [1, 1]} : vector<128x128xf32> to vector<126x128xf32>
    %concatenate3A_1357 = tpu.concatenate %slice3A_1355, %slice3A_1356 in 0 : vector<2x128xf32>, vector<126x128xf32> -> vector<128x128xf32>
    %slice3A_1358 = vector.extract_strided_slice %select_n3A_1339 {offsets = [2, 0], sizes = [126, 128], strides = [1, 1]} : vector<128x128xf32> to vector<126x128xf32>
    %slice3A_1359 = vector.extract_strided_slice %select_n3A_1339 {offsets = [0, 0], sizes = [2, 128], strides = [1, 1]} : vector<128x128xf32> to vector<2x128xf32>
    %concatenate3A_1360 = tpu.concatenate %slice3A_1358, %slice3A_1359 in 0 : vector<126x128xf32>, vector<2x128xf32> -> vector<128x128xf32>
    %select_n3A_1361 = arith.select %ne3A_1347, %concatenate3A_1357, %concatenate3A_1360 : vector<128x128xi1>, vector<128x128xf32>
    %slice3A_1362 = vector.extract_strided_slice %select_n3A_1340 {offsets = [126, 0], sizes = [2, 128], strides = [1, 1]} : vector<128x128xf32> to vector<2x128xf32>
    %slice3A_1363 = vector.extract_strided_slice %select_n3A_1340 {offsets = [0, 0], sizes = [126, 128], strides = [1, 1]} : vector<128x128xf32> to vector<126x128xf32>
    %concatenate3A_1364 = tpu.concatenate %slice3A_1362, %slice3A_1363 in 0 : vector<2x128xf32>, vector<126x128xf32> -> vector<128x128xf32>
    %slice3A_1365 = vector.extract_strided_slice %select_n3A_1340 {offsets = [2, 0], sizes = [126, 128], strides = [1, 1]} : vector<128x128xf32> to vector<126x128xf32>
    %slice3A_1366 = vector.extract_strided_slice %select_n3A_1340 {offsets = [0, 0], sizes = [2, 128], strides = [1, 1]} : vector<128x128xf32> to vector<2x128xf32>
    %concatenate3A_1367 = tpu.concatenate %slice3A_1365, %slice3A_1366 in 0 : vector<126x128xf32>, vector<2x128xf32> -> vector<128x128xf32>
    %select_n3A_1368 = arith.select %ne3A_1347, %concatenate3A_1364, %concatenate3A_1367 : vector<128x128xi1>, vector<128x128xf32>
    %ne3A_1369 = arith.xori %ne3A_1347, %eq3A_1354 : vector<128x128xi1>
    %lt3A_1370 = arith.cmpf olt, %select_n3A_1361, %select_n3A_1339 : vector<128x128xf32>
    %eq3A_1371 = arith.xori %lt3A_1370, %ne3A_1369 : vector<128x128xi1>
    %eq3A_1372 = arith.constant dense<true> : vector<128x128xi1>
    %eq3A_1373 = arith.xori %eq3A_1371, %eq3A_1372 : vector<128x128xi1>
    %ne3A_1374 = arith.cmpf one, %select_n3A_1361, %select_n3A_1339 : vector<128x128xf32>
    %and3A_1375 = arith.andi %eq3A_1373, %ne3A_1374 : vector<128x128xi1>
    %select_n3A_1376 = arith.select %and3A_1375, %select_n3A_1361, %select_n3A_1339 : vector<128x128xi1>, vector<128x128xf32>
    %select_n3A_1377 = arith.select %and3A_1375, %select_n3A_1368, %select_n3A_1340 : vector<128x128xi1>, vector<128x128xf32>
    %iota3A_1378 = tpu.iota {dimensions = array<i32: 0>} : vector<128x128xi32>
    %and3A_1379 = arith.constant 1 : i32
    %and3A_1380 = vector.broadcast %and3A_1379 : i32 to vector<128x128xi32>
    %and3A_1381 = arith.andi %iota3A_1378, %and3A_1380 : vector<128x128xi32>
    %ne3A_1382 = arith.constant 0 : i32
    %ne3A_1383 = vector.broadcast %ne3A_1382 : i32 to vector<128x128xi32>
    %ne3A_1384 = arith.cmpi ne, %and3A_1381, %ne3A_1383 : vector<128x128xi32>
    %iota3A_1385 = tpu.iota {dimensions = array<i32: 0>} : vector<128x128xi32>
    %and3A_1386 = arith.constant 4 : i32
    %and3A_1387 = vector.broadcast %and3A_1386 : i32 to vector<128x128xi32>
    %and3A_1388 = arith.andi %iota3A_1385, %and3A_1387 : vector<128x128xi32>
    %eq3A_1389 = arith.constant 0 : i32
    %eq3A_1390 = vector.broadcast %eq3A_1389 : i32 to vector<128x128xi32>
    %eq3A_1391 = arith.cmpi eq, %and3A_1388, %eq3A_1390 : vector<128x128xi32>
    %slice3A_1392 = vector.extract_strided_slice %select_n3A_1376 {offsets = [127, 0], sizes = [1, 128], strides = [1, 1]} : vector<128x128xf32> to vector<1x128xf32>
    %slice3A_1393 = vector.extract_strided_slice %select_n3A_1376 {offsets = [0, 0], sizes = [127, 128], strides = [1, 1]} : vector<128x128xf32> to vector<127x128xf32>
    %concatenate3A_1394 = tpu.concatenate %slice3A_1392, %slice3A_1393 in 0 : vector<1x128xf32>, vector<127x128xf32> -> vector<128x128xf32>
    %slice3A_1395 = vector.extract_strided_slice %select_n3A_1376 {offsets = [1, 0], sizes = [127, 128], strides = [1, 1]} : vector<128x128xf32> to vector<127x128xf32>
    %slice3A_1396 = vector.extract_strided_slice %select_n3A_1376 {offsets = [0, 0], sizes = [1, 128], strides = [1, 1]} : vector<128x128xf32> to vector<1x128xf32>
    %concatenate3A_1397 = tpu.concatenate %slice3A_1395, %slice3A_1396 in 0 : vector<127x128xf32>, vector<1x128xf32> -> vector<128x128xf32>
    %select_n3A_1398 = arith.select %ne3A_1384, %concatenate3A_1394, %concatenate3A_1397 : vector<128x128xi1>, vector<128x128xf32>
    %slice3A_1399 = vector.extract_strided_slice %select_n3A_1377 {offsets = [127, 0], sizes = [1, 128], strides = [1, 1]} : vector<128x128xf32> to vector<1x128xf32>
    %slice3A_1400 = vector.extract_strided_slice %select_n3A_1377 {offsets = [0, 0], sizes = [127, 128], strides = [1, 1]} : vector<128x128xf32> to vector<127x128xf32>
    %concatenate3A_1401 = tpu.concatenate %slice3A_1399, %slice3A_1400 in 0 : vector<1x128xf32>, vector<127x128xf32> -> vector<128x128xf32>
    %slice3A_1402 = vector.extract_strided_slice %select_n3A_1377 {offsets = [1, 0], sizes = [127, 128], strides = [1, 1]} : vector<128x128xf32> to vector<127x128xf32>
    %slice3A_1403 = vector.extract_strided_slice %select_n3A_1377 {offsets = [0, 0], sizes = [1, 128], strides = [1, 1]} : vector<128x128xf32> to vector<1x128xf32>
    %concatenate3A_1404 = tpu.concatenate %slice3A_1402, %slice3A_1403 in 0 : vector<127x128xf32>, vector<1x128xf32> -> vector<128x128xf32>
    %select_n3A_1405 = arith.select %ne3A_1384, %concatenate3A_1401, %concatenate3A_1404 : vector<128x128xi1>, vector<128x128xf32>
    %ne3A_1406 = arith.xori %ne3A_1384, %eq3A_1391 : vector<128x128xi1>
    %lt3A_1407 = arith.cmpf olt, %select_n3A_1398, %select_n3A_1376 : vector<128x128xf32>
    %eq3A_1408 = arith.xori %lt3A_1407, %ne3A_1406 : vector<128x128xi1>
    %eq3A_1409 = arith.constant dense<true> : vector<128x128xi1>
    %eq3A_1410 = arith.xori %eq3A_1408, %eq3A_1409 : vector<128x128xi1>
    %ne3A_1411 = arith.cmpf one, %select_n3A_1398, %select_n3A_1376 : vector<128x128xf32>
    %and3A_1412 = arith.andi %eq3A_1410, %ne3A_1411 : vector<128x128xi1>
    %select_n3A_1413 = arith.select %and3A_1412, %select_n3A_1398, %select_n3A_1376 : vector<128x128xi1>, vector<128x128xf32>
    %select_n3A_1414 = arith.select %and3A_1412, %select_n3A_1405, %select_n3A_1377 : vector<128x128xi1>, vector<128x128xf32>
    %iota3A_1415 = tpu.iota {dimensions = array<i32: 1>} : vector<128x128xi32>
    %and3A_1416 = arith.constant 64 : i32
    %and3A_1417 = vector.broadcast %and3A_1416 : i32 to vector<128x128xi32>
    %and3A_1418 = arith.andi %iota3A_1415, %and3A_1417 : vector<128x128xi32>
    %ne3A_1419 = arith.constant 0 : i32
    %ne3A_1420 = vector.broadcast %ne3A_1419 : i32 to vector<128x128xi32>
    %ne3A_1421 = arith.cmpi ne, %and3A_1418, %ne3A_1420 : vector<128x128xi32>
    %iota3A_1422 = tpu.iota {dimensions = array<i32: 0>} : vector<128x128xi32>
    %and3A_1423 = arith.constant 4 : i32
    %and3A_1424 = vector.broadcast %and3A_1423 : i32 to vector<128x128xi32>
    %and3A_1425 = arith.andi %iota3A_1422, %and3A_1424 : vector<128x128xi32>
    %eq3A_1426 = arith.constant 0 : i32
    %eq3A_1427 = vector.broadcast %eq3A_1426 : i32 to vector<128x128xi32>
    %eq3A_1428 = arith.cmpi eq, %and3A_1425, %eq3A_1427 : vector<128x128xi32>
    %slice3A_1429 = vector.extract_strided_slice %select_n3A_1413 {offsets = [0, 64], sizes = [128, 64], strides = [1, 1]} : vector<128x128xf32> to vector<128x64xf32>
    %slice3A_1430 = vector.extract_strided_slice %select_n3A_1413 {offsets = [0, 0], sizes = [128, 64], strides = [1, 1]} : vector<128x128xf32> to vector<128x64xf32>
    %concatenate3A_1431 = tpu.concatenate %slice3A_1429, %slice3A_1430 in 1 : vector<128x64xf32>, vector<128x64xf32> -> vector<128x128xf32>
    %slice3A_1432 = vector.extract_strided_slice %select_n3A_1413 {offsets = [0, 64], sizes = [128, 64], strides = [1, 1]} : vector<128x128xf32> to vector<128x64xf32>
    %slice3A_1433 = vector.extract_strided_slice %select_n3A_1413 {offsets = [0, 0], sizes = [128, 64], strides = [1, 1]} : vector<128x128xf32> to vector<128x64xf32>
    %concatenate3A_1434 = tpu.concatenate %slice3A_1432, %slice3A_1433 in 1 : vector<128x64xf32>, vector<128x64xf32> -> vector<128x128xf32>
    %select_n3A_1435 = arith.select %ne3A_1421, %concatenate3A_1431, %concatenate3A_1434 : vector<128x128xi1>, vector<128x128xf32>
    %slice3A_1436 = vector.extract_strided_slice %select_n3A_1414 {offsets = [0, 64], sizes = [128, 64], strides = [1, 1]} : vector<128x128xf32> to vector<128x64xf32>
    %slice3A_1437 = vector.extract_strided_slice %select_n3A_1414 {offsets = [0, 0], sizes = [128, 64], strides = [1, 1]} : vector<128x128xf32> to vector<128x64xf32>
    %concatenate3A_1438 = tpu.concatenate %slice3A_1436, %slice3A_1437 in 1 : vector<128x64xf32>, vector<128x64xf32> -> vector<128x128xf32>
    %slice3A_1439 = vector.extract_strided_slice %select_n3A_1414 {offsets = [0, 64], sizes = [128, 64], strides = [1, 1]} : vector<128x128xf32> to vector<128x64xf32>
    %slice3A_1440 = vector.extract_strided_slice %select_n3A_1414 {offsets = [0, 0], sizes = [128, 64], strides = [1, 1]} : vector<128x128xf32> to vector<128x64xf32>
    %concatenate3A_1441 = tpu.concatenate %slice3A_1439, %slice3A_1440 in 1 : vector<128x64xf32>, vector<128x64xf32> -> vector<128x128xf32>
    %select_n3A_1442 = arith.select %ne3A_1421, %concatenate3A_1438, %concatenate3A_1441 : vector<128x128xi1>, vector<128x128xf32>
    %ne3A_1443 = arith.xori %ne3A_1421, %eq3A_1428 : vector<128x128xi1>
    %lt3A_1444 = arith.cmpf olt, %select_n3A_1435, %select_n3A_1413 : vector<128x128xf32>
    %eq3A_1445 = arith.xori %lt3A_1444, %ne3A_1443 : vector<128x128xi1>
    %eq3A_1446 = arith.constant dense<true> : vector<128x128xi1>
    %eq3A_1447 = arith.xori %eq3A_1445, %eq3A_1446 : vector<128x128xi1>
    %ne3A_1448 = arith.cmpf one, %select_n3A_1435, %select_n3A_1413 : vector<128x128xf32>
    %and3A_1449 = arith.andi %eq3A_1447, %ne3A_1448 : vector<128x128xi1>
    %select_n3A_1450 = arith.select %and3A_1449, %select_n3A_1435, %select_n3A_1413 : vector<128x128xi1>, vector<128x128xf32>
    %select_n3A_1451 = arith.select %and3A_1449, %select_n3A_1442, %select_n3A_1414 : vector<128x128xi1>, vector<128x128xf32>
    %iota3A_1452 = tpu.iota {dimensions = array<i32: 1>} : vector<128x128xi32>
    %and3A_1453 = arith.constant 32 : i32
    %and3A_1454 = vector.broadcast %and3A_1453 : i32 to vector<128x128xi32>
    %and3A_1455 = arith.andi %iota3A_1452, %and3A_1454 : vector<128x128xi32>
    %ne3A_1456 = arith.constant 0 : i32
    %ne3A_1457 = vector.broadcast %ne3A_1456 : i32 to vector<128x128xi32>
    %ne3A_1458 = arith.cmpi ne, %and3A_1455, %ne3A_1457 : vector<128x128xi32>
    %iota3A_1459 = tpu.iota {dimensions = array<i32: 0>} : vector<128x128xi32>
    %and3A_1460 = arith.constant 4 : i32
    %and3A_1461 = vector.broadcast %and3A_1460 : i32 to vector<128x128xi32>
    %and3A_1462 = arith.andi %iota3A_1459, %and3A_1461 : vector<128x128xi32>
    %eq3A_1463 = arith.constant 0 : i32
    %eq3A_1464 = vector.broadcast %eq3A_1463 : i32 to vector<128x128xi32>
    %eq3A_1465 = arith.cmpi eq, %and3A_1462, %eq3A_1464 : vector<128x128xi32>
    %slice3A_1466 = vector.extract_strided_slice %select_n3A_1450 {offsets = [0, 96], sizes = [128, 32], strides = [1, 1]} : vector<128x128xf32> to vector<128x32xf32>
    %slice3A_1467 = vector.extract_strided_slice %select_n3A_1450 {offsets = [0, 0], sizes = [128, 96], strides = [1, 1]} : vector<128x128xf32> to vector<128x96xf32>
    %concatenate3A_1468 = tpu.concatenate %slice3A_1466, %slice3A_1467 in 1 : vector<128x32xf32>, vector<128x96xf32> -> vector<128x128xf32>
    %slice3A_1469 = vector.extract_strided_slice %select_n3A_1450 {offsets = [0, 32], sizes = [128, 96], strides = [1, 1]} : vector<128x128xf32> to vector<128x96xf32>
    %slice3A_1470 = vector.extract_strided_slice %select_n3A_1450 {offsets = [0, 0], sizes = [128, 32], strides = [1, 1]} : vector<128x128xf32> to vector<128x32xf32>
    %concatenate3A_1471 = tpu.concatenate %slice3A_1469, %slice3A_1470 in 1 : vector<128x96xf32>, vector<128x32xf32> -> vector<128x128xf32>
    %select_n3A_1472 = arith.select %ne3A_1458, %concatenate3A_1468, %concatenate3A_1471 : vector<128x128xi1>, vector<128x128xf32>
    %slice3A_1473 = vector.extract_strided_slice %select_n3A_1451 {offsets = [0, 96], sizes = [128, 32], strides = [1, 1]} : vector<128x128xf32> to vector<128x32xf32>
    %slice3A_1474 = vector.extract_strided_slice %select_n3A_1451 {offsets = [0, 0], sizes = [128, 96], strides = [1, 1]} : vector<128x128xf32> to vector<128x96xf32>
    %concatenate3A_1475 = tpu.concatenate %slice3A_1473, %slice3A_1474 in 1 : vector<128x32xf32>, vector<128x96xf32> -> vector<128x128xf32>
    %slice3A_1476 = vector.extract_strided_slice %select_n3A_1451 {offsets = [0, 32], sizes = [128, 96], strides = [1, 1]} : vector<128x128xf32> to vector<128x96xf32>
    %slice3A_1477 = vector.extract_strided_slice %select_n3A_1451 {offsets = [0, 0], sizes = [128, 32], strides = [1, 1]} : vector<128x128xf32> to vector<128x32xf32>
    %concatenate3A_1478 = tpu.concatenate %slice3A_1476, %slice3A_1477 in 1 : vector<128x96xf32>, vector<128x32xf32> -> vector<128x128xf32>
    %select_n3A_1479 = arith.select %ne3A_1458, %concatenate3A_1475, %concatenate3A_1478 : vector<128x128xi1>, vector<128x128xf32>
    %ne3A_1480 = arith.xori %ne3A_1458, %eq3A_1465 : vector<128x128xi1>
    %lt3A_1481 = arith.cmpf olt, %select_n3A_1472, %select_n3A_1450 : vector<128x128xf32>
    %eq3A_1482 = arith.xori %lt3A_1481, %ne3A_1480 : vector<128x128xi1>
    %eq3A_1483 = arith.constant dense<true> : vector<128x128xi1>
    %eq3A_1484 = arith.xori %eq3A_1482, %eq3A_1483 : vector<128x128xi1>
    %ne3A_1485 = arith.cmpf one, %select_n3A_1472, %select_n3A_1450 : vector<128x128xf32>
    %and3A_1486 = arith.andi %eq3A_1484, %ne3A_1485 : vector<128x128xi1>
    %select_n3A_1487 = arith.select %and3A_1486, %select_n3A_1472, %select_n3A_1450 : vector<128x128xi1>, vector<128x128xf32>
    %select_n3A_1488 = arith.select %and3A_1486, %select_n3A_1479, %select_n3A_1451 : vector<128x128xi1>, vector<128x128xf32>
    %iota3A_1489 = tpu.iota {dimensions = array<i32: 1>} : vector<128x128xi32>
    %and3A_1490 = arith.constant 16 : i32
    %and3A_1491 = vector.broadcast %and3A_1490 : i32 to vector<128x128xi32>
    %and3A_1492 = arith.andi %iota3A_1489, %and3A_1491 : vector<128x128xi32>
    %ne3A_1493 = arith.constant 0 : i32
    %ne3A_1494 = vector.broadcast %ne3A_1493 : i32 to vector<128x128xi32>
    %ne3A_1495 = arith.cmpi ne, %and3A_1492, %ne3A_1494 : vector<128x128xi32>
    %iota3A_1496 = tpu.iota {dimensions = array<i32: 0>} : vector<128x128xi32>
    %and3A_1497 = arith.constant 4 : i32
    %and3A_1498 = vector.broadcast %and3A_1497 : i32 to vector<128x128xi32>
    %and3A_1499 = arith.andi %iota3A_1496, %and3A_1498 : vector<128x128xi32>
    %eq3A_1500 = arith.constant 0 : i32
    %eq3A_1501 = vector.broadcast %eq3A_1500 : i32 to vector<128x128xi32>
    %eq3A_1502 = arith.cmpi eq, %and3A_1499, %eq3A_1501 : vector<128x128xi32>
    %slice3A_1503 = vector.extract_strided_slice %select_n3A_1487 {offsets = [0, 112], sizes = [128, 16], strides = [1, 1]} : vector<128x128xf32> to vector<128x16xf32>
    %slice3A_1504 = vector.extract_strided_slice %select_n3A_1487 {offsets = [0, 0], sizes = [128, 112], strides = [1, 1]} : vector<128x128xf32> to vector<128x112xf32>
    %concatenate3A_1505 = tpu.concatenate %slice3A_1503, %slice3A_1504 in 1 : vector<128x16xf32>, vector<128x112xf32> -> vector<128x128xf32>
    %slice3A_1506 = vector.extract_strided_slice %select_n3A_1487 {offsets = [0, 16], sizes = [128, 112], strides = [1, 1]} : vector<128x128xf32> to vector<128x112xf32>
    %slice3A_1507 = vector.extract_strided_slice %select_n3A_1487 {offsets = [0, 0], sizes = [128, 16], strides = [1, 1]} : vector<128x128xf32> to vector<128x16xf32>
    %concatenate3A_1508 = tpu.concatenate %slice3A_1506, %slice3A_1507 in 1 : vector<128x112xf32>, vector<128x16xf32> -> vector<128x128xf32>
    %select_n3A_1509 = arith.select %ne3A_1495, %concatenate3A_1505, %concatenate3A_1508 : vector<128x128xi1>, vector<128x128xf32>
    %slice3A_1510 = vector.extract_strided_slice %select_n3A_1488 {offsets = [0, 112], sizes = [128, 16], strides = [1, 1]} : vector<128x128xf32> to vector<128x16xf32>
    %slice3A_1511 = vector.extract_strided_slice %select_n3A_1488 {offsets = [0, 0], sizes = [128, 112], strides = [1, 1]} : vector<128x128xf32> to vector<128x112xf32>
    %concatenate3A_1512 = tpu.concatenate %slice3A_1510, %slice3A_1511 in 1 : vector<128x16xf32>, vector<128x112xf32> -> vector<128x128xf32>
    %slice3A_1513 = vector.extract_strided_slice %select_n3A_1488 {offsets = [0, 16], sizes = [128, 112], strides = [1, 1]} : vector<128x128xf32> to vector<128x112xf32>
    %slice3A_1514 = vector.extract_strided_slice %select_n3A_1488 {offsets = [0, 0], sizes = [128, 16], strides = [1, 1]} : vector<128x128xf32> to vector<128x16xf32>
    %concatenate3A_1515 = tpu.concatenate %slice3A_1513, %slice3A_1514 in 1 : vector<128x112xf32>, vector<128x16xf32> -> vector<128x128xf32>
    %select_n3A_1516 = arith.select %ne3A_1495, %concatenate3A_1512, %concatenate3A_1515 : vector<128x128xi1>, vector<128x128xf32>
    %ne3A_1517 = arith.xori %ne3A_1495, %eq3A_1502 : vector<128x128xi1>
    %lt3A_1518 = arith.cmpf olt, %select_n3A_1509, %select_n3A_1487 : vector<128x128xf32>
    %eq3A_1519 = arith.xori %lt3A_1518, %ne3A_1517 : vector<128x128xi1>
    %eq3A_1520 = arith.constant dense<true> : vector<128x128xi1>
    %eq3A_1521 = arith.xori %eq3A_1519, %eq3A_1520 : vector<128x128xi1>
    %ne3A_1522 = arith.cmpf one, %select_n3A_1509, %select_n3A_1487 : vector<128x128xf32>
    %and3A_1523 = arith.andi %eq3A_1521, %ne3A_1522 : vector<128x128xi1>
    %select_n3A_1524 = arith.select %and3A_1523, %select_n3A_1509, %select_n3A_1487 : vector<128x128xi1>, vector<128x128xf32>
    %select_n3A_1525 = arith.select %and3A_1523, %select_n3A_1516, %select_n3A_1488 : vector<128x128xi1>, vector<128x128xf32>
    %iota3A_1526 = tpu.iota {dimensions = array<i32: 1>} : vector<128x128xi32>
    %and3A_1527 = arith.constant 8 : i32
    %and3A_1528 = vector.broadcast %and3A_1527 : i32 to vector<128x128xi32>
    %and3A_1529 = arith.andi %iota3A_1526, %and3A_1528 : vector<128x128xi32>
    %ne3A_1530 = arith.constant 0 : i32
    %ne3A_1531 = vector.broadcast %ne3A_1530 : i32 to vector<128x128xi32>
    %ne3A_1532 = arith.cmpi ne, %and3A_1529, %ne3A_1531 : vector<128x128xi32>
    %iota3A_1533 = tpu.iota {dimensions = array<i32: 0>} : vector<128x128xi32>
    %and3A_1534 = arith.constant 4 : i32
    %and3A_1535 = vector.broadcast %and3A_1534 : i32 to vector<128x128xi32>
    %and3A_1536 = arith.andi %iota3A_1533, %and3A_1535 : vector<128x128xi32>
    %eq3A_1537 = arith.constant 0 : i32
    %eq3A_1538 = vector.broadcast %eq3A_1537 : i32 to vector<128x128xi32>
    %eq3A_1539 = arith.cmpi eq, %and3A_1536, %eq3A_1538 : vector<128x128xi32>
    %slice3A_1540 = vector.extract_strided_slice %select_n3A_1524 {offsets = [0, 120], sizes = [128, 8], strides = [1, 1]} : vector<128x128xf32> to vector<128x8xf32>
    %slice3A_1541 = vector.extract_strided_slice %select_n3A_1524 {offsets = [0, 0], sizes = [128, 120], strides = [1, 1]} : vector<128x128xf32> to vector<128x120xf32>
    %concatenate3A_1542 = tpu.concatenate %slice3A_1540, %slice3A_1541 in 1 : vector<128x8xf32>, vector<128x120xf32> -> vector<128x128xf32>
    %slice3A_1543 = vector.extract_strided_slice %select_n3A_1524 {offsets = [0, 8], sizes = [128, 120], strides = [1, 1]} : vector<128x128xf32> to vector<128x120xf32>
    %slice3A_1544 = vector.extract_strided_slice %select_n3A_1524 {offsets = [0, 0], sizes = [128, 8], strides = [1, 1]} : vector<128x128xf32> to vector<128x8xf32>
    %concatenate3A_1545 = tpu.concatenate %slice3A_1543, %slice3A_1544 in 1 : vector<128x120xf32>, vector<128x8xf32> -> vector<128x128xf32>
    %select_n3A_1546 = arith.select %ne3A_1532, %concatenate3A_1542, %concatenate3A_1545 : vector<128x128xi1>, vector<128x128xf32>
    %slice3A_1547 = vector.extract_strided_slice %select_n3A_1525 {offsets = [0, 120], sizes = [128, 8], strides = [1, 1]} : vector<128x128xf32> to vector<128x8xf32>
    %slice3A_1548 = vector.extract_strided_slice %select_n3A_1525 {offsets = [0, 0], sizes = [128, 120], strides = [1, 1]} : vector<128x128xf32> to vector<128x120xf32>
    %concatenate3A_1549 = tpu.concatenate %slice3A_1547, %slice3A_1548 in 1 : vector<128x8xf32>, vector<128x120xf32> -> vector<128x128xf32>
    %slice3A_1550 = vector.extract_strided_slice %select_n3A_1525 {offsets = [0, 8], sizes = [128, 120], strides = [1, 1]} : vector<128x128xf32> to vector<128x120xf32>
    %slice3A_1551 = vector.extract_strided_slice %select_n3A_1525 {offsets = [0, 0], sizes = [128, 8], strides = [1, 1]} : vector<128x128xf32> to vector<128x8xf32>
    %concatenate3A_1552 = tpu.concatenate %slice3A_1550, %slice3A_1551 in 1 : vector<128x120xf32>, vector<128x8xf32> -> vector<128x128xf32>
    %select_n3A_1553 = arith.select %ne3A_1532, %concatenate3A_1549, %concatenate3A_1552 : vector<128x128xi1>, vector<128x128xf32>
    %ne3A_1554 = arith.xori %ne3A_1532, %eq3A_1539 : vector<128x128xi1>
    %lt3A_1555 = arith.cmpf olt, %select_n3A_1546, %select_n3A_1524 : vector<128x128xf32>
    %eq3A_1556 = arith.xori %lt3A_1555, %ne3A_1554 : vector<128x128xi1>
    %eq3A_1557 = arith.constant dense<true> : vector<128x128xi1>
    %eq3A_1558 = arith.xori %eq3A_1556, %eq3A_1557 : vector<128x128xi1>
    %ne3A_1559 = arith.cmpf one, %select_n3A_1546, %select_n3A_1524 : vector<128x128xf32>
    %and3A_1560 = arith.andi %eq3A_1558, %ne3A_1559 : vector<128x128xi1>
    %select_n3A_1561 = arith.select %and3A_1560, %select_n3A_1546, %select_n3A_1524 : vector<128x128xi1>, vector<128x128xf32>
    %select_n3A_1562 = arith.select %and3A_1560, %select_n3A_1553, %select_n3A_1525 : vector<128x128xi1>, vector<128x128xf32>
    %iota3A_1563 = tpu.iota {dimensions = array<i32: 1>} : vector<128x128xi32>
    %and3A_1564 = arith.constant 4 : i32
    %and3A_1565 = vector.broadcast %and3A_1564 : i32 to vector<128x128xi32>
    %and3A_1566 = arith.andi %iota3A_1563, %and3A_1565 : vector<128x128xi32>
    %ne3A_1567 = arith.constant 0 : i32
    %ne3A_1568 = vector.broadcast %ne3A_1567 : i32 to vector<128x128xi32>
    %ne3A_1569 = arith.cmpi ne, %and3A_1566, %ne3A_1568 : vector<128x128xi32>
    %iota3A_1570 = tpu.iota {dimensions = array<i32: 0>} : vector<128x128xi32>
    %and3A_1571 = arith.constant 4 : i32
    %and3A_1572 = vector.broadcast %and3A_1571 : i32 to vector<128x128xi32>
    %and3A_1573 = arith.andi %iota3A_1570, %and3A_1572 : vector<128x128xi32>
    %eq3A_1574 = arith.constant 0 : i32
    %eq3A_1575 = vector.broadcast %eq3A_1574 : i32 to vector<128x128xi32>
    %eq3A_1576 = arith.cmpi eq, %and3A_1573, %eq3A_1575 : vector<128x128xi32>
    %slice3A_1577 = vector.extract_strided_slice %select_n3A_1561 {offsets = [0, 124], sizes = [128, 4], strides = [1, 1]} : vector<128x128xf32> to vector<128x4xf32>
    %slice3A_1578 = vector.extract_strided_slice %select_n3A_1561 {offsets = [0, 0], sizes = [128, 124], strides = [1, 1]} : vector<128x128xf32> to vector<128x124xf32>
    %concatenate3A_1579 = tpu.concatenate %slice3A_1577, %slice3A_1578 in 1 : vector<128x4xf32>, vector<128x124xf32> -> vector<128x128xf32>
    %slice3A_1580 = vector.extract_strided_slice %select_n3A_1561 {offsets = [0, 4], sizes = [128, 124], strides = [1, 1]} : vector<128x128xf32> to vector<128x124xf32>
    %slice3A_1581 = vector.extract_strided_slice %select_n3A_1561 {offsets = [0, 0], sizes = [128, 4], strides = [1, 1]} : vector<128x128xf32> to vector<128x4xf32>
    %concatenate3A_1582 = tpu.concatenate %slice3A_1580, %slice3A_1581 in 1 : vector<128x124xf32>, vector<128x4xf32> -> vector<128x128xf32>
    %select_n3A_1583 = arith.select %ne3A_1569, %concatenate3A_1579, %concatenate3A_1582 : vector<128x128xi1>, vector<128x128xf32>
    %slice3A_1584 = vector.extract_strided_slice %select_n3A_1562 {offsets = [0, 124], sizes = [128, 4], strides = [1, 1]} : vector<128x128xf32> to vector<128x4xf32>
    %slice3A_1585 = vector.extract_strided_slice %select_n3A_1562 {offsets = [0, 0], sizes = [128, 124], strides = [1, 1]} : vector<128x128xf32> to vector<128x124xf32>
    %concatenate3A_1586 = tpu.concatenate %slice3A_1584, %slice3A_1585 in 1 : vector<128x4xf32>, vector<128x124xf32> -> vector<128x128xf32>
    %slice3A_1587 = vector.extract_strided_slice %select_n3A_1562 {offsets = [0, 4], sizes = [128, 124], strides = [1, 1]} : vector<128x128xf32> to vector<128x124xf32>
    %slice3A_1588 = vector.extract_strided_slice %select_n3A_1562 {offsets = [0, 0], sizes = [128, 4], strides = [1, 1]} : vector<128x128xf32> to vector<128x4xf32>
    %concatenate3A_1589 = tpu.concatenate %slice3A_1587, %slice3A_1588 in 1 : vector<128x124xf32>, vector<128x4xf32> -> vector<128x128xf32>
    %select_n3A_1590 = arith.select %ne3A_1569, %concatenate3A_1586, %concatenate3A_1589 : vector<128x128xi1>, vector<128x128xf32>
    %ne3A_1591 = arith.xori %ne3A_1569, %eq3A_1576 : vector<128x128xi1>
    %lt3A_1592 = arith.cmpf olt, %select_n3A_1583, %select_n3A_1561 : vector<128x128xf32>
    %eq3A_1593 = arith.xori %lt3A_1592, %ne3A_1591 : vector<128x128xi1>
    %eq3A_1594 = arith.constant dense<true> : vector<128x128xi1>
    %eq3A_1595 = arith.xori %eq3A_1593, %eq3A_1594 : vector<128x128xi1>
    %ne3A_1596 = arith.cmpf one, %select_n3A_1583, %select_n3A_1561 : vector<128x128xf32>
    %and3A_1597 = arith.andi %eq3A_1595, %ne3A_1596 : vector<128x128xi1>
    %select_n3A_1598 = arith.select %and3A_1597, %select_n3A_1583, %select_n3A_1561 : vector<128x128xi1>, vector<128x128xf32>
    %select_n3A_1599 = arith.select %and3A_1597, %select_n3A_1590, %select_n3A_1562 : vector<128x128xi1>, vector<128x128xf32>
    %iota3A_1600 = tpu.iota {dimensions = array<i32: 1>} : vector<128x128xi32>
    %and3A_1601 = arith.constant 2 : i32
    %and3A_1602 = vector.broadcast %and3A_1601 : i32 to vector<128x128xi32>
    %and3A_1603 = arith.andi %iota3A_1600, %and3A_1602 : vector<128x128xi32>
    %ne3A_1604 = arith.constant 0 : i32
    %ne3A_1605 = vector.broadcast %ne3A_1604 : i32 to vector<128x128xi32>
    %ne3A_1606 = arith.cmpi ne, %and3A_1603, %ne3A_1605 : vector<128x128xi32>
    %iota3A_1607 = tpu.iota {dimensions = array<i32: 0>} : vector<128x128xi32>
    %and3A_1608 = arith.constant 4 : i32
    %and3A_1609 = vector.broadcast %and3A_1608 : i32 to vector<128x128xi32>
    %and3A_1610 = arith.andi %iota3A_1607, %and3A_1609 : vector<128x128xi32>
    %eq3A_1611 = arith.constant 0 : i32
    %eq3A_1612 = vector.broadcast %eq3A_1611 : i32 to vector<128x128xi32>
    %eq3A_1613 = arith.cmpi eq, %and3A_1610, %eq3A_1612 : vector<128x128xi32>
    %slice3A_1614 = vector.extract_strided_slice %select_n3A_1598 {offsets = [0, 126], sizes = [128, 2], strides = [1, 1]} : vector<128x128xf32> to vector<128x2xf32>
    %slice3A_1615 = vector.extract_strided_slice %select_n3A_1598 {offsets = [0, 0], sizes = [128, 126], strides = [1, 1]} : vector<128x128xf32> to vector<128x126xf32>
    %concatenate3A_1616 = tpu.concatenate %slice3A_1614, %slice3A_1615 in 1 : vector<128x2xf32>, vector<128x126xf32> -> vector<128x128xf32>
    %slice3A_1617 = vector.extract_strided_slice %select_n3A_1598 {offsets = [0, 2], sizes = [128, 126], strides = [1, 1]} : vector<128x128xf32> to vector<128x126xf32>
    %slice3A_1618 = vector.extract_strided_slice %select_n3A_1598 {offsets = [0, 0], sizes = [128, 2], strides = [1, 1]} : vector<128x128xf32> to vector<128x2xf32>
    %concatenate3A_1619 = tpu.concatenate %slice3A_1617, %slice3A_1618 in 1 : vector<128x126xf32>, vector<128x2xf32> -> vector<128x128xf32>
    %select_n3A_1620 = arith.select %ne3A_1606, %concatenate3A_1616, %concatenate3A_1619 : vector<128x128xi1>, vector<128x128xf32>
    %slice3A_1621 = vector.extract_strided_slice %select_n3A_1599 {offsets = [0, 126], sizes = [128, 2], strides = [1, 1]} : vector<128x128xf32> to vector<128x2xf32>
    %slice3A_1622 = vector.extract_strided_slice %select_n3A_1599 {offsets = [0, 0], sizes = [128, 126], strides = [1, 1]} : vector<128x128xf32> to vector<128x126xf32>
    %concatenate3A_1623 = tpu.concatenate %slice3A_1621, %slice3A_1622 in 1 : vector<128x2xf32>, vector<128x126xf32> -> vector<128x128xf32>
    %slice3A_1624 = vector.extract_strided_slice %select_n3A_1599 {offsets = [0, 2], sizes = [128, 126], strides = [1, 1]} : vector<128x128xf32> to vector<128x126xf32>
    %slice3A_1625 = vector.extract_strided_slice %select_n3A_1599 {offsets = [0, 0], sizes = [128, 2], strides = [1, 1]} : vector<128x128xf32> to vector<128x2xf32>
    %concatenate3A_1626 = tpu.concatenate %slice3A_1624, %slice3A_1625 in 1 : vector<128x126xf32>, vector<128x2xf32> -> vector<128x128xf32>
    %select_n3A_1627 = arith.select %ne3A_1606, %concatenate3A_1623, %concatenate3A_1626 : vector<128x128xi1>, vector<128x128xf32>
    %ne3A_1628 = arith.xori %ne3A_1606, %eq3A_1613 : vector<128x128xi1>
    %lt3A_1629 = arith.cmpf olt, %select_n3A_1620, %select_n3A_1598 : vector<128x128xf32>
    %eq3A_1630 = arith.xori %lt3A_1629, %ne3A_1628 : vector<128x128xi1>
    %eq3A_1631 = arith.constant dense<true> : vector<128x128xi1>
    %eq3A_1632 = arith.xori %eq3A_1630, %eq3A_1631 : vector<128x128xi1>
    %ne3A_1633 = arith.cmpf one, %select_n3A_1620, %select_n3A_1598 : vector<128x128xf32>
    %and3A_1634 = arith.andi %eq3A_1632, %ne3A_1633 : vector<128x128xi1>
    %select_n3A_1635 = arith.select %and3A_1634, %select_n3A_1620, %select_n3A_1598 : vector<128x128xi1>, vector<128x128xf32>
    %select_n3A_1636 = arith.select %and3A_1634, %select_n3A_1627, %select_n3A_1599 : vector<128x128xi1>, vector<128x128xf32>
    %iota3A_1637 = tpu.iota {dimensions = array<i32: 1>} : vector<128x128xi32>
    %and3A_1638 = arith.constant 1 : i32
    %and3A_1639 = vector.broadcast %and3A_1638 : i32 to vector<128x128xi32>
    %and3A_1640 = arith.andi %iota3A_1637, %and3A_1639 : vector<128x128xi32>
    %ne3A_1641 = arith.constant 0 : i32
    %ne3A_1642 = vector.broadcast %ne3A_1641 : i32 to vector<128x128xi32>
    %ne3A_1643 = arith.cmpi ne, %and3A_1640, %ne3A_1642 : vector<128x128xi32>
    %iota3A_1644 = tpu.iota {dimensions = array<i32: 0>} : vector<128x128xi32>
    %and3A_1645 = arith.constant 4 : i32
    %and3A_1646 = vector.broadcast %and3A_1645 : i32 to vector<128x128xi32>
    %and3A_1647 = arith.andi %iota3A_1644, %and3A_1646 : vector<128x128xi32>
    %eq3A_1648 = arith.constant 0 : i32
    %eq3A_1649 = vector.broadcast %eq3A_1648 : i32 to vector<128x128xi32>
    %eq3A_1650 = arith.cmpi eq, %and3A_1647, %eq3A_1649 : vector<128x128xi32>
    %slice3A_1651 = vector.extract_strided_slice %select_n3A_1635 {offsets = [0, 127], sizes = [128, 1], strides = [1, 1]} : vector<128x128xf32> to vector<128x1xf32>
    %slice3A_1652 = vector.extract_strided_slice %select_n3A_1635 {offsets = [0, 0], sizes = [128, 127], strides = [1, 1]} : vector<128x128xf32> to vector<128x127xf32>
    %concatenate3A_1653 = tpu.concatenate %slice3A_1651, %slice3A_1652 in 1 : vector<128x1xf32>, vector<128x127xf32> -> vector<128x128xf32>
    %slice3A_1654 = vector.extract_strided_slice %select_n3A_1635 {offsets = [0, 1], sizes = [128, 127], strides = [1, 1]} : vector<128x128xf32> to vector<128x127xf32>
    %slice3A_1655 = vector.extract_strided_slice %select_n3A_1635 {offsets = [0, 0], sizes = [128, 1], strides = [1, 1]} : vector<128x128xf32> to vector<128x1xf32>
    %concatenate3A_1656 = tpu.concatenate %slice3A_1654, %slice3A_1655 in 1 : vector<128x127xf32>, vector<128x1xf32> -> vector<128x128xf32>
    %select_n3A_1657 = arith.select %ne3A_1643, %concatenate3A_1653, %concatenate3A_1656 : vector<128x128xi1>, vector<128x128xf32>
    %slice3A_1658 = vector.extract_strided_slice %select_n3A_1636 {offsets = [0, 127], sizes = [128, 1], strides = [1, 1]} : vector<128x128xf32> to vector<128x1xf32>
    %slice3A_1659 = vector.extract_strided_slice %select_n3A_1636 {offsets = [0, 0], sizes = [128, 127], strides = [1, 1]} : vector<128x128xf32> to vector<128x127xf32>
    %concatenate3A_1660 = tpu.concatenate %slice3A_1658, %slice3A_1659 in 1 : vector<128x1xf32>, vector<128x127xf32> -> vector<128x128xf32>
    %slice3A_1661 = vector.extract_strided_slice %select_n3A_1636 {offsets = [0, 1], sizes = [128, 127], strides = [1, 1]} : vector<128x128xf32> to vector<128x127xf32>
    %slice3A_1662 = vector.extract_strided_slice %select_n3A_1636 {offsets = [0, 0], sizes = [128, 1], strides = [1, 1]} : vector<128x128xf32> to vector<128x1xf32>
    %concatenate3A_1663 = tpu.concatenate %slice3A_1661, %slice3A_1662 in 1 : vector<128x127xf32>, vector<128x1xf32> -> vector<128x128xf32>
    %select_n3A_1664 = arith.select %ne3A_1643, %concatenate3A_1660, %concatenate3A_1663 : vector<128x128xi1>, vector<128x128xf32>
    %ne3A_1665 = arith.xori %ne3A_1643, %eq3A_1650 : vector<128x128xi1>
    %lt3A_1666 = arith.cmpf olt, %select_n3A_1657, %select_n3A_1635 : vector<128x128xf32>
    %eq3A_1667 = arith.xori %lt3A_1666, %ne3A_1665 : vector<128x128xi1>
    %eq3A_1668 = arith.constant dense<true> : vector<128x128xi1>
    %eq3A_1669 = arith.xori %eq3A_1667, %eq3A_1668 : vector<128x128xi1>
    %ne3A_1670 = arith.cmpf one, %select_n3A_1657, %select_n3A_1635 : vector<128x128xf32>
    %and3A_1671 = arith.andi %eq3A_1669, %ne3A_1670 : vector<128x128xi1>
    %select_n3A_1672 = arith.select %and3A_1671, %select_n3A_1657, %select_n3A_1635 : vector<128x128xi1>, vector<128x128xf32>
    %select_n3A_1673 = arith.select %and3A_1671, %select_n3A_1664, %select_n3A_1636 : vector<128x128xi1>, vector<128x128xf32>
    %iota3A_1674 = tpu.iota {dimensions = array<i32: 0>} : vector<128x128xi32>
    %and3A_1675 = arith.constant 4 : i32
    %and3A_1676 = vector.broadcast %and3A_1675 : i32 to vector<128x128xi32>
    %and3A_1677 = arith.andi %iota3A_1674, %and3A_1676 : vector<128x128xi32>
    %ne3A_1678 = arith.constant 0 : i32
    %ne3A_1679 = vector.broadcast %ne3A_1678 : i32 to vector<128x128xi32>
    %ne3A_1680 = arith.cmpi ne, %and3A_1677, %ne3A_1679 : vector<128x128xi32>
    %iota3A_1681 = tpu.iota {dimensions = array<i32: 0>} : vector<128x128xi32>
    %and3A_1682 = arith.constant 8 : i32
    %and3A_1683 = vector.broadcast %and3A_1682 : i32 to vector<128x128xi32>
    %and3A_1684 = arith.andi %iota3A_1681, %and3A_1683 : vector<128x128xi32>
    %eq3A_1685 = arith.constant 0 : i32
    %eq3A_1686 = vector.broadcast %eq3A_1685 : i32 to vector<128x128xi32>
    %eq3A_1687 = arith.cmpi eq, %and3A_1684, %eq3A_1686 : vector<128x128xi32>
    %slice3A_1688 = vector.extract_strided_slice %select_n3A_1672 {offsets = [124, 0], sizes = [4, 128], strides = [1, 1]} : vector<128x128xf32> to vector<4x128xf32>
    %slice3A_1689 = vector.extract_strided_slice %select_n3A_1672 {offsets = [0, 0], sizes = [124, 128], strides = [1, 1]} : vector<128x128xf32> to vector<124x128xf32>
    %concatenate3A_1690 = tpu.concatenate %slice3A_1688, %slice3A_1689 in 0 : vector<4x128xf32>, vector<124x128xf32> -> vector<128x128xf32>
    %slice3A_1691 = vector.extract_strided_slice %select_n3A_1672 {offsets = [4, 0], sizes = [124, 128], strides = [1, 1]} : vector<128x128xf32> to vector<124x128xf32>
    %slice3A_1692 = vector.extract_strided_slice %select_n3A_1672 {offsets = [0, 0], sizes = [4, 128], strides = [1, 1]} : vector<128x128xf32> to vector<4x128xf32>
    %concatenate3A_1693 = tpu.concatenate %slice3A_1691, %slice3A_1692 in 0 : vector<124x128xf32>, vector<4x128xf32> -> vector<128x128xf32>
    %select_n3A_1694 = arith.select %ne3A_1680, %concatenate3A_1690, %concatenate3A_1693 : vector<128x128xi1>, vector<128x128xf32>
    %slice3A_1695 = vector.extract_strided_slice %select_n3A_1673 {offsets = [124, 0], sizes = [4, 128], strides = [1, 1]} : vector<128x128xf32> to vector<4x128xf32>
    %slice3A_1696 = vector.extract_strided_slice %select_n3A_1673 {offsets = [0, 0], sizes = [124, 128], strides = [1, 1]} : vector<128x128xf32> to vector<124x128xf32>
    %concatenate3A_1697 = tpu.concatenate %slice3A_1695, %slice3A_1696 in 0 : vector<4x128xf32>, vector<124x128xf32> -> vector<128x128xf32>
    %slice3A_1698 = vector.extract_strided_slice %select_n3A_1673 {offsets = [4, 0], sizes = [124, 128], strides = [1, 1]} : vector<128x128xf32> to vector<124x128xf32>
    %slice3A_1699 = vector.extract_strided_slice %select_n3A_1673 {offsets = [0, 0], sizes = [4, 128], strides = [1, 1]} : vector<128x128xf32> to vector<4x128xf32>
    %concatenate3A_1700 = tpu.concatenate %slice3A_1698, %slice3A_1699 in 0 : vector<124x128xf32>, vector<4x128xf32> -> vector<128x128xf32>
    %select_n3A_1701 = arith.select %ne3A_1680, %concatenate3A_1697, %concatenate3A_1700 : vector<128x128xi1>, vector<128x128xf32>
    %ne3A_1702 = arith.xori %ne3A_1680, %eq3A_1687 : vector<128x128xi1>
    %lt3A_1703 = arith.cmpf olt, %select_n3A_1694, %select_n3A_1672 : vector<128x128xf32>
    %eq3A_1704 = arith.xori %lt3A_1703, %ne3A_1702 : vector<128x128xi1>
    %eq3A_1705 = arith.constant dense<true> : vector<128x128xi1>
    %eq3A_1706 = arith.xori %eq3A_1704, %eq3A_1705 : vector<128x128xi1>
    %ne3A_1707 = arith.cmpf one, %select_n3A_1694, %select_n3A_1672 : vector<128x128xf32>
    %and3A_1708 = arith.andi %eq3A_1706, %ne3A_1707 : vector<128x128xi1>
    %select_n3A_1709 = arith.select %and3A_1708, %select_n3A_1694, %select_n3A_1672 : vector<128x128xi1>, vector<128x128xf32>
    %select_n3A_1710 = arith.select %and3A_1708, %select_n3A_1701, %select_n3A_1673 : vector<128x128xi1>, vector<128x128xf32>
    %iota3A_1711 = tpu.iota {dimensions = array<i32: 0>} : vector<128x128xi32>
    %and3A_1712 = arith.constant 2 : i32
    %and3A_1713 = vector.broadcast %and3A_1712 : i32 to vector<128x128xi32>
    %and3A_1714 = arith.andi %iota3A_1711, %and3A_1713 : vector<128x128xi32>
    %ne3A_1715 = arith.constant 0 : i32
    %ne3A_1716 = vector.broadcast %ne3A_1715 : i32 to vector<128x128xi32>
    %ne3A_1717 = arith.cmpi ne, %and3A_1714, %ne3A_1716 : vector<128x128xi32>
    %iota3A_1718 = tpu.iota {dimensions = array<i32: 0>} : vector<128x128xi32>
    %and3A_1719 = arith.constant 8 : i32
    %and3A_1720 = vector.broadcast %and3A_1719 : i32 to vector<128x128xi32>
    %and3A_1721 = arith.andi %iota3A_1718, %and3A_1720 : vector<128x128xi32>
    %eq3A_1722 = arith.constant 0 : i32
    %eq3A_1723 = vector.broadcast %eq3A_1722 : i32 to vector<128x128xi32>
    %eq3A_1724 = arith.cmpi eq, %and3A_1721, %eq3A_1723 : vector<128x128xi32>
    %slice3A_1725 = vector.extract_strided_slice %select_n3A_1709 {offsets = [126, 0], sizes = [2, 128], strides = [1, 1]} : vector<128x128xf32> to vector<2x128xf32>
    %slice3A_1726 = vector.extract_strided_slice %select_n3A_1709 {offsets = [0, 0], sizes = [126, 128], strides = [1, 1]} : vector<128x128xf32> to vector<126x128xf32>
    %concatenate3A_1727 = tpu.concatenate %slice3A_1725, %slice3A_1726 in 0 : vector<2x128xf32>, vector<126x128xf32> -> vector<128x128xf32>
    %slice3A_1728 = vector.extract_strided_slice %select_n3A_1709 {offsets = [2, 0], sizes = [126, 128], strides = [1, 1]} : vector<128x128xf32> to vector<126x128xf32>
    %slice3A_1729 = vector.extract_strided_slice %select_n3A_1709 {offsets = [0, 0], sizes = [2, 128], strides = [1, 1]} : vector<128x128xf32> to vector<2x128xf32>
    %concatenate3A_1730 = tpu.concatenate %slice3A_1728, %slice3A_1729 in 0 : vector<126x128xf32>, vector<2x128xf32> -> vector<128x128xf32>
    %select_n3A_1731 = arith.select %ne3A_1717, %concatenate3A_1727, %concatenate3A_1730 : vector<128x128xi1>, vector<128x128xf32>
    %slice3A_1732 = vector.extract_strided_slice %select_n3A_1710 {offsets = [126, 0], sizes = [2, 128], strides = [1, 1]} : vector<128x128xf32> to vector<2x128xf32>
    %slice3A_1733 = vector.extract_strided_slice %select_n3A_1710 {offsets = [0, 0], sizes = [126, 128], strides = [1, 1]} : vector<128x128xf32> to vector<126x128xf32>
    %concatenate3A_1734 = tpu.concatenate %slice3A_1732, %slice3A_1733 in 0 : vector<2x128xf32>, vector<126x128xf32> -> vector<128x128xf32>
    %slice3A_1735 = vector.extract_strided_slice %select_n3A_1710 {offsets = [2, 0], sizes = [126, 128], strides = [1, 1]} : vector<128x128xf32> to vector<126x128xf32>
    %slice3A_1736 = vector.extract_strided_slice %select_n3A_1710 {offsets = [0, 0], sizes = [2, 128], strides = [1, 1]} : vector<128x128xf32> to vector<2x128xf32>
    %concatenate3A_1737 = tpu.concatenate %slice3A_1735, %slice3A_1736 in 0 : vector<126x128xf32>, vector<2x128xf32> -> vector<128x128xf32>
    %select_n3A_1738 = arith.select %ne3A_1717, %concatenate3A_1734, %concatenate3A_1737 : vector<128x128xi1>, vector<128x128xf32>
    %ne3A_1739 = arith.xori %ne3A_1717, %eq3A_1724 : vector<128x128xi1>
    %lt3A_1740 = arith.cmpf olt, %select_n3A_1731, %select_n3A_1709 : vector<128x128xf32>
    %eq3A_1741 = arith.xori %lt3A_1740, %ne3A_1739 : vector<128x128xi1>
    %eq3A_1742 = arith.constant dense<true> : vector<128x128xi1>
    %eq3A_1743 = arith.xori %eq3A_1741, %eq3A_1742 : vector<128x128xi1>
    %ne3A_1744 = arith.cmpf one, %select_n3A_1731, %select_n3A_1709 : vector<128x128xf32>
    %and3A_1745 = arith.andi %eq3A_1743, %ne3A_1744 : vector<128x128xi1>
    %select_n3A_1746 = arith.select %and3A_1745, %select_n3A_1731, %select_n3A_1709 : vector<128x128xi1>, vector<128x128xf32>
    %select_n3A_1747 = arith.select %and3A_1745, %select_n3A_1738, %select_n3A_1710 : vector<128x128xi1>, vector<128x128xf32>
    %iota3A_1748 = tpu.iota {dimensions = array<i32: 0>} : vector<128x128xi32>
    %and3A_1749 = arith.constant 1 : i32
    %and3A_1750 = vector.broadcast %and3A_1749 : i32 to vector<128x128xi32>
    %and3A_1751 = arith.andi %iota3A_1748, %and3A_1750 : vector<128x128xi32>
    %ne3A_1752 = arith.constant 0 : i32
    %ne3A_1753 = vector.broadcast %ne3A_1752 : i32 to vector<128x128xi32>
    %ne3A_1754 = arith.cmpi ne, %and3A_1751, %ne3A_1753 : vector<128x128xi32>
    %iota3A_1755 = tpu.iota {dimensions = array<i32: 0>} : vector<128x128xi32>
    %and3A_1756 = arith.constant 8 : i32
    %and3A_1757 = vector.broadcast %and3A_1756 : i32 to vector<128x128xi32>
    %and3A_1758 = arith.andi %iota3A_1755, %and3A_1757 : vector<128x128xi32>
    %eq3A_1759 = arith.constant 0 : i32
    %eq3A_1760 = vector.broadcast %eq3A_1759 : i32 to vector<128x128xi32>
    %eq3A_1761 = arith.cmpi eq, %and3A_1758, %eq3A_1760 : vector<128x128xi32>
    %slice3A_1762 = vector.extract_strided_slice %select_n3A_1746 {offsets = [127, 0], sizes = [1, 128], strides = [1, 1]} : vector<128x128xf32> to vector<1x128xf32>
    %slice3A_1763 = vector.extract_strided_slice %select_n3A_1746 {offsets = [0, 0], sizes = [127, 128], strides = [1, 1]} : vector<128x128xf32> to vector<127x128xf32>
    %concatenate3A_1764 = tpu.concatenate %slice3A_1762, %slice3A_1763 in 0 : vector<1x128xf32>, vector<127x128xf32> -> vector<128x128xf32>
    %slice3A_1765 = vector.extract_strided_slice %select_n3A_1746 {offsets = [1, 0], sizes = [127, 128], strides = [1, 1]} : vector<128x128xf32> to vector<127x128xf32>
    %slice3A_1766 = vector.extract_strided_slice %select_n3A_1746 {offsets = [0, 0], sizes = [1, 128], strides = [1, 1]} : vector<128x128xf32> to vector<1x128xf32>
    %concatenate3A_1767 = tpu.concatenate %slice3A_1765, %slice3A_1766 in 0 : vector<127x128xf32>, vector<1x128xf32> -> vector<128x128xf32>
    %select_n3A_1768 = arith.select %ne3A_1754, %concatenate3A_1764, %concatenate3A_1767 : vector<128x128xi1>, vector<128x128xf32>
    %slice3A_1769 = vector.extract_strided_slice %select_n3A_1747 {offsets = [127, 0], sizes = [1, 128], strides = [1, 1]} : vector<128x128xf32> to vector<1x128xf32>
    %slice3A_1770 = vector.extract_strided_slice %select_n3A_1747 {offsets = [0, 0], sizes = [127, 128], strides = [1, 1]} : vector<128x128xf32> to vector<127x128xf32>
    %concatenate3A_1771 = tpu.concatenate %slice3A_1769, %slice3A_1770 in 0 : vector<1x128xf32>, vector<127x128xf32> -> vector<128x128xf32>
    %slice3A_1772 = vector.extract_strided_slice %select_n3A_1747 {offsets = [1, 0], sizes = [127, 128], strides = [1, 1]} : vector<128x128xf32> to vector<127x128xf32>
    %slice3A_1773 = vector.extract_strided_slice %select_n3A_1747 {offsets = [0, 0], sizes = [1, 128], strides = [1, 1]} : vector<128x128xf32> to vector<1x128xf32>
    %concatenate3A_1774 = tpu.concatenate %slice3A_1772, %slice3A_1773 in 0 : vector<127x128xf32>, vector<1x128xf32> -> vector<128x128xf32>
    %select_n3A_1775 = arith.select %ne3A_1754, %concatenate3A_1771, %concatenate3A_1774 : vector<128x128xi1>, vector<128x128xf32>
    %ne3A_1776 = arith.xori %ne3A_1754, %eq3A_1761 : vector<128x128xi1>
    %lt3A_1777 = arith.cmpf olt, %select_n3A_1768, %select_n3A_1746 : vector<128x128xf32>
    %eq3A_1778 = arith.xori %lt3A_1777, %ne3A_1776 : vector<128x128xi1>
    %eq3A_1779 = arith.constant dense<true> : vector<128x128xi1>
    %eq3A_1780 = arith.xori %eq3A_1778, %eq3A_1779 : vector<128x128xi1>
    %ne3A_1781 = arith.cmpf one, %select_n3A_1768, %select_n3A_1746 : vector<128x128xf32>
    %and3A_1782 = arith.andi %eq3A_1780, %ne3A_1781 : vector<128x128xi1>
    %select_n3A_1783 = arith.select %and3A_1782, %select_n3A_1768, %select_n3A_1746 : vector<128x128xi1>, vector<128x128xf32>
    %select_n3A_1784 = arith.select %and3A_1782, %select_n3A_1775, %select_n3A_1747 : vector<128x128xi1>, vector<128x128xf32>
    %iota3A_1785 = tpu.iota {dimensions = array<i32: 1>} : vector<128x128xi32>
    %and3A_1786 = arith.constant 64 : i32
    %and3A_1787 = vector.broadcast %and3A_1786 : i32 to vector<128x128xi32>
    %and3A_1788 = arith.andi %iota3A_1785, %and3A_1787 : vector<128x128xi32>
    %ne3A_1789 = arith.constant 0 : i32
    %ne3A_1790 = vector.broadcast %ne3A_1789 : i32 to vector<128x128xi32>
    %ne3A_1791 = arith.cmpi ne, %and3A_1788, %ne3A_1790 : vector<128x128xi32>
    %iota3A_1792 = tpu.iota {dimensions = array<i32: 0>} : vector<128x128xi32>
    %and3A_1793 = arith.constant 8 : i32
    %and3A_1794 = vector.broadcast %and3A_1793 : i32 to vector<128x128xi32>
    %and3A_1795 = arith.andi %iota3A_1792, %and3A_1794 : vector<128x128xi32>
    %eq3A_1796 = arith.constant 0 : i32
    %eq3A_1797 = vector.broadcast %eq3A_1796 : i32 to vector<128x128xi32>
    %eq3A_1798 = arith.cmpi eq, %and3A_1795, %eq3A_1797 : vector<128x128xi32>
    %slice3A_1799 = vector.extract_strided_slice %select_n3A_1783 {offsets = [0, 64], sizes = [128, 64], strides = [1, 1]} : vector<128x128xf32> to vector<128x64xf32>
    %slice3A_1800 = vector.extract_strided_slice %select_n3A_1783 {offsets = [0, 0], sizes = [128, 64], strides = [1, 1]} : vector<128x128xf32> to vector<128x64xf32>
    %concatenate3A_1801 = tpu.concatenate %slice3A_1799, %slice3A_1800 in 1 : vector<128x64xf32>, vector<128x64xf32> -> vector<128x128xf32>
    %slice3A_1802 = vector.extract_strided_slice %select_n3A_1783 {offsets = [0, 64], sizes = [128, 64], strides = [1, 1]} : vector<128x128xf32> to vector<128x64xf32>
    %slice3A_1803 = vector.extract_strided_slice %select_n3A_1783 {offsets = [0, 0], sizes = [128, 64], strides = [1, 1]} : vector<128x128xf32> to vector<128x64xf32>
    %concatenate3A_1804 = tpu.concatenate %slice3A_1802, %slice3A_1803 in 1 : vector<128x64xf32>, vector<128x64xf32> -> vector<128x128xf32>
    %select_n3A_1805 = arith.select %ne3A_1791, %concatenate3A_1801, %concatenate3A_1804 : vector<128x128xi1>, vector<128x128xf32>
    %slice3A_1806 = vector.extract_strided_slice %select_n3A_1784 {offsets = [0, 64], sizes = [128, 64], strides = [1, 1]} : vector<128x128xf32> to vector<128x64xf32>
    %slice3A_1807 = vector.extract_strided_slice %select_n3A_1784 {offsets = [0, 0], sizes = [128, 64], strides = [1, 1]} : vector<128x128xf32> to vector<128x64xf32>
    %concatenate3A_1808 = tpu.concatenate %slice3A_1806, %slice3A_1807 in 1 : vector<128x64xf32>, vector<128x64xf32> -> vector<128x128xf32>
    %slice3A_1809 = vector.extract_strided_slice %select_n3A_1784 {offsets = [0, 64], sizes = [128, 64], strides = [1, 1]} : vector<128x128xf32> to vector<128x64xf32>
    %slice3A_1810 = vector.extract_strided_slice %select_n3A_1784 {offsets = [0, 0], sizes = [128, 64], strides = [1, 1]} : vector<128x128xf32> to vector<128x64xf32>
    %concatenate3A_1811 = tpu.concatenate %slice3A_1809, %slice3A_1810 in 1 : vector<128x64xf32>, vector<128x64xf32> -> vector<128x128xf32>
    %select_n3A_1812 = arith.select %ne3A_1791, %concatenate3A_1808, %concatenate3A_1811 : vector<128x128xi1>, vector<128x128xf32>
    %ne3A_1813 = arith.xori %ne3A_1791, %eq3A_1798 : vector<128x128xi1>
    %lt3A_1814 = arith.cmpf olt, %select_n3A_1805, %select_n3A_1783 : vector<128x128xf32>
    %eq3A_1815 = arith.xori %lt3A_1814, %ne3A_1813 : vector<128x128xi1>
    %eq3A_1816 = arith.constant dense<true> : vector<128x128xi1>
    %eq3A_1817 = arith.xori %eq3A_1815, %eq3A_1816 : vector<128x128xi1>
    %ne3A_1818 = arith.cmpf one, %select_n3A_1805, %select_n3A_1783 : vector<128x128xf32>
    %and3A_1819 = arith.andi %eq3A_1817, %ne3A_1818 : vector<128x128xi1>
    %select_n3A_1820 = arith.select %and3A_1819, %select_n3A_1805, %select_n3A_1783 : vector<128x128xi1>, vector<128x128xf32>
    %select_n3A_1821 = arith.select %and3A_1819, %select_n3A_1812, %select_n3A_1784 : vector<128x128xi1>, vector<128x128xf32>
    %iota3A_1822 = tpu.iota {dimensions = array<i32: 1>} : vector<128x128xi32>
    %and3A_1823 = arith.constant 32 : i32
    %and3A_1824 = vector.broadcast %and3A_1823 : i32 to vector<128x128xi32>
    %and3A_1825 = arith.andi %iota3A_1822, %and3A_1824 : vector<128x128xi32>
    %ne3A_1826 = arith.constant 0 : i32
    %ne3A_1827 = vector.broadcast %ne3A_1826 : i32 to vector<128x128xi32>
    %ne3A_1828 = arith.cmpi ne, %and3A_1825, %ne3A_1827 : vector<128x128xi32>
    %iota3A_1829 = tpu.iota {dimensions = array<i32: 0>} : vector<128x128xi32>
    %and3A_1830 = arith.constant 8 : i32
    %and3A_1831 = vector.broadcast %and3A_1830 : i32 to vector<128x128xi32>
    %and3A_1832 = arith.andi %iota3A_1829, %and3A_1831 : vector<128x128xi32>
    %eq3A_1833 = arith.constant 0 : i32
    %eq3A_1834 = vector.broadcast %eq3A_1833 : i32 to vector<128x128xi32>
    %eq3A_1835 = arith.cmpi eq, %and3A_1832, %eq3A_1834 : vector<128x128xi32>
    %slice3A_1836 = vector.extract_strided_slice %select_n3A_1820 {offsets = [0, 96], sizes = [128, 32], strides = [1, 1]} : vector<128x128xf32> to vector<128x32xf32>
    %slice3A_1837 = vector.extract_strided_slice %select_n3A_1820 {offsets = [0, 0], sizes = [128, 96], strides = [1, 1]} : vector<128x128xf32> to vector<128x96xf32>
    %concatenate3A_1838 = tpu.concatenate %slice3A_1836, %slice3A_1837 in 1 : vector<128x32xf32>, vector<128x96xf32> -> vector<128x128xf32>
    %slice3A_1839 = vector.extract_strided_slice %select_n3A_1820 {offsets = [0, 32], sizes = [128, 96], strides = [1, 1]} : vector<128x128xf32> to vector<128x96xf32>
    %slice3A_1840 = vector.extract_strided_slice %select_n3A_1820 {offsets = [0, 0], sizes = [128, 32], strides = [1, 1]} : vector<128x128xf32> to vector<128x32xf32>
    %concatenate3A_1841 = tpu.concatenate %slice3A_1839, %slice3A_1840 in 1 : vector<128x96xf32>, vector<128x32xf32> -> vector<128x128xf32>
    %select_n3A_1842 = arith.select %ne3A_1828, %concatenate3A_1838, %concatenate3A_1841 : vector<128x128xi1>, vector<128x128xf32>
    %slice3A_1843 = vector.extract_strided_slice %select_n3A_1821 {offsets = [0, 96], sizes = [128, 32], strides = [1, 1]} : vector<128x128xf32> to vector<128x32xf32>
    %slice3A_1844 = vector.extract_strided_slice %select_n3A_1821 {offsets = [0, 0], sizes = [128, 96], strides = [1, 1]} : vector<128x128xf32> to vector<128x96xf32>
    %concatenate3A_1845 = tpu.concatenate %slice3A_1843, %slice3A_1844 in 1 : vector<128x32xf32>, vector<128x96xf32> -> vector<128x128xf32>
    %slice3A_1846 = vector.extract_strided_slice %select_n3A_1821 {offsets = [0, 32], sizes = [128, 96], strides = [1, 1]} : vector<128x128xf32> to vector<128x96xf32>
    %slice3A_1847 = vector.extract_strided_slice %select_n3A_1821 {offsets = [0, 0], sizes = [128, 32], strides = [1, 1]} : vector<128x128xf32> to vector<128x32xf32>
    %concatenate3A_1848 = tpu.concatenate %slice3A_1846, %slice3A_1847 in 1 : vector<128x96xf32>, vector<128x32xf32> -> vector<128x128xf32>
    %select_n3A_1849 = arith.select %ne3A_1828, %concatenate3A_1845, %concatenate3A_1848 : vector<128x128xi1>, vector<128x128xf32>
    %ne3A_1850 = arith.xori %ne3A_1828, %eq3A_1835 : vector<128x128xi1>
    %lt3A_1851 = arith.cmpf olt, %select_n3A_1842, %select_n3A_1820 : vector<128x128xf32>
    %eq3A_1852 = arith.xori %lt3A_1851, %ne3A_1850 : vector<128x128xi1>
    %eq3A_1853 = arith.constant dense<true> : vector<128x128xi1>
    %eq3A_1854 = arith.xori %eq3A_1852, %eq3A_1853 : vector<128x128xi1>
    %ne3A_1855 = arith.cmpf one, %select_n3A_1842, %select_n3A_1820 : vector<128x128xf32>
    %and3A_1856 = arith.andi %eq3A_1854, %ne3A_1855 : vector<128x128xi1>
    %select_n3A_1857 = arith.select %and3A_1856, %select_n3A_1842, %select_n3A_1820 : vector<128x128xi1>, vector<128x128xf32>
    %select_n3A_1858 = arith.select %and3A_1856, %select_n3A_1849, %select_n3A_1821 : vector<128x128xi1>, vector<128x128xf32>
    %iota3A_1859 = tpu.iota {dimensions = array<i32: 1>} : vector<128x128xi32>
    %and3A_1860 = arith.constant 16 : i32
    %and3A_1861 = vector.broadcast %and3A_1860 : i32 to vector<128x128xi32>
    %and3A_1862 = arith.andi %iota3A_1859, %and3A_1861 : vector<128x128xi32>
    %ne3A_1863 = arith.constant 0 : i32
    %ne3A_1864 = vector.broadcast %ne3A_1863 : i32 to vector<128x128xi32>
    %ne3A_1865 = arith.cmpi ne, %and3A_1862, %ne3A_1864 : vector<128x128xi32>
    %iota3A_1866 = tpu.iota {dimensions = array<i32: 0>} : vector<128x128xi32>
    %and3A_1867 = arith.constant 8 : i32
    %and3A_1868 = vector.broadcast %and3A_1867 : i32 to vector<128x128xi32>
    %and3A_1869 = arith.andi %iota3A_1866, %and3A_1868 : vector<128x128xi32>
    %eq3A_1870 = arith.constant 0 : i32
    %eq3A_1871 = vector.broadcast %eq3A_1870 : i32 to vector<128x128xi32>
    %eq3A_1872 = arith.cmpi eq, %and3A_1869, %eq3A_1871 : vector<128x128xi32>
    %slice3A_1873 = vector.extract_strided_slice %select_n3A_1857 {offsets = [0, 112], sizes = [128, 16], strides = [1, 1]} : vector<128x128xf32> to vector<128x16xf32>
    %slice3A_1874 = vector.extract_strided_slice %select_n3A_1857 {offsets = [0, 0], sizes = [128, 112], strides = [1, 1]} : vector<128x128xf32> to vector<128x112xf32>
    %concatenate3A_1875 = tpu.concatenate %slice3A_1873, %slice3A_1874 in 1 : vector<128x16xf32>, vector<128x112xf32> -> vector<128x128xf32>
    %slice3A_1876 = vector.extract_strided_slice %select_n3A_1857 {offsets = [0, 16], sizes = [128, 112], strides = [1, 1]} : vector<128x128xf32> to vector<128x112xf32>
    %slice3A_1877 = vector.extract_strided_slice %select_n3A_1857 {offsets = [0, 0], sizes = [128, 16], strides = [1, 1]} : vector<128x128xf32> to vector<128x16xf32>
    %concatenate3A_1878 = tpu.concatenate %slice3A_1876, %slice3A_1877 in 1 : vector<128x112xf32>, vector<128x16xf32> -> vector<128x128xf32>
    %select_n3A_1879 = arith.select %ne3A_1865, %concatenate3A_1875, %concatenate3A_1878 : vector<128x128xi1>, vector<128x128xf32>
    %slice3A_1880 = vector.extract_strided_slice %select_n3A_1858 {offsets = [0, 112], sizes = [128, 16], strides = [1, 1]} : vector<128x128xf32> to vector<128x16xf32>
    %slice3A_1881 = vector.extract_strided_slice %select_n3A_1858 {offsets = [0, 0], sizes = [128, 112], strides = [1, 1]} : vector<128x128xf32> to vector<128x112xf32>
    %concatenate3A_1882 = tpu.concatenate %slice3A_1880, %slice3A_1881 in 1 : vector<128x16xf32>, vector<128x112xf32> -> vector<128x128xf32>
    %slice3A_1883 = vector.extract_strided_slice %select_n3A_1858 {offsets = [0, 16], sizes = [128, 112], strides = [1, 1]} : vector<128x128xf32> to vector<128x112xf32>
    %slice3A_1884 = vector.extract_strided_slice %select_n3A_1858 {offsets = [0, 0], sizes = [128, 16], strides = [1, 1]} : vector<128x128xf32> to vector<128x16xf32>
    %concatenate3A_1885 = tpu.concatenate %slice3A_1883, %slice3A_1884 in 1 : vector<128x112xf32>, vector<128x16xf32> -> vector<128x128xf32>
    %select_n3A_1886 = arith.select %ne3A_1865, %concatenate3A_1882, %concatenate3A_1885 : vector<128x128xi1>, vector<128x128xf32>
    %ne3A_1887 = arith.xori %ne3A_1865, %eq3A_1872 : vector<128x128xi1>
    %lt3A_1888 = arith.cmpf olt, %select_n3A_1879, %select_n3A_1857 : vector<128x128xf32>
    %eq3A_1889 = arith.xori %lt3A_1888, %ne3A_1887 : vector<128x128xi1>
    %eq3A_1890 = arith.constant dense<true> : vector<128x128xi1>
    %eq3A_1891 = arith.xori %eq3A_1889, %eq3A_1890 : vector<128x128xi1>
    %ne3A_1892 = arith.cmpf one, %select_n3A_1879, %select_n3A_1857 : vector<128x128xf32>
    %and3A_1893 = arith.andi %eq3A_1891, %ne3A_1892 : vector<128x128xi1>
    %select_n3A_1894 = arith.select %and3A_1893, %select_n3A_1879, %select_n3A_1857 : vector<128x128xi1>, vector<128x128xf32>
    %select_n3A_1895 = arith.select %and3A_1893, %select_n3A_1886, %select_n3A_1858 : vector<128x128xi1>, vector<128x128xf32>
    %iota3A_1896 = tpu.iota {dimensions = array<i32: 1>} : vector<128x128xi32>
    %and3A_1897 = arith.constant 8 : i32
    %and3A_1898 = vector.broadcast %and3A_1897 : i32 to vector<128x128xi32>
    %and3A_1899 = arith.andi %iota3A_1896, %and3A_1898 : vector<128x128xi32>
    %ne3A_1900 = arith.constant 0 : i32
    %ne3A_1901 = vector.broadcast %ne3A_1900 : i32 to vector<128x128xi32>
    %ne3A_1902 = arith.cmpi ne, %and3A_1899, %ne3A_1901 : vector<128x128xi32>
    %iota3A_1903 = tpu.iota {dimensions = array<i32: 0>} : vector<128x128xi32>
    %and3A_1904 = arith.constant 8 : i32
    %and3A_1905 = vector.broadcast %and3A_1904 : i32 to vector<128x128xi32>
    %and3A_1906 = arith.andi %iota3A_1903, %and3A_1905 : vector<128x128xi32>
    %eq3A_1907 = arith.constant 0 : i32
    %eq3A_1908 = vector.broadcast %eq3A_1907 : i32 to vector<128x128xi32>
    %eq3A_1909 = arith.cmpi eq, %and3A_1906, %eq3A_1908 : vector<128x128xi32>
    %slice3A_1910 = vector.extract_strided_slice %select_n3A_1894 {offsets = [0, 120], sizes = [128, 8], strides = [1, 1]} : vector<128x128xf32> to vector<128x8xf32>
    %slice3A_1911 = vector.extract_strided_slice %select_n3A_1894 {offsets = [0, 0], sizes = [128, 120], strides = [1, 1]} : vector<128x128xf32> to vector<128x120xf32>
    %concatenate3A_1912 = tpu.concatenate %slice3A_1910, %slice3A_1911 in 1 : vector<128x8xf32>, vector<128x120xf32> -> vector<128x128xf32>
    %slice3A_1913 = vector.extract_strided_slice %select_n3A_1894 {offsets = [0, 8], sizes = [128, 120], strides = [1, 1]} : vector<128x128xf32> to vector<128x120xf32>
    %slice3A_1914 = vector.extract_strided_slice %select_n3A_1894 {offsets = [0, 0], sizes = [128, 8], strides = [1, 1]} : vector<128x128xf32> to vector<128x8xf32>
    %concatenate3A_1915 = tpu.concatenate %slice3A_1913, %slice3A_1914 in 1 : vector<128x120xf32>, vector<128x8xf32> -> vector<128x128xf32>
    %select_n3A_1916 = arith.select %ne3A_1902, %concatenate3A_1912, %concatenate3A_1915 : vector<128x128xi1>, vector<128x128xf32>
    %slice3A_1917 = vector.extract_strided_slice %select_n3A_1895 {offsets = [0, 120], sizes = [128, 8], strides = [1, 1]} : vector<128x128xf32> to vector<128x8xf32>
    %slice3A_1918 = vector.extract_strided_slice %select_n3A_1895 {offsets = [0, 0], sizes = [128, 120], strides = [1, 1]} : vector<128x128xf32> to vector<128x120xf32>
    %concatenate3A_1919 = tpu.concatenate %slice3A_1917, %slice3A_1918 in 1 : vector<128x8xf32>, vector<128x120xf32> -> vector<128x128xf32>
    %slice3A_1920 = vector.extract_strided_slice %select_n3A_1895 {offsets = [0, 8], sizes = [128, 120], strides = [1, 1]} : vector<128x128xf32> to vector<128x120xf32>
    %slice3A_1921 = vector.extract_strided_slice %select_n3A_1895 {offsets = [0, 0], sizes = [128, 8], strides = [1, 1]} : vector<128x128xf32> to vector<128x8xf32>
    %concatenate3A_1922 = tpu.concatenate %slice3A_1920, %slice3A_1921 in 1 : vector<128x120xf32>, vector<128x8xf32> -> vector<128x128xf32>
    %select_n3A_1923 = arith.select %ne3A_1902, %concatenate3A_1919, %concatenate3A_1922 : vector<128x128xi1>, vector<128x128xf32>
    %ne3A_1924 = arith.xori %ne3A_1902, %eq3A_1909 : vector<128x128xi1>
    %lt3A_1925 = arith.cmpf olt, %select_n3A_1916, %select_n3A_1894 : vector<128x128xf32>
    %eq3A_1926 = arith.xori %lt3A_1925, %ne3A_1924 : vector<128x128xi1>
    %eq3A_1927 = arith.constant dense<true> : vector<128x128xi1>
    %eq3A_1928 = arith.xori %eq3A_1926, %eq3A_1927 : vector<128x128xi1>
    %ne3A_1929 = arith.cmpf one, %select_n3A_1916, %select_n3A_1894 : vector<128x128xf32>
    %and3A_1930 = arith.andi %eq3A_1928, %ne3A_1929 : vector<128x128xi1>
    %select_n3A_1931 = arith.select %and3A_1930, %select_n3A_1916, %select_n3A_1894 : vector<128x128xi1>, vector<128x128xf32>
    %select_n3A_1932 = arith.select %and3A_1930, %select_n3A_1923, %select_n3A_1895 : vector<128x128xi1>, vector<128x128xf32>
    %iota3A_1933 = tpu.iota {dimensions = array<i32: 1>} : vector<128x128xi32>
    %and3A_1934 = arith.constant 4 : i32
    %and3A_1935 = vector.broadcast %and3A_1934 : i32 to vector<128x128xi32>
    %and3A_1936 = arith.andi %iota3A_1933, %and3A_1935 : vector<128x128xi32>
    %ne3A_1937 = arith.constant 0 : i32
    %ne3A_1938 = vector.broadcast %ne3A_1937 : i32 to vector<128x128xi32>
    %ne3A_1939 = arith.cmpi ne, %and3A_1936, %ne3A_1938 : vector<128x128xi32>
    %iota3A_1940 = tpu.iota {dimensions = array<i32: 0>} : vector<128x128xi32>
    %and3A_1941 = arith.constant 8 : i32
    %and3A_1942 = vector.broadcast %and3A_1941 : i32 to vector<128x128xi32>
    %and3A_1943 = arith.andi %iota3A_1940, %and3A_1942 : vector<128x128xi32>
    %eq3A_1944 = arith.constant 0 : i32
    %eq3A_1945 = vector.broadcast %eq3A_1944 : i32 to vector<128x128xi32>
    %eq3A_1946 = arith.cmpi eq, %and3A_1943, %eq3A_1945 : vector<128x128xi32>
    %slice3A_1947 = vector.extract_strided_slice %select_n3A_1931 {offsets = [0, 124], sizes = [128, 4], strides = [1, 1]} : vector<128x128xf32> to vector<128x4xf32>
    %slice3A_1948 = vector.extract_strided_slice %select_n3A_1931 {offsets = [0, 0], sizes = [128, 124], strides = [1, 1]} : vector<128x128xf32> to vector<128x124xf32>
    %concatenate3A_1949 = tpu.concatenate %slice3A_1947, %slice3A_1948 in 1 : vector<128x4xf32>, vector<128x124xf32> -> vector<128x128xf32>
    %slice3A_1950 = vector.extract_strided_slice %select_n3A_1931 {offsets = [0, 4], sizes = [128, 124], strides = [1, 1]} : vector<128x128xf32> to vector<128x124xf32>
    %slice3A_1951 = vector.extract_strided_slice %select_n3A_1931 {offsets = [0, 0], sizes = [128, 4], strides = [1, 1]} : vector<128x128xf32> to vector<128x4xf32>
    %concatenate3A_1952 = tpu.concatenate %slice3A_1950, %slice3A_1951 in 1 : vector<128x124xf32>, vector<128x4xf32> -> vector<128x128xf32>
    %select_n3A_1953 = arith.select %ne3A_1939, %concatenate3A_1949, %concatenate3A_1952 : vector<128x128xi1>, vector<128x128xf32>
    %slice3A_1954 = vector.extract_strided_slice %select_n3A_1932 {offsets = [0, 124], sizes = [128, 4], strides = [1, 1]} : vector<128x128xf32> to vector<128x4xf32>
    %slice3A_1955 = vector.extract_strided_slice %select_n3A_1932 {offsets = [0, 0], sizes = [128, 124], strides = [1, 1]} : vector<128x128xf32> to vector<128x124xf32>
    %concatenate3A_1956 = tpu.concatenate %slice3A_1954, %slice3A_1955 in 1 : vector<128x4xf32>, vector<128x124xf32> -> vector<128x128xf32>
    %slice3A_1957 = vector.extract_strided_slice %select_n3A_1932 {offsets = [0, 4], sizes = [128, 124], strides = [1, 1]} : vector<128x128xf32> to vector<128x124xf32>
    %slice3A_1958 = vector.extract_strided_slice %select_n3A_1932 {offsets = [0, 0], sizes = [128, 4], strides = [1, 1]} : vector<128x128xf32> to vector<128x4xf32>
    %concatenate3A_1959 = tpu.concatenate %slice3A_1957, %slice3A_1958 in 1 : vector<128x124xf32>, vector<128x4xf32> -> vector<128x128xf32>
    %select_n3A_1960 = arith.select %ne3A_1939, %concatenate3A_1956, %concatenate3A_1959 : vector<128x128xi1>, vector<128x128xf32>
    %ne3A_1961 = arith.xori %ne3A_1939, %eq3A_1946 : vector<128x128xi1>
    %lt3A_1962 = arith.cmpf olt, %select_n3A_1953, %select_n3A_1931 : vector<128x128xf32>
    %eq3A_1963 = arith.xori %lt3A_1962, %ne3A_1961 : vector<128x128xi1>
    %eq3A_1964 = arith.constant dense<true> : vector<128x128xi1>
    %eq3A_1965 = arith.xori %eq3A_1963, %eq3A_1964 : vector<128x128xi1>
    %ne3A_1966 = arith.cmpf one, %select_n3A_1953, %select_n3A_1931 : vector<128x128xf32>
    %and3A_1967 = arith.andi %eq3A_1965, %ne3A_1966 : vector<128x128xi1>
    %select_n3A_1968 = arith.select %and3A_1967, %select_n3A_1953, %select_n3A_1931 : vector<128x128xi1>, vector<128x128xf32>
    %select_n3A_1969 = arith.select %and3A_1967, %select_n3A_1960, %select_n3A_1932 : vector<128x128xi1>, vector<128x128xf32>
    %iota3A_1970 = tpu.iota {dimensions = array<i32: 1>} : vector<128x128xi32>
    %and3A_1971 = arith.constant 2 : i32
    %and3A_1972 = vector.broadcast %and3A_1971 : i32 to vector<128x128xi32>
    %and3A_1973 = arith.andi %iota3A_1970, %and3A_1972 : vector<128x128xi32>
    %ne3A_1974 = arith.constant 0 : i32
    %ne3A_1975 = vector.broadcast %ne3A_1974 : i32 to vector<128x128xi32>
    %ne3A_1976 = arith.cmpi ne, %and3A_1973, %ne3A_1975 : vector<128x128xi32>
    %iota3A_1977 = tpu.iota {dimensions = array<i32: 0>} : vector<128x128xi32>
    %and3A_1978 = arith.constant 8 : i32
    %and3A_1979 = vector.broadcast %and3A_1978 : i32 to vector<128x128xi32>
    %and3A_1980 = arith.andi %iota3A_1977, %and3A_1979 : vector<128x128xi32>
    %eq3A_1981 = arith.constant 0 : i32
    %eq3A_1982 = vector.broadcast %eq3A_1981 : i32 to vector<128x128xi32>
    %eq3A_1983 = arith.cmpi eq, %and3A_1980, %eq3A_1982 : vector<128x128xi32>
    %slice3A_1984 = vector.extract_strided_slice %select_n3A_1968 {offsets = [0, 126], sizes = [128, 2], strides = [1, 1]} : vector<128x128xf32> to vector<128x2xf32>
    %slice3A_1985 = vector.extract_strided_slice %select_n3A_1968 {offsets = [0, 0], sizes = [128, 126], strides = [1, 1]} : vector<128x128xf32> to vector<128x126xf32>
    %concatenate3A_1986 = tpu.concatenate %slice3A_1984, %slice3A_1985 in 1 : vector<128x2xf32>, vector<128x126xf32> -> vector<128x128xf32>
    %slice3A_1987 = vector.extract_strided_slice %select_n3A_1968 {offsets = [0, 2], sizes = [128, 126], strides = [1, 1]} : vector<128x128xf32> to vector<128x126xf32>
    %slice3A_1988 = vector.extract_strided_slice %select_n3A_1968 {offsets = [0, 0], sizes = [128, 2], strides = [1, 1]} : vector<128x128xf32> to vector<128x2xf32>
    %concatenate3A_1989 = tpu.concatenate %slice3A_1987, %slice3A_1988 in 1 : vector<128x126xf32>, vector<128x2xf32> -> vector<128x128xf32>
    %select_n3A_1990 = arith.select %ne3A_1976, %concatenate3A_1986, %concatenate3A_1989 : vector<128x128xi1>, vector<128x128xf32>
    %slice3A_1991 = vector.extract_strided_slice %select_n3A_1969 {offsets = [0, 126], sizes = [128, 2], strides = [1, 1]} : vector<128x128xf32> to vector<128x2xf32>
    %slice3A_1992 = vector.extract_strided_slice %select_n3A_1969 {offsets = [0, 0], sizes = [128, 126], strides = [1, 1]} : vector<128x128xf32> to vector<128x126xf32>
    %concatenate3A_1993 = tpu.concatenate %slice3A_1991, %slice3A_1992 in 1 : vector<128x2xf32>, vector<128x126xf32> -> vector<128x128xf32>
    %slice3A_1994 = vector.extract_strided_slice %select_n3A_1969 {offsets = [0, 2], sizes = [128, 126], strides = [1, 1]} : vector<128x128xf32> to vector<128x126xf32>
    %slice3A_1995 = vector.extract_strided_slice %select_n3A_1969 {offsets = [0, 0], sizes = [128, 2], strides = [1, 1]} : vector<128x128xf32> to vector<128x2xf32>
    %concatenate3A_1996 = tpu.concatenate %slice3A_1994, %slice3A_1995 in 1 : vector<128x126xf32>, vector<128x2xf32> -> vector<128x128xf32>
    %select_n3A_1997 = arith.select %ne3A_1976, %concatenate3A_1993, %concatenate3A_1996 : vector<128x128xi1>, vector<128x128xf32>
    %ne3A_1998 = arith.xori %ne3A_1976, %eq3A_1983 : vector<128x128xi1>
    %lt3A_1999 = arith.cmpf olt, %select_n3A_1990, %select_n3A_1968 : vector<128x128xf32>
    %eq3A_2000 = arith.xori %lt3A_1999, %ne3A_1998 : vector<128x128xi1>
    %eq3A_2001 = arith.constant dense<true> : vector<128x128xi1>
    %eq3A_2002 = arith.xori %eq3A_2000, %eq3A_2001 : vector<128x128xi1>
    %ne3A_2003 = arith.cmpf one, %select_n3A_1990, %select_n3A_1968 : vector<128x128xf32>
    %and3A_2004 = arith.andi %eq3A_2002, %ne3A_2003 : vector<128x128xi1>
    %select_n3A_2005 = arith.select %and3A_2004, %select_n3A_1990, %select_n3A_1968 : vector<128x128xi1>, vector<128x128xf32>
    %select_n3A_2006 = arith.select %and3A_2004, %select_n3A_1997, %select_n3A_1969 : vector<128x128xi1>, vector<128x128xf32>
    %iota3A_2007 = tpu.iota {dimensions = array<i32: 1>} : vector<128x128xi32>
    %and3A_2008 = arith.constant 1 : i32
    %and3A_2009 = vector.broadcast %and3A_2008 : i32 to vector<128x128xi32>
    %and3A_2010 = arith.andi %iota3A_2007, %and3A_2009 : vector<128x128xi32>
    %ne3A_2011 = arith.constant 0 : i32
    %ne3A_2012 = vector.broadcast %ne3A_2011 : i32 to vector<128x128xi32>
    %ne3A_2013 = arith.cmpi ne, %and3A_2010, %ne3A_2012 : vector<128x128xi32>
    %iota3A_2014 = tpu.iota {dimensions = array<i32: 0>} : vector<128x128xi32>
    %and3A_2015 = arith.constant 8 : i32
    %and3A_2016 = vector.broadcast %and3A_2015 : i32 to vector<128x128xi32>
    %and3A_2017 = arith.andi %iota3A_2014, %and3A_2016 : vector<128x128xi32>
    %eq3A_2018 = arith.constant 0 : i32
    %eq3A_2019 = vector.broadcast %eq3A_2018 : i32 to vector<128x128xi32>
    %eq3A_2020 = arith.cmpi eq, %and3A_2017, %eq3A_2019 : vector<128x128xi32>
    %slice3A_2021 = vector.extract_strided_slice %select_n3A_2005 {offsets = [0, 127], sizes = [128, 1], strides = [1, 1]} : vector<128x128xf32> to vector<128x1xf32>
    %slice3A_2022 = vector.extract_strided_slice %select_n3A_2005 {offsets = [0, 0], sizes = [128, 127], strides = [1, 1]} : vector<128x128xf32> to vector<128x127xf32>
    %concatenate3A_2023 = tpu.concatenate %slice3A_2021, %slice3A_2022 in 1 : vector<128x1xf32>, vector<128x127xf32> -> vector<128x128xf32>
    %slice3A_2024 = vector.extract_strided_slice %select_n3A_2005 {offsets = [0, 1], sizes = [128, 127], strides = [1, 1]} : vector<128x128xf32> to vector<128x127xf32>
    %slice3A_2025 = vector.extract_strided_slice %select_n3A_2005 {offsets = [0, 0], sizes = [128, 1], strides = [1, 1]} : vector<128x128xf32> to vector<128x1xf32>
    %concatenate3A_2026 = tpu.concatenate %slice3A_2024, %slice3A_2025 in 1 : vector<128x127xf32>, vector<128x1xf32> -> vector<128x128xf32>
    %select_n3A_2027 = arith.select %ne3A_2013, %concatenate3A_2023, %concatenate3A_2026 : vector<128x128xi1>, vector<128x128xf32>
    %slice3A_2028 = vector.extract_strided_slice %select_n3A_2006 {offsets = [0, 127], sizes = [128, 1], strides = [1, 1]} : vector<128x128xf32> to vector<128x1xf32>
    %slice3A_2029 = vector.extract_strided_slice %select_n3A_2006 {offsets = [0, 0], sizes = [128, 127], strides = [1, 1]} : vector<128x128xf32> to vector<128x127xf32>
    %concatenate3A_2030 = tpu.concatenate %slice3A_2028, %slice3A_2029 in 1 : vector<128x1xf32>, vector<128x127xf32> -> vector<128x128xf32>
    %slice3A_2031 = vector.extract_strided_slice %select_n3A_2006 {offsets = [0, 1], sizes = [128, 127], strides = [1, 1]} : vector<128x128xf32> to vector<128x127xf32>
    %slice3A_2032 = vector.extract_strided_slice %select_n3A_2006 {offsets = [0, 0], sizes = [128, 1], strides = [1, 1]} : vector<128x128xf32> to vector<128x1xf32>
    %concatenate3A_2033 = tpu.concatenate %slice3A_2031, %slice3A_2032 in 1 : vector<128x127xf32>, vector<128x1xf32> -> vector<128x128xf32>
    %select_n3A_2034 = arith.select %ne3A_2013, %concatenate3A_2030, %concatenate3A_2033 : vector<128x128xi1>, vector<128x128xf32>
    %ne3A_2035 = arith.xori %ne3A_2013, %eq3A_2020 : vector<128x128xi1>
    %lt3A_2036 = arith.cmpf olt, %select_n3A_2027, %select_n3A_2005 : vector<128x128xf32>
    %eq3A_2037 = arith.xori %lt3A_2036, %ne3A_2035 : vector<128x128xi1>
    %eq3A_2038 = arith.constant dense<true> : vector<128x128xi1>
    %eq3A_2039 = arith.xori %eq3A_2037, %eq3A_2038 : vector<128x128xi1>
    %ne3A_2040 = arith.cmpf one, %select_n3A_2027, %select_n3A_2005 : vector<128x128xf32>
    %and3A_2041 = arith.andi %eq3A_2039, %ne3A_2040 : vector<128x128xi1>
    %select_n3A_2042 = arith.select %and3A_2041, %select_n3A_2027, %select_n3A_2005 : vector<128x128xi1>, vector<128x128xf32>
    %select_n3A_2043 = arith.select %and3A_2041, %select_n3A_2034, %select_n3A_2006 : vector<128x128xi1>, vector<128x128xf32>
    %iota3A_2044 = tpu.iota {dimensions = array<i32: 0>} : vector<128x128xi32>
    %and3A_2045 = arith.constant 8 : i32
    %and3A_2046 = vector.broadcast %and3A_2045 : i32 to vector<128x128xi32>
    %and3A_2047 = arith.andi %iota3A_2044, %and3A_2046 : vector<128x128xi32>
    %ne3A_2048 = arith.constant 0 : i32
    %ne3A_2049 = vector.broadcast %ne3A_2048 : i32 to vector<128x128xi32>
    %ne3A_2050 = arith.cmpi ne, %and3A_2047, %ne3A_2049 : vector<128x128xi32>
    %iota3A_2051 = tpu.iota {dimensions = array<i32: 0>} : vector<128x128xi32>
    %and3A_2052 = arith.constant 16 : i32
    %and3A_2053 = vector.broadcast %and3A_2052 : i32 to vector<128x128xi32>
    %and3A_2054 = arith.andi %iota3A_2051, %and3A_2053 : vector<128x128xi32>
    %eq3A_2055 = arith.constant 0 : i32
    %eq3A_2056 = vector.broadcast %eq3A_2055 : i32 to vector<128x128xi32>
    %eq3A_2057 = arith.cmpi eq, %and3A_2054, %eq3A_2056 : vector<128x128xi32>
    %slice3A_2058 = vector.extract_strided_slice %select_n3A_2042 {offsets = [120, 0], sizes = [8, 128], strides = [1, 1]} : vector<128x128xf32> to vector<8x128xf32>
    %slice3A_2059 = vector.extract_strided_slice %select_n3A_2042 {offsets = [0, 0], sizes = [120, 128], strides = [1, 1]} : vector<128x128xf32> to vector<120x128xf32>
    %concatenate3A_2060 = tpu.concatenate %slice3A_2058, %slice3A_2059 in 0 : vector<8x128xf32>, vector<120x128xf32> -> vector<128x128xf32>
    %slice3A_2061 = vector.extract_strided_slice %select_n3A_2042 {offsets = [8, 0], sizes = [120, 128], strides = [1, 1]} : vector<128x128xf32> to vector<120x128xf32>
    %slice3A_2062 = vector.extract_strided_slice %select_n3A_2042 {offsets = [0, 0], sizes = [8, 128], strides = [1, 1]} : vector<128x128xf32> to vector<8x128xf32>
    %concatenate3A_2063 = tpu.concatenate %slice3A_2061, %slice3A_2062 in 0 : vector<120x128xf32>, vector<8x128xf32> -> vector<128x128xf32>
    %select_n3A_2064 = arith.select %ne3A_2050, %concatenate3A_2060, %concatenate3A_2063 : vector<128x128xi1>, vector<128x128xf32>
    %slice3A_2065 = vector.extract_strided_slice %select_n3A_2043 {offsets = [120, 0], sizes = [8, 128], strides = [1, 1]} : vector<128x128xf32> to vector<8x128xf32>
    %slice3A_2066 = vector.extract_strided_slice %select_n3A_2043 {offsets = [0, 0], sizes = [120, 128], strides = [1, 1]} : vector<128x128xf32> to vector<120x128xf32>
    %concatenate3A_2067 = tpu.concatenate %slice3A_2065, %slice3A_2066 in 0 : vector<8x128xf32>, vector<120x128xf32> -> vector<128x128xf32>
    %slice3A_2068 = vector.extract_strided_slice %select_n3A_2043 {offsets = [8, 0], sizes = [120, 128], strides = [1, 1]} : vector<128x128xf32> to vector<120x128xf32>
    %slice3A_2069 = vector.extract_strided_slice %select_n3A_2043 {offsets = [0, 0], sizes = [8, 128], strides = [1, 1]} : vector<128x128xf32> to vector<8x128xf32>
    %concatenate3A_2070 = tpu.concatenate %slice3A_2068, %slice3A_2069 in 0 : vector<120x128xf32>, vector<8x128xf32> -> vector<128x128xf32>
    %select_n3A_2071 = arith.select %ne3A_2050, %concatenate3A_2067, %concatenate3A_2070 : vector<128x128xi1>, vector<128x128xf32>
    %ne3A_2072 = arith.xori %ne3A_2050, %eq3A_2057 : vector<128x128xi1>
    %lt3A_2073 = arith.cmpf olt, %select_n3A_2064, %select_n3A_2042 : vector<128x128xf32>
    %eq3A_2074 = arith.xori %lt3A_2073, %ne3A_2072 : vector<128x128xi1>
    %eq3A_2075 = arith.constant dense<true> : vector<128x128xi1>
    %eq3A_2076 = arith.xori %eq3A_2074, %eq3A_2075 : vector<128x128xi1>
    %ne3A_2077 = arith.cmpf one, %select_n3A_2064, %select_n3A_2042 : vector<128x128xf32>
    %and3A_2078 = arith.andi %eq3A_2076, %ne3A_2077 : vector<128x128xi1>
    %select_n3A_2079 = arith.select %and3A_2078, %select_n3A_2064, %select_n3A_2042 : vector<128x128xi1>, vector<128x128xf32>
    %select_n3A_2080 = arith.select %and3A_2078, %select_n3A_2071, %select_n3A_2043 : vector<128x128xi1>, vector<128x128xf32>
    %iota3A_2081 = tpu.iota {dimensions = array<i32: 0>} : vector<128x128xi32>
    %and3A_2082 = arith.constant 4 : i32
    %and3A_2083 = vector.broadcast %and3A_2082 : i32 to vector<128x128xi32>
    %and3A_2084 = arith.andi %iota3A_2081, %and3A_2083 : vector<128x128xi32>
    %ne3A_2085 = arith.constant 0 : i32
    %ne3A_2086 = vector.broadcast %ne3A_2085 : i32 to vector<128x128xi32>
    %ne3A_2087 = arith.cmpi ne, %and3A_2084, %ne3A_2086 : vector<128x128xi32>
    %iota3A_2088 = tpu.iota {dimensions = array<i32: 0>} : vector<128x128xi32>
    %and3A_2089 = arith.constant 16 : i32
    %and3A_2090 = vector.broadcast %and3A_2089 : i32 to vector<128x128xi32>
    %and3A_2091 = arith.andi %iota3A_2088, %and3A_2090 : vector<128x128xi32>
    %eq3A_2092 = arith.constant 0 : i32
    %eq3A_2093 = vector.broadcast %eq3A_2092 : i32 to vector<128x128xi32>
    %eq3A_2094 = arith.cmpi eq, %and3A_2091, %eq3A_2093 : vector<128x128xi32>
    %slice3A_2095 = vector.extract_strided_slice %select_n3A_2079 {offsets = [124, 0], sizes = [4, 128], strides = [1, 1]} : vector<128x128xf32> to vector<4x128xf32>
    %slice3A_2096 = vector.extract_strided_slice %select_n3A_2079 {offsets = [0, 0], sizes = [124, 128], strides = [1, 1]} : vector<128x128xf32> to vector<124x128xf32>
    %concatenate3A_2097 = tpu.concatenate %slice3A_2095, %slice3A_2096 in 0 : vector<4x128xf32>, vector<124x128xf32> -> vector<128x128xf32>
    %slice3A_2098 = vector.extract_strided_slice %select_n3A_2079 {offsets = [4, 0], sizes = [124, 128], strides = [1, 1]} : vector<128x128xf32> to vector<124x128xf32>
    %slice3A_2099 = vector.extract_strided_slice %select_n3A_2079 {offsets = [0, 0], sizes = [4, 128], strides = [1, 1]} : vector<128x128xf32> to vector<4x128xf32>
    %concatenate3A_2100 = tpu.concatenate %slice3A_2098, %slice3A_2099 in 0 : vector<124x128xf32>, vector<4x128xf32> -> vector<128x128xf32>
    %select_n3A_2101 = arith.select %ne3A_2087, %concatenate3A_2097, %concatenate3A_2100 : vector<128x128xi1>, vector<128x128xf32>
    %slice3A_2102 = vector.extract_strided_slice %select_n3A_2080 {offsets = [124, 0], sizes = [4, 128], strides = [1, 1]} : vector<128x128xf32> to vector<4x128xf32>
    %slice3A_2103 = vector.extract_strided_slice %select_n3A_2080 {offsets = [0, 0], sizes = [124, 128], strides = [1, 1]} : vector<128x128xf32> to vector<124x128xf32>
    %concatenate3A_2104 = tpu.concatenate %slice3A_2102, %slice3A_2103 in 0 : vector<4x128xf32>, vector<124x128xf32> -> vector<128x128xf32>
    %slice3A_2105 = vector.extract_strided_slice %select_n3A_2080 {offsets = [4, 0], sizes = [124, 128], strides = [1, 1]} : vector<128x128xf32> to vector<124x128xf32>
    %slice3A_2106 = vector.extract_strided_slice %select_n3A_2080 {offsets = [0, 0], sizes = [4, 128], strides = [1, 1]} : vector<128x128xf32> to vector<4x128xf32>
    %concatenate3A_2107 = tpu.concatenate %slice3A_2105, %slice3A_2106 in 0 : vector<124x128xf32>, vector<4x128xf32> -> vector<128x128xf32>
    %select_n3A_2108 = arith.select %ne3A_2087, %concatenate3A_2104, %concatenate3A_2107 : vector<128x128xi1>, vector<128x128xf32>
    %ne3A_2109 = arith.xori %ne3A_2087, %eq3A_2094 : vector<128x128xi1>
    %lt3A_2110 = arith.cmpf olt, %select_n3A_2101, %select_n3A_2079 : vector<128x128xf32>
    %eq3A_2111 = arith.xori %lt3A_2110, %ne3A_2109 : vector<128x128xi1>
    %eq3A_2112 = arith.constant dense<true> : vector<128x128xi1>
    %eq3A_2113 = arith.xori %eq3A_2111, %eq3A_2112 : vector<128x128xi1>
    %ne3A_2114 = arith.cmpf one, %select_n3A_2101, %select_n3A_2079 : vector<128x128xf32>
    %and3A_2115 = arith.andi %eq3A_2113, %ne3A_2114 : vector<128x128xi1>
    %select_n3A_2116 = arith.select %and3A_2115, %select_n3A_2101, %select_n3A_2079 : vector<128x128xi1>, vector<128x128xf32>
    %select_n3A_2117 = arith.select %and3A_2115, %select_n3A_2108, %select_n3A_2080 : vector<128x128xi1>, vector<128x128xf32>
    %iota3A_2118 = tpu.iota {dimensions = array<i32: 0>} : vector<128x128xi32>
    %and3A_2119 = arith.constant 2 : i32
    %and3A_2120 = vector.broadcast %and3A_2119 : i32 to vector<128x128xi32>
    %and3A_2121 = arith.andi %iota3A_2118, %and3A_2120 : vector<128x128xi32>
    %ne3A_2122 = arith.constant 0 : i32
    %ne3A_2123 = vector.broadcast %ne3A_2122 : i32 to vector<128x128xi32>
    %ne3A_2124 = arith.cmpi ne, %and3A_2121, %ne3A_2123 : vector<128x128xi32>
    %iota3A_2125 = tpu.iota {dimensions = array<i32: 0>} : vector<128x128xi32>
    %and3A_2126 = arith.constant 16 : i32
    %and3A_2127 = vector.broadcast %and3A_2126 : i32 to vector<128x128xi32>
    %and3A_2128 = arith.andi %iota3A_2125, %and3A_2127 : vector<128x128xi32>
    %eq3A_2129 = arith.constant 0 : i32
    %eq3A_2130 = vector.broadcast %eq3A_2129 : i32 to vector<128x128xi32>
    %eq3A_2131 = arith.cmpi eq, %and3A_2128, %eq3A_2130 : vector<128x128xi32>
    %slice3A_2132 = vector.extract_strided_slice %select_n3A_2116 {offsets = [126, 0], sizes = [2, 128], strides = [1, 1]} : vector<128x128xf32> to vector<2x128xf32>
    %slice3A_2133 = vector.extract_strided_slice %select_n3A_2116 {offsets = [0, 0], sizes = [126, 128], strides = [1, 1]} : vector<128x128xf32> to vector<126x128xf32>
    %concatenate3A_2134 = tpu.concatenate %slice3A_2132, %slice3A_2133 in 0 : vector<2x128xf32>, vector<126x128xf32> -> vector<128x128xf32>
    %slice3A_2135 = vector.extract_strided_slice %select_n3A_2116 {offsets = [2, 0], sizes = [126, 128], strides = [1, 1]} : vector<128x128xf32> to vector<126x128xf32>
    %slice3A_2136 = vector.extract_strided_slice %select_n3A_2116 {offsets = [0, 0], sizes = [2, 128], strides = [1, 1]} : vector<128x128xf32> to vector<2x128xf32>
    %concatenate3A_2137 = tpu.concatenate %slice3A_2135, %slice3A_2136 in 0 : vector<126x128xf32>, vector<2x128xf32> -> vector<128x128xf32>
    %select_n3A_2138 = arith.select %ne3A_2124, %concatenate3A_2134, %concatenate3A_2137 : vector<128x128xi1>, vector<128x128xf32>
    %slice3A_2139 = vector.extract_strided_slice %select_n3A_2117 {offsets = [126, 0], sizes = [2, 128], strides = [1, 1]} : vector<128x128xf32> to vector<2x128xf32>
    %slice3A_2140 = vector.extract_strided_slice %select_n3A_2117 {offsets = [0, 0], sizes = [126, 128], strides = [1, 1]} : vector<128x128xf32> to vector<126x128xf32>
    %concatenate3A_2141 = tpu.concatenate %slice3A_2139, %slice3A_2140 in 0 : vector<2x128xf32>, vector<126x128xf32> -> vector<128x128xf32>
    %slice3A_2142 = vector.extract_strided_slice %select_n3A_2117 {offsets = [2, 0], sizes = [126, 128], strides = [1, 1]} : vector<128x128xf32> to vector<126x128xf32>
    %slice3A_2143 = vector.extract_strided_slice %select_n3A_2117 {offsets = [0, 0], sizes = [2, 128], strides = [1, 1]} : vector<128x128xf32> to vector<2x128xf32>
    %concatenate3A_2144 = tpu.concatenate %slice3A_2142, %slice3A_2143 in 0 : vector<126x128xf32>, vector<2x128xf32> -> vector<128x128xf32>
    %select_n3A_2145 = arith.select %ne3A_2124, %concatenate3A_2141, %concatenate3A_2144 : vector<128x128xi1>, vector<128x128xf32>
    %ne3A_2146 = arith.xori %ne3A_2124, %eq3A_2131 : vector<128x128xi1>
    %lt3A_2147 = arith.cmpf olt, %select_n3A_2138, %select_n3A_2116 : vector<128x128xf32>
    %eq3A_2148 = arith.xori %lt3A_2147, %ne3A_2146 : vector<128x128xi1>
    %eq3A_2149 = arith.constant dense<true> : vector<128x128xi1>
    %eq3A_2150 = arith.xori %eq3A_2148, %eq3A_2149 : vector<128x128xi1>
    %ne3A_2151 = arith.cmpf one, %select_n3A_2138, %select_n3A_2116 : vector<128x128xf32>
    %and3A_2152 = arith.andi %eq3A_2150, %ne3A_2151 : vector<128x128xi1>
    %select_n3A_2153 = arith.select %and3A_2152, %select_n3A_2138, %select_n3A_2116 : vector<128x128xi1>, vector<128x128xf32>
    %select_n3A_2154 = arith.select %and3A_2152, %select_n3A_2145, %select_n3A_2117 : vector<128x128xi1>, vector<128x128xf32>
    %iota3A_2155 = tpu.iota {dimensions = array<i32: 0>} : vector<128x128xi32>
    %and3A_2156 = arith.constant 1 : i32
    %and3A_2157 = vector.broadcast %and3A_2156 : i32 to vector<128x128xi32>
    %and3A_2158 = arith.andi %iota3A_2155, %and3A_2157 : vector<128x128xi32>
    %ne3A_2159 = arith.constant 0 : i32
    %ne3A_2160 = vector.broadcast %ne3A_2159 : i32 to vector<128x128xi32>
    %ne3A_2161 = arith.cmpi ne, %and3A_2158, %ne3A_2160 : vector<128x128xi32>
    %iota3A_2162 = tpu.iota {dimensions = array<i32: 0>} : vector<128x128xi32>
    %and3A_2163 = arith.constant 16 : i32
    %and3A_2164 = vector.broadcast %and3A_2163 : i32 to vector<128x128xi32>
    %and3A_2165 = arith.andi %iota3A_2162, %and3A_2164 : vector<128x128xi32>
    %eq3A_2166 = arith.constant 0 : i32
    %eq3A_2167 = vector.broadcast %eq3A_2166 : i32 to vector<128x128xi32>
    %eq3A_2168 = arith.cmpi eq, %and3A_2165, %eq3A_2167 : vector<128x128xi32>
    %slice3A_2169 = vector.extract_strided_slice %select_n3A_2153 {offsets = [127, 0], sizes = [1, 128], strides = [1, 1]} : vector<128x128xf32> to vector<1x128xf32>
    %slice3A_2170 = vector.extract_strided_slice %select_n3A_2153 {offsets = [0, 0], sizes = [127, 128], strides = [1, 1]} : vector<128x128xf32> to vector<127x128xf32>
    %concatenate3A_2171 = tpu.concatenate %slice3A_2169, %slice3A_2170 in 0 : vector<1x128xf32>, vector<127x128xf32> -> vector<128x128xf32>
    %slice3A_2172 = vector.extract_strided_slice %select_n3A_2153 {offsets = [1, 0], sizes = [127, 128], strides = [1, 1]} : vector<128x128xf32> to vector<127x128xf32>
    %slice3A_2173 = vector.extract_strided_slice %select_n3A_2153 {offsets = [0, 0], sizes = [1, 128], strides = [1, 1]} : vector<128x128xf32> to vector<1x128xf32>
    %concatenate3A_2174 = tpu.concatenate %slice3A_2172, %slice3A_2173 in 0 : vector<127x128xf32>, vector<1x128xf32> -> vector<128x128xf32>
    %select_n3A_2175 = arith.select %ne3A_2161, %concatenate3A_2171, %concatenate3A_2174 : vector<128x128xi1>, vector<128x128xf32>
    %slice3A_2176 = vector.extract_strided_slice %select_n3A_2154 {offsets = [127, 0], sizes = [1, 128], strides = [1, 1]} : vector<128x128xf32> to vector<1x128xf32>
    %slice3A_2177 = vector.extract_strided_slice %select_n3A_2154 {offsets = [0, 0], sizes = [127, 128], strides = [1, 1]} : vector<128x128xf32> to vector<127x128xf32>
    %concatenate3A_2178 = tpu.concatenate %slice3A_2176, %slice3A_2177 in 0 : vector<1x128xf32>, vector<127x128xf32> -> vector<128x128xf32>
    %slice3A_2179 = vector.extract_strided_slice %select_n3A_2154 {offsets = [1, 0], sizes = [127, 128], strides = [1, 1]} : vector<128x128xf32> to vector<127x128xf32>
    %slice3A_2180 = vector.extract_strided_slice %select_n3A_2154 {offsets = [0, 0], sizes = [1, 128], strides = [1, 1]} : vector<128x128xf32> to vector<1x128xf32>
    %concatenate3A_2181 = tpu.concatenate %slice3A_2179, %slice3A_2180 in 0 : vector<127x128xf32>, vector<1x128xf32> -> vector<128x128xf32>
    %select_n3A_2182 = arith.select %ne3A_2161, %concatenate3A_2178, %concatenate3A_2181 : vector<128x128xi1>, vector<128x128xf32>
    %ne3A_2183 = arith.xori %ne3A_2161, %eq3A_2168 : vector<128x128xi1>
    %lt3A_2184 = arith.cmpf olt, %select_n3A_2175, %select_n3A_2153 : vector<128x128xf32>
    %eq3A_2185 = arith.xori %lt3A_2184, %ne3A_2183 : vector<128x128xi1>
    %eq3A_2186 = arith.constant dense<true> : vector<128x128xi1>
    %eq3A_2187 = arith.xori %eq3A_2185, %eq3A_2186 : vector<128x128xi1>
    %ne3A_2188 = arith.cmpf one, %select_n3A_2175, %select_n3A_2153 : vector<128x128xf32>
    %and3A_2189 = arith.andi %eq3A_2187, %ne3A_2188 : vector<128x128xi1>
    %select_n3A_2190 = arith.select %and3A_2189, %select_n3A_2175, %select_n3A_2153 : vector<128x128xi1>, vector<128x128xf32>
    %select_n3A_2191 = arith.select %and3A_2189, %select_n3A_2182, %select_n3A_2154 : vector<128x128xi1>, vector<128x128xf32>
    %iota3A_2192 = tpu.iota {dimensions = array<i32: 1>} : vector<128x128xi32>
    %and3A_2193 = arith.constant 64 : i32
    %and3A_2194 = vector.broadcast %and3A_2193 : i32 to vector<128x128xi32>
    %and3A_2195 = arith.andi %iota3A_2192, %and3A_2194 : vector<128x128xi32>
    %ne3A_2196 = arith.constant 0 : i32
    %ne3A_2197 = vector.broadcast %ne3A_2196 : i32 to vector<128x128xi32>
    %ne3A_2198 = arith.cmpi ne, %and3A_2195, %ne3A_2197 : vector<128x128xi32>
    %iota3A_2199 = tpu.iota {dimensions = array<i32: 0>} : vector<128x128xi32>
    %and3A_2200 = arith.constant 16 : i32
    %and3A_2201 = vector.broadcast %and3A_2200 : i32 to vector<128x128xi32>
    %and3A_2202 = arith.andi %iota3A_2199, %and3A_2201 : vector<128x128xi32>
    %eq3A_2203 = arith.constant 0 : i32
    %eq3A_2204 = vector.broadcast %eq3A_2203 : i32 to vector<128x128xi32>
    %eq3A_2205 = arith.cmpi eq, %and3A_2202, %eq3A_2204 : vector<128x128xi32>
    %slice3A_2206 = vector.extract_strided_slice %select_n3A_2190 {offsets = [0, 64], sizes = [128, 64], strides = [1, 1]} : vector<128x128xf32> to vector<128x64xf32>
    %slice3A_2207 = vector.extract_strided_slice %select_n3A_2190 {offsets = [0, 0], sizes = [128, 64], strides = [1, 1]} : vector<128x128xf32> to vector<128x64xf32>
    %concatenate3A_2208 = tpu.concatenate %slice3A_2206, %slice3A_2207 in 1 : vector<128x64xf32>, vector<128x64xf32> -> vector<128x128xf32>
    %slice3A_2209 = vector.extract_strided_slice %select_n3A_2190 {offsets = [0, 64], sizes = [128, 64], strides = [1, 1]} : vector<128x128xf32> to vector<128x64xf32>
    %slice3A_2210 = vector.extract_strided_slice %select_n3A_2190 {offsets = [0, 0], sizes = [128, 64], strides = [1, 1]} : vector<128x128xf32> to vector<128x64xf32>
    %concatenate3A_2211 = tpu.concatenate %slice3A_2209, %slice3A_2210 in 1 : vector<128x64xf32>, vector<128x64xf32> -> vector<128x128xf32>
    %select_n3A_2212 = arith.select %ne3A_2198, %concatenate3A_2208, %concatenate3A_2211 : vector<128x128xi1>, vector<128x128xf32>
    %slice3A_2213 = vector.extract_strided_slice %select_n3A_2191 {offsets = [0, 64], sizes = [128, 64], strides = [1, 1]} : vector<128x128xf32> to vector<128x64xf32>
    %slice3A_2214 = vector.extract_strided_slice %select_n3A_2191 {offsets = [0, 0], sizes = [128, 64], strides = [1, 1]} : vector<128x128xf32> to vector<128x64xf32>
    %concatenate3A_2215 = tpu.concatenate %slice3A_2213, %slice3A_2214 in 1 : vector<128x64xf32>, vector<128x64xf32> -> vector<128x128xf32>
    %slice3A_2216 = vector.extract_strided_slice %select_n3A_2191 {offsets = [0, 64], sizes = [128, 64], strides = [1, 1]} : vector<128x128xf32> to vector<128x64xf32>
    %slice3A_2217 = vector.extract_strided_slice %select_n3A_2191 {offsets = [0, 0], sizes = [128, 64], strides = [1, 1]} : vector<128x128xf32> to vector<128x64xf32>
    %concatenate3A_2218 = tpu.concatenate %slice3A_2216, %slice3A_2217 in 1 : vector<128x64xf32>, vector<128x64xf32> -> vector<128x128xf32>
    %select_n3A_2219 = arith.select %ne3A_2198, %concatenate3A_2215, %concatenate3A_2218 : vector<128x128xi1>, vector<128x128xf32>
    %ne3A_2220 = arith.xori %ne3A_2198, %eq3A_2205 : vector<128x128xi1>
    %lt3A_2221 = arith.cmpf olt, %select_n3A_2212, %select_n3A_2190 : vector<128x128xf32>
    %eq3A_2222 = arith.xori %lt3A_2221, %ne3A_2220 : vector<128x128xi1>
    %eq3A_2223 = arith.constant dense<true> : vector<128x128xi1>
    %eq3A_2224 = arith.xori %eq3A_2222, %eq3A_2223 : vector<128x128xi1>
    %ne3A_2225 = arith.cmpf one, %select_n3A_2212, %select_n3A_2190 : vector<128x128xf32>
    %and3A_2226 = arith.andi %eq3A_2224, %ne3A_2225 : vector<128x128xi1>
    %select_n3A_2227 = arith.select %and3A_2226, %select_n3A_2212, %select_n3A_2190 : vector<128x128xi1>, vector<128x128xf32>
    %select_n3A_2228 = arith.select %and3A_2226, %select_n3A_2219, %select_n3A_2191 : vector<128x128xi1>, vector<128x128xf32>
    %iota3A_2229 = tpu.iota {dimensions = array<i32: 1>} : vector<128x128xi32>
    %and3A_2230 = arith.constant 32 : i32
    %and3A_2231 = vector.broadcast %and3A_2230 : i32 to vector<128x128xi32>
    %and3A_2232 = arith.andi %iota3A_2229, %and3A_2231 : vector<128x128xi32>
    %ne3A_2233 = arith.constant 0 : i32
    %ne3A_2234 = vector.broadcast %ne3A_2233 : i32 to vector<128x128xi32>
    %ne3A_2235 = arith.cmpi ne, %and3A_2232, %ne3A_2234 : vector<128x128xi32>
    %iota3A_2236 = tpu.iota {dimensions = array<i32: 0>} : vector<128x128xi32>
    %and3A_2237 = arith.constant 16 : i32
    %and3A_2238 = vector.broadcast %and3A_2237 : i32 to vector<128x128xi32>
    %and3A_2239 = arith.andi %iota3A_2236, %and3A_2238 : vector<128x128xi32>
    %eq3A_2240 = arith.constant 0 : i32
    %eq3A_2241 = vector.broadcast %eq3A_2240 : i32 to vector<128x128xi32>
    %eq3A_2242 = arith.cmpi eq, %and3A_2239, %eq3A_2241 : vector<128x128xi32>
    %slice3A_2243 = vector.extract_strided_slice %select_n3A_2227 {offsets = [0, 96], sizes = [128, 32], strides = [1, 1]} : vector<128x128xf32> to vector<128x32xf32>
    %slice3A_2244 = vector.extract_strided_slice %select_n3A_2227 {offsets = [0, 0], sizes = [128, 96], strides = [1, 1]} : vector<128x128xf32> to vector<128x96xf32>
    %concatenate3A_2245 = tpu.concatenate %slice3A_2243, %slice3A_2244 in 1 : vector<128x32xf32>, vector<128x96xf32> -> vector<128x128xf32>
    %slice3A_2246 = vector.extract_strided_slice %select_n3A_2227 {offsets = [0, 32], sizes = [128, 96], strides = [1, 1]} : vector<128x128xf32> to vector<128x96xf32>
    %slice3A_2247 = vector.extract_strided_slice %select_n3A_2227 {offsets = [0, 0], sizes = [128, 32], strides = [1, 1]} : vector<128x128xf32> to vector<128x32xf32>
    %concatenate3A_2248 = tpu.concatenate %slice3A_2246, %slice3A_2247 in 1 : vector<128x96xf32>, vector<128x32xf32> -> vector<128x128xf32>
    %select_n3A_2249 = arith.select %ne3A_2235, %concatenate3A_2245, %concatenate3A_2248 : vector<128x128xi1>, vector<128x128xf32>
    %slice3A_2250 = vector.extract_strided_slice %select_n3A_2228 {offsets = [0, 96], sizes = [128, 32], strides = [1, 1]} : vector<128x128xf32> to vector<128x32xf32>
    %slice3A_2251 = vector.extract_strided_slice %select_n3A_2228 {offsets = [0, 0], sizes = [128, 96], strides = [1, 1]} : vector<128x128xf32> to vector<128x96xf32>
    %concatenate3A_2252 = tpu.concatenate %slice3A_2250, %slice3A_2251 in 1 : vector<128x32xf32>, vector<128x96xf32> -> vector<128x128xf32>
    %slice3A_2253 = vector.extract_strided_slice %select_n3A_2228 {offsets = [0, 32], sizes = [128, 96], strides = [1, 1]} : vector<128x128xf32> to vector<128x96xf32>
    %slice3A_2254 = vector.extract_strided_slice %select_n3A_2228 {offsets = [0, 0], sizes = [128, 32], strides = [1, 1]} : vector<128x128xf32> to vector<128x32xf32>
    %concatenate3A_2255 = tpu.concatenate %slice3A_2253, %slice3A_2254 in 1 : vector<128x96xf32>, vector<128x32xf32> -> vector<128x128xf32>
    %select_n3A_2256 = arith.select %ne3A_2235, %concatenate3A_2252, %concatenate3A_2255 : vector<128x128xi1>, vector<128x128xf32>
    %ne3A_2257 = arith.xori %ne3A_2235, %eq3A_2242 : vector<128x128xi1>
    %lt3A_2258 = arith.cmpf olt, %select_n3A_2249, %select_n3A_2227 : vector<128x128xf32>
    %eq3A_2259 = arith.xori %lt3A_2258, %ne3A_2257 : vector<128x128xi1>
    %eq3A_2260 = arith.constant dense<true> : vector<128x128xi1>
    %eq3A_2261 = arith.xori %eq3A_2259, %eq3A_2260 : vector<128x128xi1>
    %ne3A_2262 = arith.cmpf one, %select_n3A_2249, %select_n3A_2227 : vector<128x128xf32>
    %and3A_2263 = arith.andi %eq3A_2261, %ne3A_2262 : vector<128x128xi1>
    %select_n3A_2264 = arith.select %and3A_2263, %select_n3A_2249, %select_n3A_2227 : vector<128x128xi1>, vector<128x128xf32>
    %select_n3A_2265 = arith.select %and3A_2263, %select_n3A_2256, %select_n3A_2228 : vector<128x128xi1>, vector<128x128xf32>
    %iota3A_2266 = tpu.iota {dimensions = array<i32: 1>} : vector<128x128xi32>
    %and3A_2267 = arith.constant 16 : i32
    %and3A_2268 = vector.broadcast %and3A_2267 : i32 to vector<128x128xi32>
    %and3A_2269 = arith.andi %iota3A_2266, %and3A_2268 : vector<128x128xi32>
    %ne3A_2270 = arith.constant 0 : i32
    %ne3A_2271 = vector.broadcast %ne3A_2270 : i32 to vector<128x128xi32>
    %ne3A_2272 = arith.cmpi ne, %and3A_2269, %ne3A_2271 : vector<128x128xi32>
    %iota3A_2273 = tpu.iota {dimensions = array<i32: 0>} : vector<128x128xi32>
    %and3A_2274 = arith.constant 16 : i32
    %and3A_2275 = vector.broadcast %and3A_2274 : i32 to vector<128x128xi32>
    %and3A_2276 = arith.andi %iota3A_2273, %and3A_2275 : vector<128x128xi32>
    %eq3A_2277 = arith.constant 0 : i32
    %eq3A_2278 = vector.broadcast %eq3A_2277 : i32 to vector<128x128xi32>
    %eq3A_2279 = arith.cmpi eq, %and3A_2276, %eq3A_2278 : vector<128x128xi32>
    %slice3A_2280 = vector.extract_strided_slice %select_n3A_2264 {offsets = [0, 112], sizes = [128, 16], strides = [1, 1]} : vector<128x128xf32> to vector<128x16xf32>
    %slice3A_2281 = vector.extract_strided_slice %select_n3A_2264 {offsets = [0, 0], sizes = [128, 112], strides = [1, 1]} : vector<128x128xf32> to vector<128x112xf32>
    %concatenate3A_2282 = tpu.concatenate %slice3A_2280, %slice3A_2281 in 1 : vector<128x16xf32>, vector<128x112xf32> -> vector<128x128xf32>
    %slice3A_2283 = vector.extract_strided_slice %select_n3A_2264 {offsets = [0, 16], sizes = [128, 112], strides = [1, 1]} : vector<128x128xf32> to vector<128x112xf32>
    %slice3A_2284 = vector.extract_strided_slice %select_n3A_2264 {offsets = [0, 0], sizes = [128, 16], strides = [1, 1]} : vector<128x128xf32> to vector<128x16xf32>
    %concatenate3A_2285 = tpu.concatenate %slice3A_2283, %slice3A_2284 in 1 : vector<128x112xf32>, vector<128x16xf32> -> vector<128x128xf32>
    %select_n3A_2286 = arith.select %ne3A_2272, %concatenate3A_2282, %concatenate3A_2285 : vector<128x128xi1>, vector<128x128xf32>
    %slice3A_2287 = vector.extract_strided_slice %select_n3A_2265 {offsets = [0, 112], sizes = [128, 16], strides = [1, 1]} : vector<128x128xf32> to vector<128x16xf32>
    %slice3A_2288 = vector.extract_strided_slice %select_n3A_2265 {offsets = [0, 0], sizes = [128, 112], strides = [1, 1]} : vector<128x128xf32> to vector<128x112xf32>
    %concatenate3A_2289 = tpu.concatenate %slice3A_2287, %slice3A_2288 in 1 : vector<128x16xf32>, vector<128x112xf32> -> vector<128x128xf32>
    %slice3A_2290 = vector.extract_strided_slice %select_n3A_2265 {offsets = [0, 16], sizes = [128, 112], strides = [1, 1]} : vector<128x128xf32> to vector<128x112xf32>
    %slice3A_2291 = vector.extract_strided_slice %select_n3A_2265 {offsets = [0, 0], sizes = [128, 16], strides = [1, 1]} : vector<128x128xf32> to vector<128x16xf32>
    %concatenate3A_2292 = tpu.concatenate %slice3A_2290, %slice3A_2291 in 1 : vector<128x112xf32>, vector<128x16xf32> -> vector<128x128xf32>
    %select_n3A_2293 = arith.select %ne3A_2272, %concatenate3A_2289, %concatenate3A_2292 : vector<128x128xi1>, vector<128x128xf32>
    %ne3A_2294 = arith.xori %ne3A_2272, %eq3A_2279 : vector<128x128xi1>
    %lt3A_2295 = arith.cmpf olt, %select_n3A_2286, %select_n3A_2264 : vector<128x128xf32>
    %eq3A_2296 = arith.xori %lt3A_2295, %ne3A_2294 : vector<128x128xi1>
    %eq3A_2297 = arith.constant dense<true> : vector<128x128xi1>
    %eq3A_2298 = arith.xori %eq3A_2296, %eq3A_2297 : vector<128x128xi1>
    %ne3A_2299 = arith.cmpf one, %select_n3A_2286, %select_n3A_2264 : vector<128x128xf32>
    %and3A_2300 = arith.andi %eq3A_2298, %ne3A_2299 : vector<128x128xi1>
    %select_n3A_2301 = arith.select %and3A_2300, %select_n3A_2286, %select_n3A_2264 : vector<128x128xi1>, vector<128x128xf32>
    %select_n3A_2302 = arith.select %and3A_2300, %select_n3A_2293, %select_n3A_2265 : vector<128x128xi1>, vector<128x128xf32>
    %iota3A_2303 = tpu.iota {dimensions = array<i32: 1>} : vector<128x128xi32>
    %and3A_2304 = arith.constant 8 : i32
    %and3A_2305 = vector.broadcast %and3A_2304 : i32 to vector<128x128xi32>
    %and3A_2306 = arith.andi %iota3A_2303, %and3A_2305 : vector<128x128xi32>
    %ne3A_2307 = arith.constant 0 : i32
    %ne3A_2308 = vector.broadcast %ne3A_2307 : i32 to vector<128x128xi32>
    %ne3A_2309 = arith.cmpi ne, %and3A_2306, %ne3A_2308 : vector<128x128xi32>
    %iota3A_2310 = tpu.iota {dimensions = array<i32: 0>} : vector<128x128xi32>
    %and3A_2311 = arith.constant 16 : i32
    %and3A_2312 = vector.broadcast %and3A_2311 : i32 to vector<128x128xi32>
    %and3A_2313 = arith.andi %iota3A_2310, %and3A_2312 : vector<128x128xi32>
    %eq3A_2314 = arith.constant 0 : i32
    %eq3A_2315 = vector.broadcast %eq3A_2314 : i32 to vector<128x128xi32>
    %eq3A_2316 = arith.cmpi eq, %and3A_2313, %eq3A_2315 : vector<128x128xi32>
    %slice3A_2317 = vector.extract_strided_slice %select_n3A_2301 {offsets = [0, 120], sizes = [128, 8], strides = [1, 1]} : vector<128x128xf32> to vector<128x8xf32>
    %slice3A_2318 = vector.extract_strided_slice %select_n3A_2301 {offsets = [0, 0], sizes = [128, 120], strides = [1, 1]} : vector<128x128xf32> to vector<128x120xf32>
    %concatenate3A_2319 = tpu.concatenate %slice3A_2317, %slice3A_2318 in 1 : vector<128x8xf32>, vector<128x120xf32> -> vector<128x128xf32>
    %slice3A_2320 = vector.extract_strided_slice %select_n3A_2301 {offsets = [0, 8], sizes = [128, 120], strides = [1, 1]} : vector<128x128xf32> to vector<128x120xf32>
    %slice3A_2321 = vector.extract_strided_slice %select_n3A_2301 {offsets = [0, 0], sizes = [128, 8], strides = [1, 1]} : vector<128x128xf32> to vector<128x8xf32>
    %concatenate3A_2322 = tpu.concatenate %slice3A_2320, %slice3A_2321 in 1 : vector<128x120xf32>, vector<128x8xf32> -> vector<128x128xf32>
    %select_n3A_2323 = arith.select %ne3A_2309, %concatenate3A_2319, %concatenate3A_2322 : vector<128x128xi1>, vector<128x128xf32>
    %slice3A_2324 = vector.extract_strided_slice %select_n3A_2302 {offsets = [0, 120], sizes = [128, 8], strides = [1, 1]} : vector<128x128xf32> to vector<128x8xf32>
    %slice3A_2325 = vector.extract_strided_slice %select_n3A_2302 {offsets = [0, 0], sizes = [128, 120], strides = [1, 1]} : vector<128x128xf32> to vector<128x120xf32>
    %concatenate3A_2326 = tpu.concatenate %slice3A_2324, %slice3A_2325 in 1 : vector<128x8xf32>, vector<128x120xf32> -> vector<128x128xf32>
    %slice3A_2327 = vector.extract_strided_slice %select_n3A_2302 {offsets = [0, 8], sizes = [128, 120], strides = [1, 1]} : vector<128x128xf32> to vector<128x120xf32>
    %slice3A_2328 = vector.extract_strided_slice %select_n3A_2302 {offsets = [0, 0], sizes = [128, 8], strides = [1, 1]} : vector<128x128xf32> to vector<128x8xf32>
    %concatenate3A_2329 = tpu.concatenate %slice3A_2327, %slice3A_2328 in 1 : vector<128x120xf32>, vector<128x8xf32> -> vector<128x128xf32>
    %select_n3A_2330 = arith.select %ne3A_2309, %concatenate3A_2326, %concatenate3A_2329 : vector<128x128xi1>, vector<128x128xf32>
    %ne3A_2331 = arith.xori %ne3A_2309, %eq3A_2316 : vector<128x128xi1>
    %lt3A_2332 = arith.cmpf olt, %select_n3A_2323, %select_n3A_2301 : vector<128x128xf32>
    %eq3A_2333 = arith.xori %lt3A_2332, %ne3A_2331 : vector<128x128xi1>
    %eq3A_2334 = arith.constant dense<true> : vector<128x128xi1>
    %eq3A_2335 = arith.xori %eq3A_2333, %eq3A_2334 : vector<128x128xi1>
    %ne3A_2336 = arith.cmpf one, %select_n3A_2323, %select_n3A_2301 : vector<128x128xf32>
    %and3A_2337 = arith.andi %eq3A_2335, %ne3A_2336 : vector<128x128xi1>
    %select_n3A_2338 = arith.select %and3A_2337, %select_n3A_2323, %select_n3A_2301 : vector<128x128xi1>, vector<128x128xf32>
    %select_n3A_2339 = arith.select %and3A_2337, %select_n3A_2330, %select_n3A_2302 : vector<128x128xi1>, vector<128x128xf32>
    %iota3A_2340 = tpu.iota {dimensions = array<i32: 1>} : vector<128x128xi32>
    %and3A_2341 = arith.constant 4 : i32
    %and3A_2342 = vector.broadcast %and3A_2341 : i32 to vector<128x128xi32>
    %and3A_2343 = arith.andi %iota3A_2340, %and3A_2342 : vector<128x128xi32>
    %ne3A_2344 = arith.constant 0 : i32
    %ne3A_2345 = vector.broadcast %ne3A_2344 : i32 to vector<128x128xi32>
    %ne3A_2346 = arith.cmpi ne, %and3A_2343, %ne3A_2345 : vector<128x128xi32>
    %iota3A_2347 = tpu.iota {dimensions = array<i32: 0>} : vector<128x128xi32>
    %and3A_2348 = arith.constant 16 : i32
    %and3A_2349 = vector.broadcast %and3A_2348 : i32 to vector<128x128xi32>
    %and3A_2350 = arith.andi %iota3A_2347, %and3A_2349 : vector<128x128xi32>
    %eq3A_2351 = arith.constant 0 : i32
    %eq3A_2352 = vector.broadcast %eq3A_2351 : i32 to vector<128x128xi32>
    %eq3A_2353 = arith.cmpi eq, %and3A_2350, %eq3A_2352 : vector<128x128xi32>
    %slice3A_2354 = vector.extract_strided_slice %select_n3A_2338 {offsets = [0, 124], sizes = [128, 4], strides = [1, 1]} : vector<128x128xf32> to vector<128x4xf32>
    %slice3A_2355 = vector.extract_strided_slice %select_n3A_2338 {offsets = [0, 0], sizes = [128, 124], strides = [1, 1]} : vector<128x128xf32> to vector<128x124xf32>
    %concatenate3A_2356 = tpu.concatenate %slice3A_2354, %slice3A_2355 in 1 : vector<128x4xf32>, vector<128x124xf32> -> vector<128x128xf32>
    %slice3A_2357 = vector.extract_strided_slice %select_n3A_2338 {offsets = [0, 4], sizes = [128, 124], strides = [1, 1]} : vector<128x128xf32> to vector<128x124xf32>
    %slice3A_2358 = vector.extract_strided_slice %select_n3A_2338 {offsets = [0, 0], sizes = [128, 4], strides = [1, 1]} : vector<128x128xf32> to vector<128x4xf32>
    %concatenate3A_2359 = tpu.concatenate %slice3A_2357, %slice3A_2358 in 1 : vector<128x124xf32>, vector<128x4xf32> -> vector<128x128xf32>
    %select_n3A_2360 = arith.select %ne3A_2346, %concatenate3A_2356, %concatenate3A_2359 : vector<128x128xi1>, vector<128x128xf32>
    %slice3A_2361 = vector.extract_strided_slice %select_n3A_2339 {offsets = [0, 124], sizes = [128, 4], strides = [1, 1]} : vector<128x128xf32> to vector<128x4xf32>
    %slice3A_2362 = vector.extract_strided_slice %select_n3A_2339 {offsets = [0, 0], sizes = [128, 124], strides = [1, 1]} : vector<128x128xf32> to vector<128x124xf32>
    %concatenate3A_2363 = tpu.concatenate %slice3A_2361, %slice3A_2362 in 1 : vector<128x4xf32>, vector<128x124xf32> -> vector<128x128xf32>
    %slice3A_2364 = vector.extract_strided_slice %select_n3A_2339 {offsets = [0, 4], sizes = [128, 124], strides = [1, 1]} : vector<128x128xf32> to vector<128x124xf32>
    %slice3A_2365 = vector.extract_strided_slice %select_n3A_2339 {offsets = [0, 0], sizes = [128, 4], strides = [1, 1]} : vector<128x128xf32> to vector<128x4xf32>
    %concatenate3A_2366 = tpu.concatenate %slice3A_2364, %slice3A_2365 in 1 : vector<128x124xf32>, vector<128x4xf32> -> vector<128x128xf32>
    %select_n3A_2367 = arith.select %ne3A_2346, %concatenate3A_2363, %concatenate3A_2366 : vector<128x128xi1>, vector<128x128xf32>
    %ne3A_2368 = arith.xori %ne3A_2346, %eq3A_2353 : vector<128x128xi1>
    %lt3A_2369 = arith.cmpf olt, %select_n3A_2360, %select_n3A_2338 : vector<128x128xf32>
    %eq3A_2370 = arith.xori %lt3A_2369, %ne3A_2368 : vector<128x128xi1>
    %eq3A_2371 = arith.constant dense<true> : vector<128x128xi1>
    %eq3A_2372 = arith.xori %eq3A_2370, %eq3A_2371 : vector<128x128xi1>
    %ne3A_2373 = arith.cmpf one, %select_n3A_2360, %select_n3A_2338 : vector<128x128xf32>
    %and3A_2374 = arith.andi %eq3A_2372, %ne3A_2373 : vector<128x128xi1>
    %select_n3A_2375 = arith.select %and3A_2374, %select_n3A_2360, %select_n3A_2338 : vector<128x128xi1>, vector<128x128xf32>
    %select_n3A_2376 = arith.select %and3A_2374, %select_n3A_2367, %select_n3A_2339 : vector<128x128xi1>, vector<128x128xf32>
    %iota3A_2377 = tpu.iota {dimensions = array<i32: 1>} : vector<128x128xi32>
    %and3A_2378 = arith.constant 2 : i32
    %and3A_2379 = vector.broadcast %and3A_2378 : i32 to vector<128x128xi32>
    %and3A_2380 = arith.andi %iota3A_2377, %and3A_2379 : vector<128x128xi32>
    %ne3A_2381 = arith.constant 0 : i32
    %ne3A_2382 = vector.broadcast %ne3A_2381 : i32 to vector<128x128xi32>
    %ne3A_2383 = arith.cmpi ne, %and3A_2380, %ne3A_2382 : vector<128x128xi32>
    %iota3A_2384 = tpu.iota {dimensions = array<i32: 0>} : vector<128x128xi32>
    %and3A_2385 = arith.constant 16 : i32
    %and3A_2386 = vector.broadcast %and3A_2385 : i32 to vector<128x128xi32>
    %and3A_2387 = arith.andi %iota3A_2384, %and3A_2386 : vector<128x128xi32>
    %eq3A_2388 = arith.constant 0 : i32
    %eq3A_2389 = vector.broadcast %eq3A_2388 : i32 to vector<128x128xi32>
    %eq3A_2390 = arith.cmpi eq, %and3A_2387, %eq3A_2389 : vector<128x128xi32>
    %slice3A_2391 = vector.extract_strided_slice %select_n3A_2375 {offsets = [0, 126], sizes = [128, 2], strides = [1, 1]} : vector<128x128xf32> to vector<128x2xf32>
    %slice3A_2392 = vector.extract_strided_slice %select_n3A_2375 {offsets = [0, 0], sizes = [128, 126], strides = [1, 1]} : vector<128x128xf32> to vector<128x126xf32>
    %concatenate3A_2393 = tpu.concatenate %slice3A_2391, %slice3A_2392 in 1 : vector<128x2xf32>, vector<128x126xf32> -> vector<128x128xf32>
    %slice3A_2394 = vector.extract_strided_slice %select_n3A_2375 {offsets = [0, 2], sizes = [128, 126], strides = [1, 1]} : vector<128x128xf32> to vector<128x126xf32>
    %slice3A_2395 = vector.extract_strided_slice %select_n3A_2375 {offsets = [0, 0], sizes = [128, 2], strides = [1, 1]} : vector<128x128xf32> to vector<128x2xf32>
    %concatenate3A_2396 = tpu.concatenate %slice3A_2394, %slice3A_2395 in 1 : vector<128x126xf32>, vector<128x2xf32> -> vector<128x128xf32>
    %select_n3A_2397 = arith.select %ne3A_2383, %concatenate3A_2393, %concatenate3A_2396 : vector<128x128xi1>, vector<128x128xf32>
    %slice3A_2398 = vector.extract_strided_slice %select_n3A_2376 {offsets = [0, 126], sizes = [128, 2], strides = [1, 1]} : vector<128x128xf32> to vector<128x2xf32>
    %slice3A_2399 = vector.extract_strided_slice %select_n3A_2376 {offsets = [0, 0], sizes = [128, 126], strides = [1, 1]} : vector<128x128xf32> to vector<128x126xf32>
    %concatenate3A_2400 = tpu.concatenate %slice3A_2398, %slice3A_2399 in 1 : vector<128x2xf32>, vector<128x126xf32> -> vector<128x128xf32>
    %slice3A_2401 = vector.extract_strided_slice %select_n3A_2376 {offsets = [0, 2], sizes = [128, 126], strides = [1, 1]} : vector<128x128xf32> to vector<128x126xf32>
    %slice3A_2402 = vector.extract_strided_slice %select_n3A_2376 {offsets = [0, 0], sizes = [128, 2], strides = [1, 1]} : vector<128x128xf32> to vector<128x2xf32>
    %concatenate3A_2403 = tpu.concatenate %slice3A_2401, %slice3A_2402 in 1 : vector<128x126xf32>, vector<128x2xf32> -> vector<128x128xf32>
    %select_n3A_2404 = arith.select %ne3A_2383, %concatenate3A_2400, %concatenate3A_2403 : vector<128x128xi1>, vector<128x128xf32>
    %ne3A_2405 = arith.xori %ne3A_2383, %eq3A_2390 : vector<128x128xi1>
    %lt3A_2406 = arith.cmpf olt, %select_n3A_2397, %select_n3A_2375 : vector<128x128xf32>
    %eq3A_2407 = arith.xori %lt3A_2406, %ne3A_2405 : vector<128x128xi1>
    %eq3A_2408 = arith.constant dense<true> : vector<128x128xi1>
    %eq3A_2409 = arith.xori %eq3A_2407, %eq3A_2408 : vector<128x128xi1>
    %ne3A_2410 = arith.cmpf one, %select_n3A_2397, %select_n3A_2375 : vector<128x128xf32>
    %and3A_2411 = arith.andi %eq3A_2409, %ne3A_2410 : vector<128x128xi1>
    %select_n3A_2412 = arith.select %and3A_2411, %select_n3A_2397, %select_n3A_2375 : vector<128x128xi1>, vector<128x128xf32>
    %select_n3A_2413 = arith.select %and3A_2411, %select_n3A_2404, %select_n3A_2376 : vector<128x128xi1>, vector<128x128xf32>
    %iota3A_2414 = tpu.iota {dimensions = array<i32: 1>} : vector<128x128xi32>
    %and3A_2415 = arith.constant 1 : i32
    %and3A_2416 = vector.broadcast %and3A_2415 : i32 to vector<128x128xi32>
    %and3A_2417 = arith.andi %iota3A_2414, %and3A_2416 : vector<128x128xi32>
    %ne3A_2418 = arith.constant 0 : i32
    %ne3A_2419 = vector.broadcast %ne3A_2418 : i32 to vector<128x128xi32>
    %ne3A_2420 = arith.cmpi ne, %and3A_2417, %ne3A_2419 : vector<128x128xi32>
    %iota3A_2421 = tpu.iota {dimensions = array<i32: 0>} : vector<128x128xi32>
    %and3A_2422 = arith.constant 16 : i32
    %and3A_2423 = vector.broadcast %and3A_2422 : i32 to vector<128x128xi32>
    %and3A_2424 = arith.andi %iota3A_2421, %and3A_2423 : vector<128x128xi32>
    %eq3A_2425 = arith.constant 0 : i32
    %eq3A_2426 = vector.broadcast %eq3A_2425 : i32 to vector<128x128xi32>
    %eq3A_2427 = arith.cmpi eq, %and3A_2424, %eq3A_2426 : vector<128x128xi32>
    %slice3A_2428 = vector.extract_strided_slice %select_n3A_2412 {offsets = [0, 127], sizes = [128, 1], strides = [1, 1]} : vector<128x128xf32> to vector<128x1xf32>
    %slice3A_2429 = vector.extract_strided_slice %select_n3A_2412 {offsets = [0, 0], sizes = [128, 127], strides = [1, 1]} : vector<128x128xf32> to vector<128x127xf32>
    %concatenate3A_2430 = tpu.concatenate %slice3A_2428, %slice3A_2429 in 1 : vector<128x1xf32>, vector<128x127xf32> -> vector<128x128xf32>
    %slice3A_2431 = vector.extract_strided_slice %select_n3A_2412 {offsets = [0, 1], sizes = [128, 127], strides = [1, 1]} : vector<128x128xf32> to vector<128x127xf32>
    %slice3A_2432 = vector.extract_strided_slice %select_n3A_2412 {offsets = [0, 0], sizes = [128, 1], strides = [1, 1]} : vector<128x128xf32> to vector<128x1xf32>
    %concatenate3A_2433 = tpu.concatenate %slice3A_2431, %slice3A_2432 in 1 : vector<128x127xf32>, vector<128x1xf32> -> vector<128x128xf32>
    %select_n3A_2434 = arith.select %ne3A_2420, %concatenate3A_2430, %concatenate3A_2433 : vector<128x128xi1>, vector<128x128xf32>
    %slice3A_2435 = vector.extract_strided_slice %select_n3A_2413 {offsets = [0, 127], sizes = [128, 1], strides = [1, 1]} : vector<128x128xf32> to vector<128x1xf32>
    %slice3A_2436 = vector.extract_strided_slice %select_n3A_2413 {offsets = [0, 0], sizes = [128, 127], strides = [1, 1]} : vector<128x128xf32> to vector<128x127xf32>
    %concatenate3A_2437 = tpu.concatenate %slice3A_2435, %slice3A_2436 in 1 : vector<128x1xf32>, vector<128x127xf32> -> vector<128x128xf32>
    %slice3A_2438 = vector.extract_strided_slice %select_n3A_2413 {offsets = [0, 1], sizes = [128, 127], strides = [1, 1]} : vector<128x128xf32> to vector<128x127xf32>
    %slice3A_2439 = vector.extract_strided_slice %select_n3A_2413 {offsets = [0, 0], sizes = [128, 1], strides = [1, 1]} : vector<128x128xf32> to vector<128x1xf32>
    %concatenate3A_2440 = tpu.concatenate %slice3A_2438, %slice3A_2439 in 1 : vector<128x127xf32>, vector<128x1xf32> -> vector<128x128xf32>
    %select_n3A_2441 = arith.select %ne3A_2420, %concatenate3A_2437, %concatenate3A_2440 : vector<128x128xi1>, vector<128x128xf32>
    %ne3A_2442 = arith.xori %ne3A_2420, %eq3A_2427 : vector<128x128xi1>
    %lt3A_2443 = arith.cmpf olt, %select_n3A_2434, %select_n3A_2412 : vector<128x128xf32>
    %eq3A_2444 = arith.xori %lt3A_2443, %ne3A_2442 : vector<128x128xi1>
    %eq3A_2445 = arith.constant dense<true> : vector<128x128xi1>
    %eq3A_2446 = arith.xori %eq3A_2444, %eq3A_2445 : vector<128x128xi1>
    %ne3A_2447 = arith.cmpf one, %select_n3A_2434, %select_n3A_2412 : vector<128x128xf32>
    %and3A_2448 = arith.andi %eq3A_2446, %ne3A_2447 : vector<128x128xi1>
    %select_n3A_2449 = arith.select %and3A_2448, %select_n3A_2434, %select_n3A_2412 : vector<128x128xi1>, vector<128x128xf32>
    %select_n3A_2450 = arith.select %and3A_2448, %select_n3A_2441, %select_n3A_2413 : vector<128x128xi1>, vector<128x128xf32>
    %iota3A_2451 = tpu.iota {dimensions = array<i32: 0>} : vector<128x128xi32>
    %and3A_2452 = arith.constant 16 : i32
    %and3A_2453 = vector.broadcast %and3A_2452 : i32 to vector<128x128xi32>
    %and3A_2454 = arith.andi %iota3A_2451, %and3A_2453 : vector<128x128xi32>
    %ne3A_2455 = arith.constant 0 : i32
    %ne3A_2456 = vector.broadcast %ne3A_2455 : i32 to vector<128x128xi32>
    %ne3A_2457 = arith.cmpi ne, %and3A_2454, %ne3A_2456 : vector<128x128xi32>
    %iota3A_2458 = tpu.iota {dimensions = array<i32: 0>} : vector<128x128xi32>
    %and3A_2459 = arith.constant 32 : i32
    %and3A_2460 = vector.broadcast %and3A_2459 : i32 to vector<128x128xi32>
    %and3A_2461 = arith.andi %iota3A_2458, %and3A_2460 : vector<128x128xi32>
    %eq3A_2462 = arith.constant 0 : i32
    %eq3A_2463 = vector.broadcast %eq3A_2462 : i32 to vector<128x128xi32>
    %eq3A_2464 = arith.cmpi eq, %and3A_2461, %eq3A_2463 : vector<128x128xi32>
    %slice3A_2465 = vector.extract_strided_slice %select_n3A_2449 {offsets = [112, 0], sizes = [16, 128], strides = [1, 1]} : vector<128x128xf32> to vector<16x128xf32>
    %slice3A_2466 = vector.extract_strided_slice %select_n3A_2449 {offsets = [0, 0], sizes = [112, 128], strides = [1, 1]} : vector<128x128xf32> to vector<112x128xf32>
    %concatenate3A_2467 = tpu.concatenate %slice3A_2465, %slice3A_2466 in 0 : vector<16x128xf32>, vector<112x128xf32> -> vector<128x128xf32>
    %slice3A_2468 = vector.extract_strided_slice %select_n3A_2449 {offsets = [16, 0], sizes = [112, 128], strides = [1, 1]} : vector<128x128xf32> to vector<112x128xf32>
    %slice3A_2469 = vector.extract_strided_slice %select_n3A_2449 {offsets = [0, 0], sizes = [16, 128], strides = [1, 1]} : vector<128x128xf32> to vector<16x128xf32>
    %concatenate3A_2470 = tpu.concatenate %slice3A_2468, %slice3A_2469 in 0 : vector<112x128xf32>, vector<16x128xf32> -> vector<128x128xf32>
    %select_n3A_2471 = arith.select %ne3A_2457, %concatenate3A_2467, %concatenate3A_2470 : vector<128x128xi1>, vector<128x128xf32>
    %slice3A_2472 = vector.extract_strided_slice %select_n3A_2450 {offsets = [112, 0], sizes = [16, 128], strides = [1, 1]} : vector<128x128xf32> to vector<16x128xf32>
    %slice3A_2473 = vector.extract_strided_slice %select_n3A_2450 {offsets = [0, 0], sizes = [112, 128], strides = [1, 1]} : vector<128x128xf32> to vector<112x128xf32>
    %concatenate3A_2474 = tpu.concatenate %slice3A_2472, %slice3A_2473 in 0 : vector<16x128xf32>, vector<112x128xf32> -> vector<128x128xf32>
    %slice3A_2475 = vector.extract_strided_slice %select_n3A_2450 {offsets = [16, 0], sizes = [112, 128], strides = [1, 1]} : vector<128x128xf32> to vector<112x128xf32>
    %slice3A_2476 = vector.extract_strided_slice %select_n3A_2450 {offsets = [0, 0], sizes = [16, 128], strides = [1, 1]} : vector<128x128xf32> to vector<16x128xf32>
    %concatenate3A_2477 = tpu.concatenate %slice3A_2475, %slice3A_2476 in 0 : vector<112x128xf32>, vector<16x128xf32> -> vector<128x128xf32>
    %select_n3A_2478 = arith.select %ne3A_2457, %concatenate3A_2474, %concatenate3A_2477 : vector<128x128xi1>, vector<128x128xf32>
    %ne3A_2479 = arith.xori %ne3A_2457, %eq3A_2464 : vector<128x128xi1>
    %lt3A_2480 = arith.cmpf olt, %select_n3A_2471, %select_n3A_2449 : vector<128x128xf32>
    %eq3A_2481 = arith.xori %lt3A_2480, %ne3A_2479 : vector<128x128xi1>
    %eq3A_2482 = arith.constant dense<true> : vector<128x128xi1>
    %eq3A_2483 = arith.xori %eq3A_2481, %eq3A_2482 : vector<128x128xi1>
    %ne3A_2484 = arith.cmpf one, %select_n3A_2471, %select_n3A_2449 : vector<128x128xf32>
    %and3A_2485 = arith.andi %eq3A_2483, %ne3A_2484 : vector<128x128xi1>
    %select_n3A_2486 = arith.select %and3A_2485, %select_n3A_2471, %select_n3A_2449 : vector<128x128xi1>, vector<128x128xf32>
    %select_n3A_2487 = arith.select %and3A_2485, %select_n3A_2478, %select_n3A_2450 : vector<128x128xi1>, vector<128x128xf32>
    %iota3A_2488 = tpu.iota {dimensions = array<i32: 0>} : vector<128x128xi32>
    %and3A_2489 = arith.constant 8 : i32
    %and3A_2490 = vector.broadcast %and3A_2489 : i32 to vector<128x128xi32>
    %and3A_2491 = arith.andi %iota3A_2488, %and3A_2490 : vector<128x128xi32>
    %ne3A_2492 = arith.constant 0 : i32
    %ne3A_2493 = vector.broadcast %ne3A_2492 : i32 to vector<128x128xi32>
    %ne3A_2494 = arith.cmpi ne, %and3A_2491, %ne3A_2493 : vector<128x128xi32>
    %iota3A_2495 = tpu.iota {dimensions = array<i32: 0>} : vector<128x128xi32>
    %and3A_2496 = arith.constant 32 : i32
    %and3A_2497 = vector.broadcast %and3A_2496 : i32 to vector<128x128xi32>
    %and3A_2498 = arith.andi %iota3A_2495, %and3A_2497 : vector<128x128xi32>
    %eq3A_2499 = arith.constant 0 : i32
    %eq3A_2500 = vector.broadcast %eq3A_2499 : i32 to vector<128x128xi32>
    %eq3A_2501 = arith.cmpi eq, %and3A_2498, %eq3A_2500 : vector<128x128xi32>
    %slice3A_2502 = vector.extract_strided_slice %select_n3A_2486 {offsets = [120, 0], sizes = [8, 128], strides = [1, 1]} : vector<128x128xf32> to vector<8x128xf32>
    %slice3A_2503 = vector.extract_strided_slice %select_n3A_2486 {offsets = [0, 0], sizes = [120, 128], strides = [1, 1]} : vector<128x128xf32> to vector<120x128xf32>
    %concatenate3A_2504 = tpu.concatenate %slice3A_2502, %slice3A_2503 in 0 : vector<8x128xf32>, vector<120x128xf32> -> vector<128x128xf32>
    %slice3A_2505 = vector.extract_strided_slice %select_n3A_2486 {offsets = [8, 0], sizes = [120, 128], strides = [1, 1]} : vector<128x128xf32> to vector<120x128xf32>
    %slice3A_2506 = vector.extract_strided_slice %select_n3A_2486 {offsets = [0, 0], sizes = [8, 128], strides = [1, 1]} : vector<128x128xf32> to vector<8x128xf32>
    %concatenate3A_2507 = tpu.concatenate %slice3A_2505, %slice3A_2506 in 0 : vector<120x128xf32>, vector<8x128xf32> -> vector<128x128xf32>
    %select_n3A_2508 = arith.select %ne3A_2494, %concatenate3A_2504, %concatenate3A_2507 : vector<128x128xi1>, vector<128x128xf32>
    %slice3A_2509 = vector.extract_strided_slice %select_n3A_2487 {offsets = [120, 0], sizes = [8, 128], strides = [1, 1]} : vector<128x128xf32> to vector<8x128xf32>
    %slice3A_2510 = vector.extract_strided_slice %select_n3A_2487 {offsets = [0, 0], sizes = [120, 128], strides = [1, 1]} : vector<128x128xf32> to vector<120x128xf32>
    %concatenate3A_2511 = tpu.concatenate %slice3A_2509, %slice3A_2510 in 0 : vector<8x128xf32>, vector<120x128xf32> -> vector<128x128xf32>
    %slice3A_2512 = vector.extract_strided_slice %select_n3A_2487 {offsets = [8, 0], sizes = [120, 128], strides = [1, 1]} : vector<128x128xf32> to vector<120x128xf32>
    %slice3A_2513 = vector.extract_strided_slice %select_n3A_2487 {offsets = [0, 0], sizes = [8, 128], strides = [1, 1]} : vector<128x128xf32> to vector<8x128xf32>
    %concatenate3A_2514 = tpu.concatenate %slice3A_2512, %slice3A_2513 in 0 : vector<120x128xf32>, vector<8x128xf32> -> vector<128x128xf32>
    %select_n3A_2515 = arith.select %ne3A_2494, %concatenate3A_2511, %concatenate3A_2514 : vector<128x128xi1>, vector<128x128xf32>
    %ne3A_2516 = arith.xori %ne3A_2494, %eq3A_2501 : vector<128x128xi1>
    %lt3A_2517 = arith.cmpf olt, %select_n3A_2508, %select_n3A_2486 : vector<128x128xf32>
    %eq3A_2518 = arith.xori %lt3A_2517, %ne3A_2516 : vector<128x128xi1>
    %eq3A_2519 = arith.constant dense<true> : vector<128x128xi1>
    %eq3A_2520 = arith.xori %eq3A_2518, %eq3A_2519 : vector<128x128xi1>
    %ne3A_2521 = arith.cmpf one, %select_n3A_2508, %select_n3A_2486 : vector<128x128xf32>
    %and3A_2522 = arith.andi %eq3A_2520, %ne3A_2521 : vector<128x128xi1>
    %select_n3A_2523 = arith.select %and3A_2522, %select_n3A_2508, %select_n3A_2486 : vector<128x128xi1>, vector<128x128xf32>
    %select_n3A_2524 = arith.select %and3A_2522, %select_n3A_2515, %select_n3A_2487 : vector<128x128xi1>, vector<128x128xf32>
    %iota3A_2525 = tpu.iota {dimensions = array<i32: 0>} : vector<128x128xi32>
    %and3A_2526 = arith.constant 4 : i32
    %and3A_2527 = vector.broadcast %and3A_2526 : i32 to vector<128x128xi32>
    %and3A_2528 = arith.andi %iota3A_2525, %and3A_2527 : vector<128x128xi32>
    %ne3A_2529 = arith.constant 0 : i32
    %ne3A_2530 = vector.broadcast %ne3A_2529 : i32 to vector<128x128xi32>
    %ne3A_2531 = arith.cmpi ne, %and3A_2528, %ne3A_2530 : vector<128x128xi32>
    %iota3A_2532 = tpu.iota {dimensions = array<i32: 0>} : vector<128x128xi32>
    %and3A_2533 = arith.constant 32 : i32
    %and3A_2534 = vector.broadcast %and3A_2533 : i32 to vector<128x128xi32>
    %and3A_2535 = arith.andi %iota3A_2532, %and3A_2534 : vector<128x128xi32>
    %eq3A_2536 = arith.constant 0 : i32
    %eq3A_2537 = vector.broadcast %eq3A_2536 : i32 to vector<128x128xi32>
    %eq3A_2538 = arith.cmpi eq, %and3A_2535, %eq3A_2537 : vector<128x128xi32>
    %slice3A_2539 = vector.extract_strided_slice %select_n3A_2523 {offsets = [124, 0], sizes = [4, 128], strides = [1, 1]} : vector<128x128xf32> to vector<4x128xf32>
    %slice3A_2540 = vector.extract_strided_slice %select_n3A_2523 {offsets = [0, 0], sizes = [124, 128], strides = [1, 1]} : vector<128x128xf32> to vector<124x128xf32>
    %concatenate3A_2541 = tpu.concatenate %slice3A_2539, %slice3A_2540 in 0 : vector<4x128xf32>, vector<124x128xf32> -> vector<128x128xf32>
    %slice3A_2542 = vector.extract_strided_slice %select_n3A_2523 {offsets = [4, 0], sizes = [124, 128], strides = [1, 1]} : vector<128x128xf32> to vector<124x128xf32>
    %slice3A_2543 = vector.extract_strided_slice %select_n3A_2523 {offsets = [0, 0], sizes = [4, 128], strides = [1, 1]} : vector<128x128xf32> to vector<4x128xf32>
    %concatenate3A_2544 = tpu.concatenate %slice3A_2542, %slice3A_2543 in 0 : vector<124x128xf32>, vector<4x128xf32> -> vector<128x128xf32>
    %select_n3A_2545 = arith.select %ne3A_2531, %concatenate3A_2541, %concatenate3A_2544 : vector<128x128xi1>, vector<128x128xf32>
    %slice3A_2546 = vector.extract_strided_slice %select_n3A_2524 {offsets = [124, 0], sizes = [4, 128], strides = [1, 1]} : vector<128x128xf32> to vector<4x128xf32>
    %slice3A_2547 = vector.extract_strided_slice %select_n3A_2524 {offsets = [0, 0], sizes = [124, 128], strides = [1, 1]} : vector<128x128xf32> to vector<124x128xf32>
    %concatenate3A_2548 = tpu.concatenate %slice3A_2546, %slice3A_2547 in 0 : vector<4x128xf32>, vector<124x128xf32> -> vector<128x128xf32>
    %slice3A_2549 = vector.extract_strided_slice %select_n3A_2524 {offsets = [4, 0], sizes = [124, 128], strides = [1, 1]} : vector<128x128xf32> to vector<124x128xf32>
    %slice3A_2550 = vector.extract_strided_slice %select_n3A_2524 {offsets = [0, 0], sizes = [4, 128], strides = [1, 1]} : vector<128x128xf32> to vector<4x128xf32>
    %concatenate3A_2551 = tpu.concatenate %slice3A_2549, %slice3A_2550 in 0 : vector<124x128xf32>, vector<4x128xf32> -> vector<128x128xf32>
    %select_n3A_2552 = arith.select %ne3A_2531, %concatenate3A_2548, %concatenate3A_2551 : vector<128x128xi1>, vector<128x128xf32>
    %ne3A_2553 = arith.xori %ne3A_2531, %eq3A_2538 : vector<128x128xi1>
    %lt3A_2554 = arith.cmpf olt, %select_n3A_2545, %select_n3A_2523 : vector<128x128xf32>
    %eq3A_2555 = arith.xori %lt3A_2554, %ne3A_2553 : vector<128x128xi1>
    %eq3A_2556 = arith.constant dense<true> : vector<128x128xi1>
    %eq3A_2557 = arith.xori %eq3A_2555, %eq3A_2556 : vector<128x128xi1>
    %ne3A_2558 = arith.cmpf one, %select_n3A_2545, %select_n3A_2523 : vector<128x128xf32>
    %and3A_2559 = arith.andi %eq3A_2557, %ne3A_2558 : vector<128x128xi1>
    %select_n3A_2560 = arith.select %and3A_2559, %select_n3A_2545, %select_n3A_2523 : vector<128x128xi1>, vector<128x128xf32>
    %select_n3A_2561 = arith.select %and3A_2559, %select_n3A_2552, %select_n3A_2524 : vector<128x128xi1>, vector<128x128xf32>
    %iota3A_2562 = tpu.iota {dimensions = array<i32: 0>} : vector<128x128xi32>
    %and3A_2563 = arith.constant 2 : i32
    %and3A_2564 = vector.broadcast %and3A_2563 : i32 to vector<128x128xi32>
    %and3A_2565 = arith.andi %iota3A_2562, %and3A_2564 : vector<128x128xi32>
    %ne3A_2566 = arith.constant 0 : i32
    %ne3A_2567 = vector.broadcast %ne3A_2566 : i32 to vector<128x128xi32>
    %ne3A_2568 = arith.cmpi ne, %and3A_2565, %ne3A_2567 : vector<128x128xi32>
    %iota3A_2569 = tpu.iota {dimensions = array<i32: 0>} : vector<128x128xi32>
    %and3A_2570 = arith.constant 32 : i32
    %and3A_2571 = vector.broadcast %and3A_2570 : i32 to vector<128x128xi32>
    %and3A_2572 = arith.andi %iota3A_2569, %and3A_2571 : vector<128x128xi32>
    %eq3A_2573 = arith.constant 0 : i32
    %eq3A_2574 = vector.broadcast %eq3A_2573 : i32 to vector<128x128xi32>
    %eq3A_2575 = arith.cmpi eq, %and3A_2572, %eq3A_2574 : vector<128x128xi32>
    %slice3A_2576 = vector.extract_strided_slice %select_n3A_2560 {offsets = [126, 0], sizes = [2, 128], strides = [1, 1]} : vector<128x128xf32> to vector<2x128xf32>
    %slice3A_2577 = vector.extract_strided_slice %select_n3A_2560 {offsets = [0, 0], sizes = [126, 128], strides = [1, 1]} : vector<128x128xf32> to vector<126x128xf32>
    %concatenate3A_2578 = tpu.concatenate %slice3A_2576, %slice3A_2577 in 0 : vector<2x128xf32>, vector<126x128xf32> -> vector<128x128xf32>
    %slice3A_2579 = vector.extract_strided_slice %select_n3A_2560 {offsets = [2, 0], sizes = [126, 128], strides = [1, 1]} : vector<128x128xf32> to vector<126x128xf32>
    %slice3A_2580 = vector.extract_strided_slice %select_n3A_2560 {offsets = [0, 0], sizes = [2, 128], strides = [1, 1]} : vector<128x128xf32> to vector<2x128xf32>
    %concatenate3A_2581 = tpu.concatenate %slice3A_2579, %slice3A_2580 in 0 : vector<126x128xf32>, vector<2x128xf32> -> vector<128x128xf32>
    %select_n3A_2582 = arith.select %ne3A_2568, %concatenate3A_2578, %concatenate3A_2581 : vector<128x128xi1>, vector<128x128xf32>
    %slice3A_2583 = vector.extract_strided_slice %select_n3A_2561 {offsets = [126, 0], sizes = [2, 128], strides = [1, 1]} : vector<128x128xf32> to vector<2x128xf32>
    %slice3A_2584 = vector.extract_strided_slice %select_n3A_2561 {offsets = [0, 0], sizes = [126, 128], strides = [1, 1]} : vector<128x128xf32> to vector<126x128xf32>
    %concatenate3A_2585 = tpu.concatenate %slice3A_2583, %slice3A_2584 in 0 : vector<2x128xf32>, vector<126x128xf32> -> vector<128x128xf32>
    %slice3A_2586 = vector.extract_strided_slice %select_n3A_2561 {offsets = [2, 0], sizes = [126, 128], strides = [1, 1]} : vector<128x128xf32> to vector<126x128xf32>
    %slice3A_2587 = vector.extract_strided_slice %select_n3A_2561 {offsets = [0, 0], sizes = [2, 128], strides = [1, 1]} : vector<128x128xf32> to vector<2x128xf32>
    %concatenate3A_2588 = tpu.concatenate %slice3A_2586, %slice3A_2587 in 0 : vector<126x128xf32>, vector<2x128xf32> -> vector<128x128xf32>
    %select_n3A_2589 = arith.select %ne3A_2568, %concatenate3A_2585, %concatenate3A_2588 : vector<128x128xi1>, vector<128x128xf32>
    %ne3A_2590 = arith.xori %ne3A_2568, %eq3A_2575 : vector<128x128xi1>
    %lt3A_2591 = arith.cmpf olt, %select_n3A_2582, %select_n3A_2560 : vector<128x128xf32>
    %eq3A_2592 = arith.xori %lt3A_2591, %ne3A_2590 : vector<128x128xi1>
    %eq3A_2593 = arith.constant dense<true> : vector<128x128xi1>
    %eq3A_2594 = arith.xori %eq3A_2592, %eq3A_2593 : vector<128x128xi1>
    %ne3A_2595 = arith.cmpf one, %select_n3A_2582, %select_n3A_2560 : vector<128x128xf32>
    %and3A_2596 = arith.andi %eq3A_2594, %ne3A_2595 : vector<128x128xi1>
    %select_n3A_2597 = arith.select %and3A_2596, %select_n3A_2582, %select_n3A_2560 : vector<128x128xi1>, vector<128x128xf32>
    %select_n3A_2598 = arith.select %and3A_2596, %select_n3A_2589, %select_n3A_2561 : vector<128x128xi1>, vector<128x128xf32>
    %iota3A_2599 = tpu.iota {dimensions = array<i32: 0>} : vector<128x128xi32>
    %and3A_2600 = arith.constant 1 : i32
    %and3A_2601 = vector.broadcast %and3A_2600 : i32 to vector<128x128xi32>
    %and3A_2602 = arith.andi %iota3A_2599, %and3A_2601 : vector<128x128xi32>
    %ne3A_2603 = arith.constant 0 : i32
    %ne3A_2604 = vector.broadcast %ne3A_2603 : i32 to vector<128x128xi32>
    %ne3A_2605 = arith.cmpi ne, %and3A_2602, %ne3A_2604 : vector<128x128xi32>
    %iota3A_2606 = tpu.iota {dimensions = array<i32: 0>} : vector<128x128xi32>
    %and3A_2607 = arith.constant 32 : i32
    %and3A_2608 = vector.broadcast %and3A_2607 : i32 to vector<128x128xi32>
    %and3A_2609 = arith.andi %iota3A_2606, %and3A_2608 : vector<128x128xi32>
    %eq3A_2610 = arith.constant 0 : i32
    %eq3A_2611 = vector.broadcast %eq3A_2610 : i32 to vector<128x128xi32>
    %eq3A_2612 = arith.cmpi eq, %and3A_2609, %eq3A_2611 : vector<128x128xi32>
    %slice3A_2613 = vector.extract_strided_slice %select_n3A_2597 {offsets = [127, 0], sizes = [1, 128], strides = [1, 1]} : vector<128x128xf32> to vector<1x128xf32>
    %slice3A_2614 = vector.extract_strided_slice %select_n3A_2597 {offsets = [0, 0], sizes = [127, 128], strides = [1, 1]} : vector<128x128xf32> to vector<127x128xf32>
    %concatenate3A_2615 = tpu.concatenate %slice3A_2613, %slice3A_2614 in 0 : vector<1x128xf32>, vector<127x128xf32> -> vector<128x128xf32>
    %slice3A_2616 = vector.extract_strided_slice %select_n3A_2597 {offsets = [1, 0], sizes = [127, 128], strides = [1, 1]} : vector<128x128xf32> to vector<127x128xf32>
    %slice3A_2617 = vector.extract_strided_slice %select_n3A_2597 {offsets = [0, 0], sizes = [1, 128], strides = [1, 1]} : vector<128x128xf32> to vector<1x128xf32>
    %concatenate3A_2618 = tpu.concatenate %slice3A_2616, %slice3A_2617 in 0 : vector<127x128xf32>, vector<1x128xf32> -> vector<128x128xf32>
    %select_n3A_2619 = arith.select %ne3A_2605, %concatenate3A_2615, %concatenate3A_2618 : vector<128x128xi1>, vector<128x128xf32>
    %slice3A_2620 = vector.extract_strided_slice %select_n3A_2598 {offsets = [127, 0], sizes = [1, 128], strides = [1, 1]} : vector<128x128xf32> to vector<1x128xf32>
    %slice3A_2621 = vector.extract_strided_slice %select_n3A_2598 {offsets = [0, 0], sizes = [127, 128], strides = [1, 1]} : vector<128x128xf32> to vector<127x128xf32>
    %concatenate3A_2622 = tpu.concatenate %slice3A_2620, %slice3A_2621 in 0 : vector<1x128xf32>, vector<127x128xf32> -> vector<128x128xf32>
    %slice3A_2623 = vector.extract_strided_slice %select_n3A_2598 {offsets = [1, 0], sizes = [127, 128], strides = [1, 1]} : vector<128x128xf32> to vector<127x128xf32>
    %slice3A_2624 = vector.extract_strided_slice %select_n3A_2598 {offsets = [0, 0], sizes = [1, 128], strides = [1, 1]} : vector<128x128xf32> to vector<1x128xf32>
    %concatenate3A_2625 = tpu.concatenate %slice3A_2623, %slice3A_2624 in 0 : vector<127x128xf32>, vector<1x128xf32> -> vector<128x128xf32>
    %select_n3A_2626 = arith.select %ne3A_2605, %concatenate3A_2622, %concatenate3A_2625 : vector<128x128xi1>, vector<128x128xf32>
    %ne3A_2627 = arith.xori %ne3A_2605, %eq3A_2612 : vector<128x128xi1>
    %lt3A_2628 = arith.cmpf olt, %select_n3A_2619, %select_n3A_2597 : vector<128x128xf32>
    %eq3A_2629 = arith.xori %lt3A_2628, %ne3A_2627 : vector<128x128xi1>
    %eq3A_2630 = arith.constant dense<true> : vector<128x128xi1>
    %eq3A_2631 = arith.xori %eq3A_2629, %eq3A_2630 : vector<128x128xi1>
    %ne3A_2632 = arith.cmpf one, %select_n3A_2619, %select_n3A_2597 : vector<128x128xf32>
    %and3A_2633 = arith.andi %eq3A_2631, %ne3A_2632 : vector<128x128xi1>
    %select_n3A_2634 = arith.select %and3A_2633, %select_n3A_2619, %select_n3A_2597 : vector<128x128xi1>, vector<128x128xf32>
    %select_n3A_2635 = arith.select %and3A_2633, %select_n3A_2626, %select_n3A_2598 : vector<128x128xi1>, vector<128x128xf32>
    %iota3A_2636 = tpu.iota {dimensions = array<i32: 1>} : vector<128x128xi32>
    %and3A_2637 = arith.constant 64 : i32
    %and3A_2638 = vector.broadcast %and3A_2637 : i32 to vector<128x128xi32>
    %and3A_2639 = arith.andi %iota3A_2636, %and3A_2638 : vector<128x128xi32>
    %ne3A_2640 = arith.constant 0 : i32
    %ne3A_2641 = vector.broadcast %ne3A_2640 : i32 to vector<128x128xi32>
    %ne3A_2642 = arith.cmpi ne, %and3A_2639, %ne3A_2641 : vector<128x128xi32>
    %iota3A_2643 = tpu.iota {dimensions = array<i32: 0>} : vector<128x128xi32>
    %and3A_2644 = arith.constant 32 : i32
    %and3A_2645 = vector.broadcast %and3A_2644 : i32 to vector<128x128xi32>
    %and3A_2646 = arith.andi %iota3A_2643, %and3A_2645 : vector<128x128xi32>
    %eq3A_2647 = arith.constant 0 : i32
    %eq3A_2648 = vector.broadcast %eq3A_2647 : i32 to vector<128x128xi32>
    %eq3A_2649 = arith.cmpi eq, %and3A_2646, %eq3A_2648 : vector<128x128xi32>
    %slice3A_2650 = vector.extract_strided_slice %select_n3A_2634 {offsets = [0, 64], sizes = [128, 64], strides = [1, 1]} : vector<128x128xf32> to vector<128x64xf32>
    %slice3A_2651 = vector.extract_strided_slice %select_n3A_2634 {offsets = [0, 0], sizes = [128, 64], strides = [1, 1]} : vector<128x128xf32> to vector<128x64xf32>
    %concatenate3A_2652 = tpu.concatenate %slice3A_2650, %slice3A_2651 in 1 : vector<128x64xf32>, vector<128x64xf32> -> vector<128x128xf32>
    %slice3A_2653 = vector.extract_strided_slice %select_n3A_2634 {offsets = [0, 64], sizes = [128, 64], strides = [1, 1]} : vector<128x128xf32> to vector<128x64xf32>
    %slice3A_2654 = vector.extract_strided_slice %select_n3A_2634 {offsets = [0, 0], sizes = [128, 64], strides = [1, 1]} : vector<128x128xf32> to vector<128x64xf32>
    %concatenate3A_2655 = tpu.concatenate %slice3A_2653, %slice3A_2654 in 1 : vector<128x64xf32>, vector<128x64xf32> -> vector<128x128xf32>
    %select_n3A_2656 = arith.select %ne3A_2642, %concatenate3A_2652, %concatenate3A_2655 : vector<128x128xi1>, vector<128x128xf32>
    %slice3A_2657 = vector.extract_strided_slice %select_n3A_2635 {offsets = [0, 64], sizes = [128, 64], strides = [1, 1]} : vector<128x128xf32> to vector<128x64xf32>
    %slice3A_2658 = vector.extract_strided_slice %select_n3A_2635 {offsets = [0, 0], sizes = [128, 64], strides = [1, 1]} : vector<128x128xf32> to vector<128x64xf32>
    %concatenate3A_2659 = tpu.concatenate %slice3A_2657, %slice3A_2658 in 1 : vector<128x64xf32>, vector<128x64xf32> -> vector<128x128xf32>
    %slice3A_2660 = vector.extract_strided_slice %select_n3A_2635 {offsets = [0, 64], sizes = [128, 64], strides = [1, 1]} : vector<128x128xf32> to vector<128x64xf32>
    %slice3A_2661 = vector.extract_strided_slice %select_n3A_2635 {offsets = [0, 0], sizes = [128, 64], strides = [1, 1]} : vector<128x128xf32> to vector<128x64xf32>
    %concatenate3A_2662 = tpu.concatenate %slice3A_2660, %slice3A_2661 in 1 : vector<128x64xf32>, vector<128x64xf32> -> vector<128x128xf32>
    %select_n3A_2663 = arith.select %ne3A_2642, %concatenate3A_2659, %concatenate3A_2662 : vector<128x128xi1>, vector<128x128xf32>
    %ne3A_2664 = arith.xori %ne3A_2642, %eq3A_2649 : vector<128x128xi1>
    %lt3A_2665 = arith.cmpf olt, %select_n3A_2656, %select_n3A_2634 : vector<128x128xf32>
    %eq3A_2666 = arith.xori %lt3A_2665, %ne3A_2664 : vector<128x128xi1>
    %eq3A_2667 = arith.constant dense<true> : vector<128x128xi1>
    %eq3A_2668 = arith.xori %eq3A_2666, %eq3A_2667 : vector<128x128xi1>
    %ne3A_2669 = arith.cmpf one, %select_n3A_2656, %select_n3A_2634 : vector<128x128xf32>
    %and3A_2670 = arith.andi %eq3A_2668, %ne3A_2669 : vector<128x128xi1>
    %select_n3A_2671 = arith.select %and3A_2670, %select_n3A_2656, %select_n3A_2634 : vector<128x128xi1>, vector<128x128xf32>
    %select_n3A_2672 = arith.select %and3A_2670, %select_n3A_2663, %select_n3A_2635 : vector<128x128xi1>, vector<128x128xf32>
    %iota3A_2673 = tpu.iota {dimensions = array<i32: 1>} : vector<128x128xi32>
    %and3A_2674 = arith.constant 32 : i32
    %and3A_2675 = vector.broadcast %and3A_2674 : i32 to vector<128x128xi32>
    %and3A_2676 = arith.andi %iota3A_2673, %and3A_2675 : vector<128x128xi32>
    %ne3A_2677 = arith.constant 0 : i32
    %ne3A_2678 = vector.broadcast %ne3A_2677 : i32 to vector<128x128xi32>
    %ne3A_2679 = arith.cmpi ne, %and3A_2676, %ne3A_2678 : vector<128x128xi32>
    %iota3A_2680 = tpu.iota {dimensions = array<i32: 0>} : vector<128x128xi32>
    %and3A_2681 = arith.constant 32 : i32
    %and3A_2682 = vector.broadcast %and3A_2681 : i32 to vector<128x128xi32>
    %and3A_2683 = arith.andi %iota3A_2680, %and3A_2682 : vector<128x128xi32>
    %eq3A_2684 = arith.constant 0 : i32
    %eq3A_2685 = vector.broadcast %eq3A_2684 : i32 to vector<128x128xi32>
    %eq3A_2686 = arith.cmpi eq, %and3A_2683, %eq3A_2685 : vector<128x128xi32>
    %slice3A_2687 = vector.extract_strided_slice %select_n3A_2671 {offsets = [0, 96], sizes = [128, 32], strides = [1, 1]} : vector<128x128xf32> to vector<128x32xf32>
    %slice3A_2688 = vector.extract_strided_slice %select_n3A_2671 {offsets = [0, 0], sizes = [128, 96], strides = [1, 1]} : vector<128x128xf32> to vector<128x96xf32>
    %concatenate3A_2689 = tpu.concatenate %slice3A_2687, %slice3A_2688 in 1 : vector<128x32xf32>, vector<128x96xf32> -> vector<128x128xf32>
    %slice3A_2690 = vector.extract_strided_slice %select_n3A_2671 {offsets = [0, 32], sizes = [128, 96], strides = [1, 1]} : vector<128x128xf32> to vector<128x96xf32>
    %slice3A_2691 = vector.extract_strided_slice %select_n3A_2671 {offsets = [0, 0], sizes = [128, 32], strides = [1, 1]} : vector<128x128xf32> to vector<128x32xf32>
    %concatenate3A_2692 = tpu.concatenate %slice3A_2690, %slice3A_2691 in 1 : vector<128x96xf32>, vector<128x32xf32> -> vector<128x128xf32>
    %select_n3A_2693 = arith.select %ne3A_2679, %concatenate3A_2689, %concatenate3A_2692 : vector<128x128xi1>, vector<128x128xf32>
    %slice3A_2694 = vector.extract_strided_slice %select_n3A_2672 {offsets = [0, 96], sizes = [128, 32], strides = [1, 1]} : vector<128x128xf32> to vector<128x32xf32>
    %slice3A_2695 = vector.extract_strided_slice %select_n3A_2672 {offsets = [0, 0], sizes = [128, 96], strides = [1, 1]} : vector<128x128xf32> to vector<128x96xf32>
    %concatenate3A_2696 = tpu.concatenate %slice3A_2694, %slice3A_2695 in 1 : vector<128x32xf32>, vector<128x96xf32> -> vector<128x128xf32>
    %slice3A_2697 = vector.extract_strided_slice %select_n3A_2672 {offsets = [0, 32], sizes = [128, 96], strides = [1, 1]} : vector<128x128xf32> to vector<128x96xf32>
    %slice3A_2698 = vector.extract_strided_slice %select_n3A_2672 {offsets = [0, 0], sizes = [128, 32], strides = [1, 1]} : vector<128x128xf32> to vector<128x32xf32>
    %concatenate3A_2699 = tpu.concatenate %slice3A_2697, %slice3A_2698 in 1 : vector<128x96xf32>, vector<128x32xf32> -> vector<128x128xf32>
    %select_n3A_2700 = arith.select %ne3A_2679, %concatenate3A_2696, %concatenate3A_2699 : vector<128x128xi1>, vector<128x128xf32>
    %ne3A_2701 = arith.xori %ne3A_2679, %eq3A_2686 : vector<128x128xi1>
    %lt3A_2702 = arith.cmpf olt, %select_n3A_2693, %select_n3A_2671 : vector<128x128xf32>
    %eq3A_2703 = arith.xori %lt3A_2702, %ne3A_2701 : vector<128x128xi1>
    %eq3A_2704 = arith.constant dense<true> : vector<128x128xi1>
    %eq3A_2705 = arith.xori %eq3A_2703, %eq3A_2704 : vector<128x128xi1>
    %ne3A_2706 = arith.cmpf one, %select_n3A_2693, %select_n3A_2671 : vector<128x128xf32>
    %and3A_2707 = arith.andi %eq3A_2705, %ne3A_2706 : vector<128x128xi1>
    %select_n3A_2708 = arith.select %and3A_2707, %select_n3A_2693, %select_n3A_2671 : vector<128x128xi1>, vector<128x128xf32>
    %select_n3A_2709 = arith.select %and3A_2707, %select_n3A_2700, %select_n3A_2672 : vector<128x128xi1>, vector<128x128xf32>
    %iota3A_2710 = tpu.iota {dimensions = array<i32: 1>} : vector<128x128xi32>
    %and3A_2711 = arith.constant 16 : i32
    %and3A_2712 = vector.broadcast %and3A_2711 : i32 to vector<128x128xi32>
    %and3A_2713 = arith.andi %iota3A_2710, %and3A_2712 : vector<128x128xi32>
    %ne3A_2714 = arith.constant 0 : i32
    %ne3A_2715 = vector.broadcast %ne3A_2714 : i32 to vector<128x128xi32>
    %ne3A_2716 = arith.cmpi ne, %and3A_2713, %ne3A_2715 : vector<128x128xi32>
    %iota3A_2717 = tpu.iota {dimensions = array<i32: 0>} : vector<128x128xi32>
    %and3A_2718 = arith.constant 32 : i32
    %and3A_2719 = vector.broadcast %and3A_2718 : i32 to vector<128x128xi32>
    %and3A_2720 = arith.andi %iota3A_2717, %and3A_2719 : vector<128x128xi32>
    %eq3A_2721 = arith.constant 0 : i32
    %eq3A_2722 = vector.broadcast %eq3A_2721 : i32 to vector<128x128xi32>
    %eq3A_2723 = arith.cmpi eq, %and3A_2720, %eq3A_2722 : vector<128x128xi32>
    %slice3A_2724 = vector.extract_strided_slice %select_n3A_2708 {offsets = [0, 112], sizes = [128, 16], strides = [1, 1]} : vector<128x128xf32> to vector<128x16xf32>
    %slice3A_2725 = vector.extract_strided_slice %select_n3A_2708 {offsets = [0, 0], sizes = [128, 112], strides = [1, 1]} : vector<128x128xf32> to vector<128x112xf32>
    %concatenate3A_2726 = tpu.concatenate %slice3A_2724, %slice3A_2725 in 1 : vector<128x16xf32>, vector<128x112xf32> -> vector<128x128xf32>
    %slice3A_2727 = vector.extract_strided_slice %select_n3A_2708 {offsets = [0, 16], sizes = [128, 112], strides = [1, 1]} : vector<128x128xf32> to vector<128x112xf32>
    %slice3A_2728 = vector.extract_strided_slice %select_n3A_2708 {offsets = [0, 0], sizes = [128, 16], strides = [1, 1]} : vector<128x128xf32> to vector<128x16xf32>
    %concatenate3A_2729 = tpu.concatenate %slice3A_2727, %slice3A_2728 in 1 : vector<128x112xf32>, vector<128x16xf32> -> vector<128x128xf32>
    %select_n3A_2730 = arith.select %ne3A_2716, %concatenate3A_2726, %concatenate3A_2729 : vector<128x128xi1>, vector<128x128xf32>
    %slice3A_2731 = vector.extract_strided_slice %select_n3A_2709 {offsets = [0, 112], sizes = [128, 16], strides = [1, 1]} : vector<128x128xf32> to vector<128x16xf32>
    %slice3A_2732 = vector.extract_strided_slice %select_n3A_2709 {offsets = [0, 0], sizes = [128, 112], strides = [1, 1]} : vector<128x128xf32> to vector<128x112xf32>
    %concatenate3A_2733 = tpu.concatenate %slice3A_2731, %slice3A_2732 in 1 : vector<128x16xf32>, vector<128x112xf32> -> vector<128x128xf32>
    %slice3A_2734 = vector.extract_strided_slice %select_n3A_2709 {offsets = [0, 16], sizes = [128, 112], strides = [1, 1]} : vector<128x128xf32> to vector<128x112xf32>
    %slice3A_2735 = vector.extract_strided_slice %select_n3A_2709 {offsets = [0, 0], sizes = [128, 16], strides = [1, 1]} : vector<128x128xf32> to vector<128x16xf32>
    %concatenate3A_2736 = tpu.concatenate %slice3A_2734, %slice3A_2735 in 1 : vector<128x112xf32>, vector<128x16xf32> -> vector<128x128xf32>
    %select_n3A_2737 = arith.select %ne3A_2716, %concatenate3A_2733, %concatenate3A_2736 : vector<128x128xi1>, vector<128x128xf32>
    %ne3A_2738 = arith.xori %ne3A_2716, %eq3A_2723 : vector<128x128xi1>
    %lt3A_2739 = arith.cmpf olt, %select_n3A_2730, %select_n3A_2708 : vector<128x128xf32>
    %eq3A_2740 = arith.xori %lt3A_2739, %ne3A_2738 : vector<128x128xi1>
    %eq3A_2741 = arith.constant dense<true> : vector<128x128xi1>
    %eq3A_2742 = arith.xori %eq3A_2740, %eq3A_2741 : vector<128x128xi1>
    %ne3A_2743 = arith.cmpf one, %select_n3A_2730, %select_n3A_2708 : vector<128x128xf32>
    %and3A_2744 = arith.andi %eq3A_2742, %ne3A_2743 : vector<128x128xi1>
    %select_n3A_2745 = arith.select %and3A_2744, %select_n3A_2730, %select_n3A_2708 : vector<128x128xi1>, vector<128x128xf32>
    %select_n3A_2746 = arith.select %and3A_2744, %select_n3A_2737, %select_n3A_2709 : vector<128x128xi1>, vector<128x128xf32>
    %iota3A_2747 = tpu.iota {dimensions = array<i32: 1>} : vector<128x128xi32>
    %and3A_2748 = arith.constant 8 : i32
    %and3A_2749 = vector.broadcast %and3A_2748 : i32 to vector<128x128xi32>
    %and3A_2750 = arith.andi %iota3A_2747, %and3A_2749 : vector<128x128xi32>
    %ne3A_2751 = arith.constant 0 : i32
    %ne3A_2752 = vector.broadcast %ne3A_2751 : i32 to vector<128x128xi32>
    %ne3A_2753 = arith.cmpi ne, %and3A_2750, %ne3A_2752 : vector<128x128xi32>
    %iota3A_2754 = tpu.iota {dimensions = array<i32: 0>} : vector<128x128xi32>
    %and3A_2755 = arith.constant 32 : i32
    %and3A_2756 = vector.broadcast %and3A_2755 : i32 to vector<128x128xi32>
    %and3A_2757 = arith.andi %iota3A_2754, %and3A_2756 : vector<128x128xi32>
    %eq3A_2758 = arith.constant 0 : i32
    %eq3A_2759 = vector.broadcast %eq3A_2758 : i32 to vector<128x128xi32>
    %eq3A_2760 = arith.cmpi eq, %and3A_2757, %eq3A_2759 : vector<128x128xi32>
    %slice3A_2761 = vector.extract_strided_slice %select_n3A_2745 {offsets = [0, 120], sizes = [128, 8], strides = [1, 1]} : vector<128x128xf32> to vector<128x8xf32>
    %slice3A_2762 = vector.extract_strided_slice %select_n3A_2745 {offsets = [0, 0], sizes = [128, 120], strides = [1, 1]} : vector<128x128xf32> to vector<128x120xf32>
    %concatenate3A_2763 = tpu.concatenate %slice3A_2761, %slice3A_2762 in 1 : vector<128x8xf32>, vector<128x120xf32> -> vector<128x128xf32>
    %slice3A_2764 = vector.extract_strided_slice %select_n3A_2745 {offsets = [0, 8], sizes = [128, 120], strides = [1, 1]} : vector<128x128xf32> to vector<128x120xf32>
    %slice3A_2765 = vector.extract_strided_slice %select_n3A_2745 {offsets = [0, 0], sizes = [128, 8], strides = [1, 1]} : vector<128x128xf32> to vector<128x8xf32>
    %concatenate3A_2766 = tpu.concatenate %slice3A_2764, %slice3A_2765 in 1 : vector<128x120xf32>, vector<128x8xf32> -> vector<128x128xf32>
    %select_n3A_2767 = arith.select %ne3A_2753, %concatenate3A_2763, %concatenate3A_2766 : vector<128x128xi1>, vector<128x128xf32>
    %slice3A_2768 = vector.extract_strided_slice %select_n3A_2746 {offsets = [0, 120], sizes = [128, 8], strides = [1, 1]} : vector<128x128xf32> to vector<128x8xf32>
    %slice3A_2769 = vector.extract_strided_slice %select_n3A_2746 {offsets = [0, 0], sizes = [128, 120], strides = [1, 1]} : vector<128x128xf32> to vector<128x120xf32>
    %concatenate3A_2770 = tpu.concatenate %slice3A_2768, %slice3A_2769 in 1 : vector<128x8xf32>, vector<128x120xf32> -> vector<128x128xf32>
    %slice3A_2771 = vector.extract_strided_slice %select_n3A_2746 {offsets = [0, 8], sizes = [128, 120], strides = [1, 1]} : vector<128x128xf32> to vector<128x120xf32>
    %slice3A_2772 = vector.extract_strided_slice %select_n3A_2746 {offsets = [0, 0], sizes = [128, 8], strides = [1, 1]} : vector<128x128xf32> to vector<128x8xf32>
    %concatenate3A_2773 = tpu.concatenate %slice3A_2771, %slice3A_2772 in 1 : vector<128x120xf32>, vector<128x8xf32> -> vector<128x128xf32>
    %select_n3A_2774 = arith.select %ne3A_2753, %concatenate3A_2770, %concatenate3A_2773 : vector<128x128xi1>, vector<128x128xf32>
    %ne3A_2775 = arith.xori %ne3A_2753, %eq3A_2760 : vector<128x128xi1>
    %lt3A_2776 = arith.cmpf olt, %select_n3A_2767, %select_n3A_2745 : vector<128x128xf32>
    %eq3A_2777 = arith.xori %lt3A_2776, %ne3A_2775 : vector<128x128xi1>
    %eq3A_2778 = arith.constant dense<true> : vector<128x128xi1>
    %eq3A_2779 = arith.xori %eq3A_2777, %eq3A_2778 : vector<128x128xi1>
    %ne3A_2780 = arith.cmpf one, %select_n3A_2767, %select_n3A_2745 : vector<128x128xf32>
    %and3A_2781 = arith.andi %eq3A_2779, %ne3A_2780 : vector<128x128xi1>
    %select_n3A_2782 = arith.select %and3A_2781, %select_n3A_2767, %select_n3A_2745 : vector<128x128xi1>, vector<128x128xf32>
    %select_n3A_2783 = arith.select %and3A_2781, %select_n3A_2774, %select_n3A_2746 : vector<128x128xi1>, vector<128x128xf32>
    %iota3A_2784 = tpu.iota {dimensions = array<i32: 1>} : vector<128x128xi32>
    %and3A_2785 = arith.constant 4 : i32
    %and3A_2786 = vector.broadcast %and3A_2785 : i32 to vector<128x128xi32>
    %and3A_2787 = arith.andi %iota3A_2784, %and3A_2786 : vector<128x128xi32>
    %ne3A_2788 = arith.constant 0 : i32
    %ne3A_2789 = vector.broadcast %ne3A_2788 : i32 to vector<128x128xi32>
    %ne3A_2790 = arith.cmpi ne, %and3A_2787, %ne3A_2789 : vector<128x128xi32>
    %iota3A_2791 = tpu.iota {dimensions = array<i32: 0>} : vector<128x128xi32>
    %and3A_2792 = arith.constant 32 : i32
    %and3A_2793 = vector.broadcast %and3A_2792 : i32 to vector<128x128xi32>
    %and3A_2794 = arith.andi %iota3A_2791, %and3A_2793 : vector<128x128xi32>
    %eq3A_2795 = arith.constant 0 : i32
    %eq3A_2796 = vector.broadcast %eq3A_2795 : i32 to vector<128x128xi32>
    %eq3A_2797 = arith.cmpi eq, %and3A_2794, %eq3A_2796 : vector<128x128xi32>
    %slice3A_2798 = vector.extract_strided_slice %select_n3A_2782 {offsets = [0, 124], sizes = [128, 4], strides = [1, 1]} : vector<128x128xf32> to vector<128x4xf32>
    %slice3A_2799 = vector.extract_strided_slice %select_n3A_2782 {offsets = [0, 0], sizes = [128, 124], strides = [1, 1]} : vector<128x128xf32> to vector<128x124xf32>
    %concatenate3A_2800 = tpu.concatenate %slice3A_2798, %slice3A_2799 in 1 : vector<128x4xf32>, vector<128x124xf32> -> vector<128x128xf32>
    %slice3A_2801 = vector.extract_strided_slice %select_n3A_2782 {offsets = [0, 4], sizes = [128, 124], strides = [1, 1]} : vector<128x128xf32> to vector<128x124xf32>
    %slice3A_2802 = vector.extract_strided_slice %select_n3A_2782 {offsets = [0, 0], sizes = [128, 4], strides = [1, 1]} : vector<128x128xf32> to vector<128x4xf32>
    %concatenate3A_2803 = tpu.concatenate %slice3A_2801, %slice3A_2802 in 1 : vector<128x124xf32>, vector<128x4xf32> -> vector<128x128xf32>
    %select_n3A_2804 = arith.select %ne3A_2790, %concatenate3A_2800, %concatenate3A_2803 : vector<128x128xi1>, vector<128x128xf32>
    %slice3A_2805 = vector.extract_strided_slice %select_n3A_2783 {offsets = [0, 124], sizes = [128, 4], strides = [1, 1]} : vector<128x128xf32> to vector<128x4xf32>
    %slice3A_2806 = vector.extract_strided_slice %select_n3A_2783 {offsets = [0, 0], sizes = [128, 124], strides = [1, 1]} : vector<128x128xf32> to vector<128x124xf32>
    %concatenate3A_2807 = tpu.concatenate %slice3A_2805, %slice3A_2806 in 1 : vector<128x4xf32>, vector<128x124xf32> -> vector<128x128xf32>
    %slice3A_2808 = vector.extract_strided_slice %select_n3A_2783 {offsets = [0, 4], sizes = [128, 124], strides = [1, 1]} : vector<128x128xf32> to vector<128x124xf32>
    %slice3A_2809 = vector.extract_strided_slice %select_n3A_2783 {offsets = [0, 0], sizes = [128, 4], strides = [1, 1]} : vector<128x128xf32> to vector<128x4xf32>
    %concatenate3A_2810 = tpu.concatenate %slice3A_2808, %slice3A_2809 in 1 : vector<128x124xf32>, vector<128x4xf32> -> vector<128x128xf32>
    %select_n3A_2811 = arith.select %ne3A_2790, %concatenate3A_2807, %concatenate3A_2810 : vector<128x128xi1>, vector<128x128xf32>
    %ne3A_2812 = arith.xori %ne3A_2790, %eq3A_2797 : vector<128x128xi1>
    %lt3A_2813 = arith.cmpf olt, %select_n3A_2804, %select_n3A_2782 : vector<128x128xf32>
    %eq3A_2814 = arith.xori %lt3A_2813, %ne3A_2812 : vector<128x128xi1>
    %eq3A_2815 = arith.constant dense<true> : vector<128x128xi1>
    %eq3A_2816 = arith.xori %eq3A_2814, %eq3A_2815 : vector<128x128xi1>
    %ne3A_2817 = arith.cmpf one, %select_n3A_2804, %select_n3A_2782 : vector<128x128xf32>
    %and3A_2818 = arith.andi %eq3A_2816, %ne3A_2817 : vector<128x128xi1>
    %select_n3A_2819 = arith.select %and3A_2818, %select_n3A_2804, %select_n3A_2782 : vector<128x128xi1>, vector<128x128xf32>
    %select_n3A_2820 = arith.select %and3A_2818, %select_n3A_2811, %select_n3A_2783 : vector<128x128xi1>, vector<128x128xf32>
    %iota3A_2821 = tpu.iota {dimensions = array<i32: 1>} : vector<128x128xi32>
    %and3A_2822 = arith.constant 2 : i32
    %and3A_2823 = vector.broadcast %and3A_2822 : i32 to vector<128x128xi32>
    %and3A_2824 = arith.andi %iota3A_2821, %and3A_2823 : vector<128x128xi32>
    %ne3A_2825 = arith.constant 0 : i32
    %ne3A_2826 = vector.broadcast %ne3A_2825 : i32 to vector<128x128xi32>
    %ne3A_2827 = arith.cmpi ne, %and3A_2824, %ne3A_2826 : vector<128x128xi32>
    %iota3A_2828 = tpu.iota {dimensions = array<i32: 0>} : vector<128x128xi32>
    %and3A_2829 = arith.constant 32 : i32
    %and3A_2830 = vector.broadcast %and3A_2829 : i32 to vector<128x128xi32>
    %and3A_2831 = arith.andi %iota3A_2828, %and3A_2830 : vector<128x128xi32>
    %eq3A_2832 = arith.constant 0 : i32
    %eq3A_2833 = vector.broadcast %eq3A_2832 : i32 to vector<128x128xi32>
    %eq3A_2834 = arith.cmpi eq, %and3A_2831, %eq3A_2833 : vector<128x128xi32>
    %slice3A_2835 = vector.extract_strided_slice %select_n3A_2819 {offsets = [0, 126], sizes = [128, 2], strides = [1, 1]} : vector<128x128xf32> to vector<128x2xf32>
    %slice3A_2836 = vector.extract_strided_slice %select_n3A_2819 {offsets = [0, 0], sizes = [128, 126], strides = [1, 1]} : vector<128x128xf32> to vector<128x126xf32>
    %concatenate3A_2837 = tpu.concatenate %slice3A_2835, %slice3A_2836 in 1 : vector<128x2xf32>, vector<128x126xf32> -> vector<128x128xf32>
    %slice3A_2838 = vector.extract_strided_slice %select_n3A_2819 {offsets = [0, 2], sizes = [128, 126], strides = [1, 1]} : vector<128x128xf32> to vector<128x126xf32>
    %slice3A_2839 = vector.extract_strided_slice %select_n3A_2819 {offsets = [0, 0], sizes = [128, 2], strides = [1, 1]} : vector<128x128xf32> to vector<128x2xf32>
    %concatenate3A_2840 = tpu.concatenate %slice3A_2838, %slice3A_2839 in 1 : vector<128x126xf32>, vector<128x2xf32> -> vector<128x128xf32>
    %select_n3A_2841 = arith.select %ne3A_2827, %concatenate3A_2837, %concatenate3A_2840 : vector<128x128xi1>, vector<128x128xf32>
    %slice3A_2842 = vector.extract_strided_slice %select_n3A_2820 {offsets = [0, 126], sizes = [128, 2], strides = [1, 1]} : vector<128x128xf32> to vector<128x2xf32>
    %slice3A_2843 = vector.extract_strided_slice %select_n3A_2820 {offsets = [0, 0], sizes = [128, 126], strides = [1, 1]} : vector<128x128xf32> to vector<128x126xf32>
    %concatenate3A_2844 = tpu.concatenate %slice3A_2842, %slice3A_2843 in 1 : vector<128x2xf32>, vector<128x126xf32> -> vector<128x128xf32>
    %slice3A_2845 = vector.extract_strided_slice %select_n3A_2820 {offsets = [0, 2], sizes = [128, 126], strides = [1, 1]} : vector<128x128xf32> to vector<128x126xf32>
    %slice3A_2846 = vector.extract_strided_slice %select_n3A_2820 {offsets = [0, 0], sizes = [128, 2], strides = [1, 1]} : vector<128x128xf32> to vector<128x2xf32>
    %concatenate3A_2847 = tpu.concatenate %slice3A_2845, %slice3A_2846 in 1 : vector<128x126xf32>, vector<128x2xf32> -> vector<128x128xf32>
    %select_n3A_2848 = arith.select %ne3A_2827, %concatenate3A_2844, %concatenate3A_2847 : vector<128x128xi1>, vector<128x128xf32>
    %ne3A_2849 = arith.xori %ne3A_2827, %eq3A_2834 : vector<128x128xi1>
    %lt3A_2850 = arith.cmpf olt, %select_n3A_2841, %select_n3A_2819 : vector<128x128xf32>
    %eq3A_2851 = arith.xori %lt3A_2850, %ne3A_2849 : vector<128x128xi1>
    %eq3A_2852 = arith.constant dense<true> : vector<128x128xi1>
    %eq3A_2853 = arith.xori %eq3A_2851, %eq3A_2852 : vector<128x128xi1>
    %ne3A_2854 = arith.cmpf one, %select_n3A_2841, %select_n3A_2819 : vector<128x128xf32>
    %and3A_2855 = arith.andi %eq3A_2853, %ne3A_2854 : vector<128x128xi1>
    %select_n3A_2856 = arith.select %and3A_2855, %select_n3A_2841, %select_n3A_2819 : vector<128x128xi1>, vector<128x128xf32>
    %select_n3A_2857 = arith.select %and3A_2855, %select_n3A_2848, %select_n3A_2820 : vector<128x128xi1>, vector<128x128xf32>
    %iota3A_2858 = tpu.iota {dimensions = array<i32: 1>} : vector<128x128xi32>
    %and3A_2859 = arith.constant 1 : i32
    %and3A_2860 = vector.broadcast %and3A_2859 : i32 to vector<128x128xi32>
    %and3A_2861 = arith.andi %iota3A_2858, %and3A_2860 : vector<128x128xi32>
    %ne3A_2862 = arith.constant 0 : i32
    %ne3A_2863 = vector.broadcast %ne3A_2862 : i32 to vector<128x128xi32>
    %ne3A_2864 = arith.cmpi ne, %and3A_2861, %ne3A_2863 : vector<128x128xi32>
    %iota3A_2865 = tpu.iota {dimensions = array<i32: 0>} : vector<128x128xi32>
    %and3A_2866 = arith.constant 32 : i32
    %and3A_2867 = vector.broadcast %and3A_2866 : i32 to vector<128x128xi32>
    %and3A_2868 = arith.andi %iota3A_2865, %and3A_2867 : vector<128x128xi32>
    %eq3A_2869 = arith.constant 0 : i32
    %eq3A_2870 = vector.broadcast %eq3A_2869 : i32 to vector<128x128xi32>
    %eq3A_2871 = arith.cmpi eq, %and3A_2868, %eq3A_2870 : vector<128x128xi32>
    %slice3A_2872 = vector.extract_strided_slice %select_n3A_2856 {offsets = [0, 127], sizes = [128, 1], strides = [1, 1]} : vector<128x128xf32> to vector<128x1xf32>
    %slice3A_2873 = vector.extract_strided_slice %select_n3A_2856 {offsets = [0, 0], sizes = [128, 127], strides = [1, 1]} : vector<128x128xf32> to vector<128x127xf32>
    %concatenate3A_2874 = tpu.concatenate %slice3A_2872, %slice3A_2873 in 1 : vector<128x1xf32>, vector<128x127xf32> -> vector<128x128xf32>
    %slice3A_2875 = vector.extract_strided_slice %select_n3A_2856 {offsets = [0, 1], sizes = [128, 127], strides = [1, 1]} : vector<128x128xf32> to vector<128x127xf32>
    %slice3A_2876 = vector.extract_strided_slice %select_n3A_2856 {offsets = [0, 0], sizes = [128, 1], strides = [1, 1]} : vector<128x128xf32> to vector<128x1xf32>
    %concatenate3A_2877 = tpu.concatenate %slice3A_2875, %slice3A_2876 in 1 : vector<128x127xf32>, vector<128x1xf32> -> vector<128x128xf32>
    %select_n3A_2878 = arith.select %ne3A_2864, %concatenate3A_2874, %concatenate3A_2877 : vector<128x128xi1>, vector<128x128xf32>
    %slice3A_2879 = vector.extract_strided_slice %select_n3A_2857 {offsets = [0, 127], sizes = [128, 1], strides = [1, 1]} : vector<128x128xf32> to vector<128x1xf32>
    %slice3A_2880 = vector.extract_strided_slice %select_n3A_2857 {offsets = [0, 0], sizes = [128, 127], strides = [1, 1]} : vector<128x128xf32> to vector<128x127xf32>
    %concatenate3A_2881 = tpu.concatenate %slice3A_2879, %slice3A_2880 in 1 : vector<128x1xf32>, vector<128x127xf32> -> vector<128x128xf32>
    %slice3A_2882 = vector.extract_strided_slice %select_n3A_2857 {offsets = [0, 1], sizes = [128, 127], strides = [1, 1]} : vector<128x128xf32> to vector<128x127xf32>
    %slice3A_2883 = vector.extract_strided_slice %select_n3A_2857 {offsets = [0, 0], sizes = [128, 1], strides = [1, 1]} : vector<128x128xf32> to vector<128x1xf32>
    %concatenate3A_2884 = tpu.concatenate %slice3A_2882, %slice3A_2883 in 1 : vector<128x127xf32>, vector<128x1xf32> -> vector<128x128xf32>
    %select_n3A_2885 = arith.select %ne3A_2864, %concatenate3A_2881, %concatenate3A_2884 : vector<128x128xi1>, vector<128x128xf32>
    %ne3A_2886 = arith.xori %ne3A_2864, %eq3A_2871 : vector<128x128xi1>
    %lt3A_2887 = arith.cmpf olt, %select_n3A_2878, %select_n3A_2856 : vector<128x128xf32>
    %eq3A_2888 = arith.xori %lt3A_2887, %ne3A_2886 : vector<128x128xi1>
    %eq3A_2889 = arith.constant dense<true> : vector<128x128xi1>
    %eq3A_2890 = arith.xori %eq3A_2888, %eq3A_2889 : vector<128x128xi1>
    %ne3A_2891 = arith.cmpf one, %select_n3A_2878, %select_n3A_2856 : vector<128x128xf32>
    %and3A_2892 = arith.andi %eq3A_2890, %ne3A_2891 : vector<128x128xi1>
    %select_n3A_2893 = arith.select %and3A_2892, %select_n3A_2878, %select_n3A_2856 : vector<128x128xi1>, vector<128x128xf32>
    %select_n3A_2894 = arith.select %and3A_2892, %select_n3A_2885, %select_n3A_2857 : vector<128x128xi1>, vector<128x128xf32>
    %iota3A_2895 = tpu.iota {dimensions = array<i32: 0>} : vector<128x128xi32>
    %and3A_2896 = arith.constant 32 : i32
    %and3A_2897 = vector.broadcast %and3A_2896 : i32 to vector<128x128xi32>
    %and3A_2898 = arith.andi %iota3A_2895, %and3A_2897 : vector<128x128xi32>
    %ne3A_2899 = arith.constant 0 : i32
    %ne3A_2900 = vector.broadcast %ne3A_2899 : i32 to vector<128x128xi32>
    %ne3A_2901 = arith.cmpi ne, %and3A_2898, %ne3A_2900 : vector<128x128xi32>
    %iota3A_2902 = tpu.iota {dimensions = array<i32: 0>} : vector<128x128xi32>
    %and3A_2903 = arith.constant 64 : i32
    %and3A_2904 = vector.broadcast %and3A_2903 : i32 to vector<128x128xi32>
    %and3A_2905 = arith.andi %iota3A_2902, %and3A_2904 : vector<128x128xi32>
    %eq3A_2906 = arith.constant 0 : i32
    %eq3A_2907 = vector.broadcast %eq3A_2906 : i32 to vector<128x128xi32>
    %eq3A_2908 = arith.cmpi eq, %and3A_2905, %eq3A_2907 : vector<128x128xi32>
    %slice3A_2909 = vector.extract_strided_slice %select_n3A_2893 {offsets = [96, 0], sizes = [32, 128], strides = [1, 1]} : vector<128x128xf32> to vector<32x128xf32>
    %slice3A_2910 = vector.extract_strided_slice %select_n3A_2893 {offsets = [0, 0], sizes = [96, 128], strides = [1, 1]} : vector<128x128xf32> to vector<96x128xf32>
    %concatenate3A_2911 = tpu.concatenate %slice3A_2909, %slice3A_2910 in 0 : vector<32x128xf32>, vector<96x128xf32> -> vector<128x128xf32>
    %slice3A_2912 = vector.extract_strided_slice %select_n3A_2893 {offsets = [32, 0], sizes = [96, 128], strides = [1, 1]} : vector<128x128xf32> to vector<96x128xf32>
    %slice3A_2913 = vector.extract_strided_slice %select_n3A_2893 {offsets = [0, 0], sizes = [32, 128], strides = [1, 1]} : vector<128x128xf32> to vector<32x128xf32>
    %concatenate3A_2914 = tpu.concatenate %slice3A_2912, %slice3A_2913 in 0 : vector<96x128xf32>, vector<32x128xf32> -> vector<128x128xf32>
    %select_n3A_2915 = arith.select %ne3A_2901, %concatenate3A_2911, %concatenate3A_2914 : vector<128x128xi1>, vector<128x128xf32>
    %slice3A_2916 = vector.extract_strided_slice %select_n3A_2894 {offsets = [96, 0], sizes = [32, 128], strides = [1, 1]} : vector<128x128xf32> to vector<32x128xf32>
    %slice3A_2917 = vector.extract_strided_slice %select_n3A_2894 {offsets = [0, 0], sizes = [96, 128], strides = [1, 1]} : vector<128x128xf32> to vector<96x128xf32>
    %concatenate3A_2918 = tpu.concatenate %slice3A_2916, %slice3A_2917 in 0 : vector<32x128xf32>, vector<96x128xf32> -> vector<128x128xf32>
    %slice3A_2919 = vector.extract_strided_slice %select_n3A_2894 {offsets = [32, 0], sizes = [96, 128], strides = [1, 1]} : vector<128x128xf32> to vector<96x128xf32>
    %slice3A_2920 = vector.extract_strided_slice %select_n3A_2894 {offsets = [0, 0], sizes = [32, 128], strides = [1, 1]} : vector<128x128xf32> to vector<32x128xf32>
    %concatenate3A_2921 = tpu.concatenate %slice3A_2919, %slice3A_2920 in 0 : vector<96x128xf32>, vector<32x128xf32> -> vector<128x128xf32>
    %select_n3A_2922 = arith.select %ne3A_2901, %concatenate3A_2918, %concatenate3A_2921 : vector<128x128xi1>, vector<128x128xf32>
    %ne3A_2923 = arith.xori %ne3A_2901, %eq3A_2908 : vector<128x128xi1>
    %lt3A_2924 = arith.cmpf olt, %select_n3A_2915, %select_n3A_2893 : vector<128x128xf32>
    %eq3A_2925 = arith.xori %lt3A_2924, %ne3A_2923 : vector<128x128xi1>
    %eq3A_2926 = arith.constant dense<true> : vector<128x128xi1>
    %eq3A_2927 = arith.xori %eq3A_2925, %eq3A_2926 : vector<128x128xi1>
    %ne3A_2928 = arith.cmpf one, %select_n3A_2915, %select_n3A_2893 : vector<128x128xf32>
    %and3A_2929 = arith.andi %eq3A_2927, %ne3A_2928 : vector<128x128xi1>
    %select_n3A_2930 = arith.select %and3A_2929, %select_n3A_2915, %select_n3A_2893 : vector<128x128xi1>, vector<128x128xf32>
    %select_n3A_2931 = arith.select %and3A_2929, %select_n3A_2922, %select_n3A_2894 : vector<128x128xi1>, vector<128x128xf32>
    %iota3A_2932 = tpu.iota {dimensions = array<i32: 0>} : vector<128x128xi32>
    %and3A_2933 = arith.constant 16 : i32
    %and3A_2934 = vector.broadcast %and3A_2933 : i32 to vector<128x128xi32>
    %and3A_2935 = arith.andi %iota3A_2932, %and3A_2934 : vector<128x128xi32>
    %ne3A_2936 = arith.constant 0 : i32
    %ne3A_2937 = vector.broadcast %ne3A_2936 : i32 to vector<128x128xi32>
    %ne3A_2938 = arith.cmpi ne, %and3A_2935, %ne3A_2937 : vector<128x128xi32>
    %iota3A_2939 = tpu.iota {dimensions = array<i32: 0>} : vector<128x128xi32>
    %and3A_2940 = arith.constant 64 : i32
    %and3A_2941 = vector.broadcast %and3A_2940 : i32 to vector<128x128xi32>
    %and3A_2942 = arith.andi %iota3A_2939, %and3A_2941 : vector<128x128xi32>
    %eq3A_2943 = arith.constant 0 : i32
    %eq3A_2944 = vector.broadcast %eq3A_2943 : i32 to vector<128x128xi32>
    %eq3A_2945 = arith.cmpi eq, %and3A_2942, %eq3A_2944 : vector<128x128xi32>
    %slice3A_2946 = vector.extract_strided_slice %select_n3A_2930 {offsets = [112, 0], sizes = [16, 128], strides = [1, 1]} : vector<128x128xf32> to vector<16x128xf32>
    %slice3A_2947 = vector.extract_strided_slice %select_n3A_2930 {offsets = [0, 0], sizes = [112, 128], strides = [1, 1]} : vector<128x128xf32> to vector<112x128xf32>
    %concatenate3A_2948 = tpu.concatenate %slice3A_2946, %slice3A_2947 in 0 : vector<16x128xf32>, vector<112x128xf32> -> vector<128x128xf32>
    %slice3A_2949 = vector.extract_strided_slice %select_n3A_2930 {offsets = [16, 0], sizes = [112, 128], strides = [1, 1]} : vector<128x128xf32> to vector<112x128xf32>
    %slice3A_2950 = vector.extract_strided_slice %select_n3A_2930 {offsets = [0, 0], sizes = [16, 128], strides = [1, 1]} : vector<128x128xf32> to vector<16x128xf32>
    %concatenate3A_2951 = tpu.concatenate %slice3A_2949, %slice3A_2950 in 0 : vector<112x128xf32>, vector<16x128xf32> -> vector<128x128xf32>
    %select_n3A_2952 = arith.select %ne3A_2938, %concatenate3A_2948, %concatenate3A_2951 : vector<128x128xi1>, vector<128x128xf32>
    %slice3A_2953 = vector.extract_strided_slice %select_n3A_2931 {offsets = [112, 0], sizes = [16, 128], strides = [1, 1]} : vector<128x128xf32> to vector<16x128xf32>
    %slice3A_2954 = vector.extract_strided_slice %select_n3A_2931 {offsets = [0, 0], sizes = [112, 128], strides = [1, 1]} : vector<128x128xf32> to vector<112x128xf32>
    %concatenate3A_2955 = tpu.concatenate %slice3A_2953, %slice3A_2954 in 0 : vector<16x128xf32>, vector<112x128xf32> -> vector<128x128xf32>
    %slice3A_2956 = vector.extract_strided_slice %select_n3A_2931 {offsets = [16, 0], sizes = [112, 128], strides = [1, 1]} : vector<128x128xf32> to vector<112x128xf32>
    %slice3A_2957 = vector.extract_strided_slice %select_n3A_2931 {offsets = [0, 0], sizes = [16, 128], strides = [1, 1]} : vector<128x128xf32> to vector<16x128xf32>
    %concatenate3A_2958 = tpu.concatenate %slice3A_2956, %slice3A_2957 in 0 : vector<112x128xf32>, vector<16x128xf32> -> vector<128x128xf32>
    %select_n3A_2959 = arith.select %ne3A_2938, %concatenate3A_2955, %concatenate3A_2958 : vector<128x128xi1>, vector<128x128xf32>
    %ne3A_2960 = arith.xori %ne3A_2938, %eq3A_2945 : vector<128x128xi1>
    %lt3A_2961 = arith.cmpf olt, %select_n3A_2952, %select_n3A_2930 : vector<128x128xf32>
    %eq3A_2962 = arith.xori %lt3A_2961, %ne3A_2960 : vector<128x128xi1>
    %eq3A_2963 = arith.constant dense<true> : vector<128x128xi1>
    %eq3A_2964 = arith.xori %eq3A_2962, %eq3A_2963 : vector<128x128xi1>
    %ne3A_2965 = arith.cmpf one, %select_n3A_2952, %select_n3A_2930 : vector<128x128xf32>
    %and3A_2966 = arith.andi %eq3A_2964, %ne3A_2965 : vector<128x128xi1>
    %select_n3A_2967 = arith.select %and3A_2966, %select_n3A_2952, %select_n3A_2930 : vector<128x128xi1>, vector<128x128xf32>
    %select_n3A_2968 = arith.select %and3A_2966, %select_n3A_2959, %select_n3A_2931 : vector<128x128xi1>, vector<128x128xf32>
    %iota3A_2969 = tpu.iota {dimensions = array<i32: 0>} : vector<128x128xi32>
    %and3A_2970 = arith.constant 8 : i32
    %and3A_2971 = vector.broadcast %and3A_2970 : i32 to vector<128x128xi32>
    %and3A_2972 = arith.andi %iota3A_2969, %and3A_2971 : vector<128x128xi32>
    %ne3A_2973 = arith.constant 0 : i32
    %ne3A_2974 = vector.broadcast %ne3A_2973 : i32 to vector<128x128xi32>
    %ne3A_2975 = arith.cmpi ne, %and3A_2972, %ne3A_2974 : vector<128x128xi32>
    %iota3A_2976 = tpu.iota {dimensions = array<i32: 0>} : vector<128x128xi32>
    %and3A_2977 = arith.constant 64 : i32
    %and3A_2978 = vector.broadcast %and3A_2977 : i32 to vector<128x128xi32>
    %and3A_2979 = arith.andi %iota3A_2976, %and3A_2978 : vector<128x128xi32>
    %eq3A_2980 = arith.constant 0 : i32
    %eq3A_2981 = vector.broadcast %eq3A_2980 : i32 to vector<128x128xi32>
    %eq3A_2982 = arith.cmpi eq, %and3A_2979, %eq3A_2981 : vector<128x128xi32>
    %slice3A_2983 = vector.extract_strided_slice %select_n3A_2967 {offsets = [120, 0], sizes = [8, 128], strides = [1, 1]} : vector<128x128xf32> to vector<8x128xf32>
    %slice3A_2984 = vector.extract_strided_slice %select_n3A_2967 {offsets = [0, 0], sizes = [120, 128], strides = [1, 1]} : vector<128x128xf32> to vector<120x128xf32>
    %concatenate3A_2985 = tpu.concatenate %slice3A_2983, %slice3A_2984 in 0 : vector<8x128xf32>, vector<120x128xf32> -> vector<128x128xf32>
    %slice3A_2986 = vector.extract_strided_slice %select_n3A_2967 {offsets = [8, 0], sizes = [120, 128], strides = [1, 1]} : vector<128x128xf32> to vector<120x128xf32>
    %slice3A_2987 = vector.extract_strided_slice %select_n3A_2967 {offsets = [0, 0], sizes = [8, 128], strides = [1, 1]} : vector<128x128xf32> to vector<8x128xf32>
    %concatenate3A_2988 = tpu.concatenate %slice3A_2986, %slice3A_2987 in 0 : vector<120x128xf32>, vector<8x128xf32> -> vector<128x128xf32>
    %select_n3A_2989 = arith.select %ne3A_2975, %concatenate3A_2985, %concatenate3A_2988 : vector<128x128xi1>, vector<128x128xf32>
    %slice3A_2990 = vector.extract_strided_slice %select_n3A_2968 {offsets = [120, 0], sizes = [8, 128], strides = [1, 1]} : vector<128x128xf32> to vector<8x128xf32>
    %slice3A_2991 = vector.extract_strided_slice %select_n3A_2968 {offsets = [0, 0], sizes = [120, 128], strides = [1, 1]} : vector<128x128xf32> to vector<120x128xf32>
    %concatenate3A_2992 = tpu.concatenate %slice3A_2990, %slice3A_2991 in 0 : vector<8x128xf32>, vector<120x128xf32> -> vector<128x128xf32>
    %slice3A_2993 = vector.extract_strided_slice %select_n3A_2968 {offsets = [8, 0], sizes = [120, 128], strides = [1, 1]} : vector<128x128xf32> to vector<120x128xf32>
    %slice3A_2994 = vector.extract_strided_slice %select_n3A_2968 {offsets = [0, 0], sizes = [8, 128], strides = [1, 1]} : vector<128x128xf32> to vector<8x128xf32>
    %concatenate3A_2995 = tpu.concatenate %slice3A_2993, %slice3A_2994 in 0 : vector<120x128xf32>, vector<8x128xf32> -> vector<128x128xf32>
    %select_n3A_2996 = arith.select %ne3A_2975, %concatenate3A_2992, %concatenate3A_2995 : vector<128x128xi1>, vector<128x128xf32>
    %ne3A_2997 = arith.xori %ne3A_2975, %eq3A_2982 : vector<128x128xi1>
    %lt3A_2998 = arith.cmpf olt, %select_n3A_2989, %select_n3A_2967 : vector<128x128xf32>
    %eq3A_2999 = arith.xori %lt3A_2998, %ne3A_2997 : vector<128x128xi1>
    %eq3A_3000 = arith.constant dense<true> : vector<128x128xi1>
    %eq3A_3001 = arith.xori %eq3A_2999, %eq3A_3000 : vector<128x128xi1>
    %ne3A_3002 = arith.cmpf one, %select_n3A_2989, %select_n3A_2967 : vector<128x128xf32>
    %and3A_3003 = arith.andi %eq3A_3001, %ne3A_3002 : vector<128x128xi1>
    %select_n3A_3004 = arith.select %and3A_3003, %select_n3A_2989, %select_n3A_2967 : vector<128x128xi1>, vector<128x128xf32>
    %select_n3A_3005 = arith.select %and3A_3003, %select_n3A_2996, %select_n3A_2968 : vector<128x128xi1>, vector<128x128xf32>
    %iota3A_3006 = tpu.iota {dimensions = array<i32: 0>} : vector<128x128xi32>
    %and3A_3007 = arith.constant 4 : i32
    %and3A_3008 = vector.broadcast %and3A_3007 : i32 to vector<128x128xi32>
    %and3A_3009 = arith.andi %iota3A_3006, %and3A_3008 : vector<128x128xi32>
    %ne3A_3010 = arith.constant 0 : i32
    %ne3A_3011 = vector.broadcast %ne3A_3010 : i32 to vector<128x128xi32>
    %ne3A_3012 = arith.cmpi ne, %and3A_3009, %ne3A_3011 : vector<128x128xi32>
    %iota3A_3013 = tpu.iota {dimensions = array<i32: 0>} : vector<128x128xi32>
    %and3A_3014 = arith.constant 64 : i32
    %and3A_3015 = vector.broadcast %and3A_3014 : i32 to vector<128x128xi32>
    %and3A_3016 = arith.andi %iota3A_3013, %and3A_3015 : vector<128x128xi32>
    %eq3A_3017 = arith.constant 0 : i32
    %eq3A_3018 = vector.broadcast %eq3A_3017 : i32 to vector<128x128xi32>
    %eq3A_3019 = arith.cmpi eq, %and3A_3016, %eq3A_3018 : vector<128x128xi32>
    %slice3A_3020 = vector.extract_strided_slice %select_n3A_3004 {offsets = [124, 0], sizes = [4, 128], strides = [1, 1]} : vector<128x128xf32> to vector<4x128xf32>
    %slice3A_3021 = vector.extract_strided_slice %select_n3A_3004 {offsets = [0, 0], sizes = [124, 128], strides = [1, 1]} : vector<128x128xf32> to vector<124x128xf32>
    %concatenate3A_3022 = tpu.concatenate %slice3A_3020, %slice3A_3021 in 0 : vector<4x128xf32>, vector<124x128xf32> -> vector<128x128xf32>
    %slice3A_3023 = vector.extract_strided_slice %select_n3A_3004 {offsets = [4, 0], sizes = [124, 128], strides = [1, 1]} : vector<128x128xf32> to vector<124x128xf32>
    %slice3A_3024 = vector.extract_strided_slice %select_n3A_3004 {offsets = [0, 0], sizes = [4, 128], strides = [1, 1]} : vector<128x128xf32> to vector<4x128xf32>
    %concatenate3A_3025 = tpu.concatenate %slice3A_3023, %slice3A_3024 in 0 : vector<124x128xf32>, vector<4x128xf32> -> vector<128x128xf32>
    %select_n3A_3026 = arith.select %ne3A_3012, %concatenate3A_3022, %concatenate3A_3025 : vector<128x128xi1>, vector<128x128xf32>
    %slice3A_3027 = vector.extract_strided_slice %select_n3A_3005 {offsets = [124, 0], sizes = [4, 128], strides = [1, 1]} : vector<128x128xf32> to vector<4x128xf32>
    %slice3A_3028 = vector.extract_strided_slice %select_n3A_3005 {offsets = [0, 0], sizes = [124, 128], strides = [1, 1]} : vector<128x128xf32> to vector<124x128xf32>
    %concatenate3A_3029 = tpu.concatenate %slice3A_3027, %slice3A_3028 in 0 : vector<4x128xf32>, vector<124x128xf32> -> vector<128x128xf32>
    %slice3A_3030 = vector.extract_strided_slice %select_n3A_3005 {offsets = [4, 0], sizes = [124, 128], strides = [1, 1]} : vector<128x128xf32> to vector<124x128xf32>
    %slice3A_3031 = vector.extract_strided_slice %select_n3A_3005 {offsets = [0, 0], sizes = [4, 128], strides = [1, 1]} : vector<128x128xf32> to vector<4x128xf32>
    %concatenate3A_3032 = tpu.concatenate %slice3A_3030, %slice3A_3031 in 0 : vector<124x128xf32>, vector<4x128xf32> -> vector<128x128xf32>
    %select_n3A_3033 = arith.select %ne3A_3012, %concatenate3A_3029, %concatenate3A_3032 : vector<128x128xi1>, vector<128x128xf32>
    %ne3A_3034 = arith.xori %ne3A_3012, %eq3A_3019 : vector<128x128xi1>
    %lt3A_3035 = arith.cmpf olt, %select_n3A_3026, %select_n3A_3004 : vector<128x128xf32>
    %eq3A_3036 = arith.xori %lt3A_3035, %ne3A_3034 : vector<128x128xi1>
    %eq3A_3037 = arith.constant dense<true> : vector<128x128xi1>
    %eq3A_3038 = arith.xori %eq3A_3036, %eq3A_3037 : vector<128x128xi1>
    %ne3A_3039 = arith.cmpf one, %select_n3A_3026, %select_n3A_3004 : vector<128x128xf32>
    %and3A_3040 = arith.andi %eq3A_3038, %ne3A_3039 : vector<128x128xi1>
    %select_n3A_3041 = arith.select %and3A_3040, %select_n3A_3026, %select_n3A_3004 : vector<128x128xi1>, vector<128x128xf32>
    %select_n3A_3042 = arith.select %and3A_3040, %select_n3A_3033, %select_n3A_3005 : vector<128x128xi1>, vector<128x128xf32>
    %iota3A_3043 = tpu.iota {dimensions = array<i32: 0>} : vector<128x128xi32>
    %and3A_3044 = arith.constant 2 : i32
    %and3A_3045 = vector.broadcast %and3A_3044 : i32 to vector<128x128xi32>
    %and3A_3046 = arith.andi %iota3A_3043, %and3A_3045 : vector<128x128xi32>
    %ne3A_3047 = arith.constant 0 : i32
    %ne3A_3048 = vector.broadcast %ne3A_3047 : i32 to vector<128x128xi32>
    %ne3A_3049 = arith.cmpi ne, %and3A_3046, %ne3A_3048 : vector<128x128xi32>
    %iota3A_3050 = tpu.iota {dimensions = array<i32: 0>} : vector<128x128xi32>
    %and3A_3051 = arith.constant 64 : i32
    %and3A_3052 = vector.broadcast %and3A_3051 : i32 to vector<128x128xi32>
    %and3A_3053 = arith.andi %iota3A_3050, %and3A_3052 : vector<128x128xi32>
    %eq3A_3054 = arith.constant 0 : i32
    %eq3A_3055 = vector.broadcast %eq3A_3054 : i32 to vector<128x128xi32>
    %eq3A_3056 = arith.cmpi eq, %and3A_3053, %eq3A_3055 : vector<128x128xi32>
    %slice3A_3057 = vector.extract_strided_slice %select_n3A_3041 {offsets = [126, 0], sizes = [2, 128], strides = [1, 1]} : vector<128x128xf32> to vector<2x128xf32>
    %slice3A_3058 = vector.extract_strided_slice %select_n3A_3041 {offsets = [0, 0], sizes = [126, 128], strides = [1, 1]} : vector<128x128xf32> to vector<126x128xf32>
    %concatenate3A_3059 = tpu.concatenate %slice3A_3057, %slice3A_3058 in 0 : vector<2x128xf32>, vector<126x128xf32> -> vector<128x128xf32>
    %slice3A_3060 = vector.extract_strided_slice %select_n3A_3041 {offsets = [2, 0], sizes = [126, 128], strides = [1, 1]} : vector<128x128xf32> to vector<126x128xf32>
    %slice3A_3061 = vector.extract_strided_slice %select_n3A_3041 {offsets = [0, 0], sizes = [2, 128], strides = [1, 1]} : vector<128x128xf32> to vector<2x128xf32>
    %concatenate3A_3062 = tpu.concatenate %slice3A_3060, %slice3A_3061 in 0 : vector<126x128xf32>, vector<2x128xf32> -> vector<128x128xf32>
    %select_n3A_3063 = arith.select %ne3A_3049, %concatenate3A_3059, %concatenate3A_3062 : vector<128x128xi1>, vector<128x128xf32>
    %slice3A_3064 = vector.extract_strided_slice %select_n3A_3042 {offsets = [126, 0], sizes = [2, 128], strides = [1, 1]} : vector<128x128xf32> to vector<2x128xf32>
    %slice3A_3065 = vector.extract_strided_slice %select_n3A_3042 {offsets = [0, 0], sizes = [126, 128], strides = [1, 1]} : vector<128x128xf32> to vector<126x128xf32>
    %concatenate3A_3066 = tpu.concatenate %slice3A_3064, %slice3A_3065 in 0 : vector<2x128xf32>, vector<126x128xf32> -> vector<128x128xf32>
    %slice3A_3067 = vector.extract_strided_slice %select_n3A_3042 {offsets = [2, 0], sizes = [126, 128], strides = [1, 1]} : vector<128x128xf32> to vector<126x128xf32>
    %slice3A_3068 = vector.extract_strided_slice %select_n3A_3042 {offsets = [0, 0], sizes = [2, 128], strides = [1, 1]} : vector<128x128xf32> to vector<2x128xf32>
    %concatenate3A_3069 = tpu.concatenate %slice3A_3067, %slice3A_3068 in 0 : vector<126x128xf32>, vector<2x128xf32> -> vector<128x128xf32>
    %select_n3A_3070 = arith.select %ne3A_3049, %concatenate3A_3066, %concatenate3A_3069 : vector<128x128xi1>, vector<128x128xf32>
    %ne3A_3071 = arith.xori %ne3A_3049, %eq3A_3056 : vector<128x128xi1>
    %lt3A_3072 = arith.cmpf olt, %select_n3A_3063, %select_n3A_3041 : vector<128x128xf32>
    %eq3A_3073 = arith.xori %lt3A_3072, %ne3A_3071 : vector<128x128xi1>
    %eq3A_3074 = arith.constant dense<true> : vector<128x128xi1>
    %eq3A_3075 = arith.xori %eq3A_3073, %eq3A_3074 : vector<128x128xi1>
    %ne3A_3076 = arith.cmpf one, %select_n3A_3063, %select_n3A_3041 : vector<128x128xf32>
    %and3A_3077 = arith.andi %eq3A_3075, %ne3A_3076 : vector<128x128xi1>
    %select_n3A_3078 = arith.select %and3A_3077, %select_n3A_3063, %select_n3A_3041 : vector<128x128xi1>, vector<128x128xf32>
    %select_n3A_3079 = arith.select %and3A_3077, %select_n3A_3070, %select_n3A_3042 : vector<128x128xi1>, vector<128x128xf32>
    %iota3A_3080 = tpu.iota {dimensions = array<i32: 0>} : vector<128x128xi32>
    %and3A_3081 = arith.constant 1 : i32
    %and3A_3082 = vector.broadcast %and3A_3081 : i32 to vector<128x128xi32>
    %and3A_3083 = arith.andi %iota3A_3080, %and3A_3082 : vector<128x128xi32>
    %ne3A_3084 = arith.constant 0 : i32
    %ne3A_3085 = vector.broadcast %ne3A_3084 : i32 to vector<128x128xi32>
    %ne3A_3086 = arith.cmpi ne, %and3A_3083, %ne3A_3085 : vector<128x128xi32>
    %iota3A_3087 = tpu.iota {dimensions = array<i32: 0>} : vector<128x128xi32>
    %and3A_3088 = arith.constant 64 : i32
    %and3A_3089 = vector.broadcast %and3A_3088 : i32 to vector<128x128xi32>
    %and3A_3090 = arith.andi %iota3A_3087, %and3A_3089 : vector<128x128xi32>
    %eq3A_3091 = arith.constant 0 : i32
    %eq3A_3092 = vector.broadcast %eq3A_3091 : i32 to vector<128x128xi32>
    %eq3A_3093 = arith.cmpi eq, %and3A_3090, %eq3A_3092 : vector<128x128xi32>
    %slice3A_3094 = vector.extract_strided_slice %select_n3A_3078 {offsets = [127, 0], sizes = [1, 128], strides = [1, 1]} : vector<128x128xf32> to vector<1x128xf32>
    %slice3A_3095 = vector.extract_strided_slice %select_n3A_3078 {offsets = [0, 0], sizes = [127, 128], strides = [1, 1]} : vector<128x128xf32> to vector<127x128xf32>
    %concatenate3A_3096 = tpu.concatenate %slice3A_3094, %slice3A_3095 in 0 : vector<1x128xf32>, vector<127x128xf32> -> vector<128x128xf32>
    %slice3A_3097 = vector.extract_strided_slice %select_n3A_3078 {offsets = [1, 0], sizes = [127, 128], strides = [1, 1]} : vector<128x128xf32> to vector<127x128xf32>
    %slice3A_3098 = vector.extract_strided_slice %select_n3A_3078 {offsets = [0, 0], sizes = [1, 128], strides = [1, 1]} : vector<128x128xf32> to vector<1x128xf32>
    %concatenate3A_3099 = tpu.concatenate %slice3A_3097, %slice3A_3098 in 0 : vector<127x128xf32>, vector<1x128xf32> -> vector<128x128xf32>
    %select_n3A_3100 = arith.select %ne3A_3086, %concatenate3A_3096, %concatenate3A_3099 : vector<128x128xi1>, vector<128x128xf32>
    %slice3A_3101 = vector.extract_strided_slice %select_n3A_3079 {offsets = [127, 0], sizes = [1, 128], strides = [1, 1]} : vector<128x128xf32> to vector<1x128xf32>
    %slice3A_3102 = vector.extract_strided_slice %select_n3A_3079 {offsets = [0, 0], sizes = [127, 128], strides = [1, 1]} : vector<128x128xf32> to vector<127x128xf32>
    %concatenate3A_3103 = tpu.concatenate %slice3A_3101, %slice3A_3102 in 0 : vector<1x128xf32>, vector<127x128xf32> -> vector<128x128xf32>
    %slice3A_3104 = vector.extract_strided_slice %select_n3A_3079 {offsets = [1, 0], sizes = [127, 128], strides = [1, 1]} : vector<128x128xf32> to vector<127x128xf32>
    %slice3A_3105 = vector.extract_strided_slice %select_n3A_3079 {offsets = [0, 0], sizes = [1, 128], strides = [1, 1]} : vector<128x128xf32> to vector<1x128xf32>
    %concatenate3A_3106 = tpu.concatenate %slice3A_3104, %slice3A_3105 in 0 : vector<127x128xf32>, vector<1x128xf32> -> vector<128x128xf32>
    %select_n3A_3107 = arith.select %ne3A_3086, %concatenate3A_3103, %concatenate3A_3106 : vector<128x128xi1>, vector<128x128xf32>
    %ne3A_3108 = arith.xori %ne3A_3086, %eq3A_3093 : vector<128x128xi1>
    %lt3A_3109 = arith.cmpf olt, %select_n3A_3100, %select_n3A_3078 : vector<128x128xf32>
    %eq3A_3110 = arith.xori %lt3A_3109, %ne3A_3108 : vector<128x128xi1>
    %eq3A_3111 = arith.constant dense<true> : vector<128x128xi1>
    %eq3A_3112 = arith.xori %eq3A_3110, %eq3A_3111 : vector<128x128xi1>
    %ne3A_3113 = arith.cmpf one, %select_n3A_3100, %select_n3A_3078 : vector<128x128xf32>
    %and3A_3114 = arith.andi %eq3A_3112, %ne3A_3113 : vector<128x128xi1>
    %select_n3A_3115 = arith.select %and3A_3114, %select_n3A_3100, %select_n3A_3078 : vector<128x128xi1>, vector<128x128xf32>
    %select_n3A_3116 = arith.select %and3A_3114, %select_n3A_3107, %select_n3A_3079 : vector<128x128xi1>, vector<128x128xf32>
    %iota3A_3117 = tpu.iota {dimensions = array<i32: 1>} : vector<128x128xi32>
    %and3A_3118 = arith.constant 64 : i32
    %and3A_3119 = vector.broadcast %and3A_3118 : i32 to vector<128x128xi32>
    %and3A_3120 = arith.andi %iota3A_3117, %and3A_3119 : vector<128x128xi32>
    %ne3A_3121 = arith.constant 0 : i32
    %ne3A_3122 = vector.broadcast %ne3A_3121 : i32 to vector<128x128xi32>
    %ne3A_3123 = arith.cmpi ne, %and3A_3120, %ne3A_3122 : vector<128x128xi32>
    %iota3A_3124 = tpu.iota {dimensions = array<i32: 0>} : vector<128x128xi32>
    %and3A_3125 = arith.constant 64 : i32
    %and3A_3126 = vector.broadcast %and3A_3125 : i32 to vector<128x128xi32>
    %and3A_3127 = arith.andi %iota3A_3124, %and3A_3126 : vector<128x128xi32>
    %eq3A_3128 = arith.constant 0 : i32
    %eq3A_3129 = vector.broadcast %eq3A_3128 : i32 to vector<128x128xi32>
    %eq3A_3130 = arith.cmpi eq, %and3A_3127, %eq3A_3129 : vector<128x128xi32>
    %slice3A_3131 = vector.extract_strided_slice %select_n3A_3115 {offsets = [0, 64], sizes = [128, 64], strides = [1, 1]} : vector<128x128xf32> to vector<128x64xf32>
    %slice3A_3132 = vector.extract_strided_slice %select_n3A_3115 {offsets = [0, 0], sizes = [128, 64], strides = [1, 1]} : vector<128x128xf32> to vector<128x64xf32>
    %concatenate3A_3133 = tpu.concatenate %slice3A_3131, %slice3A_3132 in 1 : vector<128x64xf32>, vector<128x64xf32> -> vector<128x128xf32>
    %slice3A_3134 = vector.extract_strided_slice %select_n3A_3115 {offsets = [0, 64], sizes = [128, 64], strides = [1, 1]} : vector<128x128xf32> to vector<128x64xf32>
    %slice3A_3135 = vector.extract_strided_slice %select_n3A_3115 {offsets = [0, 0], sizes = [128, 64], strides = [1, 1]} : vector<128x128xf32> to vector<128x64xf32>
    %concatenate3A_3136 = tpu.concatenate %slice3A_3134, %slice3A_3135 in 1 : vector<128x64xf32>, vector<128x64xf32> -> vector<128x128xf32>
    %select_n3A_3137 = arith.select %ne3A_3123, %concatenate3A_3133, %concatenate3A_3136 : vector<128x128xi1>, vector<128x128xf32>
    %slice3A_3138 = vector.extract_strided_slice %select_n3A_3116 {offsets = [0, 64], sizes = [128, 64], strides = [1, 1]} : vector<128x128xf32> to vector<128x64xf32>
    %slice3A_3139 = vector.extract_strided_slice %select_n3A_3116 {offsets = [0, 0], sizes = [128, 64], strides = [1, 1]} : vector<128x128xf32> to vector<128x64xf32>
    %concatenate3A_3140 = tpu.concatenate %slice3A_3138, %slice3A_3139 in 1 : vector<128x64xf32>, vector<128x64xf32> -> vector<128x128xf32>
    %slice3A_3141 = vector.extract_strided_slice %select_n3A_3116 {offsets = [0, 64], sizes = [128, 64], strides = [1, 1]} : vector<128x128xf32> to vector<128x64xf32>
    %slice3A_3142 = vector.extract_strided_slice %select_n3A_3116 {offsets = [0, 0], sizes = [128, 64], strides = [1, 1]} : vector<128x128xf32> to vector<128x64xf32>
    %concatenate3A_3143 = tpu.concatenate %slice3A_3141, %slice3A_3142 in 1 : vector<128x64xf32>, vector<128x64xf32> -> vector<128x128xf32>
    %select_n3A_3144 = arith.select %ne3A_3123, %concatenate3A_3140, %concatenate3A_3143 : vector<128x128xi1>, vector<128x128xf32>
    %ne3A_3145 = arith.xori %ne3A_3123, %eq3A_3130 : vector<128x128xi1>
    %lt3A_3146 = arith.cmpf olt, %select_n3A_3137, %select_n3A_3115 : vector<128x128xf32>
    %eq3A_3147 = arith.xori %lt3A_3146, %ne3A_3145 : vector<128x128xi1>
    %eq3A_3148 = arith.constant dense<true> : vector<128x128xi1>
    %eq3A_3149 = arith.xori %eq3A_3147, %eq3A_3148 : vector<128x128xi1>
    %ne3A_3150 = arith.cmpf one, %select_n3A_3137, %select_n3A_3115 : vector<128x128xf32>
    %and3A_3151 = arith.andi %eq3A_3149, %ne3A_3150 : vector<128x128xi1>
    %select_n3A_3152 = arith.select %and3A_3151, %select_n3A_3137, %select_n3A_3115 : vector<128x128xi1>, vector<128x128xf32>
    %select_n3A_3153 = arith.select %and3A_3151, %select_n3A_3144, %select_n3A_3116 : vector<128x128xi1>, vector<128x128xf32>
    %iota3A_3154 = tpu.iota {dimensions = array<i32: 1>} : vector<128x128xi32>
    %and3A_3155 = arith.constant 32 : i32
    %and3A_3156 = vector.broadcast %and3A_3155 : i32 to vector<128x128xi32>
    %and3A_3157 = arith.andi %iota3A_3154, %and3A_3156 : vector<128x128xi32>
    %ne3A_3158 = arith.constant 0 : i32
    %ne3A_3159 = vector.broadcast %ne3A_3158 : i32 to vector<128x128xi32>
    %ne3A_3160 = arith.cmpi ne, %and3A_3157, %ne3A_3159 : vector<128x128xi32>
    %iota3A_3161 = tpu.iota {dimensions = array<i32: 0>} : vector<128x128xi32>
    %and3A_3162 = arith.constant 64 : i32
    %and3A_3163 = vector.broadcast %and3A_3162 : i32 to vector<128x128xi32>
    %and3A_3164 = arith.andi %iota3A_3161, %and3A_3163 : vector<128x128xi32>
    %eq3A_3165 = arith.constant 0 : i32
    %eq3A_3166 = vector.broadcast %eq3A_3165 : i32 to vector<128x128xi32>
    %eq3A_3167 = arith.cmpi eq, %and3A_3164, %eq3A_3166 : vector<128x128xi32>
    %slice3A_3168 = vector.extract_strided_slice %select_n3A_3152 {offsets = [0, 96], sizes = [128, 32], strides = [1, 1]} : vector<128x128xf32> to vector<128x32xf32>
    %slice3A_3169 = vector.extract_strided_slice %select_n3A_3152 {offsets = [0, 0], sizes = [128, 96], strides = [1, 1]} : vector<128x128xf32> to vector<128x96xf32>
    %concatenate3A_3170 = tpu.concatenate %slice3A_3168, %slice3A_3169 in 1 : vector<128x32xf32>, vector<128x96xf32> -> vector<128x128xf32>
    %slice3A_3171 = vector.extract_strided_slice %select_n3A_3152 {offsets = [0, 32], sizes = [128, 96], strides = [1, 1]} : vector<128x128xf32> to vector<128x96xf32>
    %slice3A_3172 = vector.extract_strided_slice %select_n3A_3152 {offsets = [0, 0], sizes = [128, 32], strides = [1, 1]} : vector<128x128xf32> to vector<128x32xf32>
    %concatenate3A_3173 = tpu.concatenate %slice3A_3171, %slice3A_3172 in 1 : vector<128x96xf32>, vector<128x32xf32> -> vector<128x128xf32>
    %select_n3A_3174 = arith.select %ne3A_3160, %concatenate3A_3170, %concatenate3A_3173 : vector<128x128xi1>, vector<128x128xf32>
    %slice3A_3175 = vector.extract_strided_slice %select_n3A_3153 {offsets = [0, 96], sizes = [128, 32], strides = [1, 1]} : vector<128x128xf32> to vector<128x32xf32>
    %slice3A_3176 = vector.extract_strided_slice %select_n3A_3153 {offsets = [0, 0], sizes = [128, 96], strides = [1, 1]} : vector<128x128xf32> to vector<128x96xf32>
    %concatenate3A_3177 = tpu.concatenate %slice3A_3175, %slice3A_3176 in 1 : vector<128x32xf32>, vector<128x96xf32> -> vector<128x128xf32>
    %slice3A_3178 = vector.extract_strided_slice %select_n3A_3153 {offsets = [0, 32], sizes = [128, 96], strides = [1, 1]} : vector<128x128xf32> to vector<128x96xf32>
    %slice3A_3179 = vector.extract_strided_slice %select_n3A_3153 {offsets = [0, 0], sizes = [128, 32], strides = [1, 1]} : vector<128x128xf32> to vector<128x32xf32>
    %concatenate3A_3180 = tpu.concatenate %slice3A_3178, %slice3A_3179 in 1 : vector<128x96xf32>, vector<128x32xf32> -> vector<128x128xf32>
    %select_n3A_3181 = arith.select %ne3A_3160, %concatenate3A_3177, %concatenate3A_3180 : vector<128x128xi1>, vector<128x128xf32>
    %ne3A_3182 = arith.xori %ne3A_3160, %eq3A_3167 : vector<128x128xi1>
    %lt3A_3183 = arith.cmpf olt, %select_n3A_3174, %select_n3A_3152 : vector<128x128xf32>
    %eq3A_3184 = arith.xori %lt3A_3183, %ne3A_3182 : vector<128x128xi1>
    %eq3A_3185 = arith.constant dense<true> : vector<128x128xi1>
    %eq3A_3186 = arith.xori %eq3A_3184, %eq3A_3185 : vector<128x128xi1>
    %ne3A_3187 = arith.cmpf one, %select_n3A_3174, %select_n3A_3152 : vector<128x128xf32>
    %and3A_3188 = arith.andi %eq3A_3186, %ne3A_3187 : vector<128x128xi1>
    %select_n3A_3189 = arith.select %and3A_3188, %select_n3A_3174, %select_n3A_3152 : vector<128x128xi1>, vector<128x128xf32>
    %select_n3A_3190 = arith.select %and3A_3188, %select_n3A_3181, %select_n3A_3153 : vector<128x128xi1>, vector<128x128xf32>
    %iota3A_3191 = tpu.iota {dimensions = array<i32: 1>} : vector<128x128xi32>
    %and3A_3192 = arith.constant 16 : i32
    %and3A_3193 = vector.broadcast %and3A_3192 : i32 to vector<128x128xi32>
    %and3A_3194 = arith.andi %iota3A_3191, %and3A_3193 : vector<128x128xi32>
    %ne3A_3195 = arith.constant 0 : i32
    %ne3A_3196 = vector.broadcast %ne3A_3195 : i32 to vector<128x128xi32>
    %ne3A_3197 = arith.cmpi ne, %and3A_3194, %ne3A_3196 : vector<128x128xi32>
    %iota3A_3198 = tpu.iota {dimensions = array<i32: 0>} : vector<128x128xi32>
    %and3A_3199 = arith.constant 64 : i32
    %and3A_3200 = vector.broadcast %and3A_3199 : i32 to vector<128x128xi32>
    %and3A_3201 = arith.andi %iota3A_3198, %and3A_3200 : vector<128x128xi32>
    %eq3A_3202 = arith.constant 0 : i32
    %eq3A_3203 = vector.broadcast %eq3A_3202 : i32 to vector<128x128xi32>
    %eq3A_3204 = arith.cmpi eq, %and3A_3201, %eq3A_3203 : vector<128x128xi32>
    %slice3A_3205 = vector.extract_strided_slice %select_n3A_3189 {offsets = [0, 112], sizes = [128, 16], strides = [1, 1]} : vector<128x128xf32> to vector<128x16xf32>
    %slice3A_3206 = vector.extract_strided_slice %select_n3A_3189 {offsets = [0, 0], sizes = [128, 112], strides = [1, 1]} : vector<128x128xf32> to vector<128x112xf32>
    %concatenate3A_3207 = tpu.concatenate %slice3A_3205, %slice3A_3206 in 1 : vector<128x16xf32>, vector<128x112xf32> -> vector<128x128xf32>
    %slice3A_3208 = vector.extract_strided_slice %select_n3A_3189 {offsets = [0, 16], sizes = [128, 112], strides = [1, 1]} : vector<128x128xf32> to vector<128x112xf32>
    %slice3A_3209 = vector.extract_strided_slice %select_n3A_3189 {offsets = [0, 0], sizes = [128, 16], strides = [1, 1]} : vector<128x128xf32> to vector<128x16xf32>
    %concatenate3A_3210 = tpu.concatenate %slice3A_3208, %slice3A_3209 in 1 : vector<128x112xf32>, vector<128x16xf32> -> vector<128x128xf32>
    %select_n3A_3211 = arith.select %ne3A_3197, %concatenate3A_3207, %concatenate3A_3210 : vector<128x128xi1>, vector<128x128xf32>
    %slice3A_3212 = vector.extract_strided_slice %select_n3A_3190 {offsets = [0, 112], sizes = [128, 16], strides = [1, 1]} : vector<128x128xf32> to vector<128x16xf32>
    %slice3A_3213 = vector.extract_strided_slice %select_n3A_3190 {offsets = [0, 0], sizes = [128, 112], strides = [1, 1]} : vector<128x128xf32> to vector<128x112xf32>
    %concatenate3A_3214 = tpu.concatenate %slice3A_3212, %slice3A_3213 in 1 : vector<128x16xf32>, vector<128x112xf32> -> vector<128x128xf32>
    %slice3A_3215 = vector.extract_strided_slice %select_n3A_3190 {offsets = [0, 16], sizes = [128, 112], strides = [1, 1]} : vector<128x128xf32> to vector<128x112xf32>
    %slice3A_3216 = vector.extract_strided_slice %select_n3A_3190 {offsets = [0, 0], sizes = [128, 16], strides = [1, 1]} : vector<128x128xf32> to vector<128x16xf32>
    %concatenate3A_3217 = tpu.concatenate %slice3A_3215, %slice3A_3216 in 1 : vector<128x112xf32>, vector<128x16xf32> -> vector<128x128xf32>
    %select_n3A_3218 = arith.select %ne3A_3197, %concatenate3A_3214, %concatenate3A_3217 : vector<128x128xi1>, vector<128x128xf32>
    %ne3A_3219 = arith.xori %ne3A_3197, %eq3A_3204 : vector<128x128xi1>
    %lt3A_3220 = arith.cmpf olt, %select_n3A_3211, %select_n3A_3189 : vector<128x128xf32>
    %eq3A_3221 = arith.xori %lt3A_3220, %ne3A_3219 : vector<128x128xi1>
    %eq3A_3222 = arith.constant dense<true> : vector<128x128xi1>
    %eq3A_3223 = arith.xori %eq3A_3221, %eq3A_3222 : vector<128x128xi1>
    %ne3A_3224 = arith.cmpf one, %select_n3A_3211, %select_n3A_3189 : vector<128x128xf32>
    %and3A_3225 = arith.andi %eq3A_3223, %ne3A_3224 : vector<128x128xi1>
    %select_n3A_3226 = arith.select %and3A_3225, %select_n3A_3211, %select_n3A_3189 : vector<128x128xi1>, vector<128x128xf32>
    %select_n3A_3227 = arith.select %and3A_3225, %select_n3A_3218, %select_n3A_3190 : vector<128x128xi1>, vector<128x128xf32>
    %iota3A_3228 = tpu.iota {dimensions = array<i32: 1>} : vector<128x128xi32>
    %and3A_3229 = arith.constant 8 : i32
    %and3A_3230 = vector.broadcast %and3A_3229 : i32 to vector<128x128xi32>
    %and3A_3231 = arith.andi %iota3A_3228, %and3A_3230 : vector<128x128xi32>
    %ne3A_3232 = arith.constant 0 : i32
    %ne3A_3233 = vector.broadcast %ne3A_3232 : i32 to vector<128x128xi32>
    %ne3A_3234 = arith.cmpi ne, %and3A_3231, %ne3A_3233 : vector<128x128xi32>
    %iota3A_3235 = tpu.iota {dimensions = array<i32: 0>} : vector<128x128xi32>
    %and3A_3236 = arith.constant 64 : i32
    %and3A_3237 = vector.broadcast %and3A_3236 : i32 to vector<128x128xi32>
    %and3A_3238 = arith.andi %iota3A_3235, %and3A_3237 : vector<128x128xi32>
    %eq3A_3239 = arith.constant 0 : i32
    %eq3A_3240 = vector.broadcast %eq3A_3239 : i32 to vector<128x128xi32>
    %eq3A_3241 = arith.cmpi eq, %and3A_3238, %eq3A_3240 : vector<128x128xi32>
    %slice3A_3242 = vector.extract_strided_slice %select_n3A_3226 {offsets = [0, 120], sizes = [128, 8], strides = [1, 1]} : vector<128x128xf32> to vector<128x8xf32>
    %slice3A_3243 = vector.extract_strided_slice %select_n3A_3226 {offsets = [0, 0], sizes = [128, 120], strides = [1, 1]} : vector<128x128xf32> to vector<128x120xf32>
    %concatenate3A_3244 = tpu.concatenate %slice3A_3242, %slice3A_3243 in 1 : vector<128x8xf32>, vector<128x120xf32> -> vector<128x128xf32>
    %slice3A_3245 = vector.extract_strided_slice %select_n3A_3226 {offsets = [0, 8], sizes = [128, 120], strides = [1, 1]} : vector<128x128xf32> to vector<128x120xf32>
    %slice3A_3246 = vector.extract_strided_slice %select_n3A_3226 {offsets = [0, 0], sizes = [128, 8], strides = [1, 1]} : vector<128x128xf32> to vector<128x8xf32>
    %concatenate3A_3247 = tpu.concatenate %slice3A_3245, %slice3A_3246 in 1 : vector<128x120xf32>, vector<128x8xf32> -> vector<128x128xf32>
    %select_n3A_3248 = arith.select %ne3A_3234, %concatenate3A_3244, %concatenate3A_3247 : vector<128x128xi1>, vector<128x128xf32>
    %slice3A_3249 = vector.extract_strided_slice %select_n3A_3227 {offsets = [0, 120], sizes = [128, 8], strides = [1, 1]} : vector<128x128xf32> to vector<128x8xf32>
    %slice3A_3250 = vector.extract_strided_slice %select_n3A_3227 {offsets = [0, 0], sizes = [128, 120], strides = [1, 1]} : vector<128x128xf32> to vector<128x120xf32>
    %concatenate3A_3251 = tpu.concatenate %slice3A_3249, %slice3A_3250 in 1 : vector<128x8xf32>, vector<128x120xf32> -> vector<128x128xf32>
    %slice3A_3252 = vector.extract_strided_slice %select_n3A_3227 {offsets = [0, 8], sizes = [128, 120], strides = [1, 1]} : vector<128x128xf32> to vector<128x120xf32>
    %slice3A_3253 = vector.extract_strided_slice %select_n3A_3227 {offsets = [0, 0], sizes = [128, 8], strides = [1, 1]} : vector<128x128xf32> to vector<128x8xf32>
    %concatenate3A_3254 = tpu.concatenate %slice3A_3252, %slice3A_3253 in 1 : vector<128x120xf32>, vector<128x8xf32> -> vector<128x128xf32>
    %select_n3A_3255 = arith.select %ne3A_3234, %concatenate3A_3251, %concatenate3A_3254 : vector<128x128xi1>, vector<128x128xf32>
    %ne3A_3256 = arith.xori %ne3A_3234, %eq3A_3241 : vector<128x128xi1>
    %lt3A_3257 = arith.cmpf olt, %select_n3A_3248, %select_n3A_3226 : vector<128x128xf32>
    %eq3A_3258 = arith.xori %lt3A_3257, %ne3A_3256 : vector<128x128xi1>
    %eq3A_3259 = arith.constant dense<true> : vector<128x128xi1>
    %eq3A_3260 = arith.xori %eq3A_3258, %eq3A_3259 : vector<128x128xi1>
    %ne3A_3261 = arith.cmpf one, %select_n3A_3248, %select_n3A_3226 : vector<128x128xf32>
    %and3A_3262 = arith.andi %eq3A_3260, %ne3A_3261 : vector<128x128xi1>
    %select_n3A_3263 = arith.select %and3A_3262, %select_n3A_3248, %select_n3A_3226 : vector<128x128xi1>, vector<128x128xf32>
    %select_n3A_3264 = arith.select %and3A_3262, %select_n3A_3255, %select_n3A_3227 : vector<128x128xi1>, vector<128x128xf32>
    %iota3A_3265 = tpu.iota {dimensions = array<i32: 1>} : vector<128x128xi32>
    %and3A_3266 = arith.constant 4 : i32
    %and3A_3267 = vector.broadcast %and3A_3266 : i32 to vector<128x128xi32>
    %and3A_3268 = arith.andi %iota3A_3265, %and3A_3267 : vector<128x128xi32>
    %ne3A_3269 = arith.constant 0 : i32
    %ne3A_3270 = vector.broadcast %ne3A_3269 : i32 to vector<128x128xi32>
    %ne3A_3271 = arith.cmpi ne, %and3A_3268, %ne3A_3270 : vector<128x128xi32>
    %iota3A_3272 = tpu.iota {dimensions = array<i32: 0>} : vector<128x128xi32>
    %and3A_3273 = arith.constant 64 : i32
    %and3A_3274 = vector.broadcast %and3A_3273 : i32 to vector<128x128xi32>
    %and3A_3275 = arith.andi %iota3A_3272, %and3A_3274 : vector<128x128xi32>
    %eq3A_3276 = arith.constant 0 : i32
    %eq3A_3277 = vector.broadcast %eq3A_3276 : i32 to vector<128x128xi32>
    %eq3A_3278 = arith.cmpi eq, %and3A_3275, %eq3A_3277 : vector<128x128xi32>
    %slice3A_3279 = vector.extract_strided_slice %select_n3A_3263 {offsets = [0, 124], sizes = [128, 4], strides = [1, 1]} : vector<128x128xf32> to vector<128x4xf32>
    %slice3A_3280 = vector.extract_strided_slice %select_n3A_3263 {offsets = [0, 0], sizes = [128, 124], strides = [1, 1]} : vector<128x128xf32> to vector<128x124xf32>
    %concatenate3A_3281 = tpu.concatenate %slice3A_3279, %slice3A_3280 in 1 : vector<128x4xf32>, vector<128x124xf32> -> vector<128x128xf32>
    %slice3A_3282 = vector.extract_strided_slice %select_n3A_3263 {offsets = [0, 4], sizes = [128, 124], strides = [1, 1]} : vector<128x128xf32> to vector<128x124xf32>
    %slice3A_3283 = vector.extract_strided_slice %select_n3A_3263 {offsets = [0, 0], sizes = [128, 4], strides = [1, 1]} : vector<128x128xf32> to vector<128x4xf32>
    %concatenate3A_3284 = tpu.concatenate %slice3A_3282, %slice3A_3283 in 1 : vector<128x124xf32>, vector<128x4xf32> -> vector<128x128xf32>
    %select_n3A_3285 = arith.select %ne3A_3271, %concatenate3A_3281, %concatenate3A_3284 : vector<128x128xi1>, vector<128x128xf32>
    %slice3A_3286 = vector.extract_strided_slice %select_n3A_3264 {offsets = [0, 124], sizes = [128, 4], strides = [1, 1]} : vector<128x128xf32> to vector<128x4xf32>
    %slice3A_3287 = vector.extract_strided_slice %select_n3A_3264 {offsets = [0, 0], sizes = [128, 124], strides = [1, 1]} : vector<128x128xf32> to vector<128x124xf32>
    %concatenate3A_3288 = tpu.concatenate %slice3A_3286, %slice3A_3287 in 1 : vector<128x4xf32>, vector<128x124xf32> -> vector<128x128xf32>
    %slice3A_3289 = vector.extract_strided_slice %select_n3A_3264 {offsets = [0, 4], sizes = [128, 124], strides = [1, 1]} : vector<128x128xf32> to vector<128x124xf32>
    %slice3A_3290 = vector.extract_strided_slice %select_n3A_3264 {offsets = [0, 0], sizes = [128, 4], strides = [1, 1]} : vector<128x128xf32> to vector<128x4xf32>
    %concatenate3A_3291 = tpu.concatenate %slice3A_3289, %slice3A_3290 in 1 : vector<128x124xf32>, vector<128x4xf32> -> vector<128x128xf32>
    %select_n3A_3292 = arith.select %ne3A_3271, %concatenate3A_3288, %concatenate3A_3291 : vector<128x128xi1>, vector<128x128xf32>
    %ne3A_3293 = arith.xori %ne3A_3271, %eq3A_3278 : vector<128x128xi1>
    %lt3A_3294 = arith.cmpf olt, %select_n3A_3285, %select_n3A_3263 : vector<128x128xf32>
    %eq3A_3295 = arith.xori %lt3A_3294, %ne3A_3293 : vector<128x128xi1>
    %eq3A_3296 = arith.constant dense<true> : vector<128x128xi1>
    %eq3A_3297 = arith.xori %eq3A_3295, %eq3A_3296 : vector<128x128xi1>
    %ne3A_3298 = arith.cmpf one, %select_n3A_3285, %select_n3A_3263 : vector<128x128xf32>
    %and3A_3299 = arith.andi %eq3A_3297, %ne3A_3298 : vector<128x128xi1>
    %select_n3A_3300 = arith.select %and3A_3299, %select_n3A_3285, %select_n3A_3263 : vector<128x128xi1>, vector<128x128xf32>
    %select_n3A_3301 = arith.select %and3A_3299, %select_n3A_3292, %select_n3A_3264 : vector<128x128xi1>, vector<128x128xf32>
    %iota3A_3302 = tpu.iota {dimensions = array<i32: 1>} : vector<128x128xi32>
    %and3A_3303 = arith.constant 2 : i32
    %and3A_3304 = vector.broadcast %and3A_3303 : i32 to vector<128x128xi32>
    %and3A_3305 = arith.andi %iota3A_3302, %and3A_3304 : vector<128x128xi32>
    %ne3A_3306 = arith.constant 0 : i32
    %ne3A_3307 = vector.broadcast %ne3A_3306 : i32 to vector<128x128xi32>
    %ne3A_3308 = arith.cmpi ne, %and3A_3305, %ne3A_3307 : vector<128x128xi32>
    %iota3A_3309 = tpu.iota {dimensions = array<i32: 0>} : vector<128x128xi32>
    %and3A_3310 = arith.constant 64 : i32
    %and3A_3311 = vector.broadcast %and3A_3310 : i32 to vector<128x128xi32>
    %and3A_3312 = arith.andi %iota3A_3309, %and3A_3311 : vector<128x128xi32>
    %eq3A_3313 = arith.constant 0 : i32
    %eq3A_3314 = vector.broadcast %eq3A_3313 : i32 to vector<128x128xi32>
    %eq3A_3315 = arith.cmpi eq, %and3A_3312, %eq3A_3314 : vector<128x128xi32>
    %slice3A_3316 = vector.extract_strided_slice %select_n3A_3300 {offsets = [0, 126], sizes = [128, 2], strides = [1, 1]} : vector<128x128xf32> to vector<128x2xf32>
    %slice3A_3317 = vector.extract_strided_slice %select_n3A_3300 {offsets = [0, 0], sizes = [128, 126], strides = [1, 1]} : vector<128x128xf32> to vector<128x126xf32>
    %concatenate3A_3318 = tpu.concatenate %slice3A_3316, %slice3A_3317 in 1 : vector<128x2xf32>, vector<128x126xf32> -> vector<128x128xf32>
    %slice3A_3319 = vector.extract_strided_slice %select_n3A_3300 {offsets = [0, 2], sizes = [128, 126], strides = [1, 1]} : vector<128x128xf32> to vector<128x126xf32>
    %slice3A_3320 = vector.extract_strided_slice %select_n3A_3300 {offsets = [0, 0], sizes = [128, 2], strides = [1, 1]} : vector<128x128xf32> to vector<128x2xf32>
    %concatenate3A_3321 = tpu.concatenate %slice3A_3319, %slice3A_3320 in 1 : vector<128x126xf32>, vector<128x2xf32> -> vector<128x128xf32>
    %select_n3A_3322 = arith.select %ne3A_3308, %concatenate3A_3318, %concatenate3A_3321 : vector<128x128xi1>, vector<128x128xf32>
    %slice3A_3323 = vector.extract_strided_slice %select_n3A_3301 {offsets = [0, 126], sizes = [128, 2], strides = [1, 1]} : vector<128x128xf32> to vector<128x2xf32>
    %slice3A_3324 = vector.extract_strided_slice %select_n3A_3301 {offsets = [0, 0], sizes = [128, 126], strides = [1, 1]} : vector<128x128xf32> to vector<128x126xf32>
    %concatenate3A_3325 = tpu.concatenate %slice3A_3323, %slice3A_3324 in 1 : vector<128x2xf32>, vector<128x126xf32> -> vector<128x128xf32>
    %slice3A_3326 = vector.extract_strided_slice %select_n3A_3301 {offsets = [0, 2], sizes = [128, 126], strides = [1, 1]} : vector<128x128xf32> to vector<128x126xf32>
    %slice3A_3327 = vector.extract_strided_slice %select_n3A_3301 {offsets = [0, 0], sizes = [128, 2], strides = [1, 1]} : vector<128x128xf32> to vector<128x2xf32>
    %concatenate3A_3328 = tpu.concatenate %slice3A_3326, %slice3A_3327 in 1 : vector<128x126xf32>, vector<128x2xf32> -> vector<128x128xf32>
    %select_n3A_3329 = arith.select %ne3A_3308, %concatenate3A_3325, %concatenate3A_3328 : vector<128x128xi1>, vector<128x128xf32>
    %ne3A_3330 = arith.xori %ne3A_3308, %eq3A_3315 : vector<128x128xi1>
    %lt3A_3331 = arith.cmpf olt, %select_n3A_3322, %select_n3A_3300 : vector<128x128xf32>
    %eq3A_3332 = arith.xori %lt3A_3331, %ne3A_3330 : vector<128x128xi1>
    %eq3A_3333 = arith.constant dense<true> : vector<128x128xi1>
    %eq3A_3334 = arith.xori %eq3A_3332, %eq3A_3333 : vector<128x128xi1>
    %ne3A_3335 = arith.cmpf one, %select_n3A_3322, %select_n3A_3300 : vector<128x128xf32>
    %and3A_3336 = arith.andi %eq3A_3334, %ne3A_3335 : vector<128x128xi1>
    %select_n3A_3337 = arith.select %and3A_3336, %select_n3A_3322, %select_n3A_3300 : vector<128x128xi1>, vector<128x128xf32>
    %select_n3A_3338 = arith.select %and3A_3336, %select_n3A_3329, %select_n3A_3301 : vector<128x128xi1>, vector<128x128xf32>
    %iota3A_3339 = tpu.iota {dimensions = array<i32: 1>} : vector<128x128xi32>
    %and3A_3340 = arith.constant 1 : i32
    %and3A_3341 = vector.broadcast %and3A_3340 : i32 to vector<128x128xi32>
    %and3A_3342 = arith.andi %iota3A_3339, %and3A_3341 : vector<128x128xi32>
    %ne3A_3343 = arith.constant 0 : i32
    %ne3A_3344 = vector.broadcast %ne3A_3343 : i32 to vector<128x128xi32>
    %ne3A_3345 = arith.cmpi ne, %and3A_3342, %ne3A_3344 : vector<128x128xi32>
    %iota3A_3346 = tpu.iota {dimensions = array<i32: 0>} : vector<128x128xi32>
    %and3A_3347 = arith.constant 64 : i32
    %and3A_3348 = vector.broadcast %and3A_3347 : i32 to vector<128x128xi32>
    %and3A_3349 = arith.andi %iota3A_3346, %and3A_3348 : vector<128x128xi32>
    %eq3A_3350 = arith.constant 0 : i32
    %eq3A_3351 = vector.broadcast %eq3A_3350 : i32 to vector<128x128xi32>
    %eq3A_3352 = arith.cmpi eq, %and3A_3349, %eq3A_3351 : vector<128x128xi32>
    %slice3A_3353 = vector.extract_strided_slice %select_n3A_3337 {offsets = [0, 127], sizes = [128, 1], strides = [1, 1]} : vector<128x128xf32> to vector<128x1xf32>
    %slice3A_3354 = vector.extract_strided_slice %select_n3A_3337 {offsets = [0, 0], sizes = [128, 127], strides = [1, 1]} : vector<128x128xf32> to vector<128x127xf32>
    %concatenate3A_3355 = tpu.concatenate %slice3A_3353, %slice3A_3354 in 1 : vector<128x1xf32>, vector<128x127xf32> -> vector<128x128xf32>
    %slice3A_3356 = vector.extract_strided_slice %select_n3A_3337 {offsets = [0, 1], sizes = [128, 127], strides = [1, 1]} : vector<128x128xf32> to vector<128x127xf32>
    %slice3A_3357 = vector.extract_strided_slice %select_n3A_3337 {offsets = [0, 0], sizes = [128, 1], strides = [1, 1]} : vector<128x128xf32> to vector<128x1xf32>
    %concatenate3A_3358 = tpu.concatenate %slice3A_3356, %slice3A_3357 in 1 : vector<128x127xf32>, vector<128x1xf32> -> vector<128x128xf32>
    %select_n3A_3359 = arith.select %ne3A_3345, %concatenate3A_3355, %concatenate3A_3358 : vector<128x128xi1>, vector<128x128xf32>
    %slice3A_3360 = vector.extract_strided_slice %select_n3A_3338 {offsets = [0, 127], sizes = [128, 1], strides = [1, 1]} : vector<128x128xf32> to vector<128x1xf32>
    %slice3A_3361 = vector.extract_strided_slice %select_n3A_3338 {offsets = [0, 0], sizes = [128, 127], strides = [1, 1]} : vector<128x128xf32> to vector<128x127xf32>
    %concatenate3A_3362 = tpu.concatenate %slice3A_3360, %slice3A_3361 in 1 : vector<128x1xf32>, vector<128x127xf32> -> vector<128x128xf32>
    %slice3A_3363 = vector.extract_strided_slice %select_n3A_3338 {offsets = [0, 1], sizes = [128, 127], strides = [1, 1]} : vector<128x128xf32> to vector<128x127xf32>
    %slice3A_3364 = vector.extract_strided_slice %select_n3A_3338 {offsets = [0, 0], sizes = [128, 1], strides = [1, 1]} : vector<128x128xf32> to vector<128x1xf32>
    %concatenate3A_3365 = tpu.concatenate %slice3A_3363, %slice3A_3364 in 1 : vector<128x127xf32>, vector<128x1xf32> -> vector<128x128xf32>
    %select_n3A_3366 = arith.select %ne3A_3345, %concatenate3A_3362, %concatenate3A_3365 : vector<128x128xi1>, vector<128x128xf32>
    %ne3A_3367 = arith.xori %ne3A_3345, %eq3A_3352 : vector<128x128xi1>
    %lt3A_3368 = arith.cmpf olt, %select_n3A_3359, %select_n3A_3337 : vector<128x128xf32>
    %eq3A_3369 = arith.xori %lt3A_3368, %ne3A_3367 : vector<128x128xi1>
    %eq3A_3370 = arith.constant dense<true> : vector<128x128xi1>
    %eq3A_3371 = arith.xori %eq3A_3369, %eq3A_3370 : vector<128x128xi1>
    %ne3A_3372 = arith.cmpf one, %select_n3A_3359, %select_n3A_3337 : vector<128x128xf32>
    %and3A_3373 = arith.andi %eq3A_3371, %ne3A_3372 : vector<128x128xi1>
    %select_n3A_3374 = arith.select %and3A_3373, %select_n3A_3359, %select_n3A_3337 : vector<128x128xi1>, vector<128x128xf32>
    %select_n3A_3375 = arith.select %and3A_3373, %select_n3A_3366, %select_n3A_3338 : vector<128x128xi1>, vector<128x128xf32>
    %iota3A_3376 = tpu.iota {dimensions = array<i32: 0>} : vector<128x128xi32>
    %and3A_3377 = arith.constant 64 : i32
    %and3A_3378 = vector.broadcast %and3A_3377 : i32 to vector<128x128xi32>
    %and3A_3379 = arith.andi %iota3A_3376, %and3A_3378 : vector<128x128xi32>
    %ne3A_3380 = arith.constant 0 : i32
    %ne3A_3381 = vector.broadcast %ne3A_3380 : i32 to vector<128x128xi32>
    %ne3A_3382 = arith.cmpi ne, %and3A_3379, %ne3A_3381 : vector<128x128xi32>
    %iota3A_3383 = tpu.iota {dimensions = array<i32: 0>} : vector<128x128xi32>
    %and3A_3384 = arith.constant 128 : i32
    %and3A_3385 = vector.broadcast %and3A_3384 : i32 to vector<128x128xi32>
    %and3A_3386 = arith.andi %iota3A_3383, %and3A_3385 : vector<128x128xi32>
    %eq3A_3387 = arith.constant 0 : i32
    %eq3A_3388 = vector.broadcast %eq3A_3387 : i32 to vector<128x128xi32>
    %eq3A_3389 = arith.cmpi eq, %and3A_3386, %eq3A_3388 : vector<128x128xi32>
    %slice3A_3390 = vector.extract_strided_slice %select_n3A_3374 {offsets = [64, 0], sizes = [64, 128], strides = [1, 1]} : vector<128x128xf32> to vector<64x128xf32>
    %slice3A_3391 = vector.extract_strided_slice %select_n3A_3374 {offsets = [0, 0], sizes = [64, 128], strides = [1, 1]} : vector<128x128xf32> to vector<64x128xf32>
    %concatenate3A_3392 = tpu.concatenate %slice3A_3390, %slice3A_3391 in 0 : vector<64x128xf32>, vector<64x128xf32> -> vector<128x128xf32>
    %slice3A_3393 = vector.extract_strided_slice %select_n3A_3374 {offsets = [64, 0], sizes = [64, 128], strides = [1, 1]} : vector<128x128xf32> to vector<64x128xf32>
    %slice3A_3394 = vector.extract_strided_slice %select_n3A_3374 {offsets = [0, 0], sizes = [64, 128], strides = [1, 1]} : vector<128x128xf32> to vector<64x128xf32>
    %concatenate3A_3395 = tpu.concatenate %slice3A_3393, %slice3A_3394 in 0 : vector<64x128xf32>, vector<64x128xf32> -> vector<128x128xf32>
    %select_n3A_3396 = arith.select %ne3A_3382, %concatenate3A_3392, %concatenate3A_3395 : vector<128x128xi1>, vector<128x128xf32>
    %slice3A_3397 = vector.extract_strided_slice %select_n3A_3375 {offsets = [64, 0], sizes = [64, 128], strides = [1, 1]} : vector<128x128xf32> to vector<64x128xf32>
    %slice3A_3398 = vector.extract_strided_slice %select_n3A_3375 {offsets = [0, 0], sizes = [64, 128], strides = [1, 1]} : vector<128x128xf32> to vector<64x128xf32>
    %concatenate3A_3399 = tpu.concatenate %slice3A_3397, %slice3A_3398 in 0 : vector<64x128xf32>, vector<64x128xf32> -> vector<128x128xf32>
    %slice3A_3400 = vector.extract_strided_slice %select_n3A_3375 {offsets = [64, 0], sizes = [64, 128], strides = [1, 1]} : vector<128x128xf32> to vector<64x128xf32>
    %slice3A_3401 = vector.extract_strided_slice %select_n3A_3375 {offsets = [0, 0], sizes = [64, 128], strides = [1, 1]} : vector<128x128xf32> to vector<64x128xf32>
    %concatenate3A_3402 = tpu.concatenate %slice3A_3400, %slice3A_3401 in 0 : vector<64x128xf32>, vector<64x128xf32> -> vector<128x128xf32>
    %select_n3A_3403 = arith.select %ne3A_3382, %concatenate3A_3399, %concatenate3A_3402 : vector<128x128xi1>, vector<128x128xf32>
    %ne3A_3404 = arith.xori %ne3A_3382, %eq3A_3389 : vector<128x128xi1>
    %lt3A_3405 = arith.cmpf olt, %select_n3A_3396, %select_n3A_3374 : vector<128x128xf32>
    %eq3A_3406 = arith.xori %lt3A_3405, %ne3A_3404 : vector<128x128xi1>
    %eq3A_3407 = arith.constant dense<true> : vector<128x128xi1>
    %eq3A_3408 = arith.xori %eq3A_3406, %eq3A_3407 : vector<128x128xi1>
    %ne3A_3409 = arith.cmpf one, %select_n3A_3396, %select_n3A_3374 : vector<128x128xf32>
    %and3A_3410 = arith.andi %eq3A_3408, %ne3A_3409 : vector<128x128xi1>
    %select_n3A_3411 = arith.select %and3A_3410, %select_n3A_3396, %select_n3A_3374 : vector<128x128xi1>, vector<128x128xf32>
    %select_n3A_3412 = arith.select %and3A_3410, %select_n3A_3403, %select_n3A_3375 : vector<128x128xi1>, vector<128x128xf32>
    %iota3A_3413 = tpu.iota {dimensions = array<i32: 0>} : vector<128x128xi32>
    %and3A_3414 = arith.constant 32 : i32
    %and3A_3415 = vector.broadcast %and3A_3414 : i32 to vector<128x128xi32>
    %and3A_3416 = arith.andi %iota3A_3413, %and3A_3415 : vector<128x128xi32>
    %ne3A_3417 = arith.constant 0 : i32
    %ne3A_3418 = vector.broadcast %ne3A_3417 : i32 to vector<128x128xi32>
    %ne3A_3419 = arith.cmpi ne, %and3A_3416, %ne3A_3418 : vector<128x128xi32>
    %iota3A_3420 = tpu.iota {dimensions = array<i32: 0>} : vector<128x128xi32>
    %and3A_3421 = arith.constant 128 : i32
    %and3A_3422 = vector.broadcast %and3A_3421 : i32 to vector<128x128xi32>
    %and3A_3423 = arith.andi %iota3A_3420, %and3A_3422 : vector<128x128xi32>
    %eq3A_3424 = arith.constant 0 : i32
    %eq3A_3425 = vector.broadcast %eq3A_3424 : i32 to vector<128x128xi32>
    %eq3A_3426 = arith.cmpi eq, %and3A_3423, %eq3A_3425 : vector<128x128xi32>
    %slice3A_3427 = vector.extract_strided_slice %select_n3A_3411 {offsets = [96, 0], sizes = [32, 128], strides = [1, 1]} : vector<128x128xf32> to vector<32x128xf32>
    %slice3A_3428 = vector.extract_strided_slice %select_n3A_3411 {offsets = [0, 0], sizes = [96, 128], strides = [1, 1]} : vector<128x128xf32> to vector<96x128xf32>
    %concatenate3A_3429 = tpu.concatenate %slice3A_3427, %slice3A_3428 in 0 : vector<32x128xf32>, vector<96x128xf32> -> vector<128x128xf32>
    %slice3A_3430 = vector.extract_strided_slice %select_n3A_3411 {offsets = [32, 0], sizes = [96, 128], strides = [1, 1]} : vector<128x128xf32> to vector<96x128xf32>
    %slice3A_3431 = vector.extract_strided_slice %select_n3A_3411 {offsets = [0, 0], sizes = [32, 128], strides = [1, 1]} : vector<128x128xf32> to vector<32x128xf32>
    %concatenate3A_3432 = tpu.concatenate %slice3A_3430, %slice3A_3431 in 0 : vector<96x128xf32>, vector<32x128xf32> -> vector<128x128xf32>
    %select_n3A_3433 = arith.select %ne3A_3419, %concatenate3A_3429, %concatenate3A_3432 : vector<128x128xi1>, vector<128x128xf32>
    %slice3A_3434 = vector.extract_strided_slice %select_n3A_3412 {offsets = [96, 0], sizes = [32, 128], strides = [1, 1]} : vector<128x128xf32> to vector<32x128xf32>
    %slice3A_3435 = vector.extract_strided_slice %select_n3A_3412 {offsets = [0, 0], sizes = [96, 128], strides = [1, 1]} : vector<128x128xf32> to vector<96x128xf32>
    %concatenate3A_3436 = tpu.concatenate %slice3A_3434, %slice3A_3435 in 0 : vector<32x128xf32>, vector<96x128xf32> -> vector<128x128xf32>
    %slice3A_3437 = vector.extract_strided_slice %select_n3A_3412 {offsets = [32, 0], sizes = [96, 128], strides = [1, 1]} : vector<128x128xf32> to vector<96x128xf32>
    %slice3A_3438 = vector.extract_strided_slice %select_n3A_3412 {offsets = [0, 0], sizes = [32, 128], strides = [1, 1]} : vector<128x128xf32> to vector<32x128xf32>
    %concatenate3A_3439 = tpu.concatenate %slice3A_3437, %slice3A_3438 in 0 : vector<96x128xf32>, vector<32x128xf32> -> vector<128x128xf32>
    %select_n3A_3440 = arith.select %ne3A_3419, %concatenate3A_3436, %concatenate3A_3439 : vector<128x128xi1>, vector<128x128xf32>
    %ne3A_3441 = arith.xori %ne3A_3419, %eq3A_3426 : vector<128x128xi1>
    %lt3A_3442 = arith.cmpf olt, %select_n3A_3433, %select_n3A_3411 : vector<128x128xf32>
    %eq3A_3443 = arith.xori %lt3A_3442, %ne3A_3441 : vector<128x128xi1>
    %eq3A_3444 = arith.constant dense<true> : vector<128x128xi1>
    %eq3A_3445 = arith.xori %eq3A_3443, %eq3A_3444 : vector<128x128xi1>
    %ne3A_3446 = arith.cmpf one, %select_n3A_3433, %select_n3A_3411 : vector<128x128xf32>
    %and3A_3447 = arith.andi %eq3A_3445, %ne3A_3446 : vector<128x128xi1>
    %select_n3A_3448 = arith.select %and3A_3447, %select_n3A_3433, %select_n3A_3411 : vector<128x128xi1>, vector<128x128xf32>
    %select_n3A_3449 = arith.select %and3A_3447, %select_n3A_3440, %select_n3A_3412 : vector<128x128xi1>, vector<128x128xf32>
    %iota3A_3450 = tpu.iota {dimensions = array<i32: 0>} : vector<128x128xi32>
    %and3A_3451 = arith.constant 16 : i32
    %and3A_3452 = vector.broadcast %and3A_3451 : i32 to vector<128x128xi32>
    %and3A_3453 = arith.andi %iota3A_3450, %and3A_3452 : vector<128x128xi32>
    %ne3A_3454 = arith.constant 0 : i32
    %ne3A_3455 = vector.broadcast %ne3A_3454 : i32 to vector<128x128xi32>
    %ne3A_3456 = arith.cmpi ne, %and3A_3453, %ne3A_3455 : vector<128x128xi32>
    %iota3A_3457 = tpu.iota {dimensions = array<i32: 0>} : vector<128x128xi32>
    %and3A_3458 = arith.constant 128 : i32
    %and3A_3459 = vector.broadcast %and3A_3458 : i32 to vector<128x128xi32>
    %and3A_3460 = arith.andi %iota3A_3457, %and3A_3459 : vector<128x128xi32>
    %eq3A_3461 = arith.constant 0 : i32
    %eq3A_3462 = vector.broadcast %eq3A_3461 : i32 to vector<128x128xi32>
    %eq3A_3463 = arith.cmpi eq, %and3A_3460, %eq3A_3462 : vector<128x128xi32>
    %slice3A_3464 = vector.extract_strided_slice %select_n3A_3448 {offsets = [112, 0], sizes = [16, 128], strides = [1, 1]} : vector<128x128xf32> to vector<16x128xf32>
    %slice3A_3465 = vector.extract_strided_slice %select_n3A_3448 {offsets = [0, 0], sizes = [112, 128], strides = [1, 1]} : vector<128x128xf32> to vector<112x128xf32>
    %concatenate3A_3466 = tpu.concatenate %slice3A_3464, %slice3A_3465 in 0 : vector<16x128xf32>, vector<112x128xf32> -> vector<128x128xf32>
    %slice3A_3467 = vector.extract_strided_slice %select_n3A_3448 {offsets = [16, 0], sizes = [112, 128], strides = [1, 1]} : vector<128x128xf32> to vector<112x128xf32>
    %slice3A_3468 = vector.extract_strided_slice %select_n3A_3448 {offsets = [0, 0], sizes = [16, 128], strides = [1, 1]} : vector<128x128xf32> to vector<16x128xf32>
    %concatenate3A_3469 = tpu.concatenate %slice3A_3467, %slice3A_3468 in 0 : vector<112x128xf32>, vector<16x128xf32> -> vector<128x128xf32>
    %select_n3A_3470 = arith.select %ne3A_3456, %concatenate3A_3466, %concatenate3A_3469 : vector<128x128xi1>, vector<128x128xf32>
    %slice3A_3471 = vector.extract_strided_slice %select_n3A_3449 {offsets = [112, 0], sizes = [16, 128], strides = [1, 1]} : vector<128x128xf32> to vector<16x128xf32>
    %slice3A_3472 = vector.extract_strided_slice %select_n3A_3449 {offsets = [0, 0], sizes = [112, 128], strides = [1, 1]} : vector<128x128xf32> to vector<112x128xf32>
    %concatenate3A_3473 = tpu.concatenate %slice3A_3471, %slice3A_3472 in 0 : vector<16x128xf32>, vector<112x128xf32> -> vector<128x128xf32>
    %slice3A_3474 = vector.extract_strided_slice %select_n3A_3449 {offsets = [16, 0], sizes = [112, 128], strides = [1, 1]} : vector<128x128xf32> to vector<112x128xf32>
    %slice3A_3475 = vector.extract_strided_slice %select_n3A_3449 {offsets = [0, 0], sizes = [16, 128], strides = [1, 1]} : vector<128x128xf32> to vector<16x128xf32>
    %concatenate3A_3476 = tpu.concatenate %slice3A_3474, %slice3A_3475 in 0 : vector<112x128xf32>, vector<16x128xf32> -> vector<128x128xf32>
    %select_n3A_3477 = arith.select %ne3A_3456, %concatenate3A_3473, %concatenate3A_3476 : vector<128x128xi1>, vector<128x128xf32>
    %ne3A_3478 = arith.xori %ne3A_3456, %eq3A_3463 : vector<128x128xi1>
    %lt3A_3479 = arith.cmpf olt, %select_n3A_3470, %select_n3A_3448 : vector<128x128xf32>
    %eq3A_3480 = arith.xori %lt3A_3479, %ne3A_3478 : vector<128x128xi1>
    %eq3A_3481 = arith.constant dense<true> : vector<128x128xi1>
    %eq3A_3482 = arith.xori %eq3A_3480, %eq3A_3481 : vector<128x128xi1>
    %ne3A_3483 = arith.cmpf one, %select_n3A_3470, %select_n3A_3448 : vector<128x128xf32>
    %and3A_3484 = arith.andi %eq3A_3482, %ne3A_3483 : vector<128x128xi1>
    %select_n3A_3485 = arith.select %and3A_3484, %select_n3A_3470, %select_n3A_3448 : vector<128x128xi1>, vector<128x128xf32>
    %select_n3A_3486 = arith.select %and3A_3484, %select_n3A_3477, %select_n3A_3449 : vector<128x128xi1>, vector<128x128xf32>
    %iota3A_3487 = tpu.iota {dimensions = array<i32: 0>} : vector<128x128xi32>
    %and3A_3488 = arith.constant 8 : i32
    %and3A_3489 = vector.broadcast %and3A_3488 : i32 to vector<128x128xi32>
    %and3A_3490 = arith.andi %iota3A_3487, %and3A_3489 : vector<128x128xi32>
    %ne3A_3491 = arith.constant 0 : i32
    %ne3A_3492 = vector.broadcast %ne3A_3491 : i32 to vector<128x128xi32>
    %ne3A_3493 = arith.cmpi ne, %and3A_3490, %ne3A_3492 : vector<128x128xi32>
    %iota3A_3494 = tpu.iota {dimensions = array<i32: 0>} : vector<128x128xi32>
    %and3A_3495 = arith.constant 128 : i32
    %and3A_3496 = vector.broadcast %and3A_3495 : i32 to vector<128x128xi32>
    %and3A_3497 = arith.andi %iota3A_3494, %and3A_3496 : vector<128x128xi32>
    %eq3A_3498 = arith.constant 0 : i32
    %eq3A_3499 = vector.broadcast %eq3A_3498 : i32 to vector<128x128xi32>
    %eq3A_3500 = arith.cmpi eq, %and3A_3497, %eq3A_3499 : vector<128x128xi32>
    %slice3A_3501 = vector.extract_strided_slice %select_n3A_3485 {offsets = [120, 0], sizes = [8, 128], strides = [1, 1]} : vector<128x128xf32> to vector<8x128xf32>
    %slice3A_3502 = vector.extract_strided_slice %select_n3A_3485 {offsets = [0, 0], sizes = [120, 128], strides = [1, 1]} : vector<128x128xf32> to vector<120x128xf32>
    %concatenate3A_3503 = tpu.concatenate %slice3A_3501, %slice3A_3502 in 0 : vector<8x128xf32>, vector<120x128xf32> -> vector<128x128xf32>
    %slice3A_3504 = vector.extract_strided_slice %select_n3A_3485 {offsets = [8, 0], sizes = [120, 128], strides = [1, 1]} : vector<128x128xf32> to vector<120x128xf32>
    %slice3A_3505 = vector.extract_strided_slice %select_n3A_3485 {offsets = [0, 0], sizes = [8, 128], strides = [1, 1]} : vector<128x128xf32> to vector<8x128xf32>
    %concatenate3A_3506 = tpu.concatenate %slice3A_3504, %slice3A_3505 in 0 : vector<120x128xf32>, vector<8x128xf32> -> vector<128x128xf32>
    %select_n3A_3507 = arith.select %ne3A_3493, %concatenate3A_3503, %concatenate3A_3506 : vector<128x128xi1>, vector<128x128xf32>
    %slice3A_3508 = vector.extract_strided_slice %select_n3A_3486 {offsets = [120, 0], sizes = [8, 128], strides = [1, 1]} : vector<128x128xf32> to vector<8x128xf32>
    %slice3A_3509 = vector.extract_strided_slice %select_n3A_3486 {offsets = [0, 0], sizes = [120, 128], strides = [1, 1]} : vector<128x128xf32> to vector<120x128xf32>
    %concatenate3A_3510 = tpu.concatenate %slice3A_3508, %slice3A_3509 in 0 : vector<8x128xf32>, vector<120x128xf32> -> vector<128x128xf32>
    %slice3A_3511 = vector.extract_strided_slice %select_n3A_3486 {offsets = [8, 0], sizes = [120, 128], strides = [1, 1]} : vector<128x128xf32> to vector<120x128xf32>
    %slice3A_3512 = vector.extract_strided_slice %select_n3A_3486 {offsets = [0, 0], sizes = [8, 128], strides = [1, 1]} : vector<128x128xf32> to vector<8x128xf32>
    %concatenate3A_3513 = tpu.concatenate %slice3A_3511, %slice3A_3512 in 0 : vector<120x128xf32>, vector<8x128xf32> -> vector<128x128xf32>
    %select_n3A_3514 = arith.select %ne3A_3493, %concatenate3A_3510, %concatenate3A_3513 : vector<128x128xi1>, vector<128x128xf32>
    %ne3A_3515 = arith.xori %ne3A_3493, %eq3A_3500 : vector<128x128xi1>
    %lt3A_3516 = arith.cmpf olt, %select_n3A_3507, %select_n3A_3485 : vector<128x128xf32>
    %eq3A_3517 = arith.xori %lt3A_3516, %ne3A_3515 : vector<128x128xi1>
    %eq3A_3518 = arith.constant dense<true> : vector<128x128xi1>
    %eq3A_3519 = arith.xori %eq3A_3517, %eq3A_3518 : vector<128x128xi1>
    %ne3A_3520 = arith.cmpf one, %select_n3A_3507, %select_n3A_3485 : vector<128x128xf32>
    %and3A_3521 = arith.andi %eq3A_3519, %ne3A_3520 : vector<128x128xi1>
    %select_n3A_3522 = arith.select %and3A_3521, %select_n3A_3507, %select_n3A_3485 : vector<128x128xi1>, vector<128x128xf32>
    %select_n3A_3523 = arith.select %and3A_3521, %select_n3A_3514, %select_n3A_3486 : vector<128x128xi1>, vector<128x128xf32>
    %iota3A_3524 = tpu.iota {dimensions = array<i32: 0>} : vector<128x128xi32>
    %and3A_3525 = arith.constant 4 : i32
    %and3A_3526 = vector.broadcast %and3A_3525 : i32 to vector<128x128xi32>
    %and3A_3527 = arith.andi %iota3A_3524, %and3A_3526 : vector<128x128xi32>
    %ne3A_3528 = arith.constant 0 : i32
    %ne3A_3529 = vector.broadcast %ne3A_3528 : i32 to vector<128x128xi32>
    %ne3A_3530 = arith.cmpi ne, %and3A_3527, %ne3A_3529 : vector<128x128xi32>
    %iota3A_3531 = tpu.iota {dimensions = array<i32: 0>} : vector<128x128xi32>
    %and3A_3532 = arith.constant 128 : i32
    %and3A_3533 = vector.broadcast %and3A_3532 : i32 to vector<128x128xi32>
    %and3A_3534 = arith.andi %iota3A_3531, %and3A_3533 : vector<128x128xi32>
    %eq3A_3535 = arith.constant 0 : i32
    %eq3A_3536 = vector.broadcast %eq3A_3535 : i32 to vector<128x128xi32>
    %eq3A_3537 = arith.cmpi eq, %and3A_3534, %eq3A_3536 : vector<128x128xi32>
    %slice3A_3538 = vector.extract_strided_slice %select_n3A_3522 {offsets = [124, 0], sizes = [4, 128], strides = [1, 1]} : vector<128x128xf32> to vector<4x128xf32>
    %slice3A_3539 = vector.extract_strided_slice %select_n3A_3522 {offsets = [0, 0], sizes = [124, 128], strides = [1, 1]} : vector<128x128xf32> to vector<124x128xf32>
    %concatenate3A_3540 = tpu.concatenate %slice3A_3538, %slice3A_3539 in 0 : vector<4x128xf32>, vector<124x128xf32> -> vector<128x128xf32>
    %slice3A_3541 = vector.extract_strided_slice %select_n3A_3522 {offsets = [4, 0], sizes = [124, 128], strides = [1, 1]} : vector<128x128xf32> to vector<124x128xf32>
    %slice3A_3542 = vector.extract_strided_slice %select_n3A_3522 {offsets = [0, 0], sizes = [4, 128], strides = [1, 1]} : vector<128x128xf32> to vector<4x128xf32>
    %concatenate3A_3543 = tpu.concatenate %slice3A_3541, %slice3A_3542 in 0 : vector<124x128xf32>, vector<4x128xf32> -> vector<128x128xf32>
    %select_n3A_3544 = arith.select %ne3A_3530, %concatenate3A_3540, %concatenate3A_3543 : vector<128x128xi1>, vector<128x128xf32>
    %slice3A_3545 = vector.extract_strided_slice %select_n3A_3523 {offsets = [124, 0], sizes = [4, 128], strides = [1, 1]} : vector<128x128xf32> to vector<4x128xf32>
    %slice3A_3546 = vector.extract_strided_slice %select_n3A_3523 {offsets = [0, 0], sizes = [124, 128], strides = [1, 1]} : vector<128x128xf32> to vector<124x128xf32>
    %concatenate3A_3547 = tpu.concatenate %slice3A_3545, %slice3A_3546 in 0 : vector<4x128xf32>, vector<124x128xf32> -> vector<128x128xf32>
    %slice3A_3548 = vector.extract_strided_slice %select_n3A_3523 {offsets = [4, 0], sizes = [124, 128], strides = [1, 1]} : vector<128x128xf32> to vector<124x128xf32>
    %slice3A_3549 = vector.extract_strided_slice %select_n3A_3523 {offsets = [0, 0], sizes = [4, 128], strides = [1, 1]} : vector<128x128xf32> to vector<4x128xf32>
    %concatenate3A_3550 = tpu.concatenate %slice3A_3548, %slice3A_3549 in 0 : vector<124x128xf32>, vector<4x128xf32> -> vector<128x128xf32>
    %select_n3A_3551 = arith.select %ne3A_3530, %concatenate3A_3547, %concatenate3A_3550 : vector<128x128xi1>, vector<128x128xf32>
    %ne3A_3552 = arith.xori %ne3A_3530, %eq3A_3537 : vector<128x128xi1>
    %lt3A_3553 = arith.cmpf olt, %select_n3A_3544, %select_n3A_3522 : vector<128x128xf32>
    %eq3A_3554 = arith.xori %lt3A_3553, %ne3A_3552 : vector<128x128xi1>
    %eq3A_3555 = arith.constant dense<true> : vector<128x128xi1>
    %eq3A_3556 = arith.xori %eq3A_3554, %eq3A_3555 : vector<128x128xi1>
    %ne3A_3557 = arith.cmpf one, %select_n3A_3544, %select_n3A_3522 : vector<128x128xf32>
    %and3A_3558 = arith.andi %eq3A_3556, %ne3A_3557 : vector<128x128xi1>
    %select_n3A_3559 = arith.select %and3A_3558, %select_n3A_3544, %select_n3A_3522 : vector<128x128xi1>, vector<128x128xf32>
    %select_n3A_3560 = arith.select %and3A_3558, %select_n3A_3551, %select_n3A_3523 : vector<128x128xi1>, vector<128x128xf32>
    %iota3A_3561 = tpu.iota {dimensions = array<i32: 0>} : vector<128x128xi32>
    %and3A_3562 = arith.constant 2 : i32
    %and3A_3563 = vector.broadcast %and3A_3562 : i32 to vector<128x128xi32>
    %and3A_3564 = arith.andi %iota3A_3561, %and3A_3563 : vector<128x128xi32>
    %ne3A_3565 = arith.constant 0 : i32
    %ne3A_3566 = vector.broadcast %ne3A_3565 : i32 to vector<128x128xi32>
    %ne3A_3567 = arith.cmpi ne, %and3A_3564, %ne3A_3566 : vector<128x128xi32>
    %iota3A_3568 = tpu.iota {dimensions = array<i32: 0>} : vector<128x128xi32>
    %and3A_3569 = arith.constant 128 : i32
    %and3A_3570 = vector.broadcast %and3A_3569 : i32 to vector<128x128xi32>
    %and3A_3571 = arith.andi %iota3A_3568, %and3A_3570 : vector<128x128xi32>
    %eq3A_3572 = arith.constant 0 : i32
    %eq3A_3573 = vector.broadcast %eq3A_3572 : i32 to vector<128x128xi32>
    %eq3A_3574 = arith.cmpi eq, %and3A_3571, %eq3A_3573 : vector<128x128xi32>
    %slice3A_3575 = vector.extract_strided_slice %select_n3A_3559 {offsets = [126, 0], sizes = [2, 128], strides = [1, 1]} : vector<128x128xf32> to vector<2x128xf32>
    %slice3A_3576 = vector.extract_strided_slice %select_n3A_3559 {offsets = [0, 0], sizes = [126, 128], strides = [1, 1]} : vector<128x128xf32> to vector<126x128xf32>
    %concatenate3A_3577 = tpu.concatenate %slice3A_3575, %slice3A_3576 in 0 : vector<2x128xf32>, vector<126x128xf32> -> vector<128x128xf32>
    %slice3A_3578 = vector.extract_strided_slice %select_n3A_3559 {offsets = [2, 0], sizes = [126, 128], strides = [1, 1]} : vector<128x128xf32> to vector<126x128xf32>
    %slice3A_3579 = vector.extract_strided_slice %select_n3A_3559 {offsets = [0, 0], sizes = [2, 128], strides = [1, 1]} : vector<128x128xf32> to vector<2x128xf32>
    %concatenate3A_3580 = tpu.concatenate %slice3A_3578, %slice3A_3579 in 0 : vector<126x128xf32>, vector<2x128xf32> -> vector<128x128xf32>
    %select_n3A_3581 = arith.select %ne3A_3567, %concatenate3A_3577, %concatenate3A_3580 : vector<128x128xi1>, vector<128x128xf32>
    %slice3A_3582 = vector.extract_strided_slice %select_n3A_3560 {offsets = [126, 0], sizes = [2, 128], strides = [1, 1]} : vector<128x128xf32> to vector<2x128xf32>
    %slice3A_3583 = vector.extract_strided_slice %select_n3A_3560 {offsets = [0, 0], sizes = [126, 128], strides = [1, 1]} : vector<128x128xf32> to vector<126x128xf32>
    %concatenate3A_3584 = tpu.concatenate %slice3A_3582, %slice3A_3583 in 0 : vector<2x128xf32>, vector<126x128xf32> -> vector<128x128xf32>
    %slice3A_3585 = vector.extract_strided_slice %select_n3A_3560 {offsets = [2, 0], sizes = [126, 128], strides = [1, 1]} : vector<128x128xf32> to vector<126x128xf32>
    %slice3A_3586 = vector.extract_strided_slice %select_n3A_3560 {offsets = [0, 0], sizes = [2, 128], strides = [1, 1]} : vector<128x128xf32> to vector<2x128xf32>
    %concatenate3A_3587 = tpu.concatenate %slice3A_3585, %slice3A_3586 in 0 : vector<126x128xf32>, vector<2x128xf32> -> vector<128x128xf32>
    %select_n3A_3588 = arith.select %ne3A_3567, %concatenate3A_3584, %concatenate3A_3587 : vector<128x128xi1>, vector<128x128xf32>
    %ne3A_3589 = arith.xori %ne3A_3567, %eq3A_3574 : vector<128x128xi1>
    %lt3A_3590 = arith.cmpf olt, %select_n3A_3581, %select_n3A_3559 : vector<128x128xf32>
    %eq3A_3591 = arith.xori %lt3A_3590, %ne3A_3589 : vector<128x128xi1>
    %eq3A_3592 = arith.constant dense<true> : vector<128x128xi1>
    %eq3A_3593 = arith.xori %eq3A_3591, %eq3A_3592 : vector<128x128xi1>
    %ne3A_3594 = arith.cmpf one, %select_n3A_3581, %select_n3A_3559 : vector<128x128xf32>
    %and3A_3595 = arith.andi %eq3A_3593, %ne3A_3594 : vector<128x128xi1>
    %select_n3A_3596 = arith.select %and3A_3595, %select_n3A_3581, %select_n3A_3559 : vector<128x128xi1>, vector<128x128xf32>
    %select_n3A_3597 = arith.select %and3A_3595, %select_n3A_3588, %select_n3A_3560 : vector<128x128xi1>, vector<128x128xf32>
    %iota3A_3598 = tpu.iota {dimensions = array<i32: 0>} : vector<128x128xi32>
    %and3A_3599 = arith.constant 1 : i32
    %and3A_3600 = vector.broadcast %and3A_3599 : i32 to vector<128x128xi32>
    %and3A_3601 = arith.andi %iota3A_3598, %and3A_3600 : vector<128x128xi32>
    %ne3A_3602 = arith.constant 0 : i32
    %ne3A_3603 = vector.broadcast %ne3A_3602 : i32 to vector<128x128xi32>
    %ne3A_3604 = arith.cmpi ne, %and3A_3601, %ne3A_3603 : vector<128x128xi32>
    %iota3A_3605 = tpu.iota {dimensions = array<i32: 0>} : vector<128x128xi32>
    %and3A_3606 = arith.constant 128 : i32
    %and3A_3607 = vector.broadcast %and3A_3606 : i32 to vector<128x128xi32>
    %and3A_3608 = arith.andi %iota3A_3605, %and3A_3607 : vector<128x128xi32>
    %eq3A_3609 = arith.constant 0 : i32
    %eq3A_3610 = vector.broadcast %eq3A_3609 : i32 to vector<128x128xi32>
    %eq3A_3611 = arith.cmpi eq, %and3A_3608, %eq3A_3610 : vector<128x128xi32>
    %slice3A_3612 = vector.extract_strided_slice %select_n3A_3596 {offsets = [127, 0], sizes = [1, 128], strides = [1, 1]} : vector<128x128xf32> to vector<1x128xf32>
    %slice3A_3613 = vector.extract_strided_slice %select_n3A_3596 {offsets = [0, 0], sizes = [127, 128], strides = [1, 1]} : vector<128x128xf32> to vector<127x128xf32>
    %concatenate3A_3614 = tpu.concatenate %slice3A_3612, %slice3A_3613 in 0 : vector<1x128xf32>, vector<127x128xf32> -> vector<128x128xf32>
    %slice3A_3615 = vector.extract_strided_slice %select_n3A_3596 {offsets = [1, 0], sizes = [127, 128], strides = [1, 1]} : vector<128x128xf32> to vector<127x128xf32>
    %slice3A_3616 = vector.extract_strided_slice %select_n3A_3596 {offsets = [0, 0], sizes = [1, 128], strides = [1, 1]} : vector<128x128xf32> to vector<1x128xf32>
    %concatenate3A_3617 = tpu.concatenate %slice3A_3615, %slice3A_3616 in 0 : vector<127x128xf32>, vector<1x128xf32> -> vector<128x128xf32>
    %select_n3A_3618 = arith.select %ne3A_3604, %concatenate3A_3614, %concatenate3A_3617 : vector<128x128xi1>, vector<128x128xf32>
    %slice3A_3619 = vector.extract_strided_slice %select_n3A_3597 {offsets = [127, 0], sizes = [1, 128], strides = [1, 1]} : vector<128x128xf32> to vector<1x128xf32>
    %slice3A_3620 = vector.extract_strided_slice %select_n3A_3597 {offsets = [0, 0], sizes = [127, 128], strides = [1, 1]} : vector<128x128xf32> to vector<127x128xf32>
    %concatenate3A_3621 = tpu.concatenate %slice3A_3619, %slice3A_3620 in 0 : vector<1x128xf32>, vector<127x128xf32> -> vector<128x128xf32>
    %slice3A_3622 = vector.extract_strided_slice %select_n3A_3597 {offsets = [1, 0], sizes = [127, 128], strides = [1, 1]} : vector<128x128xf32> to vector<127x128xf32>
    %slice3A_3623 = vector.extract_strided_slice %select_n3A_3597 {offsets = [0, 0], sizes = [1, 128], strides = [1, 1]} : vector<128x128xf32> to vector<1x128xf32>
    %concatenate3A_3624 = tpu.concatenate %slice3A_3622, %slice3A_3623 in 0 : vector<127x128xf32>, vector<1x128xf32> -> vector<128x128xf32>
    %select_n3A_3625 = arith.select %ne3A_3604, %concatenate3A_3621, %concatenate3A_3624 : vector<128x128xi1>, vector<128x128xf32>
    %ne3A_3626 = arith.xori %ne3A_3604, %eq3A_3611 : vector<128x128xi1>
    %lt3A_3627 = arith.cmpf olt, %select_n3A_3618, %select_n3A_3596 : vector<128x128xf32>
    %eq3A_3628 = arith.xori %lt3A_3627, %ne3A_3626 : vector<128x128xi1>
    %eq3A_3629 = arith.constant dense<true> : vector<128x128xi1>
    %eq3A_3630 = arith.xori %eq3A_3628, %eq3A_3629 : vector<128x128xi1>
    %ne3A_3631 = arith.cmpf one, %select_n3A_3618, %select_n3A_3596 : vector<128x128xf32>
    %and3A_3632 = arith.andi %eq3A_3630, %ne3A_3631 : vector<128x128xi1>
    %select_n3A_3633 = arith.select %and3A_3632, %select_n3A_3618, %select_n3A_3596 : vector<128x128xi1>, vector<128x128xf32>
    %select_n3A_3634 = arith.select %and3A_3632, %select_n3A_3625, %select_n3A_3597 : vector<128x128xi1>, vector<128x128xf32>
    %iota3A_3635 = tpu.iota {dimensions = array<i32: 1>} : vector<128x128xi32>
    %and3A_3636 = arith.constant 64 : i32
    %and3A_3637 = vector.broadcast %and3A_3636 : i32 to vector<128x128xi32>
    %and3A_3638 = arith.andi %iota3A_3635, %and3A_3637 : vector<128x128xi32>
    %ne3A_3639 = arith.constant 0 : i32
    %ne3A_3640 = vector.broadcast %ne3A_3639 : i32 to vector<128x128xi32>
    %ne3A_3641 = arith.cmpi ne, %and3A_3638, %ne3A_3640 : vector<128x128xi32>
    %iota3A_3642 = tpu.iota {dimensions = array<i32: 0>} : vector<128x128xi32>
    %and3A_3643 = arith.constant 128 : i32
    %and3A_3644 = vector.broadcast %and3A_3643 : i32 to vector<128x128xi32>
    %and3A_3645 = arith.andi %iota3A_3642, %and3A_3644 : vector<128x128xi32>
    %eq3A_3646 = arith.constant 0 : i32
    %eq3A_3647 = vector.broadcast %eq3A_3646 : i32 to vector<128x128xi32>
    %eq3A_3648 = arith.cmpi eq, %and3A_3645, %eq3A_3647 : vector<128x128xi32>
    %slice3A_3649 = vector.extract_strided_slice %select_n3A_3633 {offsets = [0, 64], sizes = [128, 64], strides = [1, 1]} : vector<128x128xf32> to vector<128x64xf32>
    %slice3A_3650 = vector.extract_strided_slice %select_n3A_3633 {offsets = [0, 0], sizes = [128, 64], strides = [1, 1]} : vector<128x128xf32> to vector<128x64xf32>
    %concatenate3A_3651 = tpu.concatenate %slice3A_3649, %slice3A_3650 in 1 : vector<128x64xf32>, vector<128x64xf32> -> vector<128x128xf32>
    %slice3A_3652 = vector.extract_strided_slice %select_n3A_3633 {offsets = [0, 64], sizes = [128, 64], strides = [1, 1]} : vector<128x128xf32> to vector<128x64xf32>
    %slice3A_3653 = vector.extract_strided_slice %select_n3A_3633 {offsets = [0, 0], sizes = [128, 64], strides = [1, 1]} : vector<128x128xf32> to vector<128x64xf32>
    %concatenate3A_3654 = tpu.concatenate %slice3A_3652, %slice3A_3653 in 1 : vector<128x64xf32>, vector<128x64xf32> -> vector<128x128xf32>
    %select_n3A_3655 = arith.select %ne3A_3641, %concatenate3A_3651, %concatenate3A_3654 : vector<128x128xi1>, vector<128x128xf32>
    %slice3A_3656 = vector.extract_strided_slice %select_n3A_3634 {offsets = [0, 64], sizes = [128, 64], strides = [1, 1]} : vector<128x128xf32> to vector<128x64xf32>
    %slice3A_3657 = vector.extract_strided_slice %select_n3A_3634 {offsets = [0, 0], sizes = [128, 64], strides = [1, 1]} : vector<128x128xf32> to vector<128x64xf32>
    %concatenate3A_3658 = tpu.concatenate %slice3A_3656, %slice3A_3657 in 1 : vector<128x64xf32>, vector<128x64xf32> -> vector<128x128xf32>
    %slice3A_3659 = vector.extract_strided_slice %select_n3A_3634 {offsets = [0, 64], sizes = [128, 64], strides = [1, 1]} : vector<128x128xf32> to vector<128x64xf32>
    %slice3A_3660 = vector.extract_strided_slice %select_n3A_3634 {offsets = [0, 0], sizes = [128, 64], strides = [1, 1]} : vector<128x128xf32> to vector<128x64xf32>
    %concatenate3A_3661 = tpu.concatenate %slice3A_3659, %slice3A_3660 in 1 : vector<128x64xf32>, vector<128x64xf32> -> vector<128x128xf32>
    %select_n3A_3662 = arith.select %ne3A_3641, %concatenate3A_3658, %concatenate3A_3661 : vector<128x128xi1>, vector<128x128xf32>
    %ne3A_3663 = arith.xori %ne3A_3641, %eq3A_3648 : vector<128x128xi1>
    %lt3A_3664 = arith.cmpf olt, %select_n3A_3655, %select_n3A_3633 : vector<128x128xf32>
    %eq3A_3665 = arith.xori %lt3A_3664, %ne3A_3663 : vector<128x128xi1>
    %eq3A_3666 = arith.constant dense<true> : vector<128x128xi1>
    %eq3A_3667 = arith.xori %eq3A_3665, %eq3A_3666 : vector<128x128xi1>
    %ne3A_3668 = arith.cmpf one, %select_n3A_3655, %select_n3A_3633 : vector<128x128xf32>
    %and3A_3669 = arith.andi %eq3A_3667, %ne3A_3668 : vector<128x128xi1>
    %select_n3A_3670 = arith.select %and3A_3669, %select_n3A_3655, %select_n3A_3633 : vector<128x128xi1>, vector<128x128xf32>
    %select_n3A_3671 = arith.select %and3A_3669, %select_n3A_3662, %select_n3A_3634 : vector<128x128xi1>, vector<128x128xf32>
    %iota3A_3672 = tpu.iota {dimensions = array<i32: 1>} : vector<128x128xi32>
    %and3A_3673 = arith.constant 32 : i32
    %and3A_3674 = vector.broadcast %and3A_3673 : i32 to vector<128x128xi32>
    %and3A_3675 = arith.andi %iota3A_3672, %and3A_3674 : vector<128x128xi32>
    %ne3A_3676 = arith.constant 0 : i32
    %ne3A_3677 = vector.broadcast %ne3A_3676 : i32 to vector<128x128xi32>
    %ne3A_3678 = arith.cmpi ne, %and3A_3675, %ne3A_3677 : vector<128x128xi32>
    %iota3A_3679 = tpu.iota {dimensions = array<i32: 0>} : vector<128x128xi32>
    %and3A_3680 = arith.constant 128 : i32
    %and3A_3681 = vector.broadcast %and3A_3680 : i32 to vector<128x128xi32>
    %and3A_3682 = arith.andi %iota3A_3679, %and3A_3681 : vector<128x128xi32>
    %eq3A_3683 = arith.constant 0 : i32
    %eq3A_3684 = vector.broadcast %eq3A_3683 : i32 to vector<128x128xi32>
    %eq3A_3685 = arith.cmpi eq, %and3A_3682, %eq3A_3684 : vector<128x128xi32>
    %slice3A_3686 = vector.extract_strided_slice %select_n3A_3670 {offsets = [0, 96], sizes = [128, 32], strides = [1, 1]} : vector<128x128xf32> to vector<128x32xf32>
    %slice3A_3687 = vector.extract_strided_slice %select_n3A_3670 {offsets = [0, 0], sizes = [128, 96], strides = [1, 1]} : vector<128x128xf32> to vector<128x96xf32>
    %concatenate3A_3688 = tpu.concatenate %slice3A_3686, %slice3A_3687 in 1 : vector<128x32xf32>, vector<128x96xf32> -> vector<128x128xf32>
    %slice3A_3689 = vector.extract_strided_slice %select_n3A_3670 {offsets = [0, 32], sizes = [128, 96], strides = [1, 1]} : vector<128x128xf32> to vector<128x96xf32>
    %slice3A_3690 = vector.extract_strided_slice %select_n3A_3670 {offsets = [0, 0], sizes = [128, 32], strides = [1, 1]} : vector<128x128xf32> to vector<128x32xf32>
    %concatenate3A_3691 = tpu.concatenate %slice3A_3689, %slice3A_3690 in 1 : vector<128x96xf32>, vector<128x32xf32> -> vector<128x128xf32>
    %select_n3A_3692 = arith.select %ne3A_3678, %concatenate3A_3688, %concatenate3A_3691 : vector<128x128xi1>, vector<128x128xf32>
    %slice3A_3693 = vector.extract_strided_slice %select_n3A_3671 {offsets = [0, 96], sizes = [128, 32], strides = [1, 1]} : vector<128x128xf32> to vector<128x32xf32>
    %slice3A_3694 = vector.extract_strided_slice %select_n3A_3671 {offsets = [0, 0], sizes = [128, 96], strides = [1, 1]} : vector<128x128xf32> to vector<128x96xf32>
    %concatenate3A_3695 = tpu.concatenate %slice3A_3693, %slice3A_3694 in 1 : vector<128x32xf32>, vector<128x96xf32> -> vector<128x128xf32>
    %slice3A_3696 = vector.extract_strided_slice %select_n3A_3671 {offsets = [0, 32], sizes = [128, 96], strides = [1, 1]} : vector<128x128xf32> to vector<128x96xf32>
    %slice3A_3697 = vector.extract_strided_slice %select_n3A_3671 {offsets = [0, 0], sizes = [128, 32], strides = [1, 1]} : vector<128x128xf32> to vector<128x32xf32>
    %concatenate3A_3698 = tpu.concatenate %slice3A_3696, %slice3A_3697 in 1 : vector<128x96xf32>, vector<128x32xf32> -> vector<128x128xf32>
    %select_n3A_3699 = arith.select %ne3A_3678, %concatenate3A_3695, %concatenate3A_3698 : vector<128x128xi1>, vector<128x128xf32>
    %ne3A_3700 = arith.xori %ne3A_3678, %eq3A_3685 : vector<128x128xi1>
    %lt3A_3701 = arith.cmpf olt, %select_n3A_3692, %select_n3A_3670 : vector<128x128xf32>
    %eq3A_3702 = arith.xori %lt3A_3701, %ne3A_3700 : vector<128x128xi1>
    %eq3A_3703 = arith.constant dense<true> : vector<128x128xi1>
    %eq3A_3704 = arith.xori %eq3A_3702, %eq3A_3703 : vector<128x128xi1>
    %ne3A_3705 = arith.cmpf one, %select_n3A_3692, %select_n3A_3670 : vector<128x128xf32>
    %and3A_3706 = arith.andi %eq3A_3704, %ne3A_3705 : vector<128x128xi1>
    %select_n3A_3707 = arith.select %and3A_3706, %select_n3A_3692, %select_n3A_3670 : vector<128x128xi1>, vector<128x128xf32>
    %select_n3A_3708 = arith.select %and3A_3706, %select_n3A_3699, %select_n3A_3671 : vector<128x128xi1>, vector<128x128xf32>
    %iota3A_3709 = tpu.iota {dimensions = array<i32: 1>} : vector<128x128xi32>
    %and3A_3710 = arith.constant 16 : i32
    %and3A_3711 = vector.broadcast %and3A_3710 : i32 to vector<128x128xi32>
    %and3A_3712 = arith.andi %iota3A_3709, %and3A_3711 : vector<128x128xi32>
    %ne3A_3713 = arith.constant 0 : i32
    %ne3A_3714 = vector.broadcast %ne3A_3713 : i32 to vector<128x128xi32>
    %ne3A_3715 = arith.cmpi ne, %and3A_3712, %ne3A_3714 : vector<128x128xi32>
    %iota3A_3716 = tpu.iota {dimensions = array<i32: 0>} : vector<128x128xi32>
    %and3A_3717 = arith.constant 128 : i32
    %and3A_3718 = vector.broadcast %and3A_3717 : i32 to vector<128x128xi32>
    %and3A_3719 = arith.andi %iota3A_3716, %and3A_3718 : vector<128x128xi32>
    %eq3A_3720 = arith.constant 0 : i32
    %eq3A_3721 = vector.broadcast %eq3A_3720 : i32 to vector<128x128xi32>
    %eq3A_3722 = arith.cmpi eq, %and3A_3719, %eq3A_3721 : vector<128x128xi32>
    %slice3A_3723 = vector.extract_strided_slice %select_n3A_3707 {offsets = [0, 112], sizes = [128, 16], strides = [1, 1]} : vector<128x128xf32> to vector<128x16xf32>
    %slice3A_3724 = vector.extract_strided_slice %select_n3A_3707 {offsets = [0, 0], sizes = [128, 112], strides = [1, 1]} : vector<128x128xf32> to vector<128x112xf32>
    %concatenate3A_3725 = tpu.concatenate %slice3A_3723, %slice3A_3724 in 1 : vector<128x16xf32>, vector<128x112xf32> -> vector<128x128xf32>
    %slice3A_3726 = vector.extract_strided_slice %select_n3A_3707 {offsets = [0, 16], sizes = [128, 112], strides = [1, 1]} : vector<128x128xf32> to vector<128x112xf32>
    %slice3A_3727 = vector.extract_strided_slice %select_n3A_3707 {offsets = [0, 0], sizes = [128, 16], strides = [1, 1]} : vector<128x128xf32> to vector<128x16xf32>
    %concatenate3A_3728 = tpu.concatenate %slice3A_3726, %slice3A_3727 in 1 : vector<128x112xf32>, vector<128x16xf32> -> vector<128x128xf32>
    %select_n3A_3729 = arith.select %ne3A_3715, %concatenate3A_3725, %concatenate3A_3728 : vector<128x128xi1>, vector<128x128xf32>
    %slice3A_3730 = vector.extract_strided_slice %select_n3A_3708 {offsets = [0, 112], sizes = [128, 16], strides = [1, 1]} : vector<128x128xf32> to vector<128x16xf32>
    %slice3A_3731 = vector.extract_strided_slice %select_n3A_3708 {offsets = [0, 0], sizes = [128, 112], strides = [1, 1]} : vector<128x128xf32> to vector<128x112xf32>
    %concatenate3A_3732 = tpu.concatenate %slice3A_3730, %slice3A_3731 in 1 : vector<128x16xf32>, vector<128x112xf32> -> vector<128x128xf32>
    %slice3A_3733 = vector.extract_strided_slice %select_n3A_3708 {offsets = [0, 16], sizes = [128, 112], strides = [1, 1]} : vector<128x128xf32> to vector<128x112xf32>
    %slice3A_3734 = vector.extract_strided_slice %select_n3A_3708 {offsets = [0, 0], sizes = [128, 16], strides = [1, 1]} : vector<128x128xf32> to vector<128x16xf32>
    %concatenate3A_3735 = tpu.concatenate %slice3A_3733, %slice3A_3734 in 1 : vector<128x112xf32>, vector<128x16xf32> -> vector<128x128xf32>
    %select_n3A_3736 = arith.select %ne3A_3715, %concatenate3A_3732, %concatenate3A_3735 : vector<128x128xi1>, vector<128x128xf32>
    %ne3A_3737 = arith.xori %ne3A_3715, %eq3A_3722 : vector<128x128xi1>
    %lt3A_3738 = arith.cmpf olt, %select_n3A_3729, %select_n3A_3707 : vector<128x128xf32>
    %eq3A_3739 = arith.xori %lt3A_3738, %ne3A_3737 : vector<128x128xi1>
    %eq3A_3740 = arith.constant dense<true> : vector<128x128xi1>
    %eq3A_3741 = arith.xori %eq3A_3739, %eq3A_3740 : vector<128x128xi1>
    %ne3A_3742 = arith.cmpf one, %select_n3A_3729, %select_n3A_3707 : vector<128x128xf32>
    %and3A_3743 = arith.andi %eq3A_3741, %ne3A_3742 : vector<128x128xi1>
    %select_n3A_3744 = arith.select %and3A_3743, %select_n3A_3729, %select_n3A_3707 : vector<128x128xi1>, vector<128x128xf32>
    %select_n3A_3745 = arith.select %and3A_3743, %select_n3A_3736, %select_n3A_3708 : vector<128x128xi1>, vector<128x128xf32>
    %iota3A_3746 = tpu.iota {dimensions = array<i32: 1>} : vector<128x128xi32>
    %and3A_3747 = arith.constant 8 : i32
    %and3A_3748 = vector.broadcast %and3A_3747 : i32 to vector<128x128xi32>
    %and3A_3749 = arith.andi %iota3A_3746, %and3A_3748 : vector<128x128xi32>
    %ne3A_3750 = arith.constant 0 : i32
    %ne3A_3751 = vector.broadcast %ne3A_3750 : i32 to vector<128x128xi32>
    %ne3A_3752 = arith.cmpi ne, %and3A_3749, %ne3A_3751 : vector<128x128xi32>
    %iota3A_3753 = tpu.iota {dimensions = array<i32: 0>} : vector<128x128xi32>
    %and3A_3754 = arith.constant 128 : i32
    %and3A_3755 = vector.broadcast %and3A_3754 : i32 to vector<128x128xi32>
    %and3A_3756 = arith.andi %iota3A_3753, %and3A_3755 : vector<128x128xi32>
    %eq3A_3757 = arith.constant 0 : i32
    %eq3A_3758 = vector.broadcast %eq3A_3757 : i32 to vector<128x128xi32>
    %eq3A_3759 = arith.cmpi eq, %and3A_3756, %eq3A_3758 : vector<128x128xi32>
    %slice3A_3760 = vector.extract_strided_slice %select_n3A_3744 {offsets = [0, 120], sizes = [128, 8], strides = [1, 1]} : vector<128x128xf32> to vector<128x8xf32>
    %slice3A_3761 = vector.extract_strided_slice %select_n3A_3744 {offsets = [0, 0], sizes = [128, 120], strides = [1, 1]} : vector<128x128xf32> to vector<128x120xf32>
    %concatenate3A_3762 = tpu.concatenate %slice3A_3760, %slice3A_3761 in 1 : vector<128x8xf32>, vector<128x120xf32> -> vector<128x128xf32>
    %slice3A_3763 = vector.extract_strided_slice %select_n3A_3744 {offsets = [0, 8], sizes = [128, 120], strides = [1, 1]} : vector<128x128xf32> to vector<128x120xf32>
    %slice3A_3764 = vector.extract_strided_slice %select_n3A_3744 {offsets = [0, 0], sizes = [128, 8], strides = [1, 1]} : vector<128x128xf32> to vector<128x8xf32>
    %concatenate3A_3765 = tpu.concatenate %slice3A_3763, %slice3A_3764 in 1 : vector<128x120xf32>, vector<128x8xf32> -> vector<128x128xf32>
    %select_n3A_3766 = arith.select %ne3A_3752, %concatenate3A_3762, %concatenate3A_3765 : vector<128x128xi1>, vector<128x128xf32>
    %slice3A_3767 = vector.extract_strided_slice %select_n3A_3745 {offsets = [0, 120], sizes = [128, 8], strides = [1, 1]} : vector<128x128xf32> to vector<128x8xf32>
    %slice3A_3768 = vector.extract_strided_slice %select_n3A_3745 {offsets = [0, 0], sizes = [128, 120], strides = [1, 1]} : vector<128x128xf32> to vector<128x120xf32>
    %concatenate3A_3769 = tpu.concatenate %slice3A_3767, %slice3A_3768 in 1 : vector<128x8xf32>, vector<128x120xf32> -> vector<128x128xf32>
    %slice3A_3770 = vector.extract_strided_slice %select_n3A_3745 {offsets = [0, 8], sizes = [128, 120], strides = [1, 1]} : vector<128x128xf32> to vector<128x120xf32>
    %slice3A_3771 = vector.extract_strided_slice %select_n3A_3745 {offsets = [0, 0], sizes = [128, 8], strides = [1, 1]} : vector<128x128xf32> to vector<128x8xf32>
    %concatenate3A_3772 = tpu.concatenate %slice3A_3770, %slice3A_3771 in 1 : vector<128x120xf32>, vector<128x8xf32> -> vector<128x128xf32>
    %select_n3A_3773 = arith.select %ne3A_3752, %concatenate3A_3769, %concatenate3A_3772 : vector<128x128xi1>, vector<128x128xf32>
    %ne3A_3774 = arith.xori %ne3A_3752, %eq3A_3759 : vector<128x128xi1>
    %lt3A_3775 = arith.cmpf olt, %select_n3A_3766, %select_n3A_3744 : vector<128x128xf32>
    %eq3A_3776 = arith.xori %lt3A_3775, %ne3A_3774 : vector<128x128xi1>
    %eq3A_3777 = arith.constant dense<true> : vector<128x128xi1>
    %eq3A_3778 = arith.xori %eq3A_3776, %eq3A_3777 : vector<128x128xi1>
    %ne3A_3779 = arith.cmpf one, %select_n3A_3766, %select_n3A_3744 : vector<128x128xf32>
    %and3A_3780 = arith.andi %eq3A_3778, %ne3A_3779 : vector<128x128xi1>
    %select_n3A_3781 = arith.select %and3A_3780, %select_n3A_3766, %select_n3A_3744 : vector<128x128xi1>, vector<128x128xf32>
    %select_n3A_3782 = arith.select %and3A_3780, %select_n3A_3773, %select_n3A_3745 : vector<128x128xi1>, vector<128x128xf32>
    %iota3A_3783 = tpu.iota {dimensions = array<i32: 1>} : vector<128x128xi32>
    %and3A_3784 = arith.constant 4 : i32
    %and3A_3785 = vector.broadcast %and3A_3784 : i32 to vector<128x128xi32>
    %and3A_3786 = arith.andi %iota3A_3783, %and3A_3785 : vector<128x128xi32>
    %ne3A_3787 = arith.constant 0 : i32
    %ne3A_3788 = vector.broadcast %ne3A_3787 : i32 to vector<128x128xi32>
    %ne3A_3789 = arith.cmpi ne, %and3A_3786, %ne3A_3788 : vector<128x128xi32>
    %iota3A_3790 = tpu.iota {dimensions = array<i32: 0>} : vector<128x128xi32>
    %and3A_3791 = arith.constant 128 : i32
    %and3A_3792 = vector.broadcast %and3A_3791 : i32 to vector<128x128xi32>
    %and3A_3793 = arith.andi %iota3A_3790, %and3A_3792 : vector<128x128xi32>
    %eq3A_3794 = arith.constant 0 : i32
    %eq3A_3795 = vector.broadcast %eq3A_3794 : i32 to vector<128x128xi32>
    %eq3A_3796 = arith.cmpi eq, %and3A_3793, %eq3A_3795 : vector<128x128xi32>
    %slice3A_3797 = vector.extract_strided_slice %select_n3A_3781 {offsets = [0, 124], sizes = [128, 4], strides = [1, 1]} : vector<128x128xf32> to vector<128x4xf32>
    %slice3A_3798 = vector.extract_strided_slice %select_n3A_3781 {offsets = [0, 0], sizes = [128, 124], strides = [1, 1]} : vector<128x128xf32> to vector<128x124xf32>
    %concatenate3A_3799 = tpu.concatenate %slice3A_3797, %slice3A_3798 in 1 : vector<128x4xf32>, vector<128x124xf32> -> vector<128x128xf32>
    %slice3A_3800 = vector.extract_strided_slice %select_n3A_3781 {offsets = [0, 4], sizes = [128, 124], strides = [1, 1]} : vector<128x128xf32> to vector<128x124xf32>
    %slice3A_3801 = vector.extract_strided_slice %select_n3A_3781 {offsets = [0, 0], sizes = [128, 4], strides = [1, 1]} : vector<128x128xf32> to vector<128x4xf32>
    %concatenate3A_3802 = tpu.concatenate %slice3A_3800, %slice3A_3801 in 1 : vector<128x124xf32>, vector<128x4xf32> -> vector<128x128xf32>
    %select_n3A_3803 = arith.select %ne3A_3789, %concatenate3A_3799, %concatenate3A_3802 : vector<128x128xi1>, vector<128x128xf32>
    %slice3A_3804 = vector.extract_strided_slice %select_n3A_3782 {offsets = [0, 124], sizes = [128, 4], strides = [1, 1]} : vector<128x128xf32> to vector<128x4xf32>
    %slice3A_3805 = vector.extract_strided_slice %select_n3A_3782 {offsets = [0, 0], sizes = [128, 124], strides = [1, 1]} : vector<128x128xf32> to vector<128x124xf32>
    %concatenate3A_3806 = tpu.concatenate %slice3A_3804, %slice3A_3805 in 1 : vector<128x4xf32>, vector<128x124xf32> -> vector<128x128xf32>
    %slice3A_3807 = vector.extract_strided_slice %select_n3A_3782 {offsets = [0, 4], sizes = [128, 124], strides = [1, 1]} : vector<128x128xf32> to vector<128x124xf32>
    %slice3A_3808 = vector.extract_strided_slice %select_n3A_3782 {offsets = [0, 0], sizes = [128, 4], strides = [1, 1]} : vector<128x128xf32> to vector<128x4xf32>
    %concatenate3A_3809 = tpu.concatenate %slice3A_3807, %slice3A_3808 in 1 : vector<128x124xf32>, vector<128x4xf32> -> vector<128x128xf32>
    %select_n3A_3810 = arith.select %ne3A_3789, %concatenate3A_3806, %concatenate3A_3809 : vector<128x128xi1>, vector<128x128xf32>
    %ne3A_3811 = arith.xori %ne3A_3789, %eq3A_3796 : vector<128x128xi1>
    %lt3A_3812 = arith.cmpf olt, %select_n3A_3803, %select_n3A_3781 : vector<128x128xf32>
    %eq3A_3813 = arith.xori %lt3A_3812, %ne3A_3811 : vector<128x128xi1>
    %eq3A_3814 = arith.constant dense<true> : vector<128x128xi1>
    %eq3A_3815 = arith.xori %eq3A_3813, %eq3A_3814 : vector<128x128xi1>
    %ne3A_3816 = arith.cmpf one, %select_n3A_3803, %select_n3A_3781 : vector<128x128xf32>
    %and3A_3817 = arith.andi %eq3A_3815, %ne3A_3816 : vector<128x128xi1>
    %select_n3A_3818 = arith.select %and3A_3817, %select_n3A_3803, %select_n3A_3781 : vector<128x128xi1>, vector<128x128xf32>
    %select_n3A_3819 = arith.select %and3A_3817, %select_n3A_3810, %select_n3A_3782 : vector<128x128xi1>, vector<128x128xf32>
    %iota3A_3820 = tpu.iota {dimensions = array<i32: 1>} : vector<128x128xi32>
    %and3A_3821 = arith.constant 2 : i32
    %and3A_3822 = vector.broadcast %and3A_3821 : i32 to vector<128x128xi32>
    %and3A_3823 = arith.andi %iota3A_3820, %and3A_3822 : vector<128x128xi32>
    %ne3A_3824 = arith.constant 0 : i32
    %ne3A_3825 = vector.broadcast %ne3A_3824 : i32 to vector<128x128xi32>
    %ne3A_3826 = arith.cmpi ne, %and3A_3823, %ne3A_3825 : vector<128x128xi32>
    %iota3A_3827 = tpu.iota {dimensions = array<i32: 0>} : vector<128x128xi32>
    %and3A_3828 = arith.constant 128 : i32
    %and3A_3829 = vector.broadcast %and3A_3828 : i32 to vector<128x128xi32>
    %and3A_3830 = arith.andi %iota3A_3827, %and3A_3829 : vector<128x128xi32>
    %eq3A_3831 = arith.constant 0 : i32
    %eq3A_3832 = vector.broadcast %eq3A_3831 : i32 to vector<128x128xi32>
    %eq3A_3833 = arith.cmpi eq, %and3A_3830, %eq3A_3832 : vector<128x128xi32>
    %slice3A_3834 = vector.extract_strided_slice %select_n3A_3818 {offsets = [0, 126], sizes = [128, 2], strides = [1, 1]} : vector<128x128xf32> to vector<128x2xf32>
    %slice3A_3835 = vector.extract_strided_slice %select_n3A_3818 {offsets = [0, 0], sizes = [128, 126], strides = [1, 1]} : vector<128x128xf32> to vector<128x126xf32>
    %concatenate3A_3836 = tpu.concatenate %slice3A_3834, %slice3A_3835 in 1 : vector<128x2xf32>, vector<128x126xf32> -> vector<128x128xf32>
    %slice3A_3837 = vector.extract_strided_slice %select_n3A_3818 {offsets = [0, 2], sizes = [128, 126], strides = [1, 1]} : vector<128x128xf32> to vector<128x126xf32>
    %slice3A_3838 = vector.extract_strided_slice %select_n3A_3818 {offsets = [0, 0], sizes = [128, 2], strides = [1, 1]} : vector<128x128xf32> to vector<128x2xf32>
    %concatenate3A_3839 = tpu.concatenate %slice3A_3837, %slice3A_3838 in 1 : vector<128x126xf32>, vector<128x2xf32> -> vector<128x128xf32>
    %select_n3A_3840 = arith.select %ne3A_3826, %concatenate3A_3836, %concatenate3A_3839 : vector<128x128xi1>, vector<128x128xf32>
    %slice3A_3841 = vector.extract_strided_slice %select_n3A_3819 {offsets = [0, 126], sizes = [128, 2], strides = [1, 1]} : vector<128x128xf32> to vector<128x2xf32>
    %slice3A_3842 = vector.extract_strided_slice %select_n3A_3819 {offsets = [0, 0], sizes = [128, 126], strides = [1, 1]} : vector<128x128xf32> to vector<128x126xf32>
    %concatenate3A_3843 = tpu.concatenate %slice3A_3841, %slice3A_3842 in 1 : vector<128x2xf32>, vector<128x126xf32> -> vector<128x128xf32>
    %slice3A_3844 = vector.extract_strided_slice %select_n3A_3819 {offsets = [0, 2], sizes = [128, 126], strides = [1, 1]} : vector<128x128xf32> to vector<128x126xf32>
    %slice3A_3845 = vector.extract_strided_slice %select_n3A_3819 {offsets = [0, 0], sizes = [128, 2], strides = [1, 1]} : vector<128x128xf32> to vector<128x2xf32>
    %concatenate3A_3846 = tpu.concatenate %slice3A_3844, %slice3A_3845 in 1 : vector<128x126xf32>, vector<128x2xf32> -> vector<128x128xf32>
    %select_n3A_3847 = arith.select %ne3A_3826, %concatenate3A_3843, %concatenate3A_3846 : vector<128x128xi1>, vector<128x128xf32>
    %ne3A_3848 = arith.xori %ne3A_3826, %eq3A_3833 : vector<128x128xi1>
    %lt3A_3849 = arith.cmpf olt, %select_n3A_3840, %select_n3A_3818 : vector<128x128xf32>
    %eq3A_3850 = arith.xori %lt3A_3849, %ne3A_3848 : vector<128x128xi1>
    %eq3A_3851 = arith.constant dense<true> : vector<128x128xi1>
    %eq3A_3852 = arith.xori %eq3A_3850, %eq3A_3851 : vector<128x128xi1>
    %ne3A_3853 = arith.cmpf one, %select_n3A_3840, %select_n3A_3818 : vector<128x128xf32>
    %and3A_3854 = arith.andi %eq3A_3852, %ne3A_3853 : vector<128x128xi1>
    %select_n3A_3855 = arith.select %and3A_3854, %select_n3A_3840, %select_n3A_3818 : vector<128x128xi1>, vector<128x128xf32>
    %select_n3A_3856 = arith.select %and3A_3854, %select_n3A_3847, %select_n3A_3819 : vector<128x128xi1>, vector<128x128xf32>
    %iota3A_3857 = tpu.iota {dimensions = array<i32: 1>} : vector<128x128xi32>
    %and3A_3858 = arith.constant 1 : i32
    %and3A_3859 = vector.broadcast %and3A_3858 : i32 to vector<128x128xi32>
    %and3A_3860 = arith.andi %iota3A_3857, %and3A_3859 : vector<128x128xi32>
    %ne3A_3861 = arith.constant 0 : i32
    %ne3A_3862 = vector.broadcast %ne3A_3861 : i32 to vector<128x128xi32>
    %ne3A_3863 = arith.cmpi ne, %and3A_3860, %ne3A_3862 : vector<128x128xi32>
    %iota3A_3864 = tpu.iota {dimensions = array<i32: 0>} : vector<128x128xi32>
    %and3A_3865 = arith.constant 128 : i32
    %and3A_3866 = vector.broadcast %and3A_3865 : i32 to vector<128x128xi32>
    %and3A_3867 = arith.andi %iota3A_3864, %and3A_3866 : vector<128x128xi32>
    %eq3A_3868 = arith.constant 0 : i32
    %eq3A_3869 = vector.broadcast %eq3A_3868 : i32 to vector<128x128xi32>
    %eq3A_3870 = arith.cmpi eq, %and3A_3867, %eq3A_3869 : vector<128x128xi32>
    %slice3A_3871 = vector.extract_strided_slice %select_n3A_3855 {offsets = [0, 127], sizes = [128, 1], strides = [1, 1]} : vector<128x128xf32> to vector<128x1xf32>
    %slice3A_3872 = vector.extract_strided_slice %select_n3A_3855 {offsets = [0, 0], sizes = [128, 127], strides = [1, 1]} : vector<128x128xf32> to vector<128x127xf32>
    %concatenate3A_3873 = tpu.concatenate %slice3A_3871, %slice3A_3872 in 1 : vector<128x1xf32>, vector<128x127xf32> -> vector<128x128xf32>
    %slice3A_3874 = vector.extract_strided_slice %select_n3A_3855 {offsets = [0, 1], sizes = [128, 127], strides = [1, 1]} : vector<128x128xf32> to vector<128x127xf32>
    %slice3A_3875 = vector.extract_strided_slice %select_n3A_3855 {offsets = [0, 0], sizes = [128, 1], strides = [1, 1]} : vector<128x128xf32> to vector<128x1xf32>
    %concatenate3A_3876 = tpu.concatenate %slice3A_3874, %slice3A_3875 in 1 : vector<128x127xf32>, vector<128x1xf32> -> vector<128x128xf32>
    %select_n3A_3877 = arith.select %ne3A_3863, %concatenate3A_3873, %concatenate3A_3876 : vector<128x128xi1>, vector<128x128xf32>
    %slice3A_3878 = vector.extract_strided_slice %select_n3A_3856 {offsets = [0, 127], sizes = [128, 1], strides = [1, 1]} : vector<128x128xf32> to vector<128x1xf32>
    %slice3A_3879 = vector.extract_strided_slice %select_n3A_3856 {offsets = [0, 0], sizes = [128, 127], strides = [1, 1]} : vector<128x128xf32> to vector<128x127xf32>
    %concatenate3A_3880 = tpu.concatenate %slice3A_3878, %slice3A_3879 in 1 : vector<128x1xf32>, vector<128x127xf32> -> vector<128x128xf32>
    %slice3A_3881 = vector.extract_strided_slice %select_n3A_3856 {offsets = [0, 1], sizes = [128, 127], strides = [1, 1]} : vector<128x128xf32> to vector<128x127xf32>
    %slice3A_3882 = vector.extract_strided_slice %select_n3A_3856 {offsets = [0, 0], sizes = [128, 1], strides = [1, 1]} : vector<128x128xf32> to vector<128x1xf32>
    %concatenate3A_3883 = tpu.concatenate %slice3A_3881, %slice3A_3882 in 1 : vector<128x127xf32>, vector<128x1xf32> -> vector<128x128xf32>
    %select_n3A_3884 = arith.select %ne3A_3863, %concatenate3A_3880, %concatenate3A_3883 : vector<128x128xi1>, vector<128x128xf32>
    %ne3A_3885 = arith.xori %ne3A_3863, %eq3A_3870 : vector<128x128xi1>
    %lt3A_3886 = arith.cmpf olt, %select_n3A_3877, %select_n3A_3855 : vector<128x128xf32>
    %eq3A_3887 = arith.xori %lt3A_3886, %ne3A_3885 : vector<128x128xi1>
    %eq3A_3888 = arith.constant dense<true> : vector<128x128xi1>
    %eq3A_3889 = arith.xori %eq3A_3887, %eq3A_3888 : vector<128x128xi1>
    %ne3A_3890 = arith.cmpf one, %select_n3A_3877, %select_n3A_3855 : vector<128x128xf32>
    %and3A_3891 = arith.andi %eq3A_3889, %ne3A_3890 : vector<128x128xi1>
    %select_n3A_3892 = arith.select %and3A_3891, %select_n3A_3877, %select_n3A_3855 : vector<128x128xi1>, vector<128x128xf32>
    %select_n3A_3893 = arith.select %and3A_3891, %select_n3A_3884, %select_n3A_3856 : vector<128x128xi1>, vector<128x128xf32>
    %lt3A_3894 = arith.constant 0.000000e+00 : f32
    %lt3A_3895 = vector.broadcast %lt3A_3894 : f32 to vector<128x128xf32>
    %lt3A_3896 = arith.cmpf olt, %select_n3A_3893, %lt3A_3895 : vector<128x128xf32>
    %jit3A_3897 = arith.constant 1.000000e+00 : f32
    %jit3A_3898 = arith.constant 0.000000e+00 : f32
    %broadcast_in_dim3A_3899 = vector.broadcast %jit3A_3897 : f32 to vector<128x128xf32>
    %broadcast_in_dim3A_3900 = vector.broadcast %jit3A_3898 : f32 to vector<128x128xf32>
    %select_n3A_3901 = arith.select %lt3A_3896, %broadcast_in_dim3A_3899, %broadcast_in_dim3A_3900 : vector<128x128xi1>, vector<128x128xf32>
    %sub3A_3902 = arith.subf %select_n3A_3893, %select_n3A_3892 : vector<128x128xf32>
    %mul3A = arith.mulf %select_n3A_3901, %select_n3A_3892 : vector<128x128xf32>
    %mul3A_3903 = arith.mulf %mul3A, %select_n3A_3892 : vector<128x128xf32>
    %broadcast_in_dim3A_3904 = arith.constant 0.000000e+00 : f32
    %broadcast_in_dim3A_3905 = vector.broadcast %broadcast_in_dim3A_3904 : f32 to vector<128x1xf32>
    %slice3A_3906 = vector.extract_strided_slice %select_n3A_3901 {offsets = [0, 0], sizes = [128, 127], strides = [1, 1]} : vector<128x128xf32> to vector<128x127xf32>
    %concatenate3A_3907 = tpu.concatenate %broadcast_in_dim3A_3905, %slice3A_3906 in 1 : vector<128x1xf32>, vector<128x127xf32> -> vector<128x128xf32>
    %add3A_3908 = arith.addf %select_n3A_3901, %concatenate3A_3907 : vector<128x128xf32>
    %broadcast_in_dim3A_3909 = arith.constant 0.000000e+00 : f32
    %broadcast_in_dim3A_3910 = vector.broadcast %broadcast_in_dim3A_3909 : f32 to vector<128x2xf32>
    %slice3A_3911 = vector.extract_strided_slice %add3A_3908 {offsets = [0, 0], sizes = [128, 126], strides = [1, 1]} : vector<128x128xf32> to vector<128x126xf32>
    %concatenate3A_3912 = tpu.concatenate %broadcast_in_dim3A_3910, %slice3A_3911 in 1 : vector<128x2xf32>, vector<128x126xf32> -> vector<128x128xf32>
    %add3A_3913 = arith.addf %add3A_3908, %concatenate3A_3912 : vector<128x128xf32>
    %broadcast_in_dim3A_3914 = arith.constant 0.000000e+00 : f32
    %broadcast_in_dim3A_3915 = vector.broadcast %broadcast_in_dim3A_3914 : f32 to vector<128x4xf32>
    %slice3A_3916 = vector.extract_strided_slice %add3A_3913 {offsets = [0, 0], sizes = [128, 124], strides = [1, 1]} : vector<128x128xf32> to vector<128x124xf32>
    %concatenate3A_3917 = tpu.concatenate %broadcast_in_dim3A_3915, %slice3A_3916 in 1 : vector<128x4xf32>, vector<128x124xf32> -> vector<128x128xf32>
    %add3A_3918 = arith.addf %add3A_3913, %concatenate3A_3917 : vector<128x128xf32>
    %broadcast_in_dim3A_3919 = arith.constant 0.000000e+00 : f32
    %broadcast_in_dim3A_3920 = vector.broadcast %broadcast_in_dim3A_3919 : f32 to vector<128x8xf32>
    %slice3A_3921 = vector.extract_strided_slice %add3A_3918 {offsets = [0, 0], sizes = [128, 120], strides = [1, 1]} : vector<128x128xf32> to vector<128x120xf32>
    %concatenate3A_3922 = tpu.concatenate %broadcast_in_dim3A_3920, %slice3A_3921 in 1 : vector<128x8xf32>, vector<128x120xf32> -> vector<128x128xf32>
    %add3A_3923 = arith.addf %add3A_3918, %concatenate3A_3922 : vector<128x128xf32>
    %broadcast_in_dim3A_3924 = arith.constant 0.000000e+00 : f32
    %broadcast_in_dim3A_3925 = vector.broadcast %broadcast_in_dim3A_3924 : f32 to vector<128x16xf32>
    %slice3A_3926 = vector.extract_strided_slice %add3A_3923 {offsets = [0, 0], sizes = [128, 112], strides = [1, 1]} : vector<128x128xf32> to vector<128x112xf32>
    %concatenate3A_3927 = tpu.concatenate %broadcast_in_dim3A_3925, %slice3A_3926 in 1 : vector<128x16xf32>, vector<128x112xf32> -> vector<128x128xf32>
    %add3A_3928 = arith.addf %add3A_3923, %concatenate3A_3927 : vector<128x128xf32>
    %broadcast_in_dim3A_3929 = arith.constant 0.000000e+00 : f32
    %broadcast_in_dim3A_3930 = vector.broadcast %broadcast_in_dim3A_3929 : f32 to vector<128x32xf32>
    %slice3A_3931 = vector.extract_strided_slice %add3A_3928 {offsets = [0, 0], sizes = [128, 96], strides = [1, 1]} : vector<128x128xf32> to vector<128x96xf32>
    %concatenate3A_3932 = tpu.concatenate %broadcast_in_dim3A_3930, %slice3A_3931 in 1 : vector<128x32xf32>, vector<128x96xf32> -> vector<128x128xf32>
    %add3A_3933 = arith.addf %add3A_3928, %concatenate3A_3932 : vector<128x128xf32>
    %broadcast_in_dim3A_3934 = arith.constant 0.000000e+00 : f32
    %broadcast_in_dim3A_3935 = vector.broadcast %broadcast_in_dim3A_3934 : f32 to vector<128x64xf32>
    %slice3A_3936 = vector.extract_strided_slice %add3A_3933 {offsets = [0, 0], sizes = [128, 64], strides = [1, 1]} : vector<128x128xf32> to vector<128x64xf32>
    %concatenate3A_3937 = tpu.concatenate %broadcast_in_dim3A_3935, %slice3A_3936 in 1 : vector<128x64xf32>, vector<128x64xf32> -> vector<128x128xf32>
    %add3A_3938 = arith.addf %add3A_3933, %concatenate3A_3937 : vector<128x128xf32>
    %slice3A_3939 = vector.extract_strided_slice %add3A_3938 {offsets = [0, 127], sizes = [128, 1], strides = [1, 1]} : vector<128x128xf32> to vector<128x1xf32>
    %broadcast_in_dim3A_3940 = arith.constant 0.000000e+00 : f32
    %broadcast_in_dim3A_3941 = vector.broadcast %broadcast_in_dim3A_3940 : f32 to vector<1x1xf32>
    %slice3A_3942 = vector.extract_strided_slice %slice3A_3939 {offsets = [0, 0], sizes = [127, 1], strides = [1, 1]} : vector<128x1xf32> to vector<127x1xf32>
    %concatenate3A_3943 = tpu.concatenate %broadcast_in_dim3A_3941, %slice3A_3942 in 0 : vector<1x1xf32>, vector<127x1xf32> -> vector<128x1xf32>
    %add3A_3944 = arith.addf %slice3A_3939, %concatenate3A_3943 : vector<128x1xf32>
    %broadcast_in_dim3A_3945 = arith.constant 0.000000e+00 : f32
    %broadcast_in_dim3A_3946 = vector.broadcast %broadcast_in_dim3A_3945 : f32 to vector<2x1xf32>
    %slice3A_3947 = vector.extract_strided_slice %add3A_3944 {offsets = [0, 0], sizes = [126, 1], strides = [1, 1]} : vector<128x1xf32> to vector<126x1xf32>
    %concatenate3A_3948 = tpu.concatenate %broadcast_in_dim3A_3946, %slice3A_3947 in 0 : vector<2x1xf32>, vector<126x1xf32> -> vector<128x1xf32>
    %add3A_3949 = arith.addf %add3A_3944, %concatenate3A_3948 : vector<128x1xf32>
    %broadcast_in_dim3A_3950 = arith.constant 0.000000e+00 : f32
    %broadcast_in_dim3A_3951 = vector.broadcast %broadcast_in_dim3A_3950 : f32 to vector<4x1xf32>
    %slice3A_3952 = vector.extract_strided_slice %add3A_3949 {offsets = [0, 0], sizes = [124, 1], strides = [1, 1]} : vector<128x1xf32> to vector<124x1xf32>
    %concatenate3A_3953 = tpu.concatenate %broadcast_in_dim3A_3951, %slice3A_3952 in 0 : vector<4x1xf32>, vector<124x1xf32> -> vector<128x1xf32>
    %add3A_3954 = arith.addf %add3A_3949, %concatenate3A_3953 : vector<128x1xf32>
    %broadcast_in_dim3A_3955 = arith.constant 0.000000e+00 : f32
    %broadcast_in_dim3A_3956 = vector.broadcast %broadcast_in_dim3A_3955 : f32 to vector<8x1xf32>
    %slice3A_3957 = vector.extract_strided_slice %add3A_3954 {offsets = [0, 0], sizes = [120, 1], strides = [1, 1]} : vector<128x1xf32> to vector<120x1xf32>
    %concatenate3A_3958 = tpu.concatenate %broadcast_in_dim3A_3956, %slice3A_3957 in 0 : vector<8x1xf32>, vector<120x1xf32> -> vector<128x1xf32>
    %add3A_3959 = arith.addf %add3A_3954, %concatenate3A_3958 : vector<128x1xf32>
    %broadcast_in_dim3A_3960 = arith.constant 0.000000e+00 : f32
    %broadcast_in_dim3A_3961 = vector.broadcast %broadcast_in_dim3A_3960 : f32 to vector<16x1xf32>
    %slice3A_3962 = vector.extract_strided_slice %add3A_3959 {offsets = [0, 0], sizes = [112, 1], strides = [1, 1]} : vector<128x1xf32> to vector<112x1xf32>
    %concatenate3A_3963 = tpu.concatenate %broadcast_in_dim3A_3961, %slice3A_3962 in 0 : vector<16x1xf32>, vector<112x1xf32> -> vector<128x1xf32>
    %add3A_3964 = arith.addf %add3A_3959, %concatenate3A_3963 : vector<128x1xf32>
    %broadcast_in_dim3A_3965 = arith.constant 0.000000e+00 : f32
    %broadcast_in_dim3A_3966 = vector.broadcast %broadcast_in_dim3A_3965 : f32 to vector<32x1xf32>
    %slice3A_3967 = vector.extract_strided_slice %add3A_3964 {offsets = [0, 0], sizes = [96, 1], strides = [1, 1]} : vector<128x1xf32> to vector<96x1xf32>
    %concatenate3A_3968 = tpu.concatenate %broadcast_in_dim3A_3966, %slice3A_3967 in 0 : vector<32x1xf32>, vector<96x1xf32> -> vector<128x1xf32>
    %add3A_3969 = arith.addf %add3A_3964, %concatenate3A_3968 : vector<128x1xf32>
    %broadcast_in_dim3A_3970 = arith.constant 0.000000e+00 : f32
    %broadcast_in_dim3A_3971 = vector.broadcast %broadcast_in_dim3A_3970 : f32 to vector<64x1xf32>
    %slice3A_3972 = vector.extract_strided_slice %add3A_3969 {offsets = [0, 0], sizes = [64, 1], strides = [1, 1]} : vector<128x1xf32> to vector<64x1xf32>
    %concatenate3A_3973 = tpu.concatenate %broadcast_in_dim3A_3971, %slice3A_3972 in 0 : vector<64x1xf32>, vector<64x1xf32> -> vector<128x1xf32>
    %add3A_3974 = arith.addf %add3A_3969, %concatenate3A_3973 : vector<128x1xf32>
    %sub3A_3975 = arith.subf %add3A_3974, %slice3A_3939 : vector<128x1xf32>
    %add3A_3976 = vector.broadcast %sub3A_3975 : vector<128x1xf32> to vector<128x128xf32>
    %add3A_3977 = arith.addf %add3A_3938, %add3A_3976 : vector<128x128xf32>
    %broadcast_in_dim3A_3978 = arith.constant 0.000000e+00 : f32
    %broadcast_in_dim3A_3979 = vector.broadcast %broadcast_in_dim3A_3978 : f32 to vector<128x1xf32>
    %slice3A_3980 = vector.extract_strided_slice %mul3A {offsets = [0, 0], sizes = [128, 127], strides = [1, 1]} : vector<128x128xf32> to vector<128x127xf32>
    %concatenate3A_3981 = tpu.concatenate %broadcast_in_dim3A_3979, %slice3A_3980 in 1 : vector<128x1xf32>, vector<128x127xf32> -> vector<128x128xf32>
    %add3A_3982 = arith.addf %mul3A, %concatenate3A_3981 : vector<128x128xf32>
    %broadcast_in_dim3A_3983 = arith.constant 0.000000e+00 : f32
    %broadcast_in_dim3A_3984 = vector.broadcast %broadcast_in_dim3A_3983 : f32 to vector<128x2xf32>
    %slice3A_3985 = vector.extract_strided_slice %add3A_3982 {offsets = [0, 0], sizes = [128, 126], strides = [1, 1]} : vector<128x128xf32> to vector<128x126xf32>
    %concatenate3A_3986 = tpu.concatenate %broadcast_in_dim3A_3984, %slice3A_3985 in 1 : vector<128x2xf32>, vector<128x126xf32> -> vector<128x128xf32>
    %add3A_3987 = arith.addf %add3A_3982, %concatenate3A_3986 : vector<128x128xf32>
    %broadcast_in_dim3A_3988 = arith.constant 0.000000e+00 : f32
    %broadcast_in_dim3A_3989 = vector.broadcast %broadcast_in_dim3A_3988 : f32 to vector<128x4xf32>
    %slice3A_3990 = vector.extract_strided_slice %add3A_3987 {offsets = [0, 0], sizes = [128, 124], strides = [1, 1]} : vector<128x128xf32> to vector<128x124xf32>
    %concatenate3A_3991 = tpu.concatenate %broadcast_in_dim3A_3989, %slice3A_3990 in 1 : vector<128x4xf32>, vector<128x124xf32> -> vector<128x128xf32>
    %add3A_3992 = arith.addf %add3A_3987, %concatenate3A_3991 : vector<128x128xf32>
    %broadcast_in_dim3A_3993 = arith.constant 0.000000e+00 : f32
    %broadcast_in_dim3A_3994 = vector.broadcast %broadcast_in_dim3A_3993 : f32 to vector<128x8xf32>
    %slice3A_3995 = vector.extract_strided_slice %add3A_3992 {offsets = [0, 0], sizes = [128, 120], strides = [1, 1]} : vector<128x128xf32> to vector<128x120xf32>
    %concatenate3A_3996 = tpu.concatenate %broadcast_in_dim3A_3994, %slice3A_3995 in 1 : vector<128x8xf32>, vector<128x120xf32> -> vector<128x128xf32>
    %add3A_3997 = arith.addf %add3A_3992, %concatenate3A_3996 : vector<128x128xf32>
    %broadcast_in_dim3A_3998 = arith.constant 0.000000e+00 : f32
    %broadcast_in_dim3A_3999 = vector.broadcast %broadcast_in_dim3A_3998 : f32 to vector<128x16xf32>
    %slice3A_4000 = vector.extract_strided_slice %add3A_3997 {offsets = [0, 0], sizes = [128, 112], strides = [1, 1]} : vector<128x128xf32> to vector<128x112xf32>
    %concatenate3A_4001 = tpu.concatenate %broadcast_in_dim3A_3999, %slice3A_4000 in 1 : vector<128x16xf32>, vector<128x112xf32> -> vector<128x128xf32>
    %add3A_4002 = arith.addf %add3A_3997, %concatenate3A_4001 : vector<128x128xf32>
    %broadcast_in_dim3A_4003 = arith.constant 0.000000e+00 : f32
    %broadcast_in_dim3A_4004 = vector.broadcast %broadcast_in_dim3A_4003 : f32 to vector<128x32xf32>
    %slice3A_4005 = vector.extract_strided_slice %add3A_4002 {offsets = [0, 0], sizes = [128, 96], strides = [1, 1]} : vector<128x128xf32> to vector<128x96xf32>
    %concatenate3A_4006 = tpu.concatenate %broadcast_in_dim3A_4004, %slice3A_4005 in 1 : vector<128x32xf32>, vector<128x96xf32> -> vector<128x128xf32>
    %add3A_4007 = arith.addf %add3A_4002, %concatenate3A_4006 : vector<128x128xf32>
    %broadcast_in_dim3A_4008 = arith.constant 0.000000e+00 : f32
    %broadcast_in_dim3A_4009 = vector.broadcast %broadcast_in_dim3A_4008 : f32 to vector<128x64xf32>
    %slice3A_4010 = vector.extract_strided_slice %add3A_4007 {offsets = [0, 0], sizes = [128, 64], strides = [1, 1]} : vector<128x128xf32> to vector<128x64xf32>
    %concatenate3A_4011 = tpu.concatenate %broadcast_in_dim3A_4009, %slice3A_4010 in 1 : vector<128x64xf32>, vector<128x64xf32> -> vector<128x128xf32>
    %add3A_4012 = arith.addf %add3A_4007, %concatenate3A_4011 : vector<128x128xf32>
    %slice3A_4013 = vector.extract_strided_slice %add3A_4012 {offsets = [0, 127], sizes = [128, 1], strides = [1, 1]} : vector<128x128xf32> to vector<128x1xf32>
    %broadcast_in_dim3A_4014 = arith.constant 0.000000e+00 : f32
    %broadcast_in_dim3A_4015 = vector.broadcast %broadcast_in_dim3A_4014 : f32 to vector<1x1xf32>
    %slice3A_4016 = vector.extract_strided_slice %slice3A_4013 {offsets = [0, 0], sizes = [127, 1], strides = [1, 1]} : vector<128x1xf32> to vector<127x1xf32>
    %concatenate3A_4017 = tpu.concatenate %broadcast_in_dim3A_4015, %slice3A_4016 in 0 : vector<1x1xf32>, vector<127x1xf32> -> vector<128x1xf32>
    %add3A_4018 = arith.addf %slice3A_4013, %concatenate3A_4017 : vector<128x1xf32>
    %broadcast_in_dim3A_4019 = arith.constant 0.000000e+00 : f32
    %broadcast_in_dim3A_4020 = vector.broadcast %broadcast_in_dim3A_4019 : f32 to vector<2x1xf32>
    %slice3A_4021 = vector.extract_strided_slice %add3A_4018 {offsets = [0, 0], sizes = [126, 1], strides = [1, 1]} : vector<128x1xf32> to vector<126x1xf32>
    %concatenate3A_4022 = tpu.concatenate %broadcast_in_dim3A_4020, %slice3A_4021 in 0 : vector<2x1xf32>, vector<126x1xf32> -> vector<128x1xf32>
    %add3A_4023 = arith.addf %add3A_4018, %concatenate3A_4022 : vector<128x1xf32>
    %broadcast_in_dim3A_4024 = arith.constant 0.000000e+00 : f32
    %broadcast_in_dim3A_4025 = vector.broadcast %broadcast_in_dim3A_4024 : f32 to vector<4x1xf32>
    %slice3A_4026 = vector.extract_strided_slice %add3A_4023 {offsets = [0, 0], sizes = [124, 1], strides = [1, 1]} : vector<128x1xf32> to vector<124x1xf32>
    %concatenate3A_4027 = tpu.concatenate %broadcast_in_dim3A_4025, %slice3A_4026 in 0 : vector<4x1xf32>, vector<124x1xf32> -> vector<128x1xf32>
    %add3A_4028 = arith.addf %add3A_4023, %concatenate3A_4027 : vector<128x1xf32>
    %broadcast_in_dim3A_4029 = arith.constant 0.000000e+00 : f32
    %broadcast_in_dim3A_4030 = vector.broadcast %broadcast_in_dim3A_4029 : f32 to vector<8x1xf32>
    %slice3A_4031 = vector.extract_strided_slice %add3A_4028 {offsets = [0, 0], sizes = [120, 1], strides = [1, 1]} : vector<128x1xf32> to vector<120x1xf32>
    %concatenate3A_4032 = tpu.concatenate %broadcast_in_dim3A_4030, %slice3A_4031 in 0 : vector<8x1xf32>, vector<120x1xf32> -> vector<128x1xf32>
    %add3A_4033 = arith.addf %add3A_4028, %concatenate3A_4032 : vector<128x1xf32>
    %broadcast_in_dim3A_4034 = arith.constant 0.000000e+00 : f32
    %broadcast_in_dim3A_4035 = vector.broadcast %broadcast_in_dim3A_4034 : f32 to vector<16x1xf32>
    %slice3A_4036 = vector.extract_strided_slice %add3A_4033 {offsets = [0, 0], sizes = [112, 1], strides = [1, 1]} : vector<128x1xf32> to vector<112x1xf32>
    %concatenate3A_4037 = tpu.concatenate %broadcast_in_dim3A_4035, %slice3A_4036 in 0 : vector<16x1xf32>, vector<112x1xf32> -> vector<128x1xf32>
    %add3A_4038 = arith.addf %add3A_4033, %concatenate3A_4037 : vector<128x1xf32>
    %broadcast_in_dim3A_4039 = arith.constant 0.000000e+00 : f32
    %broadcast_in_dim3A_4040 = vector.broadcast %broadcast_in_dim3A_4039 : f32 to vector<32x1xf32>
    %slice3A_4041 = vector.extract_strided_slice %add3A_4038 {offsets = [0, 0], sizes = [96, 1], strides = [1, 1]} : vector<128x1xf32> to vector<96x1xf32>
    %concatenate3A_4042 = tpu.concatenate %broadcast_in_dim3A_4040, %slice3A_4041 in 0 : vector<32x1xf32>, vector<96x1xf32> -> vector<128x1xf32>
    %add3A_4043 = arith.addf %add3A_4038, %concatenate3A_4042 : vector<128x1xf32>
    %broadcast_in_dim3A_4044 = arith.constant 0.000000e+00 : f32
    %broadcast_in_dim3A_4045 = vector.broadcast %broadcast_in_dim3A_4044 : f32 to vector<64x1xf32>
    %slice3A_4046 = vector.extract_strided_slice %add3A_4043 {offsets = [0, 0], sizes = [64, 1], strides = [1, 1]} : vector<128x1xf32> to vector<64x1xf32>
    %concatenate3A_4047 = tpu.concatenate %broadcast_in_dim3A_4045, %slice3A_4046 in 0 : vector<64x1xf32>, vector<64x1xf32> -> vector<128x1xf32>
    %add3A_4048 = arith.addf %add3A_4043, %concatenate3A_4047 : vector<128x1xf32>
    %sub3A_4049 = arith.subf %add3A_4048, %slice3A_4013 : vector<128x1xf32>
    %add3A_4050 = vector.broadcast %sub3A_4049 : vector<128x1xf32> to vector<128x128xf32>
    %add3A_4051 = arith.addf %add3A_4012, %add3A_4050 : vector<128x128xf32>
    %broadcast_in_dim3A_4052 = arith.constant 0.000000e+00 : f32
    %broadcast_in_dim3A_4053 = vector.broadcast %broadcast_in_dim3A_4052 : f32 to vector<128x1xf32>
    %slice3A_4054 = vector.extract_strided_slice %mul3A_3903 {offsets = [0, 0], sizes = [128, 127], strides = [1, 1]} : vector<128x128xf32> to vector<128x127xf32>
    %concatenate3A_4055 = tpu.concatenate %broadcast_in_dim3A_4053, %slice3A_4054 in 1 : vector<128x1xf32>, vector<128x127xf32> -> vector<128x128xf32>
    %add3A_4056 = arith.addf %mul3A_3903, %concatenate3A_4055 : vector<128x128xf32>
    %broadcast_in_dim3A_4057 = arith.constant 0.000000e+00 : f32
    %broadcast_in_dim3A_4058 = vector.broadcast %broadcast_in_dim3A_4057 : f32 to vector<128x2xf32>
    %slice3A_4059 = vector.extract_strided_slice %add3A_4056 {offsets = [0, 0], sizes = [128, 126], strides = [1, 1]} : vector<128x128xf32> to vector<128x126xf32>
    %concatenate3A_4060 = tpu.concatenate %broadcast_in_dim3A_4058, %slice3A_4059 in 1 : vector<128x2xf32>, vector<128x126xf32> -> vector<128x128xf32>
    %add3A_4061 = arith.addf %add3A_4056, %concatenate3A_4060 : vector<128x128xf32>
    %broadcast_in_dim3A_4062 = arith.constant 0.000000e+00 : f32
    %broadcast_in_dim3A_4063 = vector.broadcast %broadcast_in_dim3A_4062 : f32 to vector<128x4xf32>
    %slice3A_4064 = vector.extract_strided_slice %add3A_4061 {offsets = [0, 0], sizes = [128, 124], strides = [1, 1]} : vector<128x128xf32> to vector<128x124xf32>
    %concatenate3A_4065 = tpu.concatenate %broadcast_in_dim3A_4063, %slice3A_4064 in 1 : vector<128x4xf32>, vector<128x124xf32> -> vector<128x128xf32>
    %add3A_4066 = arith.addf %add3A_4061, %concatenate3A_4065 : vector<128x128xf32>
    %broadcast_in_dim3A_4067 = arith.constant 0.000000e+00 : f32
    %broadcast_in_dim3A_4068 = vector.broadcast %broadcast_in_dim3A_4067 : f32 to vector<128x8xf32>
    %slice3A_4069 = vector.extract_strided_slice %add3A_4066 {offsets = [0, 0], sizes = [128, 120], strides = [1, 1]} : vector<128x128xf32> to vector<128x120xf32>
    %concatenate3A_4070 = tpu.concatenate %broadcast_in_dim3A_4068, %slice3A_4069 in 1 : vector<128x8xf32>, vector<128x120xf32> -> vector<128x128xf32>
    %add3A_4071 = arith.addf %add3A_4066, %concatenate3A_4070 : vector<128x128xf32>
    %broadcast_in_dim3A_4072 = arith.constant 0.000000e+00 : f32
    %broadcast_in_dim3A_4073 = vector.broadcast %broadcast_in_dim3A_4072 : f32 to vector<128x16xf32>
    %slice3A_4074 = vector.extract_strided_slice %add3A_4071 {offsets = [0, 0], sizes = [128, 112], strides = [1, 1]} : vector<128x128xf32> to vector<128x112xf32>
    %concatenate3A_4075 = tpu.concatenate %broadcast_in_dim3A_4073, %slice3A_4074 in 1 : vector<128x16xf32>, vector<128x112xf32> -> vector<128x128xf32>
    %add3A_4076 = arith.addf %add3A_4071, %concatenate3A_4075 : vector<128x128xf32>
    %broadcast_in_dim3A_4077 = arith.constant 0.000000e+00 : f32
    %broadcast_in_dim3A_4078 = vector.broadcast %broadcast_in_dim3A_4077 : f32 to vector<128x32xf32>
    %slice3A_4079 = vector.extract_strided_slice %add3A_4076 {offsets = [0, 0], sizes = [128, 96], strides = [1, 1]} : vector<128x128xf32> to vector<128x96xf32>
    %concatenate3A_4080 = tpu.concatenate %broadcast_in_dim3A_4078, %slice3A_4079 in 1 : vector<128x32xf32>, vector<128x96xf32> -> vector<128x128xf32>
    %add3A_4081 = arith.addf %add3A_4076, %concatenate3A_4080 : vector<128x128xf32>
    %broadcast_in_dim3A_4082 = arith.constant 0.000000e+00 : f32
    %broadcast_in_dim3A_4083 = vector.broadcast %broadcast_in_dim3A_4082 : f32 to vector<128x64xf32>
    %slice3A_4084 = vector.extract_strided_slice %add3A_4081 {offsets = [0, 0], sizes = [128, 64], strides = [1, 1]} : vector<128x128xf32> to vector<128x64xf32>
    %concatenate3A_4085 = tpu.concatenate %broadcast_in_dim3A_4083, %slice3A_4084 in 1 : vector<128x64xf32>, vector<128x64xf32> -> vector<128x128xf32>
    %add3A_4086 = arith.addf %add3A_4081, %concatenate3A_4085 : vector<128x128xf32>
    %slice3A_4087 = vector.extract_strided_slice %add3A_4086 {offsets = [0, 127], sizes = [128, 1], strides = [1, 1]} : vector<128x128xf32> to vector<128x1xf32>
    %broadcast_in_dim3A_4088 = arith.constant 0.000000e+00 : f32
    %broadcast_in_dim3A_4089 = vector.broadcast %broadcast_in_dim3A_4088 : f32 to vector<1x1xf32>
    %slice3A_4090 = vector.extract_strided_slice %slice3A_4087 {offsets = [0, 0], sizes = [127, 1], strides = [1, 1]} : vector<128x1xf32> to vector<127x1xf32>
    %concatenate3A_4091 = tpu.concatenate %broadcast_in_dim3A_4089, %slice3A_4090 in 0 : vector<1x1xf32>, vector<127x1xf32> -> vector<128x1xf32>
    %add3A_4092 = arith.addf %slice3A_4087, %concatenate3A_4091 : vector<128x1xf32>
    %broadcast_in_dim3A_4093 = arith.constant 0.000000e+00 : f32
    %broadcast_in_dim3A_4094 = vector.broadcast %broadcast_in_dim3A_4093 : f32 to vector<2x1xf32>
    %slice3A_4095 = vector.extract_strided_slice %add3A_4092 {offsets = [0, 0], sizes = [126, 1], strides = [1, 1]} : vector<128x1xf32> to vector<126x1xf32>
    %concatenate3A_4096 = tpu.concatenate %broadcast_in_dim3A_4094, %slice3A_4095 in 0 : vector<2x1xf32>, vector<126x1xf32> -> vector<128x1xf32>
    %add3A_4097 = arith.addf %add3A_4092, %concatenate3A_4096 : vector<128x1xf32>
    %broadcast_in_dim3A_4098 = arith.constant 0.000000e+00 : f32
    %broadcast_in_dim3A_4099 = vector.broadcast %broadcast_in_dim3A_4098 : f32 to vector<4x1xf32>
    %slice3A_4100 = vector.extract_strided_slice %add3A_4097 {offsets = [0, 0], sizes = [124, 1], strides = [1, 1]} : vector<128x1xf32> to vector<124x1xf32>
    %concatenate3A_4101 = tpu.concatenate %broadcast_in_dim3A_4099, %slice3A_4100 in 0 : vector<4x1xf32>, vector<124x1xf32> -> vector<128x1xf32>
    %add3A_4102 = arith.addf %add3A_4097, %concatenate3A_4101 : vector<128x1xf32>
    %broadcast_in_dim3A_4103 = arith.constant 0.000000e+00 : f32
    %broadcast_in_dim3A_4104 = vector.broadcast %broadcast_in_dim3A_4103 : f32 to vector<8x1xf32>
    %slice3A_4105 = vector.extract_strided_slice %add3A_4102 {offsets = [0, 0], sizes = [120, 1], strides = [1, 1]} : vector<128x1xf32> to vector<120x1xf32>
    %concatenate3A_4106 = tpu.concatenate %broadcast_in_dim3A_4104, %slice3A_4105 in 0 : vector<8x1xf32>, vector<120x1xf32> -> vector<128x1xf32>
    %add3A_4107 = arith.addf %add3A_4102, %concatenate3A_4106 : vector<128x1xf32>
    %broadcast_in_dim3A_4108 = arith.constant 0.000000e+00 : f32
    %broadcast_in_dim3A_4109 = vector.broadcast %broadcast_in_dim3A_4108 : f32 to vector<16x1xf32>
    %slice3A_4110 = vector.extract_strided_slice %add3A_4107 {offsets = [0, 0], sizes = [112, 1], strides = [1, 1]} : vector<128x1xf32> to vector<112x1xf32>
    %concatenate3A_4111 = tpu.concatenate %broadcast_in_dim3A_4109, %slice3A_4110 in 0 : vector<16x1xf32>, vector<112x1xf32> -> vector<128x1xf32>
    %add3A_4112 = arith.addf %add3A_4107, %concatenate3A_4111 : vector<128x1xf32>
    %broadcast_in_dim3A_4113 = arith.constant 0.000000e+00 : f32
    %broadcast_in_dim3A_4114 = vector.broadcast %broadcast_in_dim3A_4113 : f32 to vector<32x1xf32>
    %slice3A_4115 = vector.extract_strided_slice %add3A_4112 {offsets = [0, 0], sizes = [96, 1], strides = [1, 1]} : vector<128x1xf32> to vector<96x1xf32>
    %concatenate3A_4116 = tpu.concatenate %broadcast_in_dim3A_4114, %slice3A_4115 in 0 : vector<32x1xf32>, vector<96x1xf32> -> vector<128x1xf32>
    %add3A_4117 = arith.addf %add3A_4112, %concatenate3A_4116 : vector<128x1xf32>
    %broadcast_in_dim3A_4118 = arith.constant 0.000000e+00 : f32
    %broadcast_in_dim3A_4119 = vector.broadcast %broadcast_in_dim3A_4118 : f32 to vector<64x1xf32>
    %slice3A_4120 = vector.extract_strided_slice %add3A_4117 {offsets = [0, 0], sizes = [64, 1], strides = [1, 1]} : vector<128x1xf32> to vector<64x1xf32>
    %concatenate3A_4121 = tpu.concatenate %broadcast_in_dim3A_4119, %slice3A_4120 in 0 : vector<64x1xf32>, vector<64x1xf32> -> vector<128x1xf32>
    %add3A_4122 = arith.addf %add3A_4117, %concatenate3A_4121 : vector<128x1xf32>
    %sub3A_4123 = arith.subf %add3A_4122, %slice3A_4087 : vector<128x1xf32>
    %add3A_4124 = vector.broadcast %sub3A_4123 : vector<128x1xf32> to vector<128x128xf32>
    %add3A_4125 = arith.addf %add3A_4086, %add3A_4124 : vector<128x128xf32>
    %reduce_sum3A = vector.shape_cast %select_n3A_3901 : vector<128x128xf32> to vector<1x128x128xf32>
    %reduce_sum3A_4126 = arith.constant dense<0.000000e+00> : vector<1xf32>
    %reduce_sum3A_4127 = vector.multi_reduction <add>, %reduce_sum3A, %reduce_sum3A_4126 [1, 2] : vector<1x128x128xf32> to vector<1xf32>
    %reduce_sum3A_4128 = vector.shape_cast %reduce_sum3A_4127 : vector<1xf32> to vector<1x1x1xf32>
    %reduce_sum3A_4129 = vector.extract %reduce_sum3A_4128[0, 0, 0] : f32 from vector<1x1x1xf32>
    %reduce_sum3A_4130 = vector.shape_cast %mul3A : vector<128x128xf32> to vector<1x128x128xf32>
    %reduce_sum3A_4131 = arith.constant dense<0.000000e+00> : vector<1xf32>
    %reduce_sum3A_4132 = vector.multi_reduction <add>, %reduce_sum3A_4130, %reduce_sum3A_4131 [1, 2] : vector<1x128x128xf32> to vector<1xf32>
    %reduce_sum3A_4133 = vector.shape_cast %reduce_sum3A_4132 : vector<1xf32> to vector<1x1x1xf32>
    %reduce_sum3A_4134 = vector.extract %reduce_sum3A_4133[0, 0, 0] : f32 from vector<1x1x1xf32>
    %reduce_sum3A_4135 = vector.shape_cast %mul3A_3903 : vector<128x128xf32> to vector<1x128x128xf32>
    %reduce_sum3A_4136 = arith.constant dense<0.000000e+00> : vector<1xf32>
    %reduce_sum3A_4137 = vector.multi_reduction <add>, %reduce_sum3A_4135, %reduce_sum3A_4136 [1, 2] : vector<1x128x128xf32> to vector<1xf32>
    %reduce_sum3A_4138 = vector.shape_cast %reduce_sum3A_4137 : vector<1xf32> to vector<1x1x1xf32>
    %reduce_sum3A_4139 = vector.extract %reduce_sum3A_4138[0, 0, 0] : f32 from vector<1x1x1xf32>
    %sub3A_4140 = vector.broadcast %reduce_sum3A_4129 : f32 to vector<128x128xf32>
    %sub3A_4141 = arith.subf %sub3A_4140, %add3A_3977 : vector<128x128xf32>
    %sub3A_4142 = vector.broadcast %reduce_sum3A_4134 : f32 to vector<128x128xf32>
    %sub3A_4143 = arith.subf %sub3A_4142, %add3A_4051 : vector<128x128xf32>
    %sub3A_4144 = vector.broadcast %reduce_sum3A_4139 : f32 to vector<128x128xf32>
    %sub3A_4145 = arith.subf %sub3A_4144, %add3A_4125 : vector<128x128xf32>
    %sub3A_4146 = arith.constant 1.000000e+00 : f32
    %sub3A_4147 = vector.broadcast %sub3A_4146 : f32 to vector<128x128xf32>
    %sub3A_4148 = arith.subf %sub3A_4147, %select_n3A_3901 : vector<128x128xf32>
    %mul3A_4149 = arith.mulf %sub3A_4141, %sub3A_3902 : vector<128x128xf32>
    %mul3A_4150 = arith.mulf %mul3A_4149, %sub3A_3902 : vector<128x128xf32>
    %mul3A_4151 = arith.constant 2.000000e+00 : f32
    %mul3A_4152 = vector.broadcast %mul3A_4151 : f32 to vector<128x128xf32>
    %mul3A_4153 = arith.mulf %mul3A_4152, %sub3A_3902 : vector<128x128xf32>
    %mul3A_4154 = arith.mulf %mul3A_4153, %sub3A_4143 : vector<128x128xf32>
    %add3A_4155 = arith.addf %mul3A_4150, %mul3A_4154 : vector<128x128xf32>
    %add3A_4156 = arith.addf %add3A_4155, %sub3A_4145 : vector<128x128xf32>
    %mul3A_4157 = arith.mulf %sub3A_4148, %add3A_4156 : vector<128x128xf32>
    %reduce_sum3A_4158 = vector.shape_cast %mul3A_4157 : vector<128x128xf32> to vector<1x128x128xf32>
    %reduce_sum3A_4159 = arith.constant dense<0.000000e+00> : vector<1xf32>
    %reduce_sum3A_4160 = vector.multi_reduction <add>, %reduce_sum3A_4158, %reduce_sum3A_4159 [1, 2] : vector<1x128x128xf32> to vector<1xf32>
    %reduce_sum3A_4161 = vector.shape_cast %reduce_sum3A_4160 : vector<1xf32> to vector<1x1x1xf32>
    %reduce_sum3A_4162 = vector.extract %reduce_sum3A_4161[0, 0, 0] : f32 from vector<1x1x1xf32>
    %sub3A_4163 = arith.constant 1.638400e+04 : f32
    %sub3A_4164 = arith.subf %sub3A_4163, %reduce_sum3A_4129 : f32
    %mul3A_4165 = arith.mulf %sub3A_4164, %reduce_sum3A_4129 : f32
    %div3A = arith.divf %reduce_sum3A_4162, %mul3A_4165 : f32
    %div3A_4166 = arith.constant 2.000000e-01 : f32
    %div3A_4167 = arith.divf %div3A, %div3A_4166 : f32
    %reshape3A = vector.broadcast %div3A_4167 : f32 to vector<1x1xf32>
    %swap3A = arith.constant 0 : index
    %swap3A_4168 = arith.constant 0 : index
    %swap3A_4169 = vector.load %arg3[%swap3A, %swap3A_4168] : memref<1x1xf32, #tpu.memory_space<vmem>>, vector<1x1xf32>
    tpu.vector_store %arg3[%swap3A, %swap3A_4168], %reshape3A {strides = array<i32>} : memref<1x1xf32, #tpu.memory_space<vmem>>, vector<1x1xf32>,
    return
  }
}

</mosaic_0001>

<sc_bundles>
// kernel: kernel.4.cloned.1.call-start
scs
__scs_entry_jumppad:
0x0: {  	(pc) =	sbr.rel $0x88, $3  }
0x1: {  	(tag) =	ssettag $0x0;
	lr =	simm.s32 $0x1  }
0x2: {  	[smem:$0x3F9D] =	sst lr;
	_ =	strace $0xD0000000  }
0x3: {  	_ = 	snop  }
0x4: {  	_ = 	snop  }
0x5: {  	_ = 	snop  }
0x6: {  	_ = 	snop  }
0x7: {  	_ = 	snop  }
__scs_overlays_trampoline_lowered:
0x8: {  	[smem:$0x3FAC] =	sst s0  }
0x9: {  	[smem:$0x3FAD] =	sst s1  }
0xa: {  	[smem:$0x3FAE] =	sst s2  }
0xb: {  	[smem:$0x3FAF] =	sst s3  }
0xc: {  	[smem:$0x3FB0] =	sst s4  }
0xd: {  	[smem:$0x3FB1] =	sst s5  }
0xe: {  	[smem:$0x3FB2] =	sst s6  }
0xf: {  	[smem:$0x3FB3] =	sst s7  }
0x10: {  	[smem:$0x3FB4] =	sst s8  }
0x11: {  	[smem:$0x3FB5] =	sst s9;
	s0 =	simm.s32 @!p0 $0x0  }
0x12: {  	s1 =	sld [smem:$0x3F9B];
	s0 =	simm.s32 @p0 $0x1  }
0x13: {  	[smem:$0x3FB6] =	sst s0;
	s0 =	simm.s32 @!p1 $0x0  }
0x14: {  	s2 =	sld [smem:$0x3F9A];
	s0 =	simm.s32 @p1 $0x1  }
0x15: {  	[smem:$0x3FB7] =	sst s0;
	s0 =	simm.s32 @!p2 $0x0  }
0x16: {  	s3 =	sld [smem:$0x3FDB];
	s0 =	simm.s32 @p2 $0x1  }
0x17: {  	s4 =	simm.s32 $0x1BF5;
	[smem:$0x3FB9] =	sst s0  }
0x18: {  	s0 =	sld [smem:$0x3F9C];
	_ =	swait.ge [sflag:s4], $0x0  }
0x19: {  	s7 =	sld [smem:$0x3F9D]  }
0x1a: {  	s8 =	sadd.s32 $0xFFFFE003, lr  }
0x1b: {  	s9 =	sadd.s32 $0xFFFFFEF7, lr;
	s5 =	simm.s32 $0xFFFFFFFF;
	p2 =	slt.u32 s8, $0xFFFFF086  }
0x1c: {  	p1 =	slt.u32 s9, $0xF7A;
	s5 =	simm.s32 @!p2 $0x0  }
0x1d: {  	s5 =	simm.s32 @p1 $0x1;
	p0 =	seq.s32 s7, s2  }
0x1e: {  	s7 =	smul.u32 @!p0 $0xF7A, s2;
	p2 =	seq.s32 @!p0 s5, $0x0  }
0x1f: {  	s9 =	smul.u32 $0xF7A, s1;
	s8 =	simm.s32 @!p0 $0x1BF5;
	p2 =	por !p2, p0  }
0x20: {  	[sflag:s8] =	ssyncset.s32 @!p0 $0xFFFFF086;
	s6 =	sadd.s32 @!p0 s3, s7;
	s7 =	simm.s32 @!p0 $0x108  }
0x21: {  	s3 =	sadd.s32 s3, s9;
	s6 =	sadd.s32 @!p0 $0x88, s6;
	s7 =	simm.s32 @p2 $0x1082  }
0x22: {  	[simem:s7], [sflag:s8] =	dma.local @!p0 [hbm:s6], $0xF7A  }
0x23: {  	s9 =	sor.u32 $0xD0000000, s2;
	s6 =	simm.s32 $0x108;
	_ =	swait.ge @!p0 [sflag:s8], $0x0  }
0x24: {  	s3 =	sadd.s32 $0x88, s3;
	s6 =	simm.s32 @!p1 $0x1082;
	[sflag:s4] =	ssyncset.s32 $0xFFFFF086  }
0x25: {  	[simem:s6], [sflag:s4] =	dma.local [hbm:s3], $0xF7A  }
0x26: {  	[smem:$0x3F9D] =	sst s1;
	(tag) =	ssettag s2;
	_ =	strace s9  }
0x27: {  	s1 =	sld [smem:$0x3FAD]  }
0x28: {  	s2 =	sld [smem:$0x3FAE]  }
0x29: {  	s4 =	sld [smem:$0x3FB0]  }
0x2a: {  	p0 =	seq.s32 s5, $0x0;
	s5 =	sld [smem:$0x3FB1]  }
0x2b: {  	s6 =	sld [smem:$0x3FB2]  }
0x2c: {  	s7 =	sld [smem:$0x3FB3]  }
0x2d: {  	s3 =	simm.s32 $0x108;
	s8 =	sld [smem:$0x3FB4]  }
0x2e: {  	s3 =	simm.s32 @!p0 $0x1082;
	s9 =	sld [smem:$0x3FB5]  }
0x2f: {  	lr =	sadd.s32 s0, s3;
	s0 =	sld [smem:$0x3FAC]  }
0x30: {  	s3 =	sld [smem:$0x3FAF]  }
0x31: {  	[smem:$0x3FB8] =	sst s10  }
0x32: {  	s10 =	sld [smem:$0x3FB6];
	_ =	sdelay $0x3  }
0x33: {  	p0 =	seq.s32 s10, $0x1;
	s10 =	sld [smem:$0x3FB8];
	_ =	sdelay $0x3  }
0x34: {  	[smem:$0x3FB8] =	sst s10  }
0x35: {  	s10 =	sld [smem:$0x3FB7];
	_ =	sdelay $0x3  }
0x36: {  	p1 =	seq.s32 s10, $0x1;
	s10 =	sld [smem:$0x3FB8];
	_ =	sdelay $0x3  }
0x37: {  	[smem:$0x3FB8] =	sst s10  }
0x38: {  	s10 =	sld [smem:$0x3FB9]  }
0x39: {  	_ = 	snop;
	(pc) =	sbr.ind lr, $3  }
0x3a: {  	_ = 	snop  }
0x3b: {  	_ = 	snop  }
0x3c: {  	p2 =	seq.s32 s10, $0x1;
	s10 =	sld [smem:$0x3FB8]  }
0x3d: {  	_ =	shalt  }
0x3e: {  	_ =	shalt  }
0x3f: {  	_ =	shalt  }
0x40: {  	_ =	shalt  }
0x41: {  	_ =	shalt  }
0x42: {  	_ =	shalt  }
0x43: {  	_ =	shalt  }
0x44: {  	_ =	shalt  }
0x45: {  	_ =	shalt  }
0x46: {  	_ =	shalt  }
0x47: {  	_ =	shalt  }
0x48: {  	_ =	shalt  }
0x49: {  	_ =	shalt  }
0x4a: {  	_ =	shalt  }
0x4b: {  	_ =	shalt  }
0x4c: {  	_ =	shalt  }
0x4d: {  	_ =	shalt  }
0x4e: {  	_ =	shalt  }
0x4f: {  	_ =	shalt  }
0x50: {  	_ =	shalt  }
0x51: {  	_ =	shalt  }
0x52: {  	_ =	shalt  }
0x53: {  	_ =	shalt  }
0x54: {  	_ =	shalt  }
0x55: {  	_ =	shalt  }
0x56: {  	_ =	shalt  }
0x57: {  	_ =	shalt  }
0x58: {  	_ =	shalt  }
0x59: {  	_ =	shalt  }
0x5a: {  	_ =	shalt  }
0x5b: {  	_ =	shalt  }
0x5c: {  	_ =	shalt  }
0x5d: {  	_ =	shalt  }
0x5e: {  	_ =	shalt  }
0x5f: {  	_ =	shalt  }
0x60: {  	_ =	shalt  }
0x61: {  	_ =	shalt  }
0x62: {  	_ =	shalt  }
0x63: {  	_ =	shalt  }
0x64: {  	_ =	shalt  }
0x65: {  	_ =	shalt  }
0x66: {  	_ =	shalt  }
0x67: {  	_ =	shalt  }
0x68: {  	_ =	shalt  }
0x69: {  	_ =	shalt  }
0x6a: {  	_ =	shalt  }
0x6b: {  	_ =	shalt  }
0x6c: {  	_ =	shalt  }
0x6d: {  	_ =	shalt  }
0x6e: {  	_ =	shalt  }
0x6f: {  	_ =	shalt  }
0x70: {  	_ =	shalt  }
0x71: {  	_ =	shalt  }
0x72: {  	_ =	shalt  }
0x73: {  	_ =	shalt  }
0x74: {  	_ =	shalt  }
0x75: {  	_ =	shalt  }
0x76: {  	_ =	shalt  }
0x77: {  	_ =	shalt  }
0x78: {  	_ =	shalt  }
0x79: {  	_ =	shalt  }
0x7a: {  	_ =	shalt  }
0x7b: {  	_ =	shalt  }
0x7c: {  	_ =	shalt  }
0x7d: {  	_ =	shalt  }
0x7e: {  	_ =	shalt  }
0x7f: {  	_ =	shalt  }
0x80: {  	_ =	shalt  }
0x81: {  	_ =	shalt  }
0x82: {  	_ =	shalt  }
0x83: {  	_ =	shalt  }
0x84: {  	_ =	shalt  }
0x85: {  	_ =	shalt  }
0x86: {  	_ =	shalt  }
0x87: {  	_ =	shalt  }
.Lfunc_end0:
.L_simem_size_0:
called_computation_lowered:
.L_overlay_start_0:
0x88: {  	s0 =	sld [smem:$0x3FD9]  }
0x89: {  	s1 =	sld [smem:$0x3FFE];
	_ =	sdelay $0x3  }
0x8a: {  	s0 =	sadd.s32 s1, s0  }
0x8b: {  	[smem:$0x3FC4] =	sst s0  }
0x8c: {  	_ = 	snop  }
0x8d: {  	s0 =	sld [smem:$0x3FC7];
	(tm) =	ssettm $0x1  }
0x8e: {  	s16 =	sld [smem:$0x3FFB];
	_ =	sdelay $0x3  }
0x8f: {  	_ =	strace s16  }
0x90: {  	s1 =	sld [smem:$0x3FFC];
	_ =	sdelay $0x3  }
0x91: {  	_ =	strace s1  }
0x92: {  	s1 =	sld [smem:$0x3FFD];
	_ =	sdelay $0x3  }
0x93: {  	_ =	strace s1  }
0x94: {  	_ =	strace $0x8FFFFFFF  }
0x95: {  	s17 =	sld [smem:$0x3FDB];
	_ =	sdelay $0x1  }
0x96: {  	s2 =	simm.s32 $_scs_section_size  }
0x97: {  	s3 =	simm.s32 $_size__tile_overlayer_lowered;
	s4 =	simm.s32 $_tile_overlayer_lowered  }
0x98: {  	s20 =	simm.s32 $0x1BFF;
	s19 =	sshll.u32 s4, $0x1;
	s1 =	sadd.s32 s2, s17  }
0x99: {  	s5 =	simm.s32 $0x0;
	s18 =	sshll.u32 s3, $0x1;
	s3 =	sadd.s32 s19, s1  }
0x9a: {  	[timem:s5], [sflag:s20] =	dma.local [hbm:s3], s18  }
0x9b: {  	_ =	swait.ge [sflag:s20], s18  }
0x9c: {  	s2 =	ssub.s32 $0x0, s18;
	[sflag:s20] =	ssyncset.done $0x0  }
0x9d: {  	[sflag:s20] =	ssyncadd.s32 s2;
	_ =	sdelay $0x1  }
0x9e: {  	s21 =	simm.s32 $0x1B8B  }
0x9f: {  	_ =	swait.ge [sflag:s21], $0x1  }
0xa0: {  	[sflag:s21] =	ssyncset.done $0x0  }
0xa1: {  	s23 =	simm.s32 $0x1B8E;
	s22 =	sld [smem:$0x3FFE];
	[sflag:s21] =	ssyncadd.s32 $0xFFFFFFFF  }
0xa2: {  	s24 =	simm.s32 $execute0_lowered;
	[smem:$0x3FD2] =	sst s23  }
0xa3: {  	s3 =	sshll.u32 s24, $0x1;
	_ =	strace $0x80000046;
	[dreg:$0x1] =	wrdreg $0xFFFFFFFF  }
0xa4: {  	s25 =	simm.s32 $_size_execute0_lowered;
	s1 =	sadd.s32 s1, s3;
	[dreg:$0x0] =	wrdreg $0x0  }
0xa5: {  	s3 =	sshll.u32 s25, $0x1;
	[dreg:$0x2] =	wrdreg s1  }
0xa6: {  	[dreg:$0x3] =	wrdreg s3  }
0xa7: {  	[dreg:$0x4] =	wrdreg $0xC0  }
0xa8: {  	_ =	task [dreg:s5], $0x5FFFF  }
0xa9: {  	[dreg:$0x1] =	wrdreg $0xFFFFFFFF  }
0xaa: {  	[dreg:$0x0] =	wrdreg $0x60  }
0xab: {  	[dreg:$0x2] =	wrdreg s0  }
0xac: {  	[dreg:$0x3] =	wrdreg s22  }
0xad: {  	[dreg:$0x4] =	wrdreg $0x9  }
0xae: {  	_ =	task.clear_ibuf [dreg:s5], $0x5FFFF;
	_ =	strace $0x90000046  }
0xaf: {  	s26 =	simm.s32 $0x9;
	_ =	strace $0x80000048  }
0xb0: {  	_ =	swait.ge [sflag:s26], $0x1  }
0xb1: {  	[sflag:s26] =	ssyncadd.s32 $0xFFFFFFFF  }
0xb2: {  	_ =	strace $0x90000048  }
0xb3: {  	_ =	sfence  }
0xb4: {  	s28 =	sld [smem:$0x0];
	_ =	sdelay $0x1  }
0xb5: {  	s29 =	srdreg.scid  }
0xb6: {  	s30 =	sshll.u32 s29, $0xD;
	s31 =	sshrl.u32 s29, $0x2  }
0xb7: {  	s2 =	sand.u32 $0x4000, s30;
	s1 =	sand.u32 $0x1, s29;
	s0 =	sadd.s32 s31, s28  }
0xb8: {  	s1 =	sor.u32 s2, s1;
	s0 =	sshll.u32 s0, $0x11  }
0xb9: {  	s0 =	sor.u32 s0, s1  }
0xba: {  	s0 =	sadd.s32 $0x8F2B, s0  }
0xbb: {  	[sflag:s0] =	ssyncadd.remote.s32 $0x1  }
0xbc: {  	_ =	sfence.sel $0xFFFF  }
0xbd: {  	[dreg:$0x0] =	wrdreg $0xFFFFFFFF;
	(pc) =	sbr.abs _section_cstart, $3  }
0xbe: {  	[dreg:$0x1] =	wrdreg $0xFFFFFFFF  }
0xbf: {  	_ =	task.clear_ibuf [dreg:s5], $0x2FFFF;
	_ =	strace $0x9FFFFFFF  }
0xc0: {  	(tm) =	ssettm $0x7FFFFFFF  }
0xc1: {  	_ =	shalt  }
tec
execute0_lowered:
.L_overlay_start_1:
0x0: {  	(tag) =	ssettag $0x1  }
0x1: {  	s0 =	rddreg [dreg:$0x0]  }
0x2: {  	s1 =	rddreg [dreg:$0x1]  }
0x3: {  	s2 =	rddreg [dreg:$0x2];
	s3 =	simm.s32 $0x0;
	s4 =	stileid.u32  }
0x4: {  	[smem:$0x7FF] =	sst s3;
	s5 =	sshll.u32 s4, $0x7  }
0x5: {  	s30 =	simm.s32 $0x2;
	_ =	strace $0x80000047;
	s0 =	sadd.s32 s0, s5  }
0x6: {  	[tilespmem:s3], [sflag:$0x2] =	stream.linear.gather [hbm4b:s0+s3], $0x400, $0x38;
	[tilespmem:$0x800] =	vst v63  }
0x7: {  	_ =	swait.ge [sflag:s30], $0x400  }
0x8: {  	s7 =	simm.s32 $0x400;
	[sflag:s30] =	ssyncset.done $0x0  }
0x9: {  	s31 =	simm.s32 $0x1;
	s6 =	sadd.s32 $0x600, s1;
	[sflag:s30] =	ssyncadd.s32 $0xFFFFFC00  }
0xa: {  	[tilespmem:s7], [sflag:$0x1] =	stream.indirect.gather [hbm4b:s6+s7], $0x1, s3, s7, $0xb8;
	[tilespmem:$0x800] =	vst v63  }
0xb: {  	_ =	swait.ge [sflag:s31], $0x400  }
0xc: {  	s1 =	sadd.s32 s5, s1;
	[sflag:s31] =	ssyncset.done $0x0  }
0xd: {  	s1 =	sadd.s32 $0x3800, s1;
	[sflag:s31] =	ssyncadd.s32 $0xFFFFFC00  }
0xe: {  	[hbm4b:s1+s3] =	stream.linear.scatter [tilespmem:s7], [sflag:$0x2], $0x400, $0x38;
	[tilespmem:$0x800] =	vst v63  }
0xf: {  	_ =	swait.ge [sflag:s30], $0x400  }
0x10: {  	[sflag:s30] =	ssyncset.done $0x0  }
0x11: {  	[sflag:s30] =	ssyncadd.s32 $0xFFFFFC00  }
0x12: {  	_ =	sfence.sel $0x180000  }
0x13: {  	[bflag:$0x0] =	sbarrier.arrive $0xFFFF  }
0x14: {  	p0 =	sne.s32 s4, $0x0;
	_ =	strace $0x90000047  }
0x15: {  	s0 =	sadd.s32 @!p0 $0x100000, s2;
	[bflag:$0x2] =	sbarrier.arrive $0xFFFF  }
0x16: {  	[sflag:s0] =	ssyncadd.tile.s32 @!p0 $0x1;
	_ =	shalt  }
.Lfunc_end2:
_tile_overlayer_lowered:
.L_overlay_start_2:
0x17: {  	(tag) =	ssettag $0x2  }
0x18: {  	s0 =	rddreg [dreg:$0x0];
	s2 =	stileid.u32  }
0x19: {  	s1 =	rddreg [dreg:$0x1];
	p0 =	sne.s32 s2, $0x0  }
0x1a: {  	s3 =	rddreg [dreg:$0x2];
	[bflag:$0x3] =	sbarrier.arrive $0xFFFF;
	s2 =	simm.s32 @!p0 $0x1C02  }
0x1b: {  	[timem:s3], [sflag:s2] =	dma.local @!p0 [hbm:s0], s1  }
0x1c: {  	s0 =	simm.s32 @!p0 $0x2  }
0x1d: {  	_ =	swait.ge @!p0 [sflag:s0], s1  }
0x1e: {  	s1 =	ssub.s32 @!p0 $0x0, s1;
	[sflag:s0] =	ssyncset.done @!p0 $0x0  }
0x1f: {  	[sflag:s0] =	ssyncadd.s32 @!p0 s1  }
0x20: {  	[bflag:$0x3] =	sbarrier.arrive $0xFFFF  }
0x21: {  	_ =	shalt  }

</sc_bundles>
